<compile_context>
chip_gen: v7x
topology: tpu7x:2x2x1
jax: 0.10.2.dev20260603
libtpu: 0.0.44.dev20260713+nightly
codegen_flags: <defaults>
</compile_context>

<pallas_src>
import jax
import jax.numpy as jnp
from jax import lax
from jax.experimental import pallas as pl
from jax.experimental.pallas import tpu as pltpu
from jax.experimental.pallas import tpu_sc as plsc

B, H, W, C = 8, 224, 224, 96
OUT_H, OUT_W = 224, 224
HW = H * W
NC, NS, L = 2, 16, 16
NW = NC * NS
PIX_PER_TILE = B * OUT_H * OUT_W // NW
ROWS_PER_TILE = PIX_PER_TILE // OUT_W
TILES_PER_BATCH = OUT_H // ROWS_PER_TILE
CHUNK = 112
NVEC = CHUNK // L
CHUNKS_PER_ROW = OUT_W // CHUNK


_SPLAT_DNUMS = lax.GatherDimensionNumbers(
    offset_dims=(), collapsed_slice_dims=(0,), start_index_map=(0,))


def _lane_splat(vec, l):
    idx = jnp.full((L, 1), l, jnp.int32)
    return lax.gather(vec, idx, _SPLAT_DNUMS, slice_sizes=(1,),
                      mode=lax.GatherScatterMode.PROMISE_IN_BOUNDS)


def _lane_splat_dyn(vec, lane):
    idx = (lax.iota(jnp.int32, L) * 0 + lane).reshape(L, 1)
    return lax.gather(vec, idx, _SPLAT_DNUMS, slice_sizes=(1,),
                      mode=lax.GatherScatterMode.PROMISE_IN_BOUNDS)


def _body(x_hbm, th_hbm, lin_hbm, out_hbm,
          ia0, ib0, ic0, id0, ia1, ib1, ic1, id1,
          w0, w1,
          ga0, gb0, gc0, gd0, ga1, gb1, gc1, gd1,
          o0, o1,
          th_v, lin_v, sg0, sg1, so0, so1):
    cid = lax.axis_index("c")
    sid = lax.axis_index("s")
    wid = sid * NC + cid
    b = wid // TILES_PER_BATCH
    q = wid % TILES_PER_BATCH

    pltpu.sync_copy(th_hbm.at[b], th_v)
    pltpu.sync_copy(lin_hbm, lin_v)
    thvec = th_v[...]
    t00 = _lane_splat(thvec, 0)
    t01 = _lane_splat(thvec, 1)
    t02 = _lane_splat(thvec, 2)
    t10 = _lane_splat(thvec, 3)
    t11 = _lane_splat(thvec, 4)
    t12 = _lane_splat(thvec, 5)

    base_idx = b * HW
    idxs = ((ia0, ib0, ic0, id0), (ia1, ib1, ic1, id1))
    gats = ((ga0, gb0, gc0, gd0), (ga1, gb1, gc1, gd1))
    ws = (w0, w1)
    sgs = (sg0, sg1)

    def compute_idx(row, col0, p):
        ia_r, ib_r, ic_r, id_r = idxs[p]
        w_r = ws[p]
        rbase = (row // L) * L
        yc = _lane_splat_dyn(lin_v[pl.ds(rbase, L)], row - rbase)
        for v in range(NVEC):
            xc = lin_v[pl.ds(col0 + v * L, L)]
            sxn = t00 * xc + t01 * yc + t02
            syn = t10 * xc + t11 * yc + t12
            sx = 0.5 * (sxn + 1.0) * W
            sy = 0.5 * (syn + 1.0) * H
            x0 = sx.astype(jnp.int32)
            x1 = x0 + 1
            y0 = sy.astype(jnp.int32)
            y1 = y0 + 1
            x0 = jnp.clip(x0, 0, W - 1)
            x1 = jnp.clip(x1, 0, W - 1)
            y0 = jnp.clip(y0, 0, H - 1)
            y1 = jnp.clip(y1, 0, H - 1)
            x0f = x0.astype(jnp.float32)
            x1f = x1.astype(jnp.float32)
            y0f = y0.astype(jnp.float32)
            y1f = y1.astype(jnp.float32)
            sl = pl.ds(v * L, L)
            ia_r[sl] = base_idx + y0 * W + x0
            ib_r[sl] = base_idx + y1 * W + x0
            ic_r[sl] = base_idx + y0 * W + x1
            id_r[sl] = base_idx + y1 * W + x1
            w_r[0, sl] = (x1f - sx) * (y1f - sy)
            w_r[1, sl] = (x1f - sx) * (sy - y0f)
            w_r[2, sl] = (sx - x0f) * (y1f - sy)
            w_r[3, sl] = (sx - x0f) * (sy - y0f)

    def fire(p):
        for idx, dst in zip(idxs[p], gats[p]):
            pltpu.async_copy(x_hbm.at[idx], dst, sgs[p])

    def drain_gathers(p):
        for idx, dst in zip(idxs[p], gats[p]):
            pltpu.make_async_copy(x_hbm.at[idx], dst, sgs[p]).wait()

    outs = (o0, o1)
    souts = (so0, so1)

    def combine2(p):
        ga_r, gb_r, gc_r, gd_r = gats[p]
        w_r = ws[p]
        o_r = outs[p]

        @plsc.parallel_loop(0, CHUNK, 1, unroll=4)
        def px(pp):
            v16 = (pp // L) * L
            lane = pp - v16
            sw = pl.ds(v16, L)
            idx = (lax.iota(jnp.int32, L) * 0 + lane).reshape(L, 1)
            gat = lambda vec: lax.gather(
                vec, idx, _SPLAT_DNUMS, slice_sizes=(1,),
                mode=lax.GatherScatterMode.PROMISE_IN_BOUNDS)
            wa = gat(w_r[0, sw])
            wb = gat(w_r[1, sw])
            wc = gat(w_r[2, sw])
            wd = gat(w_r[3, sw])
            for j in range(C // L):
                slj = pl.ds(j * L, L)
                acc = wa * ga_r[pp, slj]
                acc = acc + wb * gb_r[pp, slj]
                acc = acc + wc * gc_r[pp, slj]
                acc = acc + wd * gd_r[pp, slj]
                o_r[pp, slj] = acc

    row0 = q * ROWS_PER_TILE
    compute_idx(row0, 0, 0)
    fire(0)

    def row_body(r, carry):
        row = q * ROWS_PER_TILE + r
        for h in range(CHUNKS_PER_ROW):
            col0 = h * CHUNK
            nrow = row + h
            ncol = (1 - h) * CHUNK
            if h == 0:
                compute_idx(nrow, ncol, 1 - h)
                fire(1 - h)
            else:
                @pl.when(r < ROWS_PER_TILE - 1)
                def _():
                    compute_idx(nrow, ncol, 1 - h)
                    fire(1 - h)
            drain_gathers(h)
            pix0 = base_idx + row * OUT_W + col0
            dst = out_hbm.at[pl.ds(pix0, CHUNK)]

            @pl.when(r > 0)
            def _():
                pltpu.make_async_copy(outs[h], dst, souts[h]).wait()

            combine2(h)
            pltpu.async_copy(outs[h], dst, souts[h])
        return carry

    lax.fori_loop(0, ROWS_PER_TILE, row_body, 0)
    last = base_idx + (q * ROWS_PER_TILE + ROWS_PER_TILE - 1) * OUT_W
    pltpu.make_async_copy(
        o0, out_hbm.at[pl.ds(last, CHUNK)], so0).wait()
    pltpu.make_async_copy(
        o1, out_hbm.at[pl.ds(last + CHUNK, CHUNK)], so1).wait()


@jax.jit
def _run(x2d, th_pad, lin_bf):
    mesh = plsc.VectorSubcoreMesh(core_axis_name="c", subcore_axis_name="s")
    f = pl.kernel(
        _body,
        out_type=jax.ShapeDtypeStruct((B * HW, C), jnp.float32),
        mesh=mesh,
        scratch_types=(
            [pltpu.VMEM((CHUNK,), jnp.int32)] * 8
            + [pltpu.VMEM((4, CHUNK), jnp.float32)] * 2
            + [pltpu.VMEM((CHUNK, C), jnp.float32)] * 8
            + [pltpu.VMEM((CHUNK, C), jnp.float32)] * 2
            + [pltpu.VMEM((L,), jnp.float32),
               pltpu.VMEM((OUT_W + L,), jnp.float32),
               pltpu.SemaphoreType.DMA,
               pltpu.SemaphoreType.DMA,
               pltpu.SemaphoreType.DMA,
               pltpu.SemaphoreType.DMA]
        ),
        compiler_params=pltpu.CompilerParams(use_tc_tiling_on_sc=False),
    )
    return f(x2d, th_pad, lin_bf)


def _round_bf16(a):
    u = lax.bitcast_convert_type(a, jnp.uint32)
    r = (u + jnp.uint32(0x7FFF) + ((u >> 16) & jnp.uint32(1))) & jnp.uint32(0xFFFF0000)
    return lax.bitcast_convert_type(r, jnp.float32)


def kernel(x, transformation):
    x2d = x.reshape(B * HW, C)
    th_bf = _round_bf16(transformation)
    th_pad = jnp.zeros((B, L), jnp.float32).at[:, :6].set(th_bf)
    lin = jnp.linspace(-1.0, 1.0, OUT_W)
    lin_bf = _round_bf16(lin)
    lin_bf = jnp.concatenate([lin_bf, jnp.zeros((L,), jnp.float32)])
    out = _run(x2d, th_pad, lin_bf)
    return out.reshape(B, OUT_H, OUT_W, C)

# --- scband reference (transcript-rebuilt; emitter-appended) ---
"""Pipeline reference for scband-bilinear-interpolation-38706245271954 (READ-ONLY COPY).

The authoritative reference and input builder live on the scoring server;
editing this copy changes nothing except your own understanding.
"""

import jax, jax.numpy as jnp
import numpy as np

OUT_H, OUT_W = 224, 224


def setup_inputs(seed: int = 0) -> dict:
    key = jax.random.key(seed)
    k1, k2 = jax.random.split(key)
    x = jax.random.normal(k1, (8, 224, 224, 96), dtype=jnp.float32)
    transformation = jax.random.normal(k2, (8, 6), dtype=jnp.float32)
    return {"x": x, "transformation": transformation}


def _bilinear(x, transformation):
    B, H, W, C = x.shape
    out_h, out_w = OUT_H, OUT_W
    # regular grid in homogeneous coords, tiled over batch
    x_lin = jnp.linspace(-1.0, 1.0, out_w)
    y_lin = jnp.linspace(-1.0, 1.0, out_h)
    xc, yc = jnp.meshgrid(x_lin, y_lin)
    xc = xc.reshape(-1)
    yc = yc.reshape(-1)
    ones = jnp.ones_like(xc)
    grid = jnp.stack([xc, yc, ones], axis=0)  # [3, out_h*out_w]
    grids = jnp.broadcast_to(grid[None, :, :], (B, 3, out_h * out_w))
    # batch matmul: theta [B,2,3] @ grids [B,3,HW] -> sampled [B,2,HW]
    theta = transformation.reshape(B, 2, 3)
    sampled = jnp.einsum('bij,bjk->bik', theta, grids)
    sx = sampled[:, 0, :].reshape(-1)
    sy = sampled[:, 1, :].reshape(-1)
    sx = 0.5 * (sx + 1.0) * jnp.float32(W)
    sy = 0.5 * (sy + 1.0) * jnp.float32(H)
    x0 = sx.astype(jnp.int32)
    x1 = x0 + 1
    y0 = sy.astype(jnp.int32)
    y1 = y0 + 1
    x0 = jnp.clip(x0, 0, W - 1)
    x1 = jnp.clip(x1, 0, W - 1)
    y0 = jnp.clip(y0, 0, H - 1)
    y1 = jnp.clip(y1, 0, H - 1)
    base = jnp.repeat(jnp.arange(B, dtype=jnp.int32) * (H * W), out_h * out_w)
    base_y0 = base + y0 * W
    base_y1 = base + y1 * W
    indices_a = base_y0 + x0
    indices_b = base_y1 + x0
    indices_c = base_y0 + x1
    indices_d = base_y1 + x1
    flat_image = x.reshape(-1, C)
    pa = jnp.take(flat_image, indices_a, axis=0)
    pb = jnp.take(flat_image, indices_b, axis=0)
    pc = jnp.take(flat_image, indices_c, axis=0)
    pd = jnp.take(flat_image, indices_d, axis=0)
    x0f = x0.astype(jnp.float32)
    x1f = x1.astype(jnp.float32)
    y0f = y0.astype(jnp.float32)
    y1f = y1.astype(jnp.float32)
    area_a = ((x1f - sx) * (y1f - sy))[:, None]
    area_b = ((x1f - sx) * (sy - y0f))[:, None]
    area_c = ((sx - x0f) * (y1f - sy))[:, None]
    area_d = ((sx - x0f) * (sy - y0f))[:, None]
    out = area_a * pa + area_b * pb + area_c * pc + area_d * pd
    return out.reshape(B, out_h, out_w, C)


def reference(x, transformation):
    return _bilinear(x, transformation)

if __name__ == "__main__":
    import jax
    _d = setup_inputs()
    print(jax.jit(kernel)(*tuple(_d.values())))

</pallas_src>

<mosaic_0001>
#map = affine_map<(d0, d1) -> (0, 0)>
#map1 = affine_map<(d0, d1) -> (0)>
module attributes {stable_mosaic.version = 14 : i64} {
  func.func @_body(%arg0: i32, %arg1: i32, %arg2: memref<401408x96xf32, #tpu.memory_space<hbm>>, %arg3: memref<8x16xf32, #tpu.memory_space<hbm>>, %arg4: memref<240xf32, #tpu.memory_space<hbm>>, %arg5: memref<401408x96xf32, #tpu.memory_space<hbm>>, %arg6: memref<112xi32, #tpu.memory_space<vmem>>, %arg7: memref<112xi32, #tpu.memory_space<vmem>>, %arg8: memref<112xi32, #tpu.memory_space<vmem>>, %arg9: memref<112xi32, #tpu.memory_space<vmem>>, %arg10: memref<112xi32, #tpu.memory_space<vmem>>, %arg11: memref<112xi32, #tpu.memory_space<vmem>>, %arg12: memref<112xi32, #tpu.memory_space<vmem>>, %arg13: memref<112xi32, #tpu.memory_space<vmem>>, %arg14: memref<4x112xf32, #tpu.memory_space<vmem>>, %arg15: memref<4x112xf32, #tpu.memory_space<vmem>>, %arg16: memref<112x96xf32, #tpu.memory_space<vmem>>, %arg17: memref<112x96xf32, #tpu.memory_space<vmem>>, %arg18: memref<112x96xf32, #tpu.memory_space<vmem>>, %arg19: memref<112x96xf32, #tpu.memory_space<vmem>>, %arg20: memref<112x96xf32, #tpu.memory_space<vmem>>, %arg21: memref<112x96xf32, #tpu.memory_space<vmem>>, %arg22: memref<112x96xf32, #tpu.memory_space<vmem>>, %arg23: memref<112x96xf32, #tpu.memory_space<vmem>>, %arg24: memref<112x96xf32, #tpu.memory_space<vmem>>, %arg25: memref<112x96xf32, #tpu.memory_space<vmem>>, %arg26: memref<16xf32, #tpu.memory_space<vmem>>, %arg27: memref<240xf32, #tpu.memory_space<vmem>>, %arg28: memref<!tpu.dma_semaphore, #tpu.memory_space<semaphore_mem>>, %arg29: memref<!tpu.dma_semaphore, #tpu.memory_space<semaphore_mem>>, %arg30: memref<!tpu.dma_semaphore, #tpu.memory_space<semaphore_mem>>, %arg31: memref<!tpu.dma_semaphore, #tpu.memory_space<semaphore_mem>>) attributes {dimension_semantics = [#tpu.dimension_semantics<core_parallel>, #tpu.dimension_semantics<subcore_parallel>], iteration_bounds = array<i64: 2, 16>, scalar_prefetch = 0 : i64, scratch_operands = 26 : i64, tpu.core_type = #tpu.core_type<sc_vector_subcore>, window_params = [{transform_indices = #map}, {transform_indices = #map}, {transform_indices = #map1}, {transform_indices = #map}]} {
    %mul3A = arith.constant 2 : i32
    %mul3A_0 = arith.muli %arg1, %mul3A : i32
    %add3A = arith.addi %mul3A_0, %arg0 : i32
    %jit3A = arith.constant 4 : i32
    %div3A = arith.divsi %add3A, %jit3A : i32
    %sign3A = arith.constant 0 : i32
    %sign3A_1 = arith.cmpi sgt, %add3A, %sign3A : i32
    %sign3A_2 = arith.extui %sign3A_1 : i1 to i32
    %sign3A_3 = arith.constant 0 : i32
    %sign3A_4 = arith.cmpi slt, %add3A, %sign3A_3 : i32
    %sign3A_5 = arith.extui %sign3A_4 : i1 to i32
    %sign3A_6 = arith.subi %sign3A_2, %sign3A_5 : i32
    %sign3A_7 = arith.constant 0 : i32
    %sign3A_8 = arith.cmpi sgt, %jit3A, %sign3A_7 : i32
    %sign3A_9 = arith.extui %sign3A_8 : i1 to i32
    %sign3A_10 = arith.constant 0 : i32
    %sign3A_11 = arith.cmpi slt, %jit3A, %sign3A_10 : i32
    %sign3A_12 = arith.extui %sign3A_11 : i1 to i32
    %sign3A_13 = arith.subi %sign3A_9, %sign3A_12 : i32
    %ne3A = arith.cmpi ne, %sign3A_6, %sign3A_13 : i32
    %rem3A = arith.remsi %add3A, %jit3A : i32
    %ne3A_14 = arith.constant 0 : i32
    %ne3A_15 = arith.cmpi ne, %rem3A, %ne3A_14 : i32
    %and3A = arith.andi %ne3A, %ne3A_15 : i1
    %sub3A = arith.constant 1 : i32
    %sub3A_16 = arith.subi %div3A, %sub3A : i32
    %select_n3A = arith.select %and3A, %sub3A_16, %div3A : i32
    %jit3A_17 = arith.constant 4 : i32
    %eq3A = arith.constant 0 : i32
    %eq3A_18 = arith.cmpi eq, %jit3A_17, %eq3A : i32
    %jit3A_19 = arith.constant 1 : i32
    %select_n3A_20 = arith.select %eq3A_18, %jit3A_19, %jit3A_17 : i32
    %rem3A_21 = arith.remsi %add3A, %select_n3A_20 : i32
    %ne3A_22 = arith.constant 0 : i32
    %ne3A_23 = arith.cmpi ne, %rem3A_21, %ne3A_22 : i32
    %lt3A = arith.constant 0 : i32
    %lt3A_24 = arith.cmpi slt, %rem3A_21, %lt3A : i32
    %lt3A_25 = arith.constant 0 : i32
    %lt3A_26 = arith.cmpi slt, %select_n3A_20, %lt3A_25 : i32
    %ne3A_27 = arith.xori %lt3A_24, %lt3A_26 : i1
    %and3A_28 = arith.andi %ne3A_27, %ne3A_23 : i1
    %add3A_29 = arith.addi %rem3A_21, %select_n3A_20 : i32
    %select_n3A_30 = arith.select %and3A_28, %add3A_29, %rem3A_21 : i32
    "tpu.region"() ({
      %run_scoped3A = tpu.sem_alloc : memref<!tpu.dma_semaphore, #tpu.memory_space<semaphore_mem>>
      %dma_start3A_1113 = arith.constant 0 : i32
      %dma_start3A_1114 = tpu.memref_slice %arg3[%select_n3A, %dma_start3A_1113] : memref<8x16xf32, #tpu.memory_space<hbm>> -> memref<1x16xf32, #tpu.memory_space<hbm>>
      %dma_start3A_1115 = tpu.memref_squeeze %dma_start3A_1114 : memref<1x16xf32, #tpu.memory_space<hbm>> -> memref<16xf32, #tpu.memory_space<hbm>>
      %dma_start3A_1116 = arith.constant 0 : i32
      %dma_start3A_1117 = tpu.memref_slice %arg3[%select_n3A, %dma_start3A_1116] : memref<8x16xf32, #tpu.memory_space<hbm>> -> memref<1x16xf32, #tpu.memory_space<hbm>>
      %dma_start3A_1118 = tpu.memref_squeeze %dma_start3A_1117 : memref<1x16xf32, #tpu.memory_space<hbm>> -> memref<16xf32, #tpu.memory_space<hbm>>
      tpu.enqueue_dma source(%dma_start3A_1118 : memref<16xf32, #tpu.memory_space<hbm>>) target(%arg26 : memref<16xf32, #tpu.memory_space<vmem>>) target_semaphore(%run_scoped3A : memref<!tpu.dma_semaphore, #tpu.memory_space<semaphore_mem>>)
      %dma_wait3A_1119 = arith.constant 0 : i32
      %dma_wait3A_1120 = tpu.memref_slice %arg3[%select_n3A, %dma_wait3A_1119] : memref<8x16xf32, #tpu.memory_space<hbm>> -> memref<1x16xf32, #tpu.memory_space<hbm>>
      %dma_wait3A_1121 = tpu.memref_squeeze %dma_wait3A_1120 : memref<1x16xf32, #tpu.memory_space<hbm>> -> memref<16xf32, #tpu.memory_space<hbm>>
      %dma_wait3A_1122 = arith.constant 0 : i32
      %dma_wait3A_1123 = tpu.memref_slice %arg3[%select_n3A, %dma_wait3A_1122] : memref<8x16xf32, #tpu.memory_space<hbm>> -> memref<1x16xf32, #tpu.memory_space<hbm>>
      %dma_wait3A_1124 = tpu.memref_squeeze %dma_wait3A_1123 : memref<1x16xf32, #tpu.memory_space<hbm>> -> memref<16xf32, #tpu.memory_space<hbm>>
      tpu.wait_dma2 semaphore(%run_scoped3A : memref<!tpu.dma_semaphore, #tpu.memory_space<semaphore_mem>>) src(%dma_wait3A_1124 : memref<16xf32, #tpu.memory_space<hbm>>) dst(%arg26 : memref<16xf32, #tpu.memory_space<vmem>>)
      tpu.yield
    }) : () -> ()
    "tpu.region"() ({
      %run_scoped3A = tpu.sem_alloc : memref<!tpu.dma_semaphore, #tpu.memory_space<semaphore_mem>>
      tpu.enqueue_dma source(%arg4 : memref<240xf32, #tpu.memory_space<hbm>>) target(%arg27 : memref<240xf32, #tpu.memory_space<vmem>>) target_semaphore(%run_scoped3A : memref<!tpu.dma_semaphore, #tpu.memory_space<semaphore_mem>>)
      tpu.wait_dma2 semaphore(%run_scoped3A : memref<!tpu.dma_semaphore, #tpu.memory_space<semaphore_mem>>) src(%arg4 : memref<240xf32, #tpu.memory_space<hbm>>) dst(%arg27 : memref<240xf32, #tpu.memory_space<vmem>>)
      tpu.yield
    }) : () -> ()
    %get3A = arith.constant 0 : index
    %get3A_31 = tpu.vector_load %arg26[%get3A] {strides = array<i32>} : memref<16xf32, #tpu.memory_space<vmem>>, vector<16xf32>,
    %get3A_32 = vector.shape_cast %get3A_31 : vector<16xf32> to vector<16xf32>
    %broadcast_in_dim3A = arith.constant 0 : i32
    %broadcast_in_dim3A_33 = vector.broadcast %broadcast_in_dim3A : i32 to vector<16x1xi32>
    %gather3A = vector.shape_cast %broadcast_in_dim3A_33 : vector<16x1xi32> to vector<16xi32>
    %gather3A_34 = tpu.dynamic_gather %get3A_32[%gather3A] in [0] : vector<16xf32>, vector<16xi32> -> vector<16xf32>
    %broadcast_in_dim3A_35 = arith.constant 1 : i32
    %broadcast_in_dim3A_36 = vector.broadcast %broadcast_in_dim3A_35 : i32 to vector<16x1xi32>
    %gather3A_37 = vector.shape_cast %broadcast_in_dim3A_36 : vector<16x1xi32> to vector<16xi32>
    %gather3A_38 = tpu.dynamic_gather %get3A_32[%gather3A_37] in [0] : vector<16xf32>, vector<16xi32> -> vector<16xf32>
    %broadcast_in_dim3A_39 = arith.constant 2 : i32
    %broadcast_in_dim3A_40 = vector.broadcast %broadcast_in_dim3A_39 : i32 to vector<16x1xi32>
    %gather3A_41 = vector.shape_cast %broadcast_in_dim3A_40 : vector<16x1xi32> to vector<16xi32>
    %gather3A_42 = tpu.dynamic_gather %get3A_32[%gather3A_41] in [0] : vector<16xf32>, vector<16xi32> -> vector<16xf32>
    %broadcast_in_dim3A_43 = arith.constant 3 : i32
    %broadcast_in_dim3A_44 = vector.broadcast %broadcast_in_dim3A_43 : i32 to vector<16x1xi32>
    %gather3A_45 = vector.shape_cast %broadcast_in_dim3A_44 : vector<16x1xi32> to vector<16xi32>
    %gather3A_46 = tpu.dynamic_gather %get3A_32[%gather3A_45] in [0] : vector<16xf32>, vector<16xi32> -> vector<16xf32>
    %broadcast_in_dim3A_47 = arith.constant 4 : i32
    %broadcast_in_dim3A_48 = vector.broadcast %broadcast_in_dim3A_47 : i32 to vector<16x1xi32>
    %gather3A_49 = vector.shape_cast %broadcast_in_dim3A_48 : vector<16x1xi32> to vector<16xi32>
    %gather3A_50 = tpu.dynamic_gather %get3A_32[%gather3A_49] in [0] : vector<16xf32>, vector<16xi32> -> vector<16xf32>
    %broadcast_in_dim3A_51 = arith.constant 5 : i32
    %broadcast_in_dim3A_52 = vector.broadcast %broadcast_in_dim3A_51 : i32 to vector<16x1xi32>
    %gather3A_53 = vector.shape_cast %broadcast_in_dim3A_52 : vector<16x1xi32> to vector<16xi32>
    %gather3A_54 = tpu.dynamic_gather %get3A_32[%gather3A_53] in [0] : vector<16xf32>, vector<16xi32> -> vector<16xf32>
    %mul3A_55 = arith.constant 50176 : i32
    %mul3A_56 = arith.muli %select_n3A, %mul3A_55 : i32
    %mul3A_57 = arith.constant 56 : i32
    %mul3A_58 = arith.muli %select_n3A_30, %mul3A_57 : i32
    %jit3A_59 = arith.constant 16 : i32
    %div3A_60 = arith.divsi %mul3A_58, %jit3A_59 : i32
    %sign3A_61 = arith.constant 0 : i32
    %sign3A_62 = arith.cmpi sgt, %mul3A_58, %sign3A_61 : i32
    %sign3A_63 = arith.extui %sign3A_62 : i1 to i32
    %sign3A_64 = arith.constant 0 : i32
    %sign3A_65 = arith.cmpi slt, %mul3A_58, %sign3A_64 : i32
    %sign3A_66 = arith.extui %sign3A_65 : i1 to i32
    %sign3A_67 = arith.subi %sign3A_63, %sign3A_66 : i32
    %sign3A_68 = arith.constant 0 : i32
    %sign3A_69 = arith.cmpi sgt, %jit3A_59, %sign3A_68 : i32
    %sign3A_70 = arith.extui %sign3A_69 : i1 to i32
    %sign3A_71 = arith.constant 0 : i32
    %sign3A_72 = arith.cmpi slt, %jit3A_59, %sign3A_71 : i32
    %sign3A_73 = arith.extui %sign3A_72 : i1 to i32
    %sign3A_74 = arith.subi %sign3A_70, %sign3A_73 : i32
    %ne3A_75 = arith.cmpi ne, %sign3A_67, %sign3A_74 : i32
    %rem3A_76 = arith.remsi %mul3A_58, %jit3A_59 : i32
    %ne3A_77 = arith.constant 0 : i32
    %ne3A_78 = arith.cmpi ne, %rem3A_76, %ne3A_77 : i32
    %and3A_79 = arith.andi %ne3A_75, %ne3A_78 : i1
    %sub3A_80 = arith.constant 1 : i32
    %sub3A_81 = arith.subi %div3A_60, %sub3A_80 : i32
    %select_n3A_82 = arith.select %and3A_79, %sub3A_81, %div3A_60 : i32
    %mul3A_83 = arith.constant 16 : i32
    %mul3A_84 = arith.muli %select_n3A_82, %mul3A_83 : i32
    %get3A_85 = arith.index_cast %mul3A_84 : i32 to index
    %get3A_86 = tpu.vector_load %arg27[%get3A_85] {strides = array<i32>} : memref<240xf32, #tpu.memory_space<vmem>>, vector<16xf32>,
    %get3A_87 = vector.shape_cast %get3A_86 : vector<16xf32> to vector<16xf32>
    %sub3A_88 = arith.subi %mul3A_58, %mul3A_84 : i32
    %iota3A = tpu.iota {dimensions = array<i32: 0>} : vector<16xi32>
    %mul3A_89 = arith.constant 0 : i32
    %mul3A_90 = vector.broadcast %mul3A_89 : i32 to vector<16xi32>
    %mul3A_91 = arith.muli %iota3A, %mul3A_90 : vector<16xi32>
    %add3A_92 = vector.broadcast %sub3A_88 : i32 to vector<16xi32>
    %add3A_93 = arith.addi %mul3A_91, %add3A_92 : vector<16xi32>
    %reshape3A = vector.shape_cast %add3A_93 : vector<16xi32> to vector<16x1xi32>
    %gather3A_94 = vector.shape_cast %reshape3A : vector<16x1xi32> to vector<16xi32>
    %gather3A_95 = tpu.dynamic_gather %get3A_87[%gather3A_94] in [0] : vector<16xf32>, vector<16xi32> -> vector<16xf32>
    %get3A_96 = arith.constant 0 : index
    %get3A_97 = tpu.vector_load %arg27[%get3A_96] {strides = array<i32>} : memref<240xf32, #tpu.memory_space<vmem>>, vector<16xf32>,
    %get3A_98 = vector.shape_cast %get3A_97 : vector<16xf32> to vector<16xf32>
    %mul3A_99 = arith.mulf %gather3A_34, %get3A_98 : vector<16xf32>
    %mul3A_100 = arith.mulf %gather3A_38, %gather3A_95 : vector<16xf32>
    %add3A_101 = arith.addf %mul3A_99, %mul3A_100 : vector<16xf32>
    %add3A_102 = arith.addf %add3A_101, %gather3A_42 : vector<16xf32>
    %mul3A_103 = arith.mulf %gather3A_46, %get3A_98 : vector<16xf32>
    %mul3A_104 = arith.mulf %gather3A_50, %gather3A_95 : vector<16xf32>
    %add3A_105 = arith.addf %mul3A_103, %mul3A_104 : vector<16xf32>
    %add3A_106 = arith.addf %add3A_105, %gather3A_54 : vector<16xf32>
    %add3A_107 = arith.constant 1.000000e+00 : f32
    %add3A_108 = vector.broadcast %add3A_107 : f32 to vector<16xf32>
    %add3A_109 = arith.addf %add3A_102, %add3A_108 : vector<16xf32>
    %mul3A_110 = arith.constant 5.000000e-01 : f32
    %mul3A_111 = vector.broadcast %mul3A_110 : f32 to vector<16xf32>
    %mul3A_112 = arith.mulf %mul3A_111, %add3A_109 : vector<16xf32>
    %mul3A_113 = arith.constant 2.240000e+02 : f32
    %mul3A_114 = vector.broadcast %mul3A_113 : f32 to vector<16xf32>
    %mul3A_115 = arith.mulf %mul3A_112, %mul3A_114 : vector<16xf32>
    %add3A_116 = arith.constant 1.000000e+00 : f32
    %add3A_117 = vector.broadcast %add3A_116 : f32 to vector<16xf32>
    %add3A_118 = arith.addf %add3A_106, %add3A_117 : vector<16xf32>
    %mul3A_119 = arith.constant 5.000000e-01 : f32
    %mul3A_120 = vector.broadcast %mul3A_119 : f32 to vector<16xf32>
    %mul3A_121 = arith.mulf %mul3A_120, %add3A_118 : vector<16xf32>
    %mul3A_122 = arith.constant 2.240000e+02 : f32
    %mul3A_123 = vector.broadcast %mul3A_122 : f32 to vector<16xf32>
    %mul3A_124 = arith.mulf %mul3A_121, %mul3A_123 : vector<16xf32>
    %convert_element_type3A = arith.fptosi %mul3A_115 : vector<16xf32> to vector<16xi32>
    %add3A_125 = arith.constant 1 : i32
    %add3A_126 = vector.broadcast %add3A_125 : i32 to vector<16xi32>
    %add3A_127 = arith.addi %convert_element_type3A, %add3A_126 : vector<16xi32>
    %convert_element_type3A_128 = arith.fptosi %mul3A_124 : vector<16xf32> to vector<16xi32>
    %add3A_129 = arith.constant 1 : i32
    %add3A_130 = vector.broadcast %add3A_129 : i32 to vector<16xi32>
    %add3A_131 = arith.addi %convert_element_type3A_128, %add3A_130 : vector<16xi32>
    %jit3A_132 = arith.constant 0 : i32
    %jit3A_133 = arith.constant 223 : i32
    %max3A = vector.broadcast %jit3A_132 : i32 to vector<16xi32>
    %max3A_134 = arith.maxsi %max3A, %convert_element_type3A : vector<16xi32>
    %min3A = vector.broadcast %jit3A_133 : i32 to vector<16xi32>
    %min3A_135 = arith.minsi %min3A, %max3A_134 : vector<16xi32>
    %jit3A_136 = arith.constant 0 : i32
    %jit3A_137 = arith.constant 223 : i32
    %max3A_138 = vector.broadcast %jit3A_136 : i32 to vector<16xi32>
    %max3A_139 = arith.maxsi %max3A_138, %add3A_127 : vector<16xi32>
    %min3A_140 = vector.broadcast %jit3A_137 : i32 to vector<16xi32>
    %min3A_141 = arith.minsi %min3A_140, %max3A_139 : vector<16xi32>
    %jit3A_142 = arith.constant 0 : i32
    %jit3A_143 = arith.constant 223 : i32
    %max3A_144 = vector.broadcast %jit3A_142 : i32 to vector<16xi32>
    %max3A_145 = arith.maxsi %max3A_144, %convert_element_type3A_128 : vector<16xi32>
    %min3A_146 = vector.broadcast %jit3A_143 : i32 to vector<16xi32>
    %min3A_147 = arith.minsi %min3A_146, %max3A_145 : vector<16xi32>
    %jit3A_148 = arith.constant 0 : i32
    %jit3A_149 = arith.constant 223 : i32
    %max3A_150 = vector.broadcast %jit3A_148 : i32 to vector<16xi32>
    %max3A_151 = arith.maxsi %max3A_150, %add3A_131 : vector<16xi32>
    %min3A_152 = vector.broadcast %jit3A_149 : i32 to vector<16xi32>
    %min3A_153 = arith.minsi %min3A_152, %max3A_151 : vector<16xi32>
    %convert_element_type3A_154 = arith.sitofp %min3A_135 : vector<16xi32> to vector<16xf32>
    %convert_element_type3A_155 = arith.sitofp %min3A_141 : vector<16xi32> to vector<16xf32>
    %convert_element_type3A_156 = arith.sitofp %min3A_147 : vector<16xi32> to vector<16xf32>
    %convert_element_type3A_157 = arith.sitofp %min3A_153 : vector<16xi32> to vector<16xf32>
    %mul3A_158 = arith.constant 224 : i32
    %mul3A_159 = vector.broadcast %mul3A_158 : i32 to vector<16xi32>
    %mul3A_160 = arith.muli %min3A_147, %mul3A_159 : vector<16xi32>
    %add3A_161 = vector.broadcast %mul3A_56 : i32 to vector<16xi32>
    %add3A_162 = arith.addi %add3A_161, %mul3A_160 : vector<16xi32>
    %add3A_163 = arith.addi %add3A_162, %min3A_135 : vector<16xi32>
    %swap3A = arith.constant 0 : index
    %swap3A_164 = tpu.vector_load %arg6[%swap3A] {strides = array<i32>} : memref<112xi32, #tpu.memory_space<vmem>>, vector<16xi32>,
    %swap3A_165 = vector.shape_cast %swap3A_164 : vector<16xi32> to vector<16xi32>
    %swap3A_166 = vector.shape_cast %add3A_163 : vector<16xi32> to vector<16xi32>
    tpu.vector_store %arg6[%swap3A], %swap3A_166 {strides = array<i32>} : memref<112xi32, #tpu.memory_space<vmem>>, vector<16xi32>,
    %mul3A_167 = arith.constant 224 : i32
    %mul3A_168 = vector.broadcast %mul3A_167 : i32 to vector<16xi32>
    %mul3A_169 = arith.muli %min3A_153, %mul3A_168 : vector<16xi32>
    %add3A_170 = vector.broadcast %mul3A_56 : i32 to vector<16xi32>
    %add3A_171 = arith.addi %add3A_170, %mul3A_169 : vector<16xi32>
    %add3A_172 = arith.addi %add3A_171, %min3A_135 : vector<16xi32>
    %swap3A_173 = arith.constant 0 : index
    %swap3A_174 = tpu.vector_load %arg7[%swap3A_173] {strides = array<i32>} : memref<112xi32, #tpu.memory_space<vmem>>, vector<16xi32>,
    %swap3A_175 = vector.shape_cast %swap3A_174 : vector<16xi32> to vector<16xi32>
    %swap3A_176 = vector.shape_cast %add3A_172 : vector<16xi32> to vector<16xi32>
    tpu.vector_store %arg7[%swap3A_173], %swap3A_176 {strides = array<i32>} : memref<112xi32, #tpu.memory_space<vmem>>, vector<16xi32>,
    %mul3A_177 = arith.constant 224 : i32
    %mul3A_178 = vector.broadcast %mul3A_177 : i32 to vector<16xi32>
    %mul3A_179 = arith.muli %min3A_147, %mul3A_178 : vector<16xi32>
    %add3A_180 = vector.broadcast %mul3A_56 : i32 to vector<16xi32>
    %add3A_181 = arith.addi %add3A_180, %mul3A_179 : vector<16xi32>
    %add3A_182 = arith.addi %add3A_181, %min3A_141 : vector<16xi32>
    %swap3A_183 = arith.constant 0 : index
    %swap3A_184 = tpu.vector_load %arg8[%swap3A_183] {strides = array<i32>} : memref<112xi32, #tpu.memory_space<vmem>>, vector<16xi32>,
    %swap3A_185 = vector.shape_cast %swap3A_184 : vector<16xi32> to vector<16xi32>
    %swap3A_186 = vector.shape_cast %add3A_182 : vector<16xi32> to vector<16xi32>
    tpu.vector_store %arg8[%swap3A_183], %swap3A_186 {strides = array<i32>} : memref<112xi32, #tpu.memory_space<vmem>>, vector<16xi32>,
    %mul3A_187 = arith.constant 224 : i32
    %mul3A_188 = vector.broadcast %mul3A_187 : i32 to vector<16xi32>
    %mul3A_189 = arith.muli %min3A_153, %mul3A_188 : vector<16xi32>
    %add3A_190 = vector.broadcast %mul3A_56 : i32 to vector<16xi32>
    %add3A_191 = arith.addi %add3A_190, %mul3A_189 : vector<16xi32>
    %add3A_192 = arith.addi %add3A_191, %min3A_141 : vector<16xi32>
    %swap3A_193 = arith.constant 0 : index
    %swap3A_194 = tpu.vector_load %arg9[%swap3A_193] {strides = array<i32>} : memref<112xi32, #tpu.memory_space<vmem>>, vector<16xi32>,
    %swap3A_195 = vector.shape_cast %swap3A_194 : vector<16xi32> to vector<16xi32>
    %swap3A_196 = vector.shape_cast %add3A_192 : vector<16xi32> to vector<16xi32>
    tpu.vector_store %arg9[%swap3A_193], %swap3A_196 {strides = array<i32>} : memref<112xi32, #tpu.memory_space<vmem>>, vector<16xi32>,
    %sub3A_197 = arith.subf %convert_element_type3A_155, %mul3A_115 : vector<16xf32>
    %sub3A_198 = arith.subf %convert_element_type3A_157, %mul3A_124 : vector<16xf32>
    %mul3A_199 = arith.mulf %sub3A_197, %sub3A_198 : vector<16xf32>
    %swap3A_200 = arith.constant 0 : i32
    %swap3A_201 = arith.index_cast %swap3A_200 : i32 to index
    %swap3A_202 = arith.constant 0 : index
    %swap3A_203 = tpu.vector_load %arg14[%swap3A_201, %swap3A_202] {strides = array<i32>} : memref<4x112xf32, #tpu.memory_space<vmem>>, vector<1x16xf32>,
    %swap3A_204 = vector.shape_cast %swap3A_203 : vector<1x16xf32> to vector<16xf32>
    %swap3A_205 = vector.shape_cast %mul3A_199 : vector<16xf32> to vector<1x16xf32>
    tpu.vector_store %arg14[%swap3A_201, %swap3A_202], %swap3A_205 {strides = array<i32>} : memref<4x112xf32, #tpu.memory_space<vmem>>, vector<1x16xf32>,
    %sub3A_206 = arith.subf %convert_element_type3A_155, %mul3A_115 : vector<16xf32>
    %sub3A_207 = arith.subf %mul3A_124, %convert_element_type3A_156 : vector<16xf32>
    %mul3A_208 = arith.mulf %sub3A_206, %sub3A_207 : vector<16xf32>
    %swap3A_209 = arith.constant 1 : i32
    %swap3A_210 = arith.index_cast %swap3A_209 : i32 to index
    %swap3A_211 = arith.constant 0 : index
    %swap3A_212 = tpu.vector_load %arg14[%swap3A_210, %swap3A_211] {strides = array<i32>} : memref<4x112xf32, #tpu.memory_space<vmem>>, vector<1x16xf32>,
    %swap3A_213 = vector.shape_cast %swap3A_212 : vector<1x16xf32> to vector<16xf32>
    %swap3A_214 = vector.shape_cast %mul3A_208 : vector<16xf32> to vector<1x16xf32>
    tpu.vector_store %arg14[%swap3A_210, %swap3A_211], %swap3A_214 {strides = array<i32>} : memref<4x112xf32, #tpu.memory_space<vmem>>, vector<1x16xf32>,
    %sub3A_215 = arith.subf %mul3A_115, %convert_element_type3A_154 : vector<16xf32>
    %sub3A_216 = arith.subf %convert_element_type3A_157, %mul3A_124 : vector<16xf32>
    %mul3A_217 = arith.mulf %sub3A_215, %sub3A_216 : vector<16xf32>
    %swap3A_218 = arith.constant 2 : i32
    %swap3A_219 = arith.index_cast %swap3A_218 : i32 to index
    %swap3A_220 = arith.constant 0 : index
    %swap3A_221 = tpu.vector_load %arg14[%swap3A_219, %swap3A_220] {strides = array<i32>} : memref<4x112xf32, #tpu.memory_space<vmem>>, vector<1x16xf32>,
    %swap3A_222 = vector.shape_cast %swap3A_221 : vector<1x16xf32> to vector<16xf32>
    %swap3A_223 = vector.shape_cast %mul3A_217 : vector<16xf32> to vector<1x16xf32>
    tpu.vector_store %arg14[%swap3A_219, %swap3A_220], %swap3A_223 {strides = array<i32>} : memref<4x112xf32, #tpu.memory_space<vmem>>, vector<1x16xf32>,
    %sub3A_224 = arith.subf %mul3A_115, %convert_element_type3A_154 : vector<16xf32>
    %sub3A_225 = arith.subf %mul3A_124, %convert_element_type3A_156 : vector<16xf32>
    %mul3A_226 = arith.mulf %sub3A_224, %sub3A_225 : vector<16xf32>
    %swap3A_227 = arith.constant 3 : i32
    %swap3A_228 = arith.index_cast %swap3A_227 : i32 to index
    %swap3A_229 = arith.constant 0 : index
    %swap3A_230 = tpu.vector_load %arg14[%swap3A_228, %swap3A_229] {strides = array<i32>} : memref<4x112xf32, #tpu.memory_space<vmem>>, vector<1x16xf32>,
    %swap3A_231 = vector.shape_cast %swap3A_230 : vector<1x16xf32> to vector<16xf32>
    %swap3A_232 = vector.shape_cast %mul3A_226 : vector<16xf32> to vector<1x16xf32>
    tpu.vector_store %arg14[%swap3A_228, %swap3A_229], %swap3A_232 {strides = array<i32>} : memref<4x112xf32, #tpu.memory_space<vmem>>, vector<1x16xf32>,
    %get3A_233 = arith.constant 16 : index
    %get3A_234 = tpu.vector_load %arg27[%get3A_233] {strides = array<i32>} : memref<240xf32, #tpu.memory_space<vmem>>, vector<16xf32>,
    %get3A_235 = vector.shape_cast %get3A_234 : vector<16xf32> to vector<16xf32>
    %mul3A_236 = arith.mulf %gather3A_34, %get3A_235 : vector<16xf32>
    %mul3A_237 = arith.mulf %gather3A_38, %gather3A_95 : vector<16xf32>
    %add3A_238 = arith.addf %mul3A_236, %mul3A_237 : vector<16xf32>
    %add3A_239 = arith.addf %add3A_238, %gather3A_42 : vector<16xf32>
    %mul3A_240 = arith.mulf %gather3A_46, %get3A_235 : vector<16xf32>
    %mul3A_241 = arith.mulf %gather3A_50, %gather3A_95 : vector<16xf32>
    %add3A_242 = arith.addf %mul3A_240, %mul3A_241 : vector<16xf32>
    %add3A_243 = arith.addf %add3A_242, %gather3A_54 : vector<16xf32>
    %add3A_244 = arith.constant 1.000000e+00 : f32
    %add3A_245 = vector.broadcast %add3A_244 : f32 to vector<16xf32>
    %add3A_246 = arith.addf %add3A_239, %add3A_245 : vector<16xf32>
    %mul3A_247 = arith.constant 5.000000e-01 : f32
    %mul3A_248 = vector.broadcast %mul3A_247 : f32 to vector<16xf32>
    %mul3A_249 = arith.mulf %mul3A_248, %add3A_246 : vector<16xf32>
    %mul3A_250 = arith.constant 2.240000e+02 : f32
    %mul3A_251 = vector.broadcast %mul3A_250 : f32 to vector<16xf32>
    %mul3A_252 = arith.mulf %mul3A_249, %mul3A_251 : vector<16xf32>
    %add3A_253 = arith.constant 1.000000e+00 : f32
    %add3A_254 = vector.broadcast %add3A_253 : f32 to vector<16xf32>
    %add3A_255 = arith.addf %add3A_243, %add3A_254 : vector<16xf32>
    %mul3A_256 = arith.constant 5.000000e-01 : f32
    %mul3A_257 = vector.broadcast %mul3A_256 : f32 to vector<16xf32>
    %mul3A_258 = arith.mulf %mul3A_257, %add3A_255 : vector<16xf32>
    %mul3A_259 = arith.constant 2.240000e+02 : f32
    %mul3A_260 = vector.broadcast %mul3A_259 : f32 to vector<16xf32>
    %mul3A_261 = arith.mulf %mul3A_258, %mul3A_260 : vector<16xf32>
    %convert_element_type3A_262 = arith.fptosi %mul3A_252 : vector<16xf32> to vector<16xi32>
    %add3A_263 = arith.constant 1 : i32
    %add3A_264 = vector.broadcast %add3A_263 : i32 to vector<16xi32>
    %add3A_265 = arith.addi %convert_element_type3A_262, %add3A_264 : vector<16xi32>
    %convert_element_type3A_266 = arith.fptosi %mul3A_261 : vector<16xf32> to vector<16xi32>
    %add3A_267 = arith.constant 1 : i32
    %add3A_268 = vector.broadcast %add3A_267 : i32 to vector<16xi32>
    %add3A_269 = arith.addi %convert_element_type3A_266, %add3A_268 : vector<16xi32>
    %jit3A_270 = arith.constant 0 : i32
    %jit3A_271 = arith.constant 223 : i32
    %max3A_272 = vector.broadcast %jit3A_270 : i32 to vector<16xi32>
    %max3A_273 = arith.maxsi %max3A_272, %convert_element_type3A_262 : vector<16xi32>
    %min3A_274 = vector.broadcast %jit3A_271 : i32 to vector<16xi32>
    %min3A_275 = arith.minsi %min3A_274, %max3A_273 : vector<16xi32>
    %jit3A_276 = arith.constant 0 : i32
    %jit3A_277 = arith.constant 223 : i32
    %max3A_278 = vector.broadcast %jit3A_276 : i32 to vector<16xi32>
    %max3A_279 = arith.maxsi %max3A_278, %add3A_265 : vector<16xi32>
    %min3A_280 = vector.broadcast %jit3A_277 : i32 to vector<16xi32>
    %min3A_281 = arith.minsi %min3A_280, %max3A_279 : vector<16xi32>
    %jit3A_282 = arith.constant 0 : i32
    %jit3A_283 = arith.constant 223 : i32
    %max3A_284 = vector.broadcast %jit3A_282 : i32 to vector<16xi32>
    %max3A_285 = arith.maxsi %max3A_284, %convert_element_type3A_266 : vector<16xi32>
    %min3A_286 = vector.broadcast %jit3A_283 : i32 to vector<16xi32>
    %min3A_287 = arith.minsi %min3A_286, %max3A_285 : vector<16xi32>
    %jit3A_288 = arith.constant 0 : i32
    %jit3A_289 = arith.constant 223 : i32
    %max3A_290 = vector.broadcast %jit3A_288 : i32 to vector<16xi32>
    %max3A_291 = arith.maxsi %max3A_290, %add3A_269 : vector<16xi32>
    %min3A_292 = vector.broadcast %jit3A_289 : i32 to vector<16xi32>
    %min3A_293 = arith.minsi %min3A_292, %max3A_291 : vector<16xi32>
    %convert_element_type3A_294 = arith.sitofp %min3A_275 : vector<16xi32> to vector<16xf32>
    %convert_element_type3A_295 = arith.sitofp %min3A_281 : vector<16xi32> to vector<16xf32>
    %convert_element_type3A_296 = arith.sitofp %min3A_287 : vector<16xi32> to vector<16xf32>
    %convert_element_type3A_297 = arith.sitofp %min3A_293 : vector<16xi32> to vector<16xf32>
    %mul3A_298 = arith.constant 224 : i32
    %mul3A_299 = vector.broadcast %mul3A_298 : i32 to vector<16xi32>
    %mul3A_300 = arith.muli %min3A_287, %mul3A_299 : vector<16xi32>
    %add3A_301 = vector.broadcast %mul3A_56 : i32 to vector<16xi32>
    %add3A_302 = arith.addi %add3A_301, %mul3A_300 : vector<16xi32>
    %add3A_303 = arith.addi %add3A_302, %min3A_275 : vector<16xi32>
    %swap3A_304 = arith.constant 16 : index
    %swap3A_305 = tpu.vector_load %arg6[%swap3A_304] {strides = array<i32>} : memref<112xi32, #tpu.memory_space<vmem>>, vector<16xi32>,
    %swap3A_306 = vector.shape_cast %swap3A_305 : vector<16xi32> to vector<16xi32>
    %swap3A_307 = vector.shape_cast %add3A_303 : vector<16xi32> to vector<16xi32>
    tpu.vector_store %arg6[%swap3A_304], %swap3A_307 {strides = array<i32>} : memref<112xi32, #tpu.memory_space<vmem>>, vector<16xi32>,
    %mul3A_308 = arith.constant 224 : i32
    %mul3A_309 = vector.broadcast %mul3A_308 : i32 to vector<16xi32>
    %mul3A_310 = arith.muli %min3A_293, %mul3A_309 : vector<16xi32>
    %add3A_311 = vector.broadcast %mul3A_56 : i32 to vector<16xi32>
    %add3A_312 = arith.addi %add3A_311, %mul3A_310 : vector<16xi32>
    %add3A_313 = arith.addi %add3A_312, %min3A_275 : vector<16xi32>
    %swap3A_314 = arith.constant 16 : index
    %swap3A_315 = tpu.vector_load %arg7[%swap3A_314] {strides = array<i32>} : memref<112xi32, #tpu.memory_space<vmem>>, vector<16xi32>,
    %swap3A_316 = vector.shape_cast %swap3A_315 : vector<16xi32> to vector<16xi32>
    %swap3A_317 = vector.shape_cast %add3A_313 : vector<16xi32> to vector<16xi32>
    tpu.vector_store %arg7[%swap3A_314], %swap3A_317 {strides = array<i32>} : memref<112xi32, #tpu.memory_space<vmem>>, vector<16xi32>,
    %mul3A_318 = arith.constant 224 : i32
    %mul3A_319 = vector.broadcast %mul3A_318 : i32 to vector<16xi32>
    %mul3A_320 = arith.muli %min3A_287, %mul3A_319 : vector<16xi32>
    %add3A_321 = vector.broadcast %mul3A_56 : i32 to vector<16xi32>
    %add3A_322 = arith.addi %add3A_321, %mul3A_320 : vector<16xi32>
    %add3A_323 = arith.addi %add3A_322, %min3A_281 : vector<16xi32>
    %swap3A_324 = arith.constant 16 : index
    %swap3A_325 = tpu.vector_load %arg8[%swap3A_324] {strides = array<i32>} : memref<112xi32, #tpu.memory_space<vmem>>, vector<16xi32>,
    %swap3A_326 = vector.shape_cast %swap3A_325 : vector<16xi32> to vector<16xi32>
    %swap3A_327 = vector.shape_cast %add3A_323 : vector<16xi32> to vector<16xi32>
    tpu.vector_store %arg8[%swap3A_324], %swap3A_327 {strides = array<i32>} : memref<112xi32, #tpu.memory_space<vmem>>, vector<16xi32>,
    %mul3A_328 = arith.constant 224 : i32
    %mul3A_329 = vector.broadcast %mul3A_328 : i32 to vector<16xi32>
    %mul3A_330 = arith.muli %min3A_293, %mul3A_329 : vector<16xi32>
    %add3A_331 = vector.broadcast %mul3A_56 : i32 to vector<16xi32>
    %add3A_332 = arith.addi %add3A_331, %mul3A_330 : vector<16xi32>
    %add3A_333 = arith.addi %add3A_332, %min3A_281 : vector<16xi32>
    %swap3A_334 = arith.constant 16 : index
    %swap3A_335 = tpu.vector_load %arg9[%swap3A_334] {strides = array<i32>} : memref<112xi32, #tpu.memory_space<vmem>>, vector<16xi32>,
    %swap3A_336 = vector.shape_cast %swap3A_335 : vector<16xi32> to vector<16xi32>
    %swap3A_337 = vector.shape_cast %add3A_333 : vector<16xi32> to vector<16xi32>
    tpu.vector_store %arg9[%swap3A_334], %swap3A_337 {strides = array<i32>} : memref<112xi32, #tpu.memory_space<vmem>>, vector<16xi32>,
    %sub3A_338 = arith.subf %convert_element_type3A_295, %mul3A_252 : vector<16xf32>
    %sub3A_339 = arith.subf %convert_element_type3A_297, %mul3A_261 : vector<16xf32>
    %mul3A_340 = arith.mulf %sub3A_338, %sub3A_339 : vector<16xf32>
    %swap3A_341 = arith.constant 0 : i32
    %swap3A_342 = arith.index_cast %swap3A_341 : i32 to index
    %swap3A_343 = arith.constant 16 : index
    %swap3A_344 = tpu.vector_load %arg14[%swap3A_342, %swap3A_343] {strides = array<i32>} : memref<4x112xf32, #tpu.memory_space<vmem>>, vector<1x16xf32>,
    %swap3A_345 = vector.shape_cast %swap3A_344 : vector<1x16xf32> to vector<16xf32>
    %swap3A_346 = vector.shape_cast %mul3A_340 : vector<16xf32> to vector<1x16xf32>
    tpu.vector_store %arg14[%swap3A_342, %swap3A_343], %swap3A_346 {strides = array<i32>} : memref<4x112xf32, #tpu.memory_space<vmem>>, vector<1x16xf32>,
    %sub3A_347 = arith.subf %convert_element_type3A_295, %mul3A_252 : vector<16xf32>
    %sub3A_348 = arith.subf %mul3A_261, %convert_element_type3A_296 : vector<16xf32>
    %mul3A_349 = arith.mulf %sub3A_347, %sub3A_348 : vector<16xf32>
    %swap3A_350 = arith.constant 1 : i32
    %swap3A_351 = arith.index_cast %swap3A_350 : i32 to index
    %swap3A_352 = arith.constant 16 : index
    %swap3A_353 = tpu.vector_load %arg14[%swap3A_351, %swap3A_352] {strides = array<i32>} : memref<4x112xf32, #tpu.memory_space<vmem>>, vector<1x16xf32>,
    %swap3A_354 = vector.shape_cast %swap3A_353 : vector<1x16xf32> to vector<16xf32>
    %swap3A_355 = vector.shape_cast %mul3A_349 : vector<16xf32> to vector<1x16xf32>
    tpu.vector_store %arg14[%swap3A_351, %swap3A_352], %swap3A_355 {strides = array<i32>} : memref<4x112xf32, #tpu.memory_space<vmem>>, vector<1x16xf32>,
    %sub3A_356 = arith.subf %mul3A_252, %convert_element_type3A_294 : vector<16xf32>
    %sub3A_357 = arith.subf %convert_element_type3A_297, %mul3A_261 : vector<16xf32>
    %mul3A_358 = arith.mulf %sub3A_356, %sub3A_357 : vector<16xf32>
    %swap3A_359 = arith.constant 2 : i32
    %swap3A_360 = arith.index_cast %swap3A_359 : i32 to index
    %swap3A_361 = arith.constant 16 : index
    %swap3A_362 = tpu.vector_load %arg14[%swap3A_360, %swap3A_361] {strides = array<i32>} : memref<4x112xf32, #tpu.memory_space<vmem>>, vector<1x16xf32>,
    %swap3A_363 = vector.shape_cast %swap3A_362 : vector<1x16xf32> to vector<16xf32>
    %swap3A_364 = vector.shape_cast %mul3A_358 : vector<16xf32> to vector<1x16xf32>
    tpu.vector_store %arg14[%swap3A_360, %swap3A_361], %swap3A_364 {strides = array<i32>} : memref<4x112xf32, #tpu.memory_space<vmem>>, vector<1x16xf32>,
    %sub3A_365 = arith.subf %mul3A_252, %convert_element_type3A_294 : vector<16xf32>
    %sub3A_366 = arith.subf %mul3A_261, %convert_element_type3A_296 : vector<16xf32>
    %mul3A_367 = arith.mulf %sub3A_365, %sub3A_366 : vector<16xf32>
    %swap3A_368 = arith.constant 3 : i32
    %swap3A_369 = arith.index_cast %swap3A_368 : i32 to index
    %swap3A_370 = arith.constant 16 : index
    %swap3A_371 = tpu.vector_load %arg14[%swap3A_369, %swap3A_370] {strides = array<i32>} : memref<4x112xf32, #tpu.memory_space<vmem>>, vector<1x16xf32>,
    %swap3A_372 = vector.shape_cast %swap3A_371 : vector<1x16xf32> to vector<16xf32>
    %swap3A_373 = vector.shape_cast %mul3A_367 : vector<16xf32> to vector<1x16xf32>
    tpu.vector_store %arg14[%swap3A_369, %swap3A_370], %swap3A_373 {strides = array<i32>} : memref<4x112xf32, #tpu.memory_space<vmem>>, vector<1x16xf32>,
    %get3A_374 = arith.constant 32 : index
    %get3A_375 = tpu.vector_load %arg27[%get3A_374] {strides = array<i32>} : memref<240xf32, #tpu.memory_space<vmem>>, vector<16xf32>,
    %get3A_376 = vector.shape_cast %get3A_375 : vector<16xf32> to vector<16xf32>
    %mul3A_377 = arith.mulf %gather3A_34, %get3A_376 : vector<16xf32>
    %mul3A_378 = arith.mulf %gather3A_38, %gather3A_95 : vector<16xf32>
    %add3A_379 = arith.addf %mul3A_377, %mul3A_378 : vector<16xf32>
    %add3A_380 = arith.addf %add3A_379, %gather3A_42 : vector<16xf32>
    %mul3A_381 = arith.mulf %gather3A_46, %get3A_376 : vector<16xf32>
    %mul3A_382 = arith.mulf %gather3A_50, %gather3A_95 : vector<16xf32>
    %add3A_383 = arith.addf %mul3A_381, %mul3A_382 : vector<16xf32>
    %add3A_384 = arith.addf %add3A_383, %gather3A_54 : vector<16xf32>
    %add3A_385 = arith.constant 1.000000e+00 : f32
    %add3A_386 = vector.broadcast %add3A_385 : f32 to vector<16xf32>
    %add3A_387 = arith.addf %add3A_380, %add3A_386 : vector<16xf32>
    %mul3A_388 = arith.constant 5.000000e-01 : f32
    %mul3A_389 = vector.broadcast %mul3A_388 : f32 to vector<16xf32>
    %mul3A_390 = arith.mulf %mul3A_389, %add3A_387 : vector<16xf32>
    %mul3A_391 = arith.constant 2.240000e+02 : f32
    %mul3A_392 = vector.broadcast %mul3A_391 : f32 to vector<16xf32>
    %mul3A_393 = arith.mulf %mul3A_390, %mul3A_392 : vector<16xf32>
    %add3A_394 = arith.constant 1.000000e+00 : f32
    %add3A_395 = vector.broadcast %add3A_394 : f32 to vector<16xf32>
    %add3A_396 = arith.addf %add3A_384, %add3A_395 : vector<16xf32>
    %mul3A_397 = arith.constant 5.000000e-01 : f32
    %mul3A_398 = vector.broadcast %mul3A_397 : f32 to vector<16xf32>
    %mul3A_399 = arith.mulf %mul3A_398, %add3A_396 : vector<16xf32>
    %mul3A_400 = arith.constant 2.240000e+02 : f32
    %mul3A_401 = vector.broadcast %mul3A_400 : f32 to vector<16xf32>
    %mul3A_402 = arith.mulf %mul3A_399, %mul3A_401 : vector<16xf32>
    %convert_element_type3A_403 = arith.fptosi %mul3A_393 : vector<16xf32> to vector<16xi32>
    %add3A_404 = arith.constant 1 : i32
    %add3A_405 = vector.broadcast %add3A_404 : i32 to vector<16xi32>
    %add3A_406 = arith.addi %convert_element_type3A_403, %add3A_405 : vector<16xi32>
    %convert_element_type3A_407 = arith.fptosi %mul3A_402 : vector<16xf32> to vector<16xi32>
    %add3A_408 = arith.constant 1 : i32
    %add3A_409 = vector.broadcast %add3A_408 : i32 to vector<16xi32>
    %add3A_410 = arith.addi %convert_element_type3A_407, %add3A_409 : vector<16xi32>
    %jit3A_411 = arith.constant 0 : i32
    %jit3A_412 = arith.constant 223 : i32
    %max3A_413 = vector.broadcast %jit3A_411 : i32 to vector<16xi32>
    %max3A_414 = arith.maxsi %max3A_413, %convert_element_type3A_403 : vector<16xi32>
    %min3A_415 = vector.broadcast %jit3A_412 : i32 to vector<16xi32>
    %min3A_416 = arith.minsi %min3A_415, %max3A_414 : vector<16xi32>
    %jit3A_417 = arith.constant 0 : i32
    %jit3A_418 = arith.constant 223 : i32
    %max3A_419 = vector.broadcast %jit3A_417 : i32 to vector<16xi32>
    %max3A_420 = arith.maxsi %max3A_419, %add3A_406 : vector<16xi32>
    %min3A_421 = vector.broadcast %jit3A_418 : i32 to vector<16xi32>
    %min3A_422 = arith.minsi %min3A_421, %max3A_420 : vector<16xi32>
    %jit3A_423 = arith.constant 0 : i32
    %jit3A_424 = arith.constant 223 : i32
    %max3A_425 = vector.broadcast %jit3A_423 : i32 to vector<16xi32>
    %max3A_426 = arith.maxsi %max3A_425, %convert_element_type3A_407 : vector<16xi32>
    %min3A_427 = vector.broadcast %jit3A_424 : i32 to vector<16xi32>
    %min3A_428 = arith.minsi %min3A_427, %max3A_426 : vector<16xi32>
    %jit3A_429 = arith.constant 0 : i32
    %jit3A_430 = arith.constant 223 : i32
    %max3A_431 = vector.broadcast %jit3A_429 : i32 to vector<16xi32>
    %max3A_432 = arith.maxsi %max3A_431, %add3A_410 : vector<16xi32>
    %min3A_433 = vector.broadcast %jit3A_430 : i32 to vector<16xi32>
    %min3A_434 = arith.minsi %min3A_433, %max3A_432 : vector<16xi32>
    %convert_element_type3A_435 = arith.sitofp %min3A_416 : vector<16xi32> to vector<16xf32>
    %convert_element_type3A_436 = arith.sitofp %min3A_422 : vector<16xi32> to vector<16xf32>
    %convert_element_type3A_437 = arith.sitofp %min3A_428 : vector<16xi32> to vector<16xf32>
    %convert_element_type3A_438 = arith.sitofp %min3A_434 : vector<16xi32> to vector<16xf32>
    %mul3A_439 = arith.constant 224 : i32
    %mul3A_440 = vector.broadcast %mul3A_439 : i32 to vector<16xi32>
    %mul3A_441 = arith.muli %min3A_428, %mul3A_440 : vector<16xi32>
    %add3A_442 = vector.broadcast %mul3A_56 : i32 to vector<16xi32>
    %add3A_443 = arith.addi %add3A_442, %mul3A_441 : vector<16xi32>
    %add3A_444 = arith.addi %add3A_443, %min3A_416 : vector<16xi32>
    %swap3A_445 = arith.constant 32 : index
    %swap3A_446 = tpu.vector_load %arg6[%swap3A_445] {strides = array<i32>} : memref<112xi32, #tpu.memory_space<vmem>>, vector<16xi32>,
    %swap3A_447 = vector.shape_cast %swap3A_446 : vector<16xi32> to vector<16xi32>
    %swap3A_448 = vector.shape_cast %add3A_444 : vector<16xi32> to vector<16xi32>
    tpu.vector_store %arg6[%swap3A_445], %swap3A_448 {strides = array<i32>} : memref<112xi32, #tpu.memory_space<vmem>>, vector<16xi32>,
    %mul3A_449 = arith.constant 224 : i32
    %mul3A_450 = vector.broadcast %mul3A_449 : i32 to vector<16xi32>
    %mul3A_451 = arith.muli %min3A_434, %mul3A_450 : vector<16xi32>
    %add3A_452 = vector.broadcast %mul3A_56 : i32 to vector<16xi32>
    %add3A_453 = arith.addi %add3A_452, %mul3A_451 : vector<16xi32>
    %add3A_454 = arith.addi %add3A_453, %min3A_416 : vector<16xi32>
    %swap3A_455 = arith.constant 32 : index
    %swap3A_456 = tpu.vector_load %arg7[%swap3A_455] {strides = array<i32>} : memref<112xi32, #tpu.memory_space<vmem>>, vector<16xi32>,
    %swap3A_457 = vector.shape_cast %swap3A_456 : vector<16xi32> to vector<16xi32>
    %swap3A_458 = vector.shape_cast %add3A_454 : vector<16xi32> to vector<16xi32>
    tpu.vector_store %arg7[%swap3A_455], %swap3A_458 {strides = array<i32>} : memref<112xi32, #tpu.memory_space<vmem>>, vector<16xi32>,
    %mul3A_459 = arith.constant 224 : i32
    %mul3A_460 = vector.broadcast %mul3A_459 : i32 to vector<16xi32>
    %mul3A_461 = arith.muli %min3A_428, %mul3A_460 : vector<16xi32>
    %add3A_462 = vector.broadcast %mul3A_56 : i32 to vector<16xi32>
    %add3A_463 = arith.addi %add3A_462, %mul3A_461 : vector<16xi32>
    %add3A_464 = arith.addi %add3A_463, %min3A_422 : vector<16xi32>
    %swap3A_465 = arith.constant 32 : index
    %swap3A_466 = tpu.vector_load %arg8[%swap3A_465] {strides = array<i32>} : memref<112xi32, #tpu.memory_space<vmem>>, vector<16xi32>,
    %swap3A_467 = vector.shape_cast %swap3A_466 : vector<16xi32> to vector<16xi32>
    %swap3A_468 = vector.shape_cast %add3A_464 : vector<16xi32> to vector<16xi32>
    tpu.vector_store %arg8[%swap3A_465], %swap3A_468 {strides = array<i32>} : memref<112xi32, #tpu.memory_space<vmem>>, vector<16xi32>,
    %mul3A_469 = arith.constant 224 : i32
    %mul3A_470 = vector.broadcast %mul3A_469 : i32 to vector<16xi32>
    %mul3A_471 = arith.muli %min3A_434, %mul3A_470 : vector<16xi32>
    %add3A_472 = vector.broadcast %mul3A_56 : i32 to vector<16xi32>
    %add3A_473 = arith.addi %add3A_472, %mul3A_471 : vector<16xi32>
    %add3A_474 = arith.addi %add3A_473, %min3A_422 : vector<16xi32>
    %swap3A_475 = arith.constant 32 : index
    %swap3A_476 = tpu.vector_load %arg9[%swap3A_475] {strides = array<i32>} : memref<112xi32, #tpu.memory_space<vmem>>, vector<16xi32>,
    %swap3A_477 = vector.shape_cast %swap3A_476 : vector<16xi32> to vector<16xi32>
    %swap3A_478 = vector.shape_cast %add3A_474 : vector<16xi32> to vector<16xi32>
    tpu.vector_store %arg9[%swap3A_475], %swap3A_478 {strides = array<i32>} : memref<112xi32, #tpu.memory_space<vmem>>, vector<16xi32>,
    %sub3A_479 = arith.subf %convert_element_type3A_436, %mul3A_393 : vector<16xf32>
    %sub3A_480 = arith.subf %convert_element_type3A_438, %mul3A_402 : vector<16xf32>
    %mul3A_481 = arith.mulf %sub3A_479, %sub3A_480 : vector<16xf32>
    %swap3A_482 = arith.constant 0 : i32
    %swap3A_483 = arith.index_cast %swap3A_482 : i32 to index
    %swap3A_484 = arith.constant 32 : index
    %swap3A_485 = tpu.vector_load %arg14[%swap3A_483, %swap3A_484] {strides = array<i32>} : memref<4x112xf32, #tpu.memory_space<vmem>>, vector<1x16xf32>,
    %swap3A_486 = vector.shape_cast %swap3A_485 : vector<1x16xf32> to vector<16xf32>
    %swap3A_487 = vector.shape_cast %mul3A_481 : vector<16xf32> to vector<1x16xf32>
    tpu.vector_store %arg14[%swap3A_483, %swap3A_484], %swap3A_487 {strides = array<i32>} : memref<4x112xf32, #tpu.memory_space<vmem>>, vector<1x16xf32>,
    %sub3A_488 = arith.subf %convert_element_type3A_436, %mul3A_393 : vector<16xf32>
    %sub3A_489 = arith.subf %mul3A_402, %convert_element_type3A_437 : vector<16xf32>
    %mul3A_490 = arith.mulf %sub3A_488, %sub3A_489 : vector<16xf32>
    %swap3A_491 = arith.constant 1 : i32
    %swap3A_492 = arith.index_cast %swap3A_491 : i32 to index
    %swap3A_493 = arith.constant 32 : index
    %swap3A_494 = tpu.vector_load %arg14[%swap3A_492, %swap3A_493] {strides = array<i32>} : memref<4x112xf32, #tpu.memory_space<vmem>>, vector<1x16xf32>,
    %swap3A_495 = vector.shape_cast %swap3A_494 : vector<1x16xf32> to vector<16xf32>
    %swap3A_496 = vector.shape_cast %mul3A_490 : vector<16xf32> to vector<1x16xf32>
    tpu.vector_store %arg14[%swap3A_492, %swap3A_493], %swap3A_496 {strides = array<i32>} : memref<4x112xf32, #tpu.memory_space<vmem>>, vector<1x16xf32>,
    %sub3A_497 = arith.subf %mul3A_393, %convert_element_type3A_435 : vector<16xf32>
    %sub3A_498 = arith.subf %convert_element_type3A_438, %mul3A_402 : vector<16xf32>
    %mul3A_499 = arith.mulf %sub3A_497, %sub3A_498 : vector<16xf32>
    %swap3A_500 = arith.constant 2 : i32
    %swap3A_501 = arith.index_cast %swap3A_500 : i32 to index
    %swap3A_502 = arith.constant 32 : index
    %swap3A_503 = tpu.vector_load %arg14[%swap3A_501, %swap3A_502] {strides = array<i32>} : memref<4x112xf32, #tpu.memory_space<vmem>>, vector<1x16xf32>,
    %swap3A_504 = vector.shape_cast %swap3A_503 : vector<1x16xf32> to vector<16xf32>
    %swap3A_505 = vector.shape_cast %mul3A_499 : vector<16xf32> to vector<1x16xf32>
    tpu.vector_store %arg14[%swap3A_501, %swap3A_502], %swap3A_505 {strides = array<i32>} : memref<4x112xf32, #tpu.memory_space<vmem>>, vector<1x16xf32>,
    %sub3A_506 = arith.subf %mul3A_393, %convert_element_type3A_435 : vector<16xf32>
    %sub3A_507 = arith.subf %mul3A_402, %convert_element_type3A_437 : vector<16xf32>
    %mul3A_508 = arith.mulf %sub3A_506, %sub3A_507 : vector<16xf32>
    %swap3A_509 = arith.constant 3 : i32
    %swap3A_510 = arith.index_cast %swap3A_509 : i32 to index
    %swap3A_511 = arith.constant 32 : index
    %swap3A_512 = tpu.vector_load %arg14[%swap3A_510, %swap3A_511] {strides = array<i32>} : memref<4x112xf32, #tpu.memory_space<vmem>>, vector<1x16xf32>,
    %swap3A_513 = vector.shape_cast %swap3A_512 : vector<1x16xf32> to vector<16xf32>
    %swap3A_514 = vector.shape_cast %mul3A_508 : vector<16xf32> to vector<1x16xf32>
    tpu.vector_store %arg14[%swap3A_510, %swap3A_511], %swap3A_514 {strides = array<i32>} : memref<4x112xf32, #tpu.memory_space<vmem>>, vector<1x16xf32>,
    %get3A_515 = arith.constant 48 : index
    %get3A_516 = tpu.vector_load %arg27[%get3A_515] {strides = array<i32>} : memref<240xf32, #tpu.memory_space<vmem>>, vector<16xf32>,
    %get3A_517 = vector.shape_cast %get3A_516 : vector<16xf32> to vector<16xf32>
    %mul3A_518 = arith.mulf %gather3A_34, %get3A_517 : vector<16xf32>
    %mul3A_519 = arith.mulf %gather3A_38, %gather3A_95 : vector<16xf32>
    %add3A_520 = arith.addf %mul3A_518, %mul3A_519 : vector<16xf32>
    %add3A_521 = arith.addf %add3A_520, %gather3A_42 : vector<16xf32>
    %mul3A_522 = arith.mulf %gather3A_46, %get3A_517 : vector<16xf32>
    %mul3A_523 = arith.mulf %gather3A_50, %gather3A_95 : vector<16xf32>
    %add3A_524 = arith.addf %mul3A_522, %mul3A_523 : vector<16xf32>
    %add3A_525 = arith.addf %add3A_524, %gather3A_54 : vector<16xf32>
    %add3A_526 = arith.constant 1.000000e+00 : f32
    %add3A_527 = vector.broadcast %add3A_526 : f32 to vector<16xf32>
    %add3A_528 = arith.addf %add3A_521, %add3A_527 : vector<16xf32>
    %mul3A_529 = arith.constant 5.000000e-01 : f32
    %mul3A_530 = vector.broadcast %mul3A_529 : f32 to vector<16xf32>
    %mul3A_531 = arith.mulf %mul3A_530, %add3A_528 : vector<16xf32>
    %mul3A_532 = arith.constant 2.240000e+02 : f32
    %mul3A_533 = vector.broadcast %mul3A_532 : f32 to vector<16xf32>
    %mul3A_534 = arith.mulf %mul3A_531, %mul3A_533 : vector<16xf32>
    %add3A_535 = arith.constant 1.000000e+00 : f32
    %add3A_536 = vector.broadcast %add3A_535 : f32 to vector<16xf32>
    %add3A_537 = arith.addf %add3A_525, %add3A_536 : vector<16xf32>
    %mul3A_538 = arith.constant 5.000000e-01 : f32
    %mul3A_539 = vector.broadcast %mul3A_538 : f32 to vector<16xf32>
    %mul3A_540 = arith.mulf %mul3A_539, %add3A_537 : vector<16xf32>
    %mul3A_541 = arith.constant 2.240000e+02 : f32
    %mul3A_542 = vector.broadcast %mul3A_541 : f32 to vector<16xf32>
    %mul3A_543 = arith.mulf %mul3A_540, %mul3A_542 : vector<16xf32>
    %convert_element_type3A_544 = arith.fptosi %mul3A_534 : vector<16xf32> to vector<16xi32>
    %add3A_545 = arith.constant 1 : i32
    %add3A_546 = vector.broadcast %add3A_545 : i32 to vector<16xi32>
    %add3A_547 = arith.addi %convert_element_type3A_544, %add3A_546 : vector<16xi32>
    %convert_element_type3A_548 = arith.fptosi %mul3A_543 : vector<16xf32> to vector<16xi32>
    %add3A_549 = arith.constant 1 : i32
    %add3A_550 = vector.broadcast %add3A_549 : i32 to vector<16xi32>
    %add3A_551 = arith.addi %convert_element_type3A_548, %add3A_550 : vector<16xi32>
    %jit3A_552 = arith.constant 0 : i32
    %jit3A_553 = arith.constant 223 : i32
    %max3A_554 = vector.broadcast %jit3A_552 : i32 to vector<16xi32>
    %max3A_555 = arith.maxsi %max3A_554, %convert_element_type3A_544 : vector<16xi32>
    %min3A_556 = vector.broadcast %jit3A_553 : i32 to vector<16xi32>
    %min3A_557 = arith.minsi %min3A_556, %max3A_555 : vector<16xi32>
    %jit3A_558 = arith.constant 0 : i32
    %jit3A_559 = arith.constant 223 : i32
    %max3A_560 = vector.broadcast %jit3A_558 : i32 to vector<16xi32>
    %max3A_561 = arith.maxsi %max3A_560, %add3A_547 : vector<16xi32>
    %min3A_562 = vector.broadcast %jit3A_559 : i32 to vector<16xi32>
    %min3A_563 = arith.minsi %min3A_562, %max3A_561 : vector<16xi32>
    %jit3A_564 = arith.constant 0 : i32
    %jit3A_565 = arith.constant 223 : i32
    %max3A_566 = vector.broadcast %jit3A_564 : i32 to vector<16xi32>
    %max3A_567 = arith.maxsi %max3A_566, %convert_element_type3A_548 : vector<16xi32>
    %min3A_568 = vector.broadcast %jit3A_565 : i32 to vector<16xi32>
    %min3A_569 = arith.minsi %min3A_568, %max3A_567 : vector<16xi32>
    %jit3A_570 = arith.constant 0 : i32
    %jit3A_571 = arith.constant 223 : i32
    %max3A_572 = vector.broadcast %jit3A_570 : i32 to vector<16xi32>
    %max3A_573 = arith.maxsi %max3A_572, %add3A_551 : vector<16xi32>
    %min3A_574 = vector.broadcast %jit3A_571 : i32 to vector<16xi32>
    %min3A_575 = arith.minsi %min3A_574, %max3A_573 : vector<16xi32>
    %convert_element_type3A_576 = arith.sitofp %min3A_557 : vector<16xi32> to vector<16xf32>
    %convert_element_type3A_577 = arith.sitofp %min3A_563 : vector<16xi32> to vector<16xf32>
    %convert_element_type3A_578 = arith.sitofp %min3A_569 : vector<16xi32> to vector<16xf32>
    %convert_element_type3A_579 = arith.sitofp %min3A_575 : vector<16xi32> to vector<16xf32>
    %mul3A_580 = arith.constant 224 : i32
    %mul3A_581 = vector.broadcast %mul3A_580 : i32 to vector<16xi32>
    %mul3A_582 = arith.muli %min3A_569, %mul3A_581 : vector<16xi32>
    %add3A_583 = vector.broadcast %mul3A_56 : i32 to vector<16xi32>
    %add3A_584 = arith.addi %add3A_583, %mul3A_582 : vector<16xi32>
    %add3A_585 = arith.addi %add3A_584, %min3A_557 : vector<16xi32>
    %swap3A_586 = arith.constant 48 : index
    %swap3A_587 = tpu.vector_load %arg6[%swap3A_586] {strides = array<i32>} : memref<112xi32, #tpu.memory_space<vmem>>, vector<16xi32>,
    %swap3A_588 = vector.shape_cast %swap3A_587 : vector<16xi32> to vector<16xi32>
    %swap3A_589 = vector.shape_cast %add3A_585 : vector<16xi32> to vector<16xi32>
    tpu.vector_store %arg6[%swap3A_586], %swap3A_589 {strides = array<i32>} : memref<112xi32, #tpu.memory_space<vmem>>, vector<16xi32>,
    %mul3A_590 = arith.constant 224 : i32
    %mul3A_591 = vector.broadcast %mul3A_590 : i32 to vector<16xi32>
    %mul3A_592 = arith.muli %min3A_575, %mul3A_591 : vector<16xi32>
    %add3A_593 = vector.broadcast %mul3A_56 : i32 to vector<16xi32>
    %add3A_594 = arith.addi %add3A_593, %mul3A_592 : vector<16xi32>
    %add3A_595 = arith.addi %add3A_594, %min3A_557 : vector<16xi32>
    %swap3A_596 = arith.constant 48 : index
    %swap3A_597 = tpu.vector_load %arg7[%swap3A_596] {strides = array<i32>} : memref<112xi32, #tpu.memory_space<vmem>>, vector<16xi32>,
    %swap3A_598 = vector.shape_cast %swap3A_597 : vector<16xi32> to vector<16xi32>
    %swap3A_599 = vector.shape_cast %add3A_595 : vector<16xi32> to vector<16xi32>
    tpu.vector_store %arg7[%swap3A_596], %swap3A_599 {strides = array<i32>} : memref<112xi32, #tpu.memory_space<vmem>>, vector<16xi32>,
    %mul3A_600 = arith.constant 224 : i32
    %mul3A_601 = vector.broadcast %mul3A_600 : i32 to vector<16xi32>
    %mul3A_602 = arith.muli %min3A_569, %mul3A_601 : vector<16xi32>
    %add3A_603 = vector.broadcast %mul3A_56 : i32 to vector<16xi32>
    %add3A_604 = arith.addi %add3A_603, %mul3A_602 : vector<16xi32>
    %add3A_605 = arith.addi %add3A_604, %min3A_563 : vector<16xi32>
    %swap3A_606 = arith.constant 48 : index
    %swap3A_607 = tpu.vector_load %arg8[%swap3A_606] {strides = array<i32>} : memref<112xi32, #tpu.memory_space<vmem>>, vector<16xi32>,
    %swap3A_608 = vector.shape_cast %swap3A_607 : vector<16xi32> to vector<16xi32>
    %swap3A_609 = vector.shape_cast %add3A_605 : vector<16xi32> to vector<16xi32>
    tpu.vector_store %arg8[%swap3A_606], %swap3A_609 {strides = array<i32>} : memref<112xi32, #tpu.memory_space<vmem>>, vector<16xi32>,
    %mul3A_610 = arith.constant 224 : i32
    %mul3A_611 = vector.broadcast %mul3A_610 : i32 to vector<16xi32>
    %mul3A_612 = arith.muli %min3A_575, %mul3A_611 : vector<16xi32>
    %add3A_613 = vector.broadcast %mul3A_56 : i32 to vector<16xi32>
    %add3A_614 = arith.addi %add3A_613, %mul3A_612 : vector<16xi32>
    %add3A_615 = arith.addi %add3A_614, %min3A_563 : vector<16xi32>
    %swap3A_616 = arith.constant 48 : index
    %swap3A_617 = tpu.vector_load %arg9[%swap3A_616] {strides = array<i32>} : memref<112xi32, #tpu.memory_space<vmem>>, vector<16xi32>,
    %swap3A_618 = vector.shape_cast %swap3A_617 : vector<16xi32> to vector<16xi32>
    %swap3A_619 = vector.shape_cast %add3A_615 : vector<16xi32> to vector<16xi32>
    tpu.vector_store %arg9[%swap3A_616], %swap3A_619 {strides = array<i32>} : memref<112xi32, #tpu.memory_space<vmem>>, vector<16xi32>,
    %sub3A_620 = arith.subf %convert_element_type3A_577, %mul3A_534 : vector<16xf32>
    %sub3A_621 = arith.subf %convert_element_type3A_579, %mul3A_543 : vector<16xf32>
    %mul3A_622 = arith.mulf %sub3A_620, %sub3A_621 : vector<16xf32>
    %swap3A_623 = arith.constant 0 : i32
    %swap3A_624 = arith.index_cast %swap3A_623 : i32 to index
    %swap3A_625 = arith.constant 48 : index
    %swap3A_626 = tpu.vector_load %arg14[%swap3A_624, %swap3A_625] {strides = array<i32>} : memref<4x112xf32, #tpu.memory_space<vmem>>, vector<1x16xf32>,
    %swap3A_627 = vector.shape_cast %swap3A_626 : vector<1x16xf32> to vector<16xf32>
    %swap3A_628 = vector.shape_cast %mul3A_622 : vector<16xf32> to vector<1x16xf32>
    tpu.vector_store %arg14[%swap3A_624, %swap3A_625], %swap3A_628 {strides = array<i32>} : memref<4x112xf32, #tpu.memory_space<vmem>>, vector<1x16xf32>,
    %sub3A_629 = arith.subf %convert_element_type3A_577, %mul3A_534 : vector<16xf32>
    %sub3A_630 = arith.subf %mul3A_543, %convert_element_type3A_578 : vector<16xf32>
    %mul3A_631 = arith.mulf %sub3A_629, %sub3A_630 : vector<16xf32>
    %swap3A_632 = arith.constant 1 : i32
    %swap3A_633 = arith.index_cast %swap3A_632 : i32 to index
    %swap3A_634 = arith.constant 48 : index
    %swap3A_635 = tpu.vector_load %arg14[%swap3A_633, %swap3A_634] {strides = array<i32>} : memref<4x112xf32, #tpu.memory_space<vmem>>, vector<1x16xf32>,
    %swap3A_636 = vector.shape_cast %swap3A_635 : vector<1x16xf32> to vector<16xf32>
    %swap3A_637 = vector.shape_cast %mul3A_631 : vector<16xf32> to vector<1x16xf32>
    tpu.vector_store %arg14[%swap3A_633, %swap3A_634], %swap3A_637 {strides = array<i32>} : memref<4x112xf32, #tpu.memory_space<vmem>>, vector<1x16xf32>,
    %sub3A_638 = arith.subf %mul3A_534, %convert_element_type3A_576 : vector<16xf32>
    %sub3A_639 = arith.subf %convert_element_type3A_579, %mul3A_543 : vector<16xf32>
    %mul3A_640 = arith.mulf %sub3A_638, %sub3A_639 : vector<16xf32>
    %swap3A_641 = arith.constant 2 : i32
    %swap3A_642 = arith.index_cast %swap3A_641 : i32 to index
    %swap3A_643 = arith.constant 48 : index
    %swap3A_644 = tpu.vector_load %arg14[%swap3A_642, %swap3A_643] {strides = array<i32>} : memref<4x112xf32, #tpu.memory_space<vmem>>, vector<1x16xf32>,
    %swap3A_645 = vector.shape_cast %swap3A_644 : vector<1x16xf32> to vector<16xf32>
    %swap3A_646 = vector.shape_cast %mul3A_640 : vector<16xf32> to vector<1x16xf32>
    tpu.vector_store %arg14[%swap3A_642, %swap3A_643], %swap3A_646 {strides = array<i32>} : memref<4x112xf32, #tpu.memory_space<vmem>>, vector<1x16xf32>,
    %sub3A_647 = arith.subf %mul3A_534, %convert_element_type3A_576 : vector<16xf32>
    %sub3A_648 = arith.subf %mul3A_543, %convert_element_type3A_578 : vector<16xf32>
    %mul3A_649 = arith.mulf %sub3A_647, %sub3A_648 : vector<16xf32>
    %swap3A_650 = arith.constant 3 : i32
    %swap3A_651 = arith.index_cast %swap3A_650 : i32 to index
    %swap3A_652 = arith.constant 48 : index
    %swap3A_653 = tpu.vector_load %arg14[%swap3A_651, %swap3A_652] {strides = array<i32>} : memref<4x112xf32, #tpu.memory_space<vmem>>, vector<1x16xf32>,
    %swap3A_654 = vector.shape_cast %swap3A_653 : vector<1x16xf32> to vector<16xf32>
    %swap3A_655 = vector.shape_cast %mul3A_649 : vector<16xf32> to vector<1x16xf32>
    tpu.vector_store %arg14[%swap3A_651, %swap3A_652], %swap3A_655 {strides = array<i32>} : memref<4x112xf32, #tpu.memory_space<vmem>>, vector<1x16xf32>,
    %get3A_656 = arith.constant 64 : index
    %get3A_657 = tpu.vector_load %arg27[%get3A_656] {strides = array<i32>} : memref<240xf32, #tpu.memory_space<vmem>>, vector<16xf32>,
    %get3A_658 = vector.shape_cast %get3A_657 : vector<16xf32> to vector<16xf32>
    %mul3A_659 = arith.mulf %gather3A_34, %get3A_658 : vector<16xf32>
    %mul3A_660 = arith.mulf %gather3A_38, %gather3A_95 : vector<16xf32>
    %add3A_661 = arith.addf %mul3A_659, %mul3A_660 : vector<16xf32>
    %add3A_662 = arith.addf %add3A_661, %gather3A_42 : vector<16xf32>
    %mul3A_663 = arith.mulf %gather3A_46, %get3A_658 : vector<16xf32>
    %mul3A_664 = arith.mulf %gather3A_50, %gather3A_95 : vector<16xf32>
    %add3A_665 = arith.addf %mul3A_663, %mul3A_664 : vector<16xf32>
    %add3A_666 = arith.addf %add3A_665, %gather3A_54 : vector<16xf32>
    %add3A_667 = arith.constant 1.000000e+00 : f32
    %add3A_668 = vector.broadcast %add3A_667 : f32 to vector<16xf32>
    %add3A_669 = arith.addf %add3A_662, %add3A_668 : vector<16xf32>
    %mul3A_670 = arith.constant 5.000000e-01 : f32
    %mul3A_671 = vector.broadcast %mul3A_670 : f32 to vector<16xf32>
    %mul3A_672 = arith.mulf %mul3A_671, %add3A_669 : vector<16xf32>
    %mul3A_673 = arith.constant 2.240000e+02 : f32
    %mul3A_674 = vector.broadcast %mul3A_673 : f32 to vector<16xf32>
    %mul3A_675 = arith.mulf %mul3A_672, %mul3A_674 : vector<16xf32>
    %add3A_676 = arith.constant 1.000000e+00 : f32
    %add3A_677 = vector.broadcast %add3A_676 : f32 to vector<16xf32>
    %add3A_678 = arith.addf %add3A_666, %add3A_677 : vector<16xf32>
    %mul3A_679 = arith.constant 5.000000e-01 : f32
    %mul3A_680 = vector.broadcast %mul3A_679 : f32 to vector<16xf32>
    %mul3A_681 = arith.mulf %mul3A_680, %add3A_678 : vector<16xf32>
    %mul3A_682 = arith.constant 2.240000e+02 : f32
    %mul3A_683 = vector.broadcast %mul3A_682 : f32 to vector<16xf32>
    %mul3A_684 = arith.mulf %mul3A_681, %mul3A_683 : vector<16xf32>
    %convert_element_type3A_685 = arith.fptosi %mul3A_675 : vector<16xf32> to vector<16xi32>
    %add3A_686 = arith.constant 1 : i32
    %add3A_687 = vector.broadcast %add3A_686 : i32 to vector<16xi32>
    %add3A_688 = arith.addi %convert_element_type3A_685, %add3A_687 : vector<16xi32>
    %convert_element_type3A_689 = arith.fptosi %mul3A_684 : vector<16xf32> to vector<16xi32>
    %add3A_690 = arith.constant 1 : i32
    %add3A_691 = vector.broadcast %add3A_690 : i32 to vector<16xi32>
    %add3A_692 = arith.addi %convert_element_type3A_689, %add3A_691 : vector<16xi32>
    %jit3A_693 = arith.constant 0 : i32
    %jit3A_694 = arith.constant 223 : i32
    %max3A_695 = vector.broadcast %jit3A_693 : i32 to vector<16xi32>
    %max3A_696 = arith.maxsi %max3A_695, %convert_element_type3A_685 : vector<16xi32>
    %min3A_697 = vector.broadcast %jit3A_694 : i32 to vector<16xi32>
    %min3A_698 = arith.minsi %min3A_697, %max3A_696 : vector<16xi32>
    %jit3A_699 = arith.constant 0 : i32
    %jit3A_700 = arith.constant 223 : i32
    %max3A_701 = vector.broadcast %jit3A_699 : i32 to vector<16xi32>
    %max3A_702 = arith.maxsi %max3A_701, %add3A_688 : vector<16xi32>
    %min3A_703 = vector.broadcast %jit3A_700 : i32 to vector<16xi32>
    %min3A_704 = arith.minsi %min3A_703, %max3A_702 : vector<16xi32>
    %jit3A_705 = arith.constant 0 : i32
    %jit3A_706 = arith.constant 223 : i32
    %max3A_707 = vector.broadcast %jit3A_705 : i32 to vector<16xi32>
    %max3A_708 = arith.maxsi %max3A_707, %convert_element_type3A_689 : vector<16xi32>
    %min3A_709 = vector.broadcast %jit3A_706 : i32 to vector<16xi32>
    %min3A_710 = arith.minsi %min3A_709, %max3A_708 : vector<16xi32>
    %jit3A_711 = arith.constant 0 : i32
    %jit3A_712 = arith.constant 223 : i32
    %max3A_713 = vector.broadcast %jit3A_711 : i32 to vector<16xi32>
    %max3A_714 = arith.maxsi %max3A_713, %add3A_692 : vector<16xi32>
    %min3A_715 = vector.broadcast %jit3A_712 : i32 to vector<16xi32>
    %min3A_716 = arith.minsi %min3A_715, %max3A_714 : vector<16xi32>
    %convert_element_type3A_717 = arith.sitofp %min3A_698 : vector<16xi32> to vector<16xf32>
    %convert_element_type3A_718 = arith.sitofp %min3A_704 : vector<16xi32> to vector<16xf32>
    %convert_element_type3A_719 = arith.sitofp %min3A_710 : vector<16xi32> to vector<16xf32>
    %convert_element_type3A_720 = arith.sitofp %min3A_716 : vector<16xi32> to vector<16xf32>
    %mul3A_721 = arith.constant 224 : i32
    %mul3A_722 = vector.broadcast %mul3A_721 : i32 to vector<16xi32>
    %mul3A_723 = arith.muli %min3A_710, %mul3A_722 : vector<16xi32>
    %add3A_724 = vector.broadcast %mul3A_56 : i32 to vector<16xi32>
    %add3A_725 = arith.addi %add3A_724, %mul3A_723 : vector<16xi32>
    %add3A_726 = arith.addi %add3A_725, %min3A_698 : vector<16xi32>
    %swap3A_727 = arith.constant 64 : index
    %swap3A_728 = tpu.vector_load %arg6[%swap3A_727] {strides = array<i32>} : memref<112xi32, #tpu.memory_space<vmem>>, vector<16xi32>,
    %swap3A_729 = vector.shape_cast %swap3A_728 : vector<16xi32> to vector<16xi32>
    %swap3A_730 = vector.shape_cast %add3A_726 : vector<16xi32> to vector<16xi32>
    tpu.vector_store %arg6[%swap3A_727], %swap3A_730 {strides = array<i32>} : memref<112xi32, #tpu.memory_space<vmem>>, vector<16xi32>,
    %mul3A_731 = arith.constant 224 : i32
    %mul3A_732 = vector.broadcast %mul3A_731 : i32 to vector<16xi32>
    %mul3A_733 = arith.muli %min3A_716, %mul3A_732 : vector<16xi32>
    %add3A_734 = vector.broadcast %mul3A_56 : i32 to vector<16xi32>
    %add3A_735 = arith.addi %add3A_734, %mul3A_733 : vector<16xi32>
    %add3A_736 = arith.addi %add3A_735, %min3A_698 : vector<16xi32>
    %swap3A_737 = arith.constant 64 : index
    %swap3A_738 = tpu.vector_load %arg7[%swap3A_737] {strides = array<i32>} : memref<112xi32, #tpu.memory_space<vmem>>, vector<16xi32>,
    %swap3A_739 = vector.shape_cast %swap3A_738 : vector<16xi32> to vector<16xi32>
    %swap3A_740 = vector.shape_cast %add3A_736 : vector<16xi32> to vector<16xi32>
    tpu.vector_store %arg7[%swap3A_737], %swap3A_740 {strides = array<i32>} : memref<112xi32, #tpu.memory_space<vmem>>, vector<16xi32>,
    %mul3A_741 = arith.constant 224 : i32
    %mul3A_742 = vector.broadcast %mul3A_741 : i32 to vector<16xi32>
    %mul3A_743 = arith.muli %min3A_710, %mul3A_742 : vector<16xi32>
    %add3A_744 = vector.broadcast %mul3A_56 : i32 to vector<16xi32>
    %add3A_745 = arith.addi %add3A_744, %mul3A_743 : vector<16xi32>
    %add3A_746 = arith.addi %add3A_745, %min3A_704 : vector<16xi32>
    %swap3A_747 = arith.constant 64 : index
    %swap3A_748 = tpu.vector_load %arg8[%swap3A_747] {strides = array<i32>} : memref<112xi32, #tpu.memory_space<vmem>>, vector<16xi32>,
    %swap3A_749 = vector.shape_cast %swap3A_748 : vector<16xi32> to vector<16xi32>
    %swap3A_750 = vector.shape_cast %add3A_746 : vector<16xi32> to vector<16xi32>
    tpu.vector_store %arg8[%swap3A_747], %swap3A_750 {strides = array<i32>} : memref<112xi32, #tpu.memory_space<vmem>>, vector<16xi32>,
    %mul3A_751 = arith.constant 224 : i32
    %mul3A_752 = vector.broadcast %mul3A_751 : i32 to vector<16xi32>
    %mul3A_753 = arith.muli %min3A_716, %mul3A_752 : vector<16xi32>
    %add3A_754 = vector.broadcast %mul3A_56 : i32 to vector<16xi32>
    %add3A_755 = arith.addi %add3A_754, %mul3A_753 : vector<16xi32>
    %add3A_756 = arith.addi %add3A_755, %min3A_704 : vector<16xi32>
    %swap3A_757 = arith.constant 64 : index
    %swap3A_758 = tpu.vector_load %arg9[%swap3A_757] {strides = array<i32>} : memref<112xi32, #tpu.memory_space<vmem>>, vector<16xi32>,
    %swap3A_759 = vector.shape_cast %swap3A_758 : vector<16xi32> to vector<16xi32>
    %swap3A_760 = vector.shape_cast %add3A_756 : vector<16xi32> to vector<16xi32>
    tpu.vector_store %arg9[%swap3A_757], %swap3A_760 {strides = array<i32>} : memref<112xi32, #tpu.memory_space<vmem>>, vector<16xi32>,
    %sub3A_761 = arith.subf %convert_element_type3A_718, %mul3A_675 : vector<16xf32>
    %sub3A_762 = arith.subf %convert_element_type3A_720, %mul3A_684 : vector<16xf32>
    %mul3A_763 = arith.mulf %sub3A_761, %sub3A_762 : vector<16xf32>
    %swap3A_764 = arith.constant 0 : i32
    %swap3A_765 = arith.index_cast %swap3A_764 : i32 to index
    %swap3A_766 = arith.constant 64 : index
    %swap3A_767 = tpu.vector_load %arg14[%swap3A_765, %swap3A_766] {strides = array<i32>} : memref<4x112xf32, #tpu.memory_space<vmem>>, vector<1x16xf32>,
    %swap3A_768 = vector.shape_cast %swap3A_767 : vector<1x16xf32> to vector<16xf32>
    %swap3A_769 = vector.shape_cast %mul3A_763 : vector<16xf32> to vector<1x16xf32>
    tpu.vector_store %arg14[%swap3A_765, %swap3A_766], %swap3A_769 {strides = array<i32>} : memref<4x112xf32, #tpu.memory_space<vmem>>, vector<1x16xf32>,
    %sub3A_770 = arith.subf %convert_element_type3A_718, %mul3A_675 : vector<16xf32>
    %sub3A_771 = arith.subf %mul3A_684, %convert_element_type3A_719 : vector<16xf32>
    %mul3A_772 = arith.mulf %sub3A_770, %sub3A_771 : vector<16xf32>
    %swap3A_773 = arith.constant 1 : i32
    %swap3A_774 = arith.index_cast %swap3A_773 : i32 to index
    %swap3A_775 = arith.constant 64 : index
    %swap3A_776 = tpu.vector_load %arg14[%swap3A_774, %swap3A_775] {strides = array<i32>} : memref<4x112xf32, #tpu.memory_space<vmem>>, vector<1x16xf32>,
    %swap3A_777 = vector.shape_cast %swap3A_776 : vector<1x16xf32> to vector<16xf32>
    %swap3A_778 = vector.shape_cast %mul3A_772 : vector<16xf32> to vector<1x16xf32>
    tpu.vector_store %arg14[%swap3A_774, %swap3A_775], %swap3A_778 {strides = array<i32>} : memref<4x112xf32, #tpu.memory_space<vmem>>, vector<1x16xf32>,
    %sub3A_779 = arith.subf %mul3A_675, %convert_element_type3A_717 : vector<16xf32>
    %sub3A_780 = arith.subf %convert_element_type3A_720, %mul3A_684 : vector<16xf32>
    %mul3A_781 = arith.mulf %sub3A_779, %sub3A_780 : vector<16xf32>
    %swap3A_782 = arith.constant 2 : i32
    %swap3A_783 = arith.index_cast %swap3A_782 : i32 to index
    %swap3A_784 = arith.constant 64 : index
    %swap3A_785 = tpu.vector_load %arg14[%swap3A_783, %swap3A_784] {strides = array<i32>} : memref<4x112xf32, #tpu.memory_space<vmem>>, vector<1x16xf32>,
    %swap3A_786 = vector.shape_cast %swap3A_785 : vector<1x16xf32> to vector<16xf32>
    %swap3A_787 = vector.shape_cast %mul3A_781 : vector<16xf32> to vector<1x16xf32>
    tpu.vector_store %arg14[%swap3A_783, %swap3A_784], %swap3A_787 {strides = array<i32>} : memref<4x112xf32, #tpu.memory_space<vmem>>, vector<1x16xf32>,
    %sub3A_788 = arith.subf %mul3A_675, %convert_element_type3A_717 : vector<16xf32>
    %sub3A_789 = arith.subf %mul3A_684, %convert_element_type3A_719 : vector<16xf32>
    %mul3A_790 = arith.mulf %sub3A_788, %sub3A_789 : vector<16xf32>
    %swap3A_791 = arith.constant 3 : i32
    %swap3A_792 = arith.index_cast %swap3A_791 : i32 to index
    %swap3A_793 = arith.constant 64 : index
    %swap3A_794 = tpu.vector_load %arg14[%swap3A_792, %swap3A_793] {strides = array<i32>} : memref<4x112xf32, #tpu.memory_space<vmem>>, vector<1x16xf32>,
    %swap3A_795 = vector.shape_cast %swap3A_794 : vector<1x16xf32> to vector<16xf32>
    %swap3A_796 = vector.shape_cast %mul3A_790 : vector<16xf32> to vector<1x16xf32>
    tpu.vector_store %arg14[%swap3A_792, %swap3A_793], %swap3A_796 {strides = array<i32>} : memref<4x112xf32, #tpu.memory_space<vmem>>, vector<1x16xf32>,
    %get3A_797 = arith.constant 80 : index
    %get3A_798 = tpu.vector_load %arg27[%get3A_797] {strides = array<i32>} : memref<240xf32, #tpu.memory_space<vmem>>, vector<16xf32>,
    %get3A_799 = vector.shape_cast %get3A_798 : vector<16xf32> to vector<16xf32>
    %mul3A_800 = arith.mulf %gather3A_34, %get3A_799 : vector<16xf32>
    %mul3A_801 = arith.mulf %gather3A_38, %gather3A_95 : vector<16xf32>
    %add3A_802 = arith.addf %mul3A_800, %mul3A_801 : vector<16xf32>
    %add3A_803 = arith.addf %add3A_802, %gather3A_42 : vector<16xf32>
    %mul3A_804 = arith.mulf %gather3A_46, %get3A_799 : vector<16xf32>
    %mul3A_805 = arith.mulf %gather3A_50, %gather3A_95 : vector<16xf32>
    %add3A_806 = arith.addf %mul3A_804, %mul3A_805 : vector<16xf32>
    %add3A_807 = arith.addf %add3A_806, %gather3A_54 : vector<16xf32>
    %add3A_808 = arith.constant 1.000000e+00 : f32
    %add3A_809 = vector.broadcast %add3A_808 : f32 to vector<16xf32>
    %add3A_810 = arith.addf %add3A_803, %add3A_809 : vector<16xf32>
    %mul3A_811 = arith.constant 5.000000e-01 : f32
    %mul3A_812 = vector.broadcast %mul3A_811 : f32 to vector<16xf32>
    %mul3A_813 = arith.mulf %mul3A_812, %add3A_810 : vector<16xf32>
    %mul3A_814 = arith.constant 2.240000e+02 : f32
    %mul3A_815 = vector.broadcast %mul3A_814 : f32 to vector<16xf32>
    %mul3A_816 = arith.mulf %mul3A_813, %mul3A_815 : vector<16xf32>
    %add3A_817 = arith.constant 1.000000e+00 : f32
    %add3A_818 = vector.broadcast %add3A_817 : f32 to vector<16xf32>
    %add3A_819 = arith.addf %add3A_807, %add3A_818 : vector<16xf32>
    %mul3A_820 = arith.constant 5.000000e-01 : f32
    %mul3A_821 = vector.broadcast %mul3A_820 : f32 to vector<16xf32>
    %mul3A_822 = arith.mulf %mul3A_821, %add3A_819 : vector<16xf32>
    %mul3A_823 = arith.constant 2.240000e+02 : f32
    %mul3A_824 = vector.broadcast %mul3A_823 : f32 to vector<16xf32>
    %mul3A_825 = arith.mulf %mul3A_822, %mul3A_824 : vector<16xf32>
    %convert_element_type3A_826 = arith.fptosi %mul3A_816 : vector<16xf32> to vector<16xi32>
    %add3A_827 = arith.constant 1 : i32
    %add3A_828 = vector.broadcast %add3A_827 : i32 to vector<16xi32>
    %add3A_829 = arith.addi %convert_element_type3A_826, %add3A_828 : vector<16xi32>
    %convert_element_type3A_830 = arith.fptosi %mul3A_825 : vector<16xf32> to vector<16xi32>
    %add3A_831 = arith.constant 1 : i32
    %add3A_832 = vector.broadcast %add3A_831 : i32 to vector<16xi32>
    %add3A_833 = arith.addi %convert_element_type3A_830, %add3A_832 : vector<16xi32>
    %jit3A_834 = arith.constant 0 : i32
    %jit3A_835 = arith.constant 223 : i32
    %max3A_836 = vector.broadcast %jit3A_834 : i32 to vector<16xi32>
    %max3A_837 = arith.maxsi %max3A_836, %convert_element_type3A_826 : vector<16xi32>
    %min3A_838 = vector.broadcast %jit3A_835 : i32 to vector<16xi32>
    %min3A_839 = arith.minsi %min3A_838, %max3A_837 : vector<16xi32>
    %jit3A_840 = arith.constant 0 : i32
    %jit3A_841 = arith.constant 223 : i32
    %max3A_842 = vector.broadcast %jit3A_840 : i32 to vector<16xi32>
    %max3A_843 = arith.maxsi %max3A_842, %add3A_829 : vector<16xi32>
    %min3A_844 = vector.broadcast %jit3A_841 : i32 to vector<16xi32>
    %min3A_845 = arith.minsi %min3A_844, %max3A_843 : vector<16xi32>
    %jit3A_846 = arith.constant 0 : i32
    %jit3A_847 = arith.constant 223 : i32
    %max3A_848 = vector.broadcast %jit3A_846 : i32 to vector<16xi32>
    %max3A_849 = arith.maxsi %max3A_848, %convert_element_type3A_830 : vector<16xi32>
    %min3A_850 = vector.broadcast %jit3A_847 : i32 to vector<16xi32>
    %min3A_851 = arith.minsi %min3A_850, %max3A_849 : vector<16xi32>
    %jit3A_852 = arith.constant 0 : i32
    %jit3A_853 = arith.constant 223 : i32
    %max3A_854 = vector.broadcast %jit3A_852 : i32 to vector<16xi32>
    %max3A_855 = arith.maxsi %max3A_854, %add3A_833 : vector<16xi32>
    %min3A_856 = vector.broadcast %jit3A_853 : i32 to vector<16xi32>
    %min3A_857 = arith.minsi %min3A_856, %max3A_855 : vector<16xi32>
    %convert_element_type3A_858 = arith.sitofp %min3A_839 : vector<16xi32> to vector<16xf32>
    %convert_element_type3A_859 = arith.sitofp %min3A_845 : vector<16xi32> to vector<16xf32>
    %convert_element_type3A_860 = arith.sitofp %min3A_851 : vector<16xi32> to vector<16xf32>
    %convert_element_type3A_861 = arith.sitofp %min3A_857 : vector<16xi32> to vector<16xf32>
    %mul3A_862 = arith.constant 224 : i32
    %mul3A_863 = vector.broadcast %mul3A_862 : i32 to vector<16xi32>
    %mul3A_864 = arith.muli %min3A_851, %mul3A_863 : vector<16xi32>
    %add3A_865 = vector.broadcast %mul3A_56 : i32 to vector<16xi32>
    %add3A_866 = arith.addi %add3A_865, %mul3A_864 : vector<16xi32>
    %add3A_867 = arith.addi %add3A_866, %min3A_839 : vector<16xi32>
    %swap3A_868 = arith.constant 80 : index
    %swap3A_869 = tpu.vector_load %arg6[%swap3A_868] {strides = array<i32>} : memref<112xi32, #tpu.memory_space<vmem>>, vector<16xi32>,
    %swap3A_870 = vector.shape_cast %swap3A_869 : vector<16xi32> to vector<16xi32>
    %swap3A_871 = vector.shape_cast %add3A_867 : vector<16xi32> to vector<16xi32>
    tpu.vector_store %arg6[%swap3A_868], %swap3A_871 {strides = array<i32>} : memref<112xi32, #tpu.memory_space<vmem>>, vector<16xi32>,
    %mul3A_872 = arith.constant 224 : i32
    %mul3A_873 = vector.broadcast %mul3A_872 : i32 to vector<16xi32>
    %mul3A_874 = arith.muli %min3A_857, %mul3A_873 : vector<16xi32>
    %add3A_875 = vector.broadcast %mul3A_56 : i32 to vector<16xi32>
    %add3A_876 = arith.addi %add3A_875, %mul3A_874 : vector<16xi32>
    %add3A_877 = arith.addi %add3A_876, %min3A_839 : vector<16xi32>
    %swap3A_878 = arith.constant 80 : index
    %swap3A_879 = tpu.vector_load %arg7[%swap3A_878] {strides = array<i32>} : memref<112xi32, #tpu.memory_space<vmem>>, vector<16xi32>,
    %swap3A_880 = vector.shape_cast %swap3A_879 : vector<16xi32> to vector<16xi32>
    %swap3A_881 = vector.shape_cast %add3A_877 : vector<16xi32> to vector<16xi32>
    tpu.vector_store %arg7[%swap3A_878], %swap3A_881 {strides = array<i32>} : memref<112xi32, #tpu.memory_space<vmem>>, vector<16xi32>,
    %mul3A_882 = arith.constant 224 : i32
    %mul3A_883 = vector.broadcast %mul3A_882 : i32 to vector<16xi32>
    %mul3A_884 = arith.muli %min3A_851, %mul3A_883 : vector<16xi32>
    %add3A_885 = vector.broadcast %mul3A_56 : i32 to vector<16xi32>
    %add3A_886 = arith.addi %add3A_885, %mul3A_884 : vector<16xi32>
    %add3A_887 = arith.addi %add3A_886, %min3A_845 : vector<16xi32>
    %swap3A_888 = arith.constant 80 : index
    %swap3A_889 = tpu.vector_load %arg8[%swap3A_888] {strides = array<i32>} : memref<112xi32, #tpu.memory_space<vmem>>, vector<16xi32>,
    %swap3A_890 = vector.shape_cast %swap3A_889 : vector<16xi32> to vector<16xi32>
    %swap3A_891 = vector.shape_cast %add3A_887 : vector<16xi32> to vector<16xi32>
    tpu.vector_store %arg8[%swap3A_888], %swap3A_891 {strides = array<i32>} : memref<112xi32, #tpu.memory_space<vmem>>, vector<16xi32>,
    %mul3A_892 = arith.constant 224 : i32
    %mul3A_893 = vector.broadcast %mul3A_892 : i32 to vector<16xi32>
    %mul3A_894 = arith.muli %min3A_857, %mul3A_893 : vector<16xi32>
    %add3A_895 = vector.broadcast %mul3A_56 : i32 to vector<16xi32>
    %add3A_896 = arith.addi %add3A_895, %mul3A_894 : vector<16xi32>
    %add3A_897 = arith.addi %add3A_896, %min3A_845 : vector<16xi32>
    %swap3A_898 = arith.constant 80 : index
    %swap3A_899 = tpu.vector_load %arg9[%swap3A_898] {strides = array<i32>} : memref<112xi32, #tpu.memory_space<vmem>>, vector<16xi32>,
    %swap3A_900 = vector.shape_cast %swap3A_899 : vector<16xi32> to vector<16xi32>
    %swap3A_901 = vector.shape_cast %add3A_897 : vector<16xi32> to vector<16xi32>
    tpu.vector_store %arg9[%swap3A_898], %swap3A_901 {strides = array<i32>} : memref<112xi32, #tpu.memory_space<vmem>>, vector<16xi32>,
    %sub3A_902 = arith.subf %convert_element_type3A_859, %mul3A_816 : vector<16xf32>
    %sub3A_903 = arith.subf %convert_element_type3A_861, %mul3A_825 : vector<16xf32>
    %mul3A_904 = arith.mulf %sub3A_902, %sub3A_903 : vector<16xf32>
    %swap3A_905 = arith.constant 0 : i32
    %swap3A_906 = arith.index_cast %swap3A_905 : i32 to index
    %swap3A_907 = arith.constant 80 : index
    %swap3A_908 = tpu.vector_load %arg14[%swap3A_906, %swap3A_907] {strides = array<i32>} : memref<4x112xf32, #tpu.memory_space<vmem>>, vector<1x16xf32>,
    %swap3A_909 = vector.shape_cast %swap3A_908 : vector<1x16xf32> to vector<16xf32>
    %swap3A_910 = vector.shape_cast %mul3A_904 : vector<16xf32> to vector<1x16xf32>
    tpu.vector_store %arg14[%swap3A_906, %swap3A_907], %swap3A_910 {strides = array<i32>} : memref<4x112xf32, #tpu.memory_space<vmem>>, vector<1x16xf32>,
    %sub3A_911 = arith.subf %convert_element_type3A_859, %mul3A_816 : vector<16xf32>
    %sub3A_912 = arith.subf %mul3A_825, %convert_element_type3A_860 : vector<16xf32>
    %mul3A_913 = arith.mulf %sub3A_911, %sub3A_912 : vector<16xf32>
    %swap3A_914 = arith.constant 1 : i32
    %swap3A_915 = arith.index_cast %swap3A_914 : i32 to index
    %swap3A_916 = arith.constant 80 : index
    %swap3A_917 = tpu.vector_load %arg14[%swap3A_915, %swap3A_916] {strides = array<i32>} : memref<4x112xf32, #tpu.memory_space<vmem>>, vector<1x16xf32>,
    %swap3A_918 = vector.shape_cast %swap3A_917 : vector<1x16xf32> to vector<16xf32>
    %swap3A_919 = vector.shape_cast %mul3A_913 : vector<16xf32> to vector<1x16xf32>
    tpu.vector_store %arg14[%swap3A_915, %swap3A_916], %swap3A_919 {strides = array<i32>} : memref<4x112xf32, #tpu.memory_space<vmem>>, vector<1x16xf32>,
    %sub3A_920 = arith.subf %mul3A_816, %convert_element_type3A_858 : vector<16xf32>
    %sub3A_921 = arith.subf %convert_element_type3A_861, %mul3A_825 : vector<16xf32>
    %mul3A_922 = arith.mulf %sub3A_920, %sub3A_921 : vector<16xf32>
    %swap3A_923 = arith.constant 2 : i32
    %swap3A_924 = arith.index_cast %swap3A_923 : i32 to index
    %swap3A_925 = arith.constant 80 : index
    %swap3A_926 = tpu.vector_load %arg14[%swap3A_924, %swap3A_925] {strides = array<i32>} : memref<4x112xf32, #tpu.memory_space<vmem>>, vector<1x16xf32>,
    %swap3A_927 = vector.shape_cast %swap3A_926 : vector<1x16xf32> to vector<16xf32>
    %swap3A_928 = vector.shape_cast %mul3A_922 : vector<16xf32> to vector<1x16xf32>
    tpu.vector_store %arg14[%swap3A_924, %swap3A_925], %swap3A_928 {strides = array<i32>} : memref<4x112xf32, #tpu.memory_space<vmem>>, vector<1x16xf32>,
    %sub3A_929 = arith.subf %mul3A_816, %convert_element_type3A_858 : vector<16xf32>
    %sub3A_930 = arith.subf %mul3A_825, %convert_element_type3A_860 : vector<16xf32>
    %mul3A_931 = arith.mulf %sub3A_929, %sub3A_930 : vector<16xf32>
    %swap3A_932 = arith.constant 3 : i32
    %swap3A_933 = arith.index_cast %swap3A_932 : i32 to index
    %swap3A_934 = arith.constant 80 : index
    %swap3A_935 = tpu.vector_load %arg14[%swap3A_933, %swap3A_934] {strides = array<i32>} : memref<4x112xf32, #tpu.memory_space<vmem>>, vector<1x16xf32>,
    %swap3A_936 = vector.shape_cast %swap3A_935 : vector<1x16xf32> to vector<16xf32>
    %swap3A_937 = vector.shape_cast %mul3A_931 : vector<16xf32> to vector<1x16xf32>
    tpu.vector_store %arg14[%swap3A_933, %swap3A_934], %swap3A_937 {strides = array<i32>} : memref<4x112xf32, #tpu.memory_space<vmem>>, vector<1x16xf32>,
    %get3A_938 = arith.constant 96 : index
    %get3A_939 = tpu.vector_load %arg27[%get3A_938] {strides = array<i32>} : memref<240xf32, #tpu.memory_space<vmem>>, vector<16xf32>,
    %get3A_940 = vector.shape_cast %get3A_939 : vector<16xf32> to vector<16xf32>
    %mul3A_941 = arith.mulf %gather3A_34, %get3A_940 : vector<16xf32>
    %mul3A_942 = arith.mulf %gather3A_38, %gather3A_95 : vector<16xf32>
    %add3A_943 = arith.addf %mul3A_941, %mul3A_942 : vector<16xf32>
    %add3A_944 = arith.addf %add3A_943, %gather3A_42 : vector<16xf32>
    %mul3A_945 = arith.mulf %gather3A_46, %get3A_940 : vector<16xf32>
    %mul3A_946 = arith.mulf %gather3A_50, %gather3A_95 : vector<16xf32>
    %add3A_947 = arith.addf %mul3A_945, %mul3A_946 : vector<16xf32>
    %add3A_948 = arith.addf %add3A_947, %gather3A_54 : vector<16xf32>
    %add3A_949 = arith.constant 1.000000e+00 : f32
    %add3A_950 = vector.broadcast %add3A_949 : f32 to vector<16xf32>
    %add3A_951 = arith.addf %add3A_944, %add3A_950 : vector<16xf32>
    %mul3A_952 = arith.constant 5.000000e-01 : f32
    %mul3A_953 = vector.broadcast %mul3A_952 : f32 to vector<16xf32>
    %mul3A_954 = arith.mulf %mul3A_953, %add3A_951 : vector<16xf32>
    %mul3A_955 = arith.constant 2.240000e+02 : f32
    %mul3A_956 = vector.broadcast %mul3A_955 : f32 to vector<16xf32>
    %mul3A_957 = arith.mulf %mul3A_954, %mul3A_956 : vector<16xf32>
    %add3A_958 = arith.constant 1.000000e+00 : f32
    %add3A_959 = vector.broadcast %add3A_958 : f32 to vector<16xf32>
    %add3A_960 = arith.addf %add3A_948, %add3A_959 : vector<16xf32>
    %mul3A_961 = arith.constant 5.000000e-01 : f32
    %mul3A_962 = vector.broadcast %mul3A_961 : f32 to vector<16xf32>
    %mul3A_963 = arith.mulf %mul3A_962, %add3A_960 : vector<16xf32>
    %mul3A_964 = arith.constant 2.240000e+02 : f32
    %mul3A_965 = vector.broadcast %mul3A_964 : f32 to vector<16xf32>
    %mul3A_966 = arith.mulf %mul3A_963, %mul3A_965 : vector<16xf32>
    %convert_element_type3A_967 = arith.fptosi %mul3A_957 : vector<16xf32> to vector<16xi32>
    %add3A_968 = arith.constant 1 : i32
    %add3A_969 = vector.broadcast %add3A_968 : i32 to vector<16xi32>
    %add3A_970 = arith.addi %convert_element_type3A_967, %add3A_969 : vector<16xi32>
    %convert_element_type3A_971 = arith.fptosi %mul3A_966 : vector<16xf32> to vector<16xi32>
    %add3A_972 = arith.constant 1 : i32
    %add3A_973 = vector.broadcast %add3A_972 : i32 to vector<16xi32>
    %add3A_974 = arith.addi %convert_element_type3A_971, %add3A_973 : vector<16xi32>
    %jit3A_975 = arith.constant 0 : i32
    %jit3A_976 = arith.constant 223 : i32
    %max3A_977 = vector.broadcast %jit3A_975 : i32 to vector<16xi32>
    %max3A_978 = arith.maxsi %max3A_977, %convert_element_type3A_967 : vector<16xi32>
    %min3A_979 = vector.broadcast %jit3A_976 : i32 to vector<16xi32>
    %min3A_980 = arith.minsi %min3A_979, %max3A_978 : vector<16xi32>
    %jit3A_981 = arith.constant 0 : i32
    %jit3A_982 = arith.constant 223 : i32
    %max3A_983 = vector.broadcast %jit3A_981 : i32 to vector<16xi32>
    %max3A_984 = arith.maxsi %max3A_983, %add3A_970 : vector<16xi32>
    %min3A_985 = vector.broadcast %jit3A_982 : i32 to vector<16xi32>
    %min3A_986 = arith.minsi %min3A_985, %max3A_984 : vector<16xi32>
    %jit3A_987 = arith.constant 0 : i32
    %jit3A_988 = arith.constant 223 : i32
    %max3A_989 = vector.broadcast %jit3A_987 : i32 to vector<16xi32>
    %max3A_990 = arith.maxsi %max3A_989, %convert_element_type3A_971 : vector<16xi32>
    %min3A_991 = vector.broadcast %jit3A_988 : i32 to vector<16xi32>
    %min3A_992 = arith.minsi %min3A_991, %max3A_990 : vector<16xi32>
    %jit3A_993 = arith.constant 0 : i32
    %jit3A_994 = arith.constant 223 : i32
    %max3A_995 = vector.broadcast %jit3A_993 : i32 to vector<16xi32>
    %max3A_996 = arith.maxsi %max3A_995, %add3A_974 : vector<16xi32>
    %min3A_997 = vector.broadcast %jit3A_994 : i32 to vector<16xi32>
    %min3A_998 = arith.minsi %min3A_997, %max3A_996 : vector<16xi32>
    %convert_element_type3A_999 = arith.sitofp %min3A_980 : vector<16xi32> to vector<16xf32>
    %convert_element_type3A_1000 = arith.sitofp %min3A_986 : vector<16xi32> to vector<16xf32>
    %convert_element_type3A_1001 = arith.sitofp %min3A_992 : vector<16xi32> to vector<16xf32>
    %convert_element_type3A_1002 = arith.sitofp %min3A_998 : vector<16xi32> to vector<16xf32>
    %mul3A_1003 = arith.constant 224 : i32
    %mul3A_1004 = vector.broadcast %mul3A_1003 : i32 to vector<16xi32>
    %mul3A_1005 = arith.muli %min3A_992, %mul3A_1004 : vector<16xi32>
    %add3A_1006 = vector.broadcast %mul3A_56 : i32 to vector<16xi32>
    %add3A_1007 = arith.addi %add3A_1006, %mul3A_1005 : vector<16xi32>
    %add3A_1008 = arith.addi %add3A_1007, %min3A_980 : vector<16xi32>
    %swap3A_1009 = arith.constant 96 : index
    %swap3A_1010 = tpu.vector_load %arg6[%swap3A_1009] {strides = array<i32>} : memref<112xi32, #tpu.memory_space<vmem>>, vector<16xi32>,
    %swap3A_1011 = vector.shape_cast %swap3A_1010 : vector<16xi32> to vector<16xi32>
    %swap3A_1012 = vector.shape_cast %add3A_1008 : vector<16xi32> to vector<16xi32>
    tpu.vector_store %arg6[%swap3A_1009], %swap3A_1012 {strides = array<i32>} : memref<112xi32, #tpu.memory_space<vmem>>, vector<16xi32>,
    %mul3A_1013 = arith.constant 224 : i32
    %mul3A_1014 = vector.broadcast %mul3A_1013 : i32 to vector<16xi32>
    %mul3A_1015 = arith.muli %min3A_998, %mul3A_1014 : vector<16xi32>
    %add3A_1016 = vector.broadcast %mul3A_56 : i32 to vector<16xi32>
    %add3A_1017 = arith.addi %add3A_1016, %mul3A_1015 : vector<16xi32>
    %add3A_1018 = arith.addi %add3A_1017, %min3A_980 : vector<16xi32>
    %swap3A_1019 = arith.constant 96 : index
    %swap3A_1020 = tpu.vector_load %arg7[%swap3A_1019] {strides = array<i32>} : memref<112xi32, #tpu.memory_space<vmem>>, vector<16xi32>,
    %swap3A_1021 = vector.shape_cast %swap3A_1020 : vector<16xi32> to vector<16xi32>
    %swap3A_1022 = vector.shape_cast %add3A_1018 : vector<16xi32> to vector<16xi32>
    tpu.vector_store %arg7[%swap3A_1019], %swap3A_1022 {strides = array<i32>} : memref<112xi32, #tpu.memory_space<vmem>>, vector<16xi32>,
    %mul3A_1023 = arith.constant 224 : i32
    %mul3A_1024 = vector.broadcast %mul3A_1023 : i32 to vector<16xi32>
    %mul3A_1025 = arith.muli %min3A_992, %mul3A_1024 : vector<16xi32>
    %add3A_1026 = vector.broadcast %mul3A_56 : i32 to vector<16xi32>
    %add3A_1027 = arith.addi %add3A_1026, %mul3A_1025 : vector<16xi32>
    %add3A_1028 = arith.addi %add3A_1027, %min3A_986 : vector<16xi32>
    %swap3A_1029 = arith.constant 96 : index
    %swap3A_1030 = tpu.vector_load %arg8[%swap3A_1029] {strides = array<i32>} : memref<112xi32, #tpu.memory_space<vmem>>, vector<16xi32>,
    %swap3A_1031 = vector.shape_cast %swap3A_1030 : vector<16xi32> to vector<16xi32>
    %swap3A_1032 = vector.shape_cast %add3A_1028 : vector<16xi32> to vector<16xi32>
    tpu.vector_store %arg8[%swap3A_1029], %swap3A_1032 {strides = array<i32>} : memref<112xi32, #tpu.memory_space<vmem>>, vector<16xi32>,
    %mul3A_1033 = arith.constant 224 : i32
    %mul3A_1034 = vector.broadcast %mul3A_1033 : i32 to vector<16xi32>
    %mul3A_1035 = arith.muli %min3A_998, %mul3A_1034 : vector<16xi32>
    %add3A_1036 = vector.broadcast %mul3A_56 : i32 to vector<16xi32>
    %add3A_1037 = arith.addi %add3A_1036, %mul3A_1035 : vector<16xi32>
    %add3A_1038 = arith.addi %add3A_1037, %min3A_986 : vector<16xi32>
    %swap3A_1039 = arith.constant 96 : index
    %swap3A_1040 = tpu.vector_load %arg9[%swap3A_1039] {strides = array<i32>} : memref<112xi32, #tpu.memory_space<vmem>>, vector<16xi32>,
    %swap3A_1041 = vector.shape_cast %swap3A_1040 : vector<16xi32> to vector<16xi32>
    %swap3A_1042 = vector.shape_cast %add3A_1038 : vector<16xi32> to vector<16xi32>
    tpu.vector_store %arg9[%swap3A_1039], %swap3A_1042 {strides = array<i32>} : memref<112xi32, #tpu.memory_space<vmem>>, vector<16xi32>,
    %sub3A_1043 = arith.subf %convert_element_type3A_1000, %mul3A_957 : vector<16xf32>
    %sub3A_1044 = arith.subf %convert_element_type3A_1002, %mul3A_966 : vector<16xf32>
    %mul3A_1045 = arith.mulf %sub3A_1043, %sub3A_1044 : vector<16xf32>
    %swap3A_1046 = arith.constant 0 : i32
    %swap3A_1047 = arith.index_cast %swap3A_1046 : i32 to index
    %swap3A_1048 = arith.constant 96 : index
    %swap3A_1049 = tpu.vector_load %arg14[%swap3A_1047, %swap3A_1048] {strides = array<i32>} : memref<4x112xf32, #tpu.memory_space<vmem>>, vector<1x16xf32>,
    %swap3A_1050 = vector.shape_cast %swap3A_1049 : vector<1x16xf32> to vector<16xf32>
    %swap3A_1051 = vector.shape_cast %mul3A_1045 : vector<16xf32> to vector<1x16xf32>
    tpu.vector_store %arg14[%swap3A_1047, %swap3A_1048], %swap3A_1051 {strides = array<i32>} : memref<4x112xf32, #tpu.memory_space<vmem>>, vector<1x16xf32>,
    %sub3A_1052 = arith.subf %convert_element_type3A_1000, %mul3A_957 : vector<16xf32>
    %sub3A_1053 = arith.subf %mul3A_966, %convert_element_type3A_1001 : vector<16xf32>
    %mul3A_1054 = arith.mulf %sub3A_1052, %sub3A_1053 : vector<16xf32>
    %swap3A_1055 = arith.constant 1 : i32
    %swap3A_1056 = arith.index_cast %swap3A_1055 : i32 to index
    %swap3A_1057 = arith.constant 96 : index
    %swap3A_1058 = tpu.vector_load %arg14[%swap3A_1056, %swap3A_1057] {strides = array<i32>} : memref<4x112xf32, #tpu.memory_space<vmem>>, vector<1x16xf32>,
    %swap3A_1059 = vector.shape_cast %swap3A_1058 : vector<1x16xf32> to vector<16xf32>
    %swap3A_1060 = vector.shape_cast %mul3A_1054 : vector<16xf32> to vector<1x16xf32>
    tpu.vector_store %arg14[%swap3A_1056, %swap3A_1057], %swap3A_1060 {strides = array<i32>} : memref<4x112xf32, #tpu.memory_space<vmem>>, vector<1x16xf32>,
    %sub3A_1061 = arith.subf %mul3A_957, %convert_element_type3A_999 : vector<16xf32>
    %sub3A_1062 = arith.subf %convert_element_type3A_1002, %mul3A_966 : vector<16xf32>
    %mul3A_1063 = arith.mulf %sub3A_1061, %sub3A_1062 : vector<16xf32>
    %swap3A_1064 = arith.constant 2 : i32
    %swap3A_1065 = arith.index_cast %swap3A_1064 : i32 to index
    %swap3A_1066 = arith.constant 96 : index
    %swap3A_1067 = tpu.vector_load %arg14[%swap3A_1065, %swap3A_1066] {strides = array<i32>} : memref<4x112xf32, #tpu.memory_space<vmem>>, vector<1x16xf32>,
    %swap3A_1068 = vector.shape_cast %swap3A_1067 : vector<1x16xf32> to vector<16xf32>
    %swap3A_1069 = vector.shape_cast %mul3A_1063 : vector<16xf32> to vector<1x16xf32>
    tpu.vector_store %arg14[%swap3A_1065, %swap3A_1066], %swap3A_1069 {strides = array<i32>} : memref<4x112xf32, #tpu.memory_space<vmem>>, vector<1x16xf32>,
    %sub3A_1070 = arith.subf %mul3A_957, %convert_element_type3A_999 : vector<16xf32>
    %sub3A_1071 = arith.subf %mul3A_966, %convert_element_type3A_1001 : vector<16xf32>
    %mul3A_1072 = arith.mulf %sub3A_1070, %sub3A_1071 : vector<16xf32>
    %swap3A_1073 = arith.constant 3 : i32
    %swap3A_1074 = arith.index_cast %swap3A_1073 : i32 to index
    %swap3A_1075 = arith.constant 96 : index
    %swap3A_1076 = tpu.vector_load %arg14[%swap3A_1074, %swap3A_1075] {strides = array<i32>} : memref<4x112xf32, #tpu.memory_space<vmem>>, vector<1x16xf32>,
    %swap3A_1077 = vector.shape_cast %swap3A_1076 : vector<1x16xf32> to vector<16xf32>
    %swap3A_1078 = vector.shape_cast %mul3A_1072 : vector<16xf32> to vector<1x16xf32>
    tpu.vector_store %arg14[%swap3A_1074, %swap3A_1075], %swap3A_1078 {strides = array<i32>} : memref<4x112xf32, #tpu.memory_space<vmem>>, vector<1x16xf32>,
    %dma_start3A = arith.constant 0 : i32
    %dma_start3A_1079 = arith.constant 0 : i32
    %dma_start3A_1080 = tpu.memref_slice %arg2[%dma_start3A, %dma_start3A_1079] : memref<401408x96xf32, #tpu.memory_space<hbm>> -> memref<401408x96xf32, #tpu.memory_space<hbm>>
    tpu.enqueue_indirect_dma source(%dma_start3A_1080 : memref<401408x96xf32, #tpu.memory_space<hbm>>) target(%arg16 : memref<112x96xf32, #tpu.memory_space<vmem>>) offsets(%arg6 : memref<112xi32, #tpu.memory_space<vmem>>) semaphore(%arg28 : memref<!tpu.dma_semaphore, #tpu.memory_space<semaphore_mem>>)
    %dma_start3A_1081 = arith.constant 0 : i32
    %dma_start3A_1082 = arith.constant 0 : i32
    %dma_start3A_1083 = tpu.memref_slice %arg2[%dma_start3A_1081, %dma_start3A_1082] : memref<401408x96xf32, #tpu.memory_space<hbm>> -> memref<401408x96xf32, #tpu.memory_space<hbm>>
    tpu.enqueue_indirect_dma source(%dma_start3A_1083 : memref<401408x96xf32, #tpu.memory_space<hbm>>) target(%arg17 : memref<112x96xf32, #tpu.memory_space<vmem>>) offsets(%arg7 : memref<112xi32, #tpu.memory_space<vmem>>) semaphore(%arg28 : memref<!tpu.dma_semaphore, #tpu.memory_space<semaphore_mem>>)
    %dma_start3A_1084 = arith.constant 0 : i32
    %dma_start3A_1085 = arith.constant 0 : i32
    %dma_start3A_1086 = tpu.memref_slice %arg2[%dma_start3A_1084, %dma_start3A_1085] : memref<401408x96xf32, #tpu.memory_space<hbm>> -> memref<401408x96xf32, #tpu.memory_space<hbm>>
    tpu.enqueue_indirect_dma source(%dma_start3A_1086 : memref<401408x96xf32, #tpu.memory_space<hbm>>) target(%arg18 : memref<112x96xf32, #tpu.memory_space<vmem>>) offsets(%arg8 : memref<112xi32, #tpu.memory_space<vmem>>) semaphore(%arg28 : memref<!tpu.dma_semaphore, #tpu.memory_space<semaphore_mem>>)
    %dma_start3A_1087 = arith.constant 0 : i32
    %dma_start3A_1088 = arith.constant 0 : i32
    %dma_start3A_1089 = tpu.memref_slice %arg2[%dma_start3A_1087, %dma_start3A_1088] : memref<401408x96xf32, #tpu.memory_space<hbm>> -> memref<401408x96xf32, #tpu.memory_space<hbm>>
    tpu.enqueue_indirect_dma source(%dma_start3A_1089 : memref<401408x96xf32, #tpu.memory_space<hbm>>) target(%arg19 : memref<112x96xf32, #tpu.memory_space<vmem>>) offsets(%arg9 : memref<112xi32, #tpu.memory_space<vmem>>) semaphore(%arg28 : memref<!tpu.dma_semaphore, #tpu.memory_space<semaphore_mem>>)
    %scan3A = arith.constant 0 : i32
    %scan3A_1090 = arith.constant 0 : i32
    %scan3A_1091 = arith.constant 56 : i32
    %scan3A_1092 = arith.addi %scan3A_1090, %scan3A_1091 : i32
    %scan3A_1093 = arith.constant 1 : i32
    scf.for %scan3A_1113 = %scan3A_1090 to %scan3A_1092 step %scan3A_1093  : i32 {
      %mul3A_1114 = arith.constant 56 : i32
      %mul3A_1115 = arith.muli %select_n3A_30, %mul3A_1114 : i32
      %add3A_1116 = arith.addi %mul3A_1115, %scan3A_1113 : i32
      %add3A_1117 = arith.constant 0 : i32
      %add3A_1118 = arith.addi %add3A_1116, %add3A_1117 : i32
      %jit3A_1119 = arith.constant 16 : i32
      %div3A_1120 = arith.divsi %add3A_1118, %jit3A_1119 : i32
      %sign3A_1121 = arith.constant 0 : i32
      %sign3A_1122 = arith.cmpi sgt, %add3A_1118, %sign3A_1121 : i32
      %sign3A_1123 = arith.extui %sign3A_1122 : i1 to i32
      %sign3A_1124 = arith.constant 0 : i32
      %sign3A_1125 = arith.cmpi slt, %add3A_1118, %sign3A_1124 : i32
      %sign3A_1126 = arith.extui %sign3A_1125 : i1 to i32
      %sign3A_1127 = arith.subi %sign3A_1123, %sign3A_1126 : i32
      %sign3A_1128 = arith.constant 0 : i32
      %sign3A_1129 = arith.cmpi sgt, %jit3A_1119, %sign3A_1128 : i32
      %sign3A_1130 = arith.extui %sign3A_1129 : i1 to i32
      %sign3A_1131 = arith.constant 0 : i32
      %sign3A_1132 = arith.cmpi slt, %jit3A_1119, %sign3A_1131 : i32
      %sign3A_1133 = arith.extui %sign3A_1132 : i1 to i32
      %sign3A_1134 = arith.subi %sign3A_1130, %sign3A_1133 : i32
      %ne3A_1135 = arith.cmpi ne, %sign3A_1127, %sign3A_1134 : i32
      %rem3A_1136 = arith.remsi %add3A_1118, %jit3A_1119 : i32
      %ne3A_1137 = arith.constant 0 : i32
      %ne3A_1138 = arith.cmpi ne, %rem3A_1136, %ne3A_1137 : i32
      %and3A_1139 = arith.andi %ne3A_1135, %ne3A_1138 : i1
      %sub3A_1140 = arith.constant 1 : i32
      %sub3A_1141 = arith.subi %div3A_1120, %sub3A_1140 : i32
      %select_n3A_1142 = arith.select %and3A_1139, %sub3A_1141, %div3A_1120 : i32
      %mul3A_1143 = arith.constant 16 : i32
      %mul3A_1144 = arith.muli %select_n3A_1142, %mul3A_1143 : i32
      %get3A_1145 = arith.index_cast %mul3A_1144 : i32 to index
      %get3A_1146 = tpu.vector_load %arg27[%get3A_1145] {strides = array<i32>} : memref<240xf32, #tpu.memory_space<vmem>>, vector<16xf32>,
      %get3A_1147 = vector.shape_cast %get3A_1146 : vector<16xf32> to vector<16xf32>
      %sub3A_1148 = arith.subi %add3A_1118, %mul3A_1144 : i32
      %iota3A_1149 = tpu.iota {dimensions = array<i32: 0>} : vector<16xi32>
      %mul3A_1150 = arith.constant 0 : i32
      %mul3A_1151 = vector.broadcast %mul3A_1150 : i32 to vector<16xi32>
      %mul3A_1152 = arith.muli %iota3A_1149, %mul3A_1151 : vector<16xi32>
      %add3A_1153 = vector.broadcast %sub3A_1148 : i32 to vector<16xi32>
      %add3A_1154 = arith.addi %mul3A_1152, %add3A_1153 : vector<16xi32>
      %reshape3A_1155 = vector.shape_cast %add3A_1154 : vector<16xi32> to vector<16x1xi32>
      %gather3A_1156 = vector.shape_cast %reshape3A_1155 : vector<16x1xi32> to vector<16xi32>
      %gather3A_1157 = tpu.dynamic_gather %get3A_1147[%gather3A_1156] in [0] : vector<16xf32>, vector<16xi32> -> vector<16xf32>
      %get3A_1158 = arith.constant 112 : index
      %get3A_1159 = tpu.vector_load %arg27[%get3A_1158] {strides = array<i32>} : memref<240xf32, #tpu.memory_space<vmem>>, vector<16xf32>,
      %get3A_1160 = vector.shape_cast %get3A_1159 : vector<16xf32> to vector<16xf32>
      %mul3A_1161 = arith.mulf %gather3A_34, %get3A_1160 : vector<16xf32>
      %mul3A_1162 = arith.mulf %gather3A_38, %gather3A_1157 : vector<16xf32>
      %add3A_1163 = arith.addf %mul3A_1161, %mul3A_1162 : vector<16xf32>
      %add3A_1164 = arith.addf %add3A_1163, %gather3A_42 : vector<16xf32>
      %mul3A_1165 = arith.mulf %gather3A_46, %get3A_1160 : vector<16xf32>
      %mul3A_1166 = arith.mulf %gather3A_50, %gather3A_1157 : vector<16xf32>
      %add3A_1167 = arith.addf %mul3A_1165, %mul3A_1166 : vector<16xf32>
      %add3A_1168 = arith.addf %add3A_1167, %gather3A_54 : vector<16xf32>
      %add3A_1169 = arith.constant 1.000000e+00 : f32
      %add3A_1170 = vector.broadcast %add3A_1169 : f32 to vector<16xf32>
      %add3A_1171 = arith.addf %add3A_1164, %add3A_1170 : vector<16xf32>
      %mul3A_1172 = arith.constant 5.000000e-01 : f32
      %mul3A_1173 = vector.broadcast %mul3A_1172 : f32 to vector<16xf32>
      %mul3A_1174 = arith.mulf %mul3A_1173, %add3A_1171 : vector<16xf32>
      %mul3A_1175 = arith.constant 2.240000e+02 : f32
      %mul3A_1176 = vector.broadcast %mul3A_1175 : f32 to vector<16xf32>
      %mul3A_1177 = arith.mulf %mul3A_1174, %mul3A_1176 : vector<16xf32>
      %add3A_1178 = arith.constant 1.000000e+00 : f32
      %add3A_1179 = vector.broadcast %add3A_1178 : f32 to vector<16xf32>
      %add3A_1180 = arith.addf %add3A_1168, %add3A_1179 : vector<16xf32>
      %mul3A_1181 = arith.constant 5.000000e-01 : f32
      %mul3A_1182 = vector.broadcast %mul3A_1181 : f32 to vector<16xf32>
      %mul3A_1183 = arith.mulf %mul3A_1182, %add3A_1180 : vector<16xf32>
      %mul3A_1184 = arith.constant 2.240000e+02 : f32
      %mul3A_1185 = vector.broadcast %mul3A_1184 : f32 to vector<16xf32>
      %mul3A_1186 = arith.mulf %mul3A_1183, %mul3A_1185 : vector<16xf32>
      %convert_element_type3A_1187 = arith.fptosi %mul3A_1177 : vector<16xf32> to vector<16xi32>
      %add3A_1188 = arith.constant 1 : i32
      %add3A_1189 = vector.broadcast %add3A_1188 : i32 to vector<16xi32>
      %add3A_1190 = arith.addi %convert_element_type3A_1187, %add3A_1189 : vector<16xi32>
      %convert_element_type3A_1191 = arith.fptosi %mul3A_1186 : vector<16xf32> to vector<16xi32>
      %add3A_1192 = arith.constant 1 : i32
      %add3A_1193 = vector.broadcast %add3A_1192 : i32 to vector<16xi32>
      %add3A_1194 = arith.addi %convert_element_type3A_1191, %add3A_1193 : vector<16xi32>
      %jit3A_1195 = arith.constant 0 : i32
      %jit3A_1196 = arith.constant 223 : i32
      %max3A_1197 = vector.broadcast %jit3A_1195 : i32 to vector<16xi32>
      %max3A_1198 = arith.maxsi %max3A_1197, %convert_element_type3A_1187 : vector<16xi32>
      %min3A_1199 = vector.broadcast %jit3A_1196 : i32 to vector<16xi32>
      %min3A_1200 = arith.minsi %min3A_1199, %max3A_1198 : vector<16xi32>
      %jit3A_1201 = arith.constant 0 : i32
      %jit3A_1202 = arith.constant 223 : i32
      %max3A_1203 = vector.broadcast %jit3A_1201 : i32 to vector<16xi32>
      %max3A_1204 = arith.maxsi %max3A_1203, %add3A_1190 : vector<16xi32>
      %min3A_1205 = vector.broadcast %jit3A_1202 : i32 to vector<16xi32>
      %min3A_1206 = arith.minsi %min3A_1205, %max3A_1204 : vector<16xi32>
      %jit3A_1207 = arith.constant 0 : i32
      %jit3A_1208 = arith.constant 223 : i32
      %max3A_1209 = vector.broadcast %jit3A_1207 : i32 to vector<16xi32>
      %max3A_1210 = arith.maxsi %max3A_1209, %convert_element_type3A_1191 : vector<16xi32>
      %min3A_1211 = vector.broadcast %jit3A_1208 : i32 to vector<16xi32>
      %min3A_1212 = arith.minsi %min3A_1211, %max3A_1210 : vector<16xi32>
      %jit3A_1213 = arith.constant 0 : i32
      %jit3A_1214 = arith.constant 223 : i32
      %max3A_1215 = vector.broadcast %jit3A_1213 : i32 to vector<16xi32>
      %max3A_1216 = arith.maxsi %max3A_1215, %add3A_1194 : vector<16xi32>
      %min3A_1217 = vector.broadcast %jit3A_1214 : i32 to vector<16xi32>
      %min3A_1218 = arith.minsi %min3A_1217, %max3A_1216 : vector<16xi32>
      %convert_element_type3A_1219 = arith.sitofp %min3A_1200 : vector<16xi32> to vector<16xf32>
      %convert_element_type3A_1220 = arith.sitofp %min3A_1206 : vector<16xi32> to vector<16xf32>
      %convert_element_type3A_1221 = arith.sitofp %min3A_1212 : vector<16xi32> to vector<16xf32>
      %convert_element_type3A_1222 = arith.sitofp %min3A_1218 : vector<16xi32> to vector<16xf32>
      %mul3A_1223 = arith.constant 224 : i32
      %mul3A_1224 = vector.broadcast %mul3A_1223 : i32 to vector<16xi32>
      %mul3A_1225 = arith.muli %min3A_1212, %mul3A_1224 : vector<16xi32>
      %add3A_1226 = vector.broadcast %mul3A_56 : i32 to vector<16xi32>
      %add3A_1227 = arith.addi %add3A_1226, %mul3A_1225 : vector<16xi32>
      %add3A_1228 = arith.addi %add3A_1227, %min3A_1200 : vector<16xi32>
      %swap3A_1229 = arith.constant 0 : index
      %swap3A_1230 = tpu.vector_load %arg10[%swap3A_1229] {strides = array<i32>} : memref<112xi32, #tpu.memory_space<vmem>>, vector<16xi32>,
      %swap3A_1231 = vector.shape_cast %swap3A_1230 : vector<16xi32> to vector<16xi32>
      %swap3A_1232 = vector.shape_cast %add3A_1228 : vector<16xi32> to vector<16xi32>
      tpu.vector_store %arg10[%swap3A_1229], %swap3A_1232 {strides = array<i32>} : memref<112xi32, #tpu.memory_space<vmem>>, vector<16xi32>,
      %mul3A_1233 = arith.constant 224 : i32
      %mul3A_1234 = vector.broadcast %mul3A_1233 : i32 to vector<16xi32>
      %mul3A_1235 = arith.muli %min3A_1218, %mul3A_1234 : vector<16xi32>
      %add3A_1236 = vector.broadcast %mul3A_56 : i32 to vector<16xi32>
      %add3A_1237 = arith.addi %add3A_1236, %mul3A_1235 : vector<16xi32>
      %add3A_1238 = arith.addi %add3A_1237, %min3A_1200 : vector<16xi32>
      %swap3A_1239 = arith.constant 0 : index
      %swap3A_1240 = tpu.vector_load %arg11[%swap3A_1239] {strides = array<i32>} : memref<112xi32, #tpu.memory_space<vmem>>, vector<16xi32>,
      %swap3A_1241 = vector.shape_cast %swap3A_1240 : vector<16xi32> to vector<16xi32>
      %swap3A_1242 = vector.shape_cast %add3A_1238 : vector<16xi32> to vector<16xi32>
      tpu.vector_store %arg11[%swap3A_1239], %swap3A_1242 {strides = array<i32>} : memref<112xi32, #tpu.memory_space<vmem>>, vector<16xi32>,
      %mul3A_1243 = arith.constant 224 : i32
      %mul3A_1244 = vector.broadcast %mul3A_1243 : i32 to vector<16xi32>
      %mul3A_1245 = arith.muli %min3A_1212, %mul3A_1244 : vector<16xi32>
      %add3A_1246 = vector.broadcast %mul3A_56 : i32 to vector<16xi32>
      %add3A_1247 = arith.addi %add3A_1246, %mul3A_1245 : vector<16xi32>
      %add3A_1248 = arith.addi %add3A_1247, %min3A_1206 : vector<16xi32>
      %swap3A_1249 = arith.constant 0 : index
      %swap3A_1250 = tpu.vector_load %arg12[%swap3A_1249] {strides = array<i32>} : memref<112xi32, #tpu.memory_space<vmem>>, vector<16xi32>,
      %swap3A_1251 = vector.shape_cast %swap3A_1250 : vector<16xi32> to vector<16xi32>
      %swap3A_1252 = vector.shape_cast %add3A_1248 : vector<16xi32> to vector<16xi32>
      tpu.vector_store %arg12[%swap3A_1249], %swap3A_1252 {strides = array<i32>} : memref<112xi32, #tpu.memory_space<vmem>>, vector<16xi32>,
      %mul3A_1253 = arith.constant 224 : i32
      %mul3A_1254 = vector.broadcast %mul3A_1253 : i32 to vector<16xi32>
      %mul3A_1255 = arith.muli %min3A_1218, %mul3A_1254 : vector<16xi32>
      %add3A_1256 = vector.broadcast %mul3A_56 : i32 to vector<16xi32>
      %add3A_1257 = arith.addi %add3A_1256, %mul3A_1255 : vector<16xi32>
      %add3A_1258 = arith.addi %add3A_1257, %min3A_1206 : vector<16xi32>
      %swap3A_1259 = arith.constant 0 : index
      %swap3A_1260 = tpu.vector_load %arg13[%swap3A_1259] {strides = array<i32>} : memref<112xi32, #tpu.memory_space<vmem>>, vector<16xi32>,
      %swap3A_1261 = vector.shape_cast %swap3A_1260 : vector<16xi32> to vector<16xi32>
      %swap3A_1262 = vector.shape_cast %add3A_1258 : vector<16xi32> to vector<16xi32>
      tpu.vector_store %arg13[%swap3A_1259], %swap3A_1262 {strides = array<i32>} : memref<112xi32, #tpu.memory_space<vmem>>, vector<16xi32>,
      %sub3A_1263 = arith.subf %convert_element_type3A_1220, %mul3A_1177 : vector<16xf32>
      %sub3A_1264 = arith.subf %convert_element_type3A_1222, %mul3A_1186 : vector<16xf32>
      %mul3A_1265 = arith.mulf %sub3A_1263, %sub3A_1264 : vector<16xf32>
      %swap3A_1266 = arith.constant 0 : i32
      %swap3A_1267 = arith.index_cast %swap3A_1266 : i32 to index
      %swap3A_1268 = arith.constant 0 : index
      %swap3A_1269 = tpu.vector_load %arg15[%swap3A_1267, %swap3A_1268] {strides = array<i32>} : memref<4x112xf32, #tpu.memory_space<vmem>>, vector<1x16xf32>,
      %swap3A_1270 = vector.shape_cast %swap3A_1269 : vector<1x16xf32> to vector<16xf32>
      %swap3A_1271 = vector.shape_cast %mul3A_1265 : vector<16xf32> to vector<1x16xf32>
      tpu.vector_store %arg15[%swap3A_1267, %swap3A_1268], %swap3A_1271 {strides = array<i32>} : memref<4x112xf32, #tpu.memory_space<vmem>>, vector<1x16xf32>,
      %sub3A_1272 = arith.subf %convert_element_type3A_1220, %mul3A_1177 : vector<16xf32>
      %sub3A_1273 = arith.subf %mul3A_1186, %convert_element_type3A_1221 : vector<16xf32>
      %mul3A_1274 = arith.mulf %sub3A_1272, %sub3A_1273 : vector<16xf32>
      %swap3A_1275 = arith.constant 1 : i32
      %swap3A_1276 = arith.index_cast %swap3A_1275 : i32 to index
      %swap3A_1277 = arith.constant 0 : index
      %swap3A_1278 = tpu.vector_load %arg15[%swap3A_1276, %swap3A_1277] {strides = array<i32>} : memref<4x112xf32, #tpu.memory_space<vmem>>, vector<1x16xf32>,
      %swap3A_1279 = vector.shape_cast %swap3A_1278 : vector<1x16xf32> to vector<16xf32>
      %swap3A_1280 = vector.shape_cast %mul3A_1274 : vector<16xf32> to vector<1x16xf32>
      tpu.vector_store %arg15[%swap3A_1276, %swap3A_1277], %swap3A_1280 {strides = array<i32>} : memref<4x112xf32, #tpu.memory_space<vmem>>, vector<1x16xf32>,
      %sub3A_1281 = arith.subf %mul3A_1177, %convert_element_type3A_1219 : vector<16xf32>
      %sub3A_1282 = arith.subf %convert_element_type3A_1222, %mul3A_1186 : vector<16xf32>
      %mul3A_1283 = arith.mulf %sub3A_1281, %sub3A_1282 : vector<16xf32>
      %swap3A_1284 = arith.constant 2 : i32
      %swap3A_1285 = arith.index_cast %swap3A_1284 : i32 to index
      %swap3A_1286 = arith.constant 0 : index
      %swap3A_1287 = tpu.vector_load %arg15[%swap3A_1285, %swap3A_1286] {strides = array<i32>} : memref<4x112xf32, #tpu.memory_space<vmem>>, vector<1x16xf32>,
      %swap3A_1288 = vector.shape_cast %swap3A_1287 : vector<1x16xf32> to vector<16xf32>
      %swap3A_1289 = vector.shape_cast %mul3A_1283 : vector<16xf32> to vector<1x16xf32>
      tpu.vector_store %arg15[%swap3A_1285, %swap3A_1286], %swap3A_1289 {strides = array<i32>} : memref<4x112xf32, #tpu.memory_space<vmem>>, vector<1x16xf32>,
      %sub3A_1290 = arith.subf %mul3A_1177, %convert_element_type3A_1219 : vector<16xf32>
      %sub3A_1291 = arith.subf %mul3A_1186, %convert_element_type3A_1221 : vector<16xf32>
      %mul3A_1292 = arith.mulf %sub3A_1290, %sub3A_1291 : vector<16xf32>
      %swap3A_1293 = arith.constant 3 : i32
      %swap3A_1294 = arith.index_cast %swap3A_1293 : i32 to index
      %swap3A_1295 = arith.constant 0 : index
      %swap3A_1296 = tpu.vector_load %arg15[%swap3A_1294, %swap3A_1295] {strides = array<i32>} : memref<4x112xf32, #tpu.memory_space<vmem>>, vector<1x16xf32>,
      %swap3A_1297 = vector.shape_cast %swap3A_1296 : vector<1x16xf32> to vector<16xf32>
      %swap3A_1298 = vector.shape_cast %mul3A_1292 : vector<16xf32> to vector<1x16xf32>
      tpu.vector_store %arg15[%swap3A_1294, %swap3A_1295], %swap3A_1298 {strides = array<i32>} : memref<4x112xf32, #tpu.memory_space<vmem>>, vector<1x16xf32>,
      %get3A_1299 = arith.constant 128 : index
      %get3A_1300 = tpu.vector_load %arg27[%get3A_1299] {strides = array<i32>} : memref<240xf32, #tpu.memory_space<vmem>>, vector<16xf32>,
      %get3A_1301 = vector.shape_cast %get3A_1300 : vector<16xf32> to vector<16xf32>
      %mul3A_1302 = arith.mulf %gather3A_34, %get3A_1301 : vector<16xf32>
      %mul3A_1303 = arith.mulf %gather3A_38, %gather3A_1157 : vector<16xf32>
      %add3A_1304 = arith.addf %mul3A_1302, %mul3A_1303 : vector<16xf32>
      %add3A_1305 = arith.addf %add3A_1304, %gather3A_42 : vector<16xf32>
      %mul3A_1306 = arith.mulf %gather3A_46, %get3A_1301 : vector<16xf32>
      %mul3A_1307 = arith.mulf %gather3A_50, %gather3A_1157 : vector<16xf32>
      %add3A_1308 = arith.addf %mul3A_1306, %mul3A_1307 : vector<16xf32>
      %add3A_1309 = arith.addf %add3A_1308, %gather3A_54 : vector<16xf32>
      %add3A_1310 = arith.constant 1.000000e+00 : f32
      %add3A_1311 = vector.broadcast %add3A_1310 : f32 to vector<16xf32>
      %add3A_1312 = arith.addf %add3A_1305, %add3A_1311 : vector<16xf32>
      %mul3A_1313 = arith.constant 5.000000e-01 : f32
      %mul3A_1314 = vector.broadcast %mul3A_1313 : f32 to vector<16xf32>
      %mul3A_1315 = arith.mulf %mul3A_1314, %add3A_1312 : vector<16xf32>
      %mul3A_1316 = arith.constant 2.240000e+02 : f32
      %mul3A_1317 = vector.broadcast %mul3A_1316 : f32 to vector<16xf32>
      %mul3A_1318 = arith.mulf %mul3A_1315, %mul3A_1317 : vector<16xf32>
      %add3A_1319 = arith.constant 1.000000e+00 : f32
      %add3A_1320 = vector.broadcast %add3A_1319 : f32 to vector<16xf32>
      %add3A_1321 = arith.addf %add3A_1309, %add3A_1320 : vector<16xf32>
      %mul3A_1322 = arith.constant 5.000000e-01 : f32
      %mul3A_1323 = vector.broadcast %mul3A_1322 : f32 to vector<16xf32>
      %mul3A_1324 = arith.mulf %mul3A_1323, %add3A_1321 : vector<16xf32>
      %mul3A_1325 = arith.constant 2.240000e+02 : f32
      %mul3A_1326 = vector.broadcast %mul3A_1325 : f32 to vector<16xf32>
      %mul3A_1327 = arith.mulf %mul3A_1324, %mul3A_1326 : vector<16xf32>
      %convert_element_type3A_1328 = arith.fptosi %mul3A_1318 : vector<16xf32> to vector<16xi32>
      %add3A_1329 = arith.constant 1 : i32
      %add3A_1330 = vector.broadcast %add3A_1329 : i32 to vector<16xi32>
      %add3A_1331 = arith.addi %convert_element_type3A_1328, %add3A_1330 : vector<16xi32>
      %convert_element_type3A_1332 = arith.fptosi %mul3A_1327 : vector<16xf32> to vector<16xi32>
      %add3A_1333 = arith.constant 1 : i32
      %add3A_1334 = vector.broadcast %add3A_1333 : i32 to vector<16xi32>
      %add3A_1335 = arith.addi %convert_element_type3A_1332, %add3A_1334 : vector<16xi32>
      %jit3A_1336 = arith.constant 0 : i32
      %jit3A_1337 = arith.constant 223 : i32
      %max3A_1338 = vector.broadcast %jit3A_1336 : i32 to vector<16xi32>
      %max3A_1339 = arith.maxsi %max3A_1338, %convert_element_type3A_1328 : vector<16xi32>
      %min3A_1340 = vector.broadcast %jit3A_1337 : i32 to vector<16xi32>
      %min3A_1341 = arith.minsi %min3A_1340, %max3A_1339 : vector<16xi32>
      %jit3A_1342 = arith.constant 0 : i32
      %jit3A_1343 = arith.constant 223 : i32
      %max3A_1344 = vector.broadcast %jit3A_1342 : i32 to vector<16xi32>
      %max3A_1345 = arith.maxsi %max3A_1344, %add3A_1331 : vector<16xi32>
      %min3A_1346 = vector.broadcast %jit3A_1343 : i32 to vector<16xi32>
      %min3A_1347 = arith.minsi %min3A_1346, %max3A_1345 : vector<16xi32>
      %jit3A_1348 = arith.constant 0 : i32
      %jit3A_1349 = arith.constant 223 : i32
      %max3A_1350 = vector.broadcast %jit3A_1348 : i32 to vector<16xi32>
      %max3A_1351 = arith.maxsi %max3A_1350, %convert_element_type3A_1332 : vector<16xi32>
      %min3A_1352 = vector.broadcast %jit3A_1349 : i32 to vector<16xi32>
      %min3A_1353 = arith.minsi %min3A_1352, %max3A_1351 : vector<16xi32>
      %jit3A_1354 = arith.constant 0 : i32
      %jit3A_1355 = arith.constant 223 : i32
      %max3A_1356 = vector.broadcast %jit3A_1354 : i32 to vector<16xi32>
      %max3A_1357 = arith.maxsi %max3A_1356, %add3A_1335 : vector<16xi32>
      %min3A_1358 = vector.broadcast %jit3A_1355 : i32 to vector<16xi32>
      %min3A_1359 = arith.minsi %min3A_1358, %max3A_1357 : vector<16xi32>
      %convert_element_type3A_1360 = arith.sitofp %min3A_1341 : vector<16xi32> to vector<16xf32>
      %convert_element_type3A_1361 = arith.sitofp %min3A_1347 : vector<16xi32> to vector<16xf32>
      %convert_element_type3A_1362 = arith.sitofp %min3A_1353 : vector<16xi32> to vector<16xf32>
      %convert_element_type3A_1363 = arith.sitofp %min3A_1359 : vector<16xi32> to vector<16xf32>
      %mul3A_1364 = arith.constant 224 : i32
      %mul3A_1365 = vector.broadcast %mul3A_1364 : i32 to vector<16xi32>
      %mul3A_1366 = arith.muli %min3A_1353, %mul3A_1365 : vector<16xi32>
      %add3A_1367 = vector.broadcast %mul3A_56 : i32 to vector<16xi32>
      %add3A_1368 = arith.addi %add3A_1367, %mul3A_1366 : vector<16xi32>
      %add3A_1369 = arith.addi %add3A_1368, %min3A_1341 : vector<16xi32>
      %swap3A_1370 = arith.constant 16 : index
      %swap3A_1371 = tpu.vector_load %arg10[%swap3A_1370] {strides = array<i32>} : memref<112xi32, #tpu.memory_space<vmem>>, vector<16xi32>,
      %swap3A_1372 = vector.shape_cast %swap3A_1371 : vector<16xi32> to vector<16xi32>
      %swap3A_1373 = vector.shape_cast %add3A_1369 : vector<16xi32> to vector<16xi32>
      tpu.vector_store %arg10[%swap3A_1370], %swap3A_1373 {strides = array<i32>} : memref<112xi32, #tpu.memory_space<vmem>>, vector<16xi32>,
      %mul3A_1374 = arith.constant 224 : i32
      %mul3A_1375 = vector.broadcast %mul3A_1374 : i32 to vector<16xi32>
      %mul3A_1376 = arith.muli %min3A_1359, %mul3A_1375 : vector<16xi32>
      %add3A_1377 = vector.broadcast %mul3A_56 : i32 to vector<16xi32>
      %add3A_1378 = arith.addi %add3A_1377, %mul3A_1376 : vector<16xi32>
      %add3A_1379 = arith.addi %add3A_1378, %min3A_1341 : vector<16xi32>
      %swap3A_1380 = arith.constant 16 : index
      %swap3A_1381 = tpu.vector_load %arg11[%swap3A_1380] {strides = array<i32>} : memref<112xi32, #tpu.memory_space<vmem>>, vector<16xi32>,
      %swap3A_1382 = vector.shape_cast %swap3A_1381 : vector<16xi32> to vector<16xi32>
      %swap3A_1383 = vector.shape_cast %add3A_1379 : vector<16xi32> to vector<16xi32>
      tpu.vector_store %arg11[%swap3A_1380], %swap3A_1383 {strides = array<i32>} : memref<112xi32, #tpu.memory_space<vmem>>, vector<16xi32>,
      %mul3A_1384 = arith.constant 224 : i32
      %mul3A_1385 = vector.broadcast %mul3A_1384 : i32 to vector<16xi32>
      %mul3A_1386 = arith.muli %min3A_1353, %mul3A_1385 : vector<16xi32>
      %add3A_1387 = vector.broadcast %mul3A_56 : i32 to vector<16xi32>
      %add3A_1388 = arith.addi %add3A_1387, %mul3A_1386 : vector<16xi32>
      %add3A_1389 = arith.addi %add3A_1388, %min3A_1347 : vector<16xi32>
      %swap3A_1390 = arith.constant 16 : index
      %swap3A_1391 = tpu.vector_load %arg12[%swap3A_1390] {strides = array<i32>} : memref<112xi32, #tpu.memory_space<vmem>>, vector<16xi32>,
      %swap3A_1392 = vector.shape_cast %swap3A_1391 : vector<16xi32> to vector<16xi32>
      %swap3A_1393 = vector.shape_cast %add3A_1389 : vector<16xi32> to vector<16xi32>
      tpu.vector_store %arg12[%swap3A_1390], %swap3A_1393 {strides = array<i32>} : memref<112xi32, #tpu.memory_space<vmem>>, vector<16xi32>,
      %mul3A_1394 = arith.constant 224 : i32
      %mul3A_1395 = vector.broadcast %mul3A_1394 : i32 to vector<16xi32>
      %mul3A_1396 = arith.muli %min3A_1359, %mul3A_1395 : vector<16xi32>
      %add3A_1397 = vector.broadcast %mul3A_56 : i32 to vector<16xi32>
      %add3A_1398 = arith.addi %add3A_1397, %mul3A_1396 : vector<16xi32>
      %add3A_1399 = arith.addi %add3A_1398, %min3A_1347 : vector<16xi32>
      %swap3A_1400 = arith.constant 16 : index
      %swap3A_1401 = tpu.vector_load %arg13[%swap3A_1400] {strides = array<i32>} : memref<112xi32, #tpu.memory_space<vmem>>, vector<16xi32>,
      %swap3A_1402 = vector.shape_cast %swap3A_1401 : vector<16xi32> to vector<16xi32>
      %swap3A_1403 = vector.shape_cast %add3A_1399 : vector<16xi32> to vector<16xi32>
      tpu.vector_store %arg13[%swap3A_1400], %swap3A_1403 {strides = array<i32>} : memref<112xi32, #tpu.memory_space<vmem>>, vector<16xi32>,
      %sub3A_1404 = arith.subf %convert_element_type3A_1361, %mul3A_1318 : vector<16xf32>
      %sub3A_1405 = arith.subf %convert_element_type3A_1363, %mul3A_1327 : vector<16xf32>
      %mul3A_1406 = arith.mulf %sub3A_1404, %sub3A_1405 : vector<16xf32>
      %swap3A_1407 = arith.constant 0 : i32
      %swap3A_1408 = arith.index_cast %swap3A_1407 : i32 to index
      %swap3A_1409 = arith.constant 16 : index
      %swap3A_1410 = tpu.vector_load %arg15[%swap3A_1408, %swap3A_1409] {strides = array<i32>} : memref<4x112xf32, #tpu.memory_space<vmem>>, vector<1x16xf32>,
      %swap3A_1411 = vector.shape_cast %swap3A_1410 : vector<1x16xf32> to vector<16xf32>
      %swap3A_1412 = vector.shape_cast %mul3A_1406 : vector<16xf32> to vector<1x16xf32>
      tpu.vector_store %arg15[%swap3A_1408, %swap3A_1409], %swap3A_1412 {strides = array<i32>} : memref<4x112xf32, #tpu.memory_space<vmem>>, vector<1x16xf32>,
      %sub3A_1413 = arith.subf %convert_element_type3A_1361, %mul3A_1318 : vector<16xf32>
      %sub3A_1414 = arith.subf %mul3A_1327, %convert_element_type3A_1362 : vector<16xf32>
      %mul3A_1415 = arith.mulf %sub3A_1413, %sub3A_1414 : vector<16xf32>
      %swap3A_1416 = arith.constant 1 : i32
      %swap3A_1417 = arith.index_cast %swap3A_1416 : i32 to index
      %swap3A_1418 = arith.constant 16 : index
      %swap3A_1419 = tpu.vector_load %arg15[%swap3A_1417, %swap3A_1418] {strides = array<i32>} : memref<4x112xf32, #tpu.memory_space<vmem>>, vector<1x16xf32>,
      %swap3A_1420 = vector.shape_cast %swap3A_1419 : vector<1x16xf32> to vector<16xf32>
      %swap3A_1421 = vector.shape_cast %mul3A_1415 : vector<16xf32> to vector<1x16xf32>
      tpu.vector_store %arg15[%swap3A_1417, %swap3A_1418], %swap3A_1421 {strides = array<i32>} : memref<4x112xf32, #tpu.memory_space<vmem>>, vector<1x16xf32>,
      %sub3A_1422 = arith.subf %mul3A_1318, %convert_element_type3A_1360 : vector<16xf32>
      %sub3A_1423 = arith.subf %convert_element_type3A_1363, %mul3A_1327 : vector<16xf32>
      %mul3A_1424 = arith.mulf %sub3A_1422, %sub3A_1423 : vector<16xf32>
      %swap3A_1425 = arith.constant 2 : i32
      %swap3A_1426 = arith.index_cast %swap3A_1425 : i32 to index
      %swap3A_1427 = arith.constant 16 : index
      %swap3A_1428 = tpu.vector_load %arg15[%swap3A_1426, %swap3A_1427] {strides = array<i32>} : memref<4x112xf32, #tpu.memory_space<vmem>>, vector<1x16xf32>,
      %swap3A_1429 = vector.shape_cast %swap3A_1428 : vector<1x16xf32> to vector<16xf32>
      %swap3A_1430 = vector.shape_cast %mul3A_1424 : vector<16xf32> to vector<1x16xf32>
      tpu.vector_store %arg15[%swap3A_1426, %swap3A_1427], %swap3A_1430 {strides = array<i32>} : memref<4x112xf32, #tpu.memory_space<vmem>>, vector<1x16xf32>,
      %sub3A_1431 = arith.subf %mul3A_1318, %convert_element_type3A_1360 : vector<16xf32>
      %sub3A_1432 = arith.subf %mul3A_1327, %convert_element_type3A_1362 : vector<16xf32>
      %mul3A_1433 = arith.mulf %sub3A_1431, %sub3A_1432 : vector<16xf32>
      %swap3A_1434 = arith.constant 3 : i32
      %swap3A_1435 = arith.index_cast %swap3A_1434 : i32 to index
      %swap3A_1436 = arith.constant 16 : index
      %swap3A_1437 = tpu.vector_load %arg15[%swap3A_1435, %swap3A_1436] {strides = array<i32>} : memref<4x112xf32, #tpu.memory_space<vmem>>, vector<1x16xf32>,
      %swap3A_1438 = vector.shape_cast %swap3A_1437 : vector<1x16xf32> to vector<16xf32>
      %swap3A_1439 = vector.shape_cast %mul3A_1433 : vector<16xf32> to vector<1x16xf32>
      tpu.vector_store %arg15[%swap3A_1435, %swap3A_1436], %swap3A_1439 {strides = array<i32>} : memref<4x112xf32, #tpu.memory_space<vmem>>, vector<1x16xf32>,
      %get3A_1440 = arith.constant 144 : index
      %get3A_1441 = tpu.vector_load %arg27[%get3A_1440] {strides = array<i32>} : memref<240xf32, #tpu.memory_space<vmem>>, vector<16xf32>,
      %get3A_1442 = vector.shape_cast %get3A_1441 : vector<16xf32> to vector<16xf32>
      %mul3A_1443 = arith.mulf %gather3A_34, %get3A_1442 : vector<16xf32>
      %mul3A_1444 = arith.mulf %gather3A_38, %gather3A_1157 : vector<16xf32>
      %add3A_1445 = arith.addf %mul3A_1443, %mul3A_1444 : vector<16xf32>
      %add3A_1446 = arith.addf %add3A_1445, %gather3A_42 : vector<16xf32>
      %mul3A_1447 = arith.mulf %gather3A_46, %get3A_1442 : vector<16xf32>
      %mul3A_1448 = arith.mulf %gather3A_50, %gather3A_1157 : vector<16xf32>
      %add3A_1449 = arith.addf %mul3A_1447, %mul3A_1448 : vector<16xf32>
      %add3A_1450 = arith.addf %add3A_1449, %gather3A_54 : vector<16xf32>
      %add3A_1451 = arith.constant 1.000000e+00 : f32
      %add3A_1452 = vector.broadcast %add3A_1451 : f32 to vector<16xf32>
      %add3A_1453 = arith.addf %add3A_1446, %add3A_1452 : vector<16xf32>
      %mul3A_1454 = arith.constant 5.000000e-01 : f32
      %mul3A_1455 = vector.broadcast %mul3A_1454 : f32 to vector<16xf32>
      %mul3A_1456 = arith.mulf %mul3A_1455, %add3A_1453 : vector<16xf32>
      %mul3A_1457 = arith.constant 2.240000e+02 : f32
      %mul3A_1458 = vector.broadcast %mul3A_1457 : f32 to vector<16xf32>
      %mul3A_1459 = arith.mulf %mul3A_1456, %mul3A_1458 : vector<16xf32>
      %add3A_1460 = arith.constant 1.000000e+00 : f32
      %add3A_1461 = vector.broadcast %add3A_1460 : f32 to vector<16xf32>
      %add3A_1462 = arith.addf %add3A_1450, %add3A_1461 : vector<16xf32>
      %mul3A_1463 = arith.constant 5.000000e-01 : f32
      %mul3A_1464 = vector.broadcast %mul3A_1463 : f32 to vector<16xf32>
      %mul3A_1465 = arith.mulf %mul3A_1464, %add3A_1462 : vector<16xf32>
      %mul3A_1466 = arith.constant 2.240000e+02 : f32
      %mul3A_1467 = vector.broadcast %mul3A_1466 : f32 to vector<16xf32>
      %mul3A_1468 = arith.mulf %mul3A_1465, %mul3A_1467 : vector<16xf32>
      %convert_element_type3A_1469 = arith.fptosi %mul3A_1459 : vector<16xf32> to vector<16xi32>
      %add3A_1470 = arith.constant 1 : i32
      %add3A_1471 = vector.broadcast %add3A_1470 : i32 to vector<16xi32>
      %add3A_1472 = arith.addi %convert_element_type3A_1469, %add3A_1471 : vector<16xi32>
      %convert_element_type3A_1473 = arith.fptosi %mul3A_1468 : vector<16xf32> to vector<16xi32>
      %add3A_1474 = arith.constant 1 : i32
      %add3A_1475 = vector.broadcast %add3A_1474 : i32 to vector<16xi32>
      %add3A_1476 = arith.addi %convert_element_type3A_1473, %add3A_1475 : vector<16xi32>
      %jit3A_1477 = arith.constant 0 : i32
      %jit3A_1478 = arith.constant 223 : i32
      %max3A_1479 = vector.broadcast %jit3A_1477 : i32 to vector<16xi32>
      %max3A_1480 = arith.maxsi %max3A_1479, %convert_element_type3A_1469 : vector<16xi32>
      %min3A_1481 = vector.broadcast %jit3A_1478 : i32 to vector<16xi32>
      %min3A_1482 = arith.minsi %min3A_1481, %max3A_1480 : vector<16xi32>
      %jit3A_1483 = arith.constant 0 : i32
      %jit3A_1484 = arith.constant 223 : i32
      %max3A_1485 = vector.broadcast %jit3A_1483 : i32 to vector<16xi32>
      %max3A_1486 = arith.maxsi %max3A_1485, %add3A_1472 : vector<16xi32>
      %min3A_1487 = vector.broadcast %jit3A_1484 : i32 to vector<16xi32>
      %min3A_1488 = arith.minsi %min3A_1487, %max3A_1486 : vector<16xi32>
      %jit3A_1489 = arith.constant 0 : i32
      %jit3A_1490 = arith.constant 223 : i32
      %max3A_1491 = vector.broadcast %jit3A_1489 : i32 to vector<16xi32>
      %max3A_1492 = arith.maxsi %max3A_1491, %convert_element_type3A_1473 : vector<16xi32>
      %min3A_1493 = vector.broadcast %jit3A_1490 : i32 to vector<16xi32>
      %min3A_1494 = arith.minsi %min3A_1493, %max3A_1492 : vector<16xi32>
      %jit3A_1495 = arith.constant 0 : i32
      %jit3A_1496 = arith.constant 223 : i32
      %max3A_1497 = vector.broadcast %jit3A_1495 : i32 to vector<16xi32>
      %max3A_1498 = arith.maxsi %max3A_1497, %add3A_1476 : vector<16xi32>
      %min3A_1499 = vector.broadcast %jit3A_1496 : i32 to vector<16xi32>
      %min3A_1500 = arith.minsi %min3A_1499, %max3A_1498 : vector<16xi32>
      %convert_element_type3A_1501 = arith.sitofp %min3A_1482 : vector<16xi32> to vector<16xf32>
      %convert_element_type3A_1502 = arith.sitofp %min3A_1488 : vector<16xi32> to vector<16xf32>
      %convert_element_type3A_1503 = arith.sitofp %min3A_1494 : vector<16xi32> to vector<16xf32>
      %convert_element_type3A_1504 = arith.sitofp %min3A_1500 : vector<16xi32> to vector<16xf32>
      %mul3A_1505 = arith.constant 224 : i32
      %mul3A_1506 = vector.broadcast %mul3A_1505 : i32 to vector<16xi32>
      %mul3A_1507 = arith.muli %min3A_1494, %mul3A_1506 : vector<16xi32>
      %add3A_1508 = vector.broadcast %mul3A_56 : i32 to vector<16xi32>
      %add3A_1509 = arith.addi %add3A_1508, %mul3A_1507 : vector<16xi32>
      %add3A_1510 = arith.addi %add3A_1509, %min3A_1482 : vector<16xi32>
      %swap3A_1511 = arith.constant 32 : index
      %swap3A_1512 = tpu.vector_load %arg10[%swap3A_1511] {strides = array<i32>} : memref<112xi32, #tpu.memory_space<vmem>>, vector<16xi32>,
      %swap3A_1513 = vector.shape_cast %swap3A_1512 : vector<16xi32> to vector<16xi32>
      %swap3A_1514 = vector.shape_cast %add3A_1510 : vector<16xi32> to vector<16xi32>
      tpu.vector_store %arg10[%swap3A_1511], %swap3A_1514 {strides = array<i32>} : memref<112xi32, #tpu.memory_space<vmem>>, vector<16xi32>,
      %mul3A_1515 = arith.constant 224 : i32
      %mul3A_1516 = vector.broadcast %mul3A_1515 : i32 to vector<16xi32>
      %mul3A_1517 = arith.muli %min3A_1500, %mul3A_1516 : vector<16xi32>
      %add3A_1518 = vector.broadcast %mul3A_56 : i32 to vector<16xi32>
      %add3A_1519 = arith.addi %add3A_1518, %mul3A_1517 : vector<16xi32>
      %add3A_1520 = arith.addi %add3A_1519, %min3A_1482 : vector<16xi32>
      %swap3A_1521 = arith.constant 32 : index
      %swap3A_1522 = tpu.vector_load %arg11[%swap3A_1521] {strides = array<i32>} : memref<112xi32, #tpu.memory_space<vmem>>, vector<16xi32>,
      %swap3A_1523 = vector.shape_cast %swap3A_1522 : vector<16xi32> to vector<16xi32>
      %swap3A_1524 = vector.shape_cast %add3A_1520 : vector<16xi32> to vector<16xi32>
      tpu.vector_store %arg11[%swap3A_1521], %swap3A_1524 {strides = array<i32>} : memref<112xi32, #tpu.memory_space<vmem>>, vector<16xi32>,
      %mul3A_1525 = arith.constant 224 : i32
      %mul3A_1526 = vector.broadcast %mul3A_1525 : i32 to vector<16xi32>
      %mul3A_1527 = arith.muli %min3A_1494, %mul3A_1526 : vector<16xi32>
      %add3A_1528 = vector.broadcast %mul3A_56 : i32 to vector<16xi32>
      %add3A_1529 = arith.addi %add3A_1528, %mul3A_1527 : vector<16xi32>
      %add3A_1530 = arith.addi %add3A_1529, %min3A_1488 : vector<16xi32>
      %swap3A_1531 = arith.constant 32 : index
      %swap3A_1532 = tpu.vector_load %arg12[%swap3A_1531] {strides = array<i32>} : memref<112xi32, #tpu.memory_space<vmem>>, vector<16xi32>,
      %swap3A_1533 = vector.shape_cast %swap3A_1532 : vector<16xi32> to vector<16xi32>
      %swap3A_1534 = vector.shape_cast %add3A_1530 : vector<16xi32> to vector<16xi32>
      tpu.vector_store %arg12[%swap3A_1531], %swap3A_1534 {strides = array<i32>} : memref<112xi32, #tpu.memory_space<vmem>>, vector<16xi32>,
      %mul3A_1535 = arith.constant 224 : i32
      %mul3A_1536 = vector.broadcast %mul3A_1535 : i32 to vector<16xi32>
      %mul3A_1537 = arith.muli %min3A_1500, %mul3A_1536 : vector<16xi32>
      %add3A_1538 = vector.broadcast %mul3A_56 : i32 to vector<16xi32>
      %add3A_1539 = arith.addi %add3A_1538, %mul3A_1537 : vector<16xi32>
      %add3A_1540 = arith.addi %add3A_1539, %min3A_1488 : vector<16xi32>
      %swap3A_1541 = arith.constant 32 : index
      %swap3A_1542 = tpu.vector_load %arg13[%swap3A_1541] {strides = array<i32>} : memref<112xi32, #tpu.memory_space<vmem>>, vector<16xi32>,
      %swap3A_1543 = vector.shape_cast %swap3A_1542 : vector<16xi32> to vector<16xi32>
      %swap3A_1544 = vector.shape_cast %add3A_1540 : vector<16xi32> to vector<16xi32>
      tpu.vector_store %arg13[%swap3A_1541], %swap3A_1544 {strides = array<i32>} : memref<112xi32, #tpu.memory_space<vmem>>, vector<16xi32>,
      %sub3A_1545 = arith.subf %convert_element_type3A_1502, %mul3A_1459 : vector<16xf32>
      %sub3A_1546 = arith.subf %convert_element_type3A_1504, %mul3A_1468 : vector<16xf32>
      %mul3A_1547 = arith.mulf %sub3A_1545, %sub3A_1546 : vector<16xf32>
      %swap3A_1548 = arith.constant 0 : i32
      %swap3A_1549 = arith.index_cast %swap3A_1548 : i32 to index
      %swap3A_1550 = arith.constant 32 : index
      %swap3A_1551 = tpu.vector_load %arg15[%swap3A_1549, %swap3A_1550] {strides = array<i32>} : memref<4x112xf32, #tpu.memory_space<vmem>>, vector<1x16xf32>,
      %swap3A_1552 = vector.shape_cast %swap3A_1551 : vector<1x16xf32> to vector<16xf32>
      %swap3A_1553 = vector.shape_cast %mul3A_1547 : vector<16xf32> to vector<1x16xf32>
      tpu.vector_store %arg15[%swap3A_1549, %swap3A_1550], %swap3A_1553 {strides = array<i32>} : memref<4x112xf32, #tpu.memory_space<vmem>>, vector<1x16xf32>,
      %sub3A_1554 = arith.subf %convert_element_type3A_1502, %mul3A_1459 : vector<16xf32>
      %sub3A_1555 = arith.subf %mul3A_1468, %convert_element_type3A_1503 : vector<16xf32>
      %mul3A_1556 = arith.mulf %sub3A_1554, %sub3A_1555 : vector<16xf32>
      %swap3A_1557 = arith.constant 1 : i32
      %swap3A_1558 = arith.index_cast %swap3A_1557 : i32 to index
      %swap3A_1559 = arith.constant 32 : index
      %swap3A_1560 = tpu.vector_load %arg15[%swap3A_1558, %swap3A_1559] {strides = array<i32>} : memref<4x112xf32, #tpu.memory_space<vmem>>, vector<1x16xf32>,
      %swap3A_1561 = vector.shape_cast %swap3A_1560 : vector<1x16xf32> to vector<16xf32>
      %swap3A_1562 = vector.shape_cast %mul3A_1556 : vector<16xf32> to vector<1x16xf32>
      tpu.vector_store %arg15[%swap3A_1558, %swap3A_1559], %swap3A_1562 {strides = array<i32>} : memref<4x112xf32, #tpu.memory_space<vmem>>, vector<1x16xf32>,
      %sub3A_1563 = arith.subf %mul3A_1459, %convert_element_type3A_1501 : vector<16xf32>
      %sub3A_1564 = arith.subf %convert_element_type3A_1504, %mul3A_1468 : vector<16xf32>
      %mul3A_1565 = arith.mulf %sub3A_1563, %sub3A_1564 : vector<16xf32>
      %swap3A_1566 = arith.constant 2 : i32
      %swap3A_1567 = arith.index_cast %swap3A_1566 : i32 to index
      %swap3A_1568 = arith.constant 32 : index
      %swap3A_1569 = tpu.vector_load %arg15[%swap3A_1567, %swap3A_1568] {strides = array<i32>} : memref<4x112xf32, #tpu.memory_space<vmem>>, vector<1x16xf32>,
      %swap3A_1570 = vector.shape_cast %swap3A_1569 : vector<1x16xf32> to vector<16xf32>
      %swap3A_1571 = vector.shape_cast %mul3A_1565 : vector<16xf32> to vector<1x16xf32>
      tpu.vector_store %arg15[%swap3A_1567, %swap3A_1568], %swap3A_1571 {strides = array<i32>} : memref<4x112xf32, #tpu.memory_space<vmem>>, vector<1x16xf32>,
      %sub3A_1572 = arith.subf %mul3A_1459, %convert_element_type3A_1501 : vector<16xf32>
      %sub3A_1573 = arith.subf %mul3A_1468, %convert_element_type3A_1503 : vector<16xf32>
      %mul3A_1574 = arith.mulf %sub3A_1572, %sub3A_1573 : vector<16xf32>
      %swap3A_1575 = arith.constant 3 : i32
      %swap3A_1576 = arith.index_cast %swap3A_1575 : i32 to index
      %swap3A_1577 = arith.constant 32 : index
      %swap3A_1578 = tpu.vector_load %arg15[%swap3A_1576, %swap3A_1577] {strides = array<i32>} : memref<4x112xf32, #tpu.memory_space<vmem>>, vector<1x16xf32>,
      %swap3A_1579 = vector.shape_cast %swap3A_1578 : vector<1x16xf32> to vector<16xf32>
      %swap3A_1580 = vector.shape_cast %mul3A_1574 : vector<16xf32> to vector<1x16xf32>
      tpu.vector_store %arg15[%swap3A_1576, %swap3A_1577], %swap3A_1580 {strides = array<i32>} : memref<4x112xf32, #tpu.memory_space<vmem>>, vector<1x16xf32>,
      %get3A_1581 = arith.constant 160 : index
      %get3A_1582 = tpu.vector_load %arg27[%get3A_1581] {strides = array<i32>} : memref<240xf32, #tpu.memory_space<vmem>>, vector<16xf32>,
      %get3A_1583 = vector.shape_cast %get3A_1582 : vector<16xf32> to vector<16xf32>
      %mul3A_1584 = arith.mulf %gather3A_34, %get3A_1583 : vector<16xf32>
      %mul3A_1585 = arith.mulf %gather3A_38, %gather3A_1157 : vector<16xf32>
      %add3A_1586 = arith.addf %mul3A_1584, %mul3A_1585 : vector<16xf32>
      %add3A_1587 = arith.addf %add3A_1586, %gather3A_42 : vector<16xf32>
      %mul3A_1588 = arith.mulf %gather3A_46, %get3A_1583 : vector<16xf32>
      %mul3A_1589 = arith.mulf %gather3A_50, %gather3A_1157 : vector<16xf32>
      %add3A_1590 = arith.addf %mul3A_1588, %mul3A_1589 : vector<16xf32>
      %add3A_1591 = arith.addf %add3A_1590, %gather3A_54 : vector<16xf32>
      %add3A_1592 = arith.constant 1.000000e+00 : f32
      %add3A_1593 = vector.broadcast %add3A_1592 : f32 to vector<16xf32>
      %add3A_1594 = arith.addf %add3A_1587, %add3A_1593 : vector<16xf32>
      %mul3A_1595 = arith.constant 5.000000e-01 : f32
      %mul3A_1596 = vector.broadcast %mul3A_1595 : f32 to vector<16xf32>
      %mul3A_1597 = arith.mulf %mul3A_1596, %add3A_1594 : vector<16xf32>
      %mul3A_1598 = arith.constant 2.240000e+02 : f32
      %mul3A_1599 = vector.broadcast %mul3A_1598 : f32 to vector<16xf32>
      %mul3A_1600 = arith.mulf %mul3A_1597, %mul3A_1599 : vector<16xf32>
      %add3A_1601 = arith.constant 1.000000e+00 : f32
      %add3A_1602 = vector.broadcast %add3A_1601 : f32 to vector<16xf32>
      %add3A_1603 = arith.addf %add3A_1591, %add3A_1602 : vector<16xf32>
      %mul3A_1604 = arith.constant 5.000000e-01 : f32
      %mul3A_1605 = vector.broadcast %mul3A_1604 : f32 to vector<16xf32>
      %mul3A_1606 = arith.mulf %mul3A_1605, %add3A_1603 : vector<16xf32>
      %mul3A_1607 = arith.constant 2.240000e+02 : f32
      %mul3A_1608 = vector.broadcast %mul3A_1607 : f32 to vector<16xf32>
      %mul3A_1609 = arith.mulf %mul3A_1606, %mul3A_1608 : vector<16xf32>
      %convert_element_type3A_1610 = arith.fptosi %mul3A_1600 : vector<16xf32> to vector<16xi32>
      %add3A_1611 = arith.constant 1 : i32
      %add3A_1612 = vector.broadcast %add3A_1611 : i32 to vector<16xi32>
      %add3A_1613 = arith.addi %convert_element_type3A_1610, %add3A_1612 : vector<16xi32>
      %convert_element_type3A_1614 = arith.fptosi %mul3A_1609 : vector<16xf32> to vector<16xi32>
      %add3A_1615 = arith.constant 1 : i32
      %add3A_1616 = vector.broadcast %add3A_1615 : i32 to vector<16xi32>
      %add3A_1617 = arith.addi %convert_element_type3A_1614, %add3A_1616 : vector<16xi32>
      %jit3A_1618 = arith.constant 0 : i32
      %jit3A_1619 = arith.constant 223 : i32
      %max3A_1620 = vector.broadcast %jit3A_1618 : i32 to vector<16xi32>
      %max3A_1621 = arith.maxsi %max3A_1620, %convert_element_type3A_1610 : vector<16xi32>
      %min3A_1622 = vector.broadcast %jit3A_1619 : i32 to vector<16xi32>
      %min3A_1623 = arith.minsi %min3A_1622, %max3A_1621 : vector<16xi32>
      %jit3A_1624 = arith.constant 0 : i32
      %jit3A_1625 = arith.constant 223 : i32
      %max3A_1626 = vector.broadcast %jit3A_1624 : i32 to vector<16xi32>
      %max3A_1627 = arith.maxsi %max3A_1626, %add3A_1613 : vector<16xi32>
      %min3A_1628 = vector.broadcast %jit3A_1625 : i32 to vector<16xi32>
      %min3A_1629 = arith.minsi %min3A_1628, %max3A_1627 : vector<16xi32>
      %jit3A_1630 = arith.constant 0 : i32
      %jit3A_1631 = arith.constant 223 : i32
      %max3A_1632 = vector.broadcast %jit3A_1630 : i32 to vector<16xi32>
      %max3A_1633 = arith.maxsi %max3A_1632, %convert_element_type3A_1614 : vector<16xi32>
      %min3A_1634 = vector.broadcast %jit3A_1631 : i32 to vector<16xi32>
      %min3A_1635 = arith.minsi %min3A_1634, %max3A_1633 : vector<16xi32>
      %jit3A_1636 = arith.constant 0 : i32
      %jit3A_1637 = arith.constant 223 : i32
      %max3A_1638 = vector.broadcast %jit3A_1636 : i32 to vector<16xi32>
      %max3A_1639 = arith.maxsi %max3A_1638, %add3A_1617 : vector<16xi32>
      %min3A_1640 = vector.broadcast %jit3A_1637 : i32 to vector<16xi32>
      %min3A_1641 = arith.minsi %min3A_1640, %max3A_1639 : vector<16xi32>
      %convert_element_type3A_1642 = arith.sitofp %min3A_1623 : vector<16xi32> to vector<16xf32>
      %convert_element_type3A_1643 = arith.sitofp %min3A_1629 : vector<16xi32> to vector<16xf32>
      %convert_element_type3A_1644 = arith.sitofp %min3A_1635 : vector<16xi32> to vector<16xf32>
      %convert_element_type3A_1645 = arith.sitofp %min3A_1641 : vector<16xi32> to vector<16xf32>
      %mul3A_1646 = arith.constant 224 : i32
      %mul3A_1647 = vector.broadcast %mul3A_1646 : i32 to vector<16xi32>
      %mul3A_1648 = arith.muli %min3A_1635, %mul3A_1647 : vector<16xi32>
      %add3A_1649 = vector.broadcast %mul3A_56 : i32 to vector<16xi32>
      %add3A_1650 = arith.addi %add3A_1649, %mul3A_1648 : vector<16xi32>
      %add3A_1651 = arith.addi %add3A_1650, %min3A_1623 : vector<16xi32>
      %swap3A_1652 = arith.constant 48 : index
      %swap3A_1653 = tpu.vector_load %arg10[%swap3A_1652] {strides = array<i32>} : memref<112xi32, #tpu.memory_space<vmem>>, vector<16xi32>,
      %swap3A_1654 = vector.shape_cast %swap3A_1653 : vector<16xi32> to vector<16xi32>
      %swap3A_1655 = vector.shape_cast %add3A_1651 : vector<16xi32> to vector<16xi32>
      tpu.vector_store %arg10[%swap3A_1652], %swap3A_1655 {strides = array<i32>} : memref<112xi32, #tpu.memory_space<vmem>>, vector<16xi32>,
      %mul3A_1656 = arith.constant 224 : i32
      %mul3A_1657 = vector.broadcast %mul3A_1656 : i32 to vector<16xi32>
      %mul3A_1658 = arith.muli %min3A_1641, %mul3A_1657 : vector<16xi32>
      %add3A_1659 = vector.broadcast %mul3A_56 : i32 to vector<16xi32>
      %add3A_1660 = arith.addi %add3A_1659, %mul3A_1658 : vector<16xi32>
      %add3A_1661 = arith.addi %add3A_1660, %min3A_1623 : vector<16xi32>
      %swap3A_1662 = arith.constant 48 : index
      %swap3A_1663 = tpu.vector_load %arg11[%swap3A_1662] {strides = array<i32>} : memref<112xi32, #tpu.memory_space<vmem>>, vector<16xi32>,
      %swap3A_1664 = vector.shape_cast %swap3A_1663 : vector<16xi32> to vector<16xi32>
      %swap3A_1665 = vector.shape_cast %add3A_1661 : vector<16xi32> to vector<16xi32>
      tpu.vector_store %arg11[%swap3A_1662], %swap3A_1665 {strides = array<i32>} : memref<112xi32, #tpu.memory_space<vmem>>, vector<16xi32>,
      %mul3A_1666 = arith.constant 224 : i32
      %mul3A_1667 = vector.broadcast %mul3A_1666 : i32 to vector<16xi32>
      %mul3A_1668 = arith.muli %min3A_1635, %mul3A_1667 : vector<16xi32>
      %add3A_1669 = vector.broadcast %mul3A_56 : i32 to vector<16xi32>
      %add3A_1670 = arith.addi %add3A_1669, %mul3A_1668 : vector<16xi32>
      %add3A_1671 = arith.addi %add3A_1670, %min3A_1629 : vector<16xi32>
      %swap3A_1672 = arith.constant 48 : index
      %swap3A_1673 = tpu.vector_load %arg12[%swap3A_1672] {strides = array<i32>} : memref<112xi32, #tpu.memory_space<vmem>>, vector<16xi32>,
      %swap3A_1674 = vector.shape_cast %swap3A_1673 : vector<16xi32> to vector<16xi32>
      %swap3A_1675 = vector.shape_cast %add3A_1671 : vector<16xi32> to vector<16xi32>
      tpu.vector_store %arg12[%swap3A_1672], %swap3A_1675 {strides = array<i32>} : memref<112xi32, #tpu.memory_space<vmem>>, vector<16xi32>,
      %mul3A_1676 = arith.constant 224 : i32
      %mul3A_1677 = vector.broadcast %mul3A_1676 : i32 to vector<16xi32>
      %mul3A_1678 = arith.muli %min3A_1641, %mul3A_1677 : vector<16xi32>
      %add3A_1679 = vector.broadcast %mul3A_56 : i32 to vector<16xi32>
      %add3A_1680 = arith.addi %add3A_1679, %mul3A_1678 : vector<16xi32>
      %add3A_1681 = arith.addi %add3A_1680, %min3A_1629 : vector<16xi32>
      %swap3A_1682 = arith.constant 48 : index
      %swap3A_1683 = tpu.vector_load %arg13[%swap3A_1682] {strides = array<i32>} : memref<112xi32, #tpu.memory_space<vmem>>, vector<16xi32>,
      %swap3A_1684 = vector.shape_cast %swap3A_1683 : vector<16xi32> to vector<16xi32>
      %swap3A_1685 = vector.shape_cast %add3A_1681 : vector<16xi32> to vector<16xi32>
      tpu.vector_store %arg13[%swap3A_1682], %swap3A_1685 {strides = array<i32>} : memref<112xi32, #tpu.memory_space<vmem>>, vector<16xi32>,
      %sub3A_1686 = arith.subf %convert_element_type3A_1643, %mul3A_1600 : vector<16xf32>
      %sub3A_1687 = arith.subf %convert_element_type3A_1645, %mul3A_1609 : vector<16xf32>
      %mul3A_1688 = arith.mulf %sub3A_1686, %sub3A_1687 : vector<16xf32>
      %swap3A_1689 = arith.constant 0 : i32
      %swap3A_1690 = arith.index_cast %swap3A_1689 : i32 to index
      %swap3A_1691 = arith.constant 48 : index
      %swap3A_1692 = tpu.vector_load %arg15[%swap3A_1690, %swap3A_1691] {strides = array<i32>} : memref<4x112xf32, #tpu.memory_space<vmem>>, vector<1x16xf32>,
      %swap3A_1693 = vector.shape_cast %swap3A_1692 : vector<1x16xf32> to vector<16xf32>
      %swap3A_1694 = vector.shape_cast %mul3A_1688 : vector<16xf32> to vector<1x16xf32>
      tpu.vector_store %arg15[%swap3A_1690, %swap3A_1691], %swap3A_1694 {strides = array<i32>} : memref<4x112xf32, #tpu.memory_space<vmem>>, vector<1x16xf32>,
      %sub3A_1695 = arith.subf %convert_element_type3A_1643, %mul3A_1600 : vector<16xf32>
      %sub3A_1696 = arith.subf %mul3A_1609, %convert_element_type3A_1644 : vector<16xf32>
      %mul3A_1697 = arith.mulf %sub3A_1695, %sub3A_1696 : vector<16xf32>
      %swap3A_1698 = arith.constant 1 : i32
      %swap3A_1699 = arith.index_cast %swap3A_1698 : i32 to index
      %swap3A_1700 = arith.constant 48 : index
      %swap3A_1701 = tpu.vector_load %arg15[%swap3A_1699, %swap3A_1700] {strides = array<i32>} : memref<4x112xf32, #tpu.memory_space<vmem>>, vector<1x16xf32>,
      %swap3A_1702 = vector.shape_cast %swap3A_1701 : vector<1x16xf32> to vector<16xf32>
      %swap3A_1703 = vector.shape_cast %mul3A_1697 : vector<16xf32> to vector<1x16xf32>
      tpu.vector_store %arg15[%swap3A_1699, %swap3A_1700], %swap3A_1703 {strides = array<i32>} : memref<4x112xf32, #tpu.memory_space<vmem>>, vector<1x16xf32>,
      %sub3A_1704 = arith.subf %mul3A_1600, %convert_element_type3A_1642 : vector<16xf32>
      %sub3A_1705 = arith.subf %convert_element_type3A_1645, %mul3A_1609 : vector<16xf32>
      %mul3A_1706 = arith.mulf %sub3A_1704, %sub3A_1705 : vector<16xf32>
      %swap3A_1707 = arith.constant 2 : i32
      %swap3A_1708 = arith.index_cast %swap3A_1707 : i32 to index
      %swap3A_1709 = arith.constant 48 : index
      %swap3A_1710 = tpu.vector_load %arg15[%swap3A_1708, %swap3A_1709] {strides = array<i32>} : memref<4x112xf32, #tpu.memory_space<vmem>>, vector<1x16xf32>,
      %swap3A_1711 = vector.shape_cast %swap3A_1710 : vector<1x16xf32> to vector<16xf32>
      %swap3A_1712 = vector.shape_cast %mul3A_1706 : vector<16xf32> to vector<1x16xf32>
      tpu.vector_store %arg15[%swap3A_1708, %swap3A_1709], %swap3A_1712 {strides = array<i32>} : memref<4x112xf32, #tpu.memory_space<vmem>>, vector<1x16xf32>,
      %sub3A_1713 = arith.subf %mul3A_1600, %convert_element_type3A_1642 : vector<16xf32>
      %sub3A_1714 = arith.subf %mul3A_1609, %convert_element_type3A_1644 : vector<16xf32>
      %mul3A_1715 = arith.mulf %sub3A_1713, %sub3A_1714 : vector<16xf32>
      %swap3A_1716 = arith.constant 3 : i32
      %swap3A_1717 = arith.index_cast %swap3A_1716 : i32 to index
      %swap3A_1718 = arith.constant 48 : index
      %swap3A_1719 = tpu.vector_load %arg15[%swap3A_1717, %swap3A_1718] {strides = array<i32>} : memref<4x112xf32, #tpu.memory_space<vmem>>, vector<1x16xf32>,
      %swap3A_1720 = vector.shape_cast %swap3A_1719 : vector<1x16xf32> to vector<16xf32>
      %swap3A_1721 = vector.shape_cast %mul3A_1715 : vector<16xf32> to vector<1x16xf32>
      tpu.vector_store %arg15[%swap3A_1717, %swap3A_1718], %swap3A_1721 {strides = array<i32>} : memref<4x112xf32, #tpu.memory_space<vmem>>, vector<1x16xf32>,
      %get3A_1722 = arith.constant 176 : index
      %get3A_1723 = tpu.vector_load %arg27[%get3A_1722] {strides = array<i32>} : memref<240xf32, #tpu.memory_space<vmem>>, vector<16xf32>,
      %get3A_1724 = vector.shape_cast %get3A_1723 : vector<16xf32> to vector<16xf32>
      %mul3A_1725 = arith.mulf %gather3A_34, %get3A_1724 : vector<16xf32>
      %mul3A_1726 = arith.mulf %gather3A_38, %gather3A_1157 : vector<16xf32>
      %add3A_1727 = arith.addf %mul3A_1725, %mul3A_1726 : vector<16xf32>
      %add3A_1728 = arith.addf %add3A_1727, %gather3A_42 : vector<16xf32>
      %mul3A_1729 = arith.mulf %gather3A_46, %get3A_1724 : vector<16xf32>
      %mul3A_1730 = arith.mulf %gather3A_50, %gather3A_1157 : vector<16xf32>
      %add3A_1731 = arith.addf %mul3A_1729, %mul3A_1730 : vector<16xf32>
      %add3A_1732 = arith.addf %add3A_1731, %gather3A_54 : vector<16xf32>
      %add3A_1733 = arith.constant 1.000000e+00 : f32
      %add3A_1734 = vector.broadcast %add3A_1733 : f32 to vector<16xf32>
      %add3A_1735 = arith.addf %add3A_1728, %add3A_1734 : vector<16xf32>
      %mul3A_1736 = arith.constant 5.000000e-01 : f32
      %mul3A_1737 = vector.broadcast %mul3A_1736 : f32 to vector<16xf32>
      %mul3A_1738 = arith.mulf %mul3A_1737, %add3A_1735 : vector<16xf32>
      %mul3A_1739 = arith.constant 2.240000e+02 : f32
      %mul3A_1740 = vector.broadcast %mul3A_1739 : f32 to vector<16xf32>
      %mul3A_1741 = arith.mulf %mul3A_1738, %mul3A_1740 : vector<16xf32>
      %add3A_1742 = arith.constant 1.000000e+00 : f32
      %add3A_1743 = vector.broadcast %add3A_1742 : f32 to vector<16xf32>
      %add3A_1744 = arith.addf %add3A_1732, %add3A_1743 : vector<16xf32>
      %mul3A_1745 = arith.constant 5.000000e-01 : f32
      %mul3A_1746 = vector.broadcast %mul3A_1745 : f32 to vector<16xf32>
      %mul3A_1747 = arith.mulf %mul3A_1746, %add3A_1744 : vector<16xf32>
      %mul3A_1748 = arith.constant 2.240000e+02 : f32
      %mul3A_1749 = vector.broadcast %mul3A_1748 : f32 to vector<16xf32>
      %mul3A_1750 = arith.mulf %mul3A_1747, %mul3A_1749 : vector<16xf32>
      %convert_element_type3A_1751 = arith.fptosi %mul3A_1741 : vector<16xf32> to vector<16xi32>
      %add3A_1752 = arith.constant 1 : i32
      %add3A_1753 = vector.broadcast %add3A_1752 : i32 to vector<16xi32>
      %add3A_1754 = arith.addi %convert_element_type3A_1751, %add3A_1753 : vector<16xi32>
      %convert_element_type3A_1755 = arith.fptosi %mul3A_1750 : vector<16xf32> to vector<16xi32>
      %add3A_1756 = arith.constant 1 : i32
      %add3A_1757 = vector.broadcast %add3A_1756 : i32 to vector<16xi32>
      %add3A_1758 = arith.addi %convert_element_type3A_1755, %add3A_1757 : vector<16xi32>
      %jit3A_1759 = arith.constant 0 : i32
      %jit3A_1760 = arith.constant 223 : i32
      %max3A_1761 = vector.broadcast %jit3A_1759 : i32 to vector<16xi32>
      %max3A_1762 = arith.maxsi %max3A_1761, %convert_element_type3A_1751 : vector<16xi32>
      %min3A_1763 = vector.broadcast %jit3A_1760 : i32 to vector<16xi32>
      %min3A_1764 = arith.minsi %min3A_1763, %max3A_1762 : vector<16xi32>
      %jit3A_1765 = arith.constant 0 : i32
      %jit3A_1766 = arith.constant 223 : i32
      %max3A_1767 = vector.broadcast %jit3A_1765 : i32 to vector<16xi32>
      %max3A_1768 = arith.maxsi %max3A_1767, %add3A_1754 : vector<16xi32>
      %min3A_1769 = vector.broadcast %jit3A_1766 : i32 to vector<16xi32>
      %min3A_1770 = arith.minsi %min3A_1769, %max3A_1768 : vector<16xi32>
      %jit3A_1771 = arith.constant 0 : i32
      %jit3A_1772 = arith.constant 223 : i32
      %max3A_1773 = vector.broadcast %jit3A_1771 : i32 to vector<16xi32>
      %max3A_1774 = arith.maxsi %max3A_1773, %convert_element_type3A_1755 : vector<16xi32>
      %min3A_1775 = vector.broadcast %jit3A_1772 : i32 to vector<16xi32>
      %min3A_1776 = arith.minsi %min3A_1775, %max3A_1774 : vector<16xi32>
      %jit3A_1777 = arith.constant 0 : i32
      %jit3A_1778 = arith.constant 223 : i32
      %max3A_1779 = vector.broadcast %jit3A_1777 : i32 to vector<16xi32>
      %max3A_1780 = arith.maxsi %max3A_1779, %add3A_1758 : vector<16xi32>
      %min3A_1781 = vector.broadcast %jit3A_1778 : i32 to vector<16xi32>
      %min3A_1782 = arith.minsi %min3A_1781, %max3A_1780 : vector<16xi32>
      %convert_element_type3A_1783 = arith.sitofp %min3A_1764 : vector<16xi32> to vector<16xf32>
      %convert_element_type3A_1784 = arith.sitofp %min3A_1770 : vector<16xi32> to vector<16xf32>
      %convert_element_type3A_1785 = arith.sitofp %min3A_1776 : vector<16xi32> to vector<16xf32>
      %convert_element_type3A_1786 = arith.sitofp %min3A_1782 : vector<16xi32> to vector<16xf32>
      %mul3A_1787 = arith.constant 224 : i32
      %mul3A_1788 = vector.broadcast %mul3A_1787 : i32 to vector<16xi32>
      %mul3A_1789 = arith.muli %min3A_1776, %mul3A_1788 : vector<16xi32>
      %add3A_1790 = vector.broadcast %mul3A_56 : i32 to vector<16xi32>
      %add3A_1791 = arith.addi %add3A_1790, %mul3A_1789 : vector<16xi32>
      %add3A_1792 = arith.addi %add3A_1791, %min3A_1764 : vector<16xi32>
      %swap3A_1793 = arith.constant 64 : index
      %swap3A_1794 = tpu.vector_load %arg10[%swap3A_1793] {strides = array<i32>} : memref<112xi32, #tpu.memory_space<vmem>>, vector<16xi32>,
      %swap3A_1795 = vector.shape_cast %swap3A_1794 : vector<16xi32> to vector<16xi32>
      %swap3A_1796 = vector.shape_cast %add3A_1792 : vector<16xi32> to vector<16xi32>
      tpu.vector_store %arg10[%swap3A_1793], %swap3A_1796 {strides = array<i32>} : memref<112xi32, #tpu.memory_space<vmem>>, vector<16xi32>,
      %mul3A_1797 = arith.constant 224 : i32
      %mul3A_1798 = vector.broadcast %mul3A_1797 : i32 to vector<16xi32>
      %mul3A_1799 = arith.muli %min3A_1782, %mul3A_1798 : vector<16xi32>
      %add3A_1800 = vector.broadcast %mul3A_56 : i32 to vector<16xi32>
      %add3A_1801 = arith.addi %add3A_1800, %mul3A_1799 : vector<16xi32>
      %add3A_1802 = arith.addi %add3A_1801, %min3A_1764 : vector<16xi32>
      %swap3A_1803 = arith.constant 64 : index
      %swap3A_1804 = tpu.vector_load %arg11[%swap3A_1803] {strides = array<i32>} : memref<112xi32, #tpu.memory_space<vmem>>, vector<16xi32>,
      %swap3A_1805 = vector.shape_cast %swap3A_1804 : vector<16xi32> to vector<16xi32>
      %swap3A_1806 = vector.shape_cast %add3A_1802 : vector<16xi32> to vector<16xi32>
      tpu.vector_store %arg11[%swap3A_1803], %swap3A_1806 {strides = array<i32>} : memref<112xi32, #tpu.memory_space<vmem>>, vector<16xi32>,
      %mul3A_1807 = arith.constant 224 : i32
      %mul3A_1808 = vector.broadcast %mul3A_1807 : i32 to vector<16xi32>
      %mul3A_1809 = arith.muli %min3A_1776, %mul3A_1808 : vector<16xi32>
      %add3A_1810 = vector.broadcast %mul3A_56 : i32 to vector<16xi32>
      %add3A_1811 = arith.addi %add3A_1810, %mul3A_1809 : vector<16xi32>
      %add3A_1812 = arith.addi %add3A_1811, %min3A_1770 : vector<16xi32>
      %swap3A_1813 = arith.constant 64 : index
      %swap3A_1814 = tpu.vector_load %arg12[%swap3A_1813] {strides = array<i32>} : memref<112xi32, #tpu.memory_space<vmem>>, vector<16xi32>,
      %swap3A_1815 = vector.shape_cast %swap3A_1814 : vector<16xi32> to vector<16xi32>
      %swap3A_1816 = vector.shape_cast %add3A_1812 : vector<16xi32> to vector<16xi32>
      tpu.vector_store %arg12[%swap3A_1813], %swap3A_1816 {strides = array<i32>} : memref<112xi32, #tpu.memory_space<vmem>>, vector<16xi32>,
      %mul3A_1817 = arith.constant 224 : i32
      %mul3A_1818 = vector.broadcast %mul3A_1817 : i32 to vector<16xi32>
      %mul3A_1819 = arith.muli %min3A_1782, %mul3A_1818 : vector<16xi32>
      %add3A_1820 = vector.broadcast %mul3A_56 : i32 to vector<16xi32>
      %add3A_1821 = arith.addi %add3A_1820, %mul3A_1819 : vector<16xi32>
      %add3A_1822 = arith.addi %add3A_1821, %min3A_1770 : vector<16xi32>
      %swap3A_1823 = arith.constant 64 : index
      %swap3A_1824 = tpu.vector_load %arg13[%swap3A_1823] {strides = array<i32>} : memref<112xi32, #tpu.memory_space<vmem>>, vector<16xi32>,
      %swap3A_1825 = vector.shape_cast %swap3A_1824 : vector<16xi32> to vector<16xi32>
      %swap3A_1826 = vector.shape_cast %add3A_1822 : vector<16xi32> to vector<16xi32>
      tpu.vector_store %arg13[%swap3A_1823], %swap3A_1826 {strides = array<i32>} : memref<112xi32, #tpu.memory_space<vmem>>, vector<16xi32>,
      %sub3A_1827 = arith.subf %convert_element_type3A_1784, %mul3A_1741 : vector<16xf32>
      %sub3A_1828 = arith.subf %convert_element_type3A_1786, %mul3A_1750 : vector<16xf32>
      %mul3A_1829 = arith.mulf %sub3A_1827, %sub3A_1828 : vector<16xf32>
      %swap3A_1830 = arith.constant 0 : i32
      %swap3A_1831 = arith.index_cast %swap3A_1830 : i32 to index
      %swap3A_1832 = arith.constant 64 : index
      %swap3A_1833 = tpu.vector_load %arg15[%swap3A_1831, %swap3A_1832] {strides = array<i32>} : memref<4x112xf32, #tpu.memory_space<vmem>>, vector<1x16xf32>,
      %swap3A_1834 = vector.shape_cast %swap3A_1833 : vector<1x16xf32> to vector<16xf32>
      %swap3A_1835 = vector.shape_cast %mul3A_1829 : vector<16xf32> to vector<1x16xf32>
      tpu.vector_store %arg15[%swap3A_1831, %swap3A_1832], %swap3A_1835 {strides = array<i32>} : memref<4x112xf32, #tpu.memory_space<vmem>>, vector<1x16xf32>,
      %sub3A_1836 = arith.subf %convert_element_type3A_1784, %mul3A_1741 : vector<16xf32>
      %sub3A_1837 = arith.subf %mul3A_1750, %convert_element_type3A_1785 : vector<16xf32>
      %mul3A_1838 = arith.mulf %sub3A_1836, %sub3A_1837 : vector<16xf32>
      %swap3A_1839 = arith.constant 1 : i32
      %swap3A_1840 = arith.index_cast %swap3A_1839 : i32 to index
      %swap3A_1841 = arith.constant 64 : index
      %swap3A_1842 = tpu.vector_load %arg15[%swap3A_1840, %swap3A_1841] {strides = array<i32>} : memref<4x112xf32, #tpu.memory_space<vmem>>, vector<1x16xf32>,
      %swap3A_1843 = vector.shape_cast %swap3A_1842 : vector<1x16xf32> to vector<16xf32>
      %swap3A_1844 = vector.shape_cast %mul3A_1838 : vector<16xf32> to vector<1x16xf32>
      tpu.vector_store %arg15[%swap3A_1840, %swap3A_1841], %swap3A_1844 {strides = array<i32>} : memref<4x112xf32, #tpu.memory_space<vmem>>, vector<1x16xf32>,
      %sub3A_1845 = arith.subf %mul3A_1741, %convert_element_type3A_1783 : vector<16xf32>
      %sub3A_1846 = arith.subf %convert_element_type3A_1786, %mul3A_1750 : vector<16xf32>
      %mul3A_1847 = arith.mulf %sub3A_1845, %sub3A_1846 : vector<16xf32>
      %swap3A_1848 = arith.constant 2 : i32
      %swap3A_1849 = arith.index_cast %swap3A_1848 : i32 to index
      %swap3A_1850 = arith.constant 64 : index
      %swap3A_1851 = tpu.vector_load %arg15[%swap3A_1849, %swap3A_1850] {strides = array<i32>} : memref<4x112xf32, #tpu.memory_space<vmem>>, vector<1x16xf32>,
      %swap3A_1852 = vector.shape_cast %swap3A_1851 : vector<1x16xf32> to vector<16xf32>
      %swap3A_1853 = vector.shape_cast %mul3A_1847 : vector<16xf32> to vector<1x16xf32>
      tpu.vector_store %arg15[%swap3A_1849, %swap3A_1850], %swap3A_1853 {strides = array<i32>} : memref<4x112xf32, #tpu.memory_space<vmem>>, vector<1x16xf32>,
      %sub3A_1854 = arith.subf %mul3A_1741, %convert_element_type3A_1783 : vector<16xf32>
      %sub3A_1855 = arith.subf %mul3A_1750, %convert_element_type3A_1785 : vector<16xf32>
      %mul3A_1856 = arith.mulf %sub3A_1854, %sub3A_1855 : vector<16xf32>
      %swap3A_1857 = arith.constant 3 : i32
      %swap3A_1858 = arith.index_cast %swap3A_1857 : i32 to index
      %swap3A_1859 = arith.constant 64 : index
      %swap3A_1860 = tpu.vector_load %arg15[%swap3A_1858, %swap3A_1859] {strides = array<i32>} : memref<4x112xf32, #tpu.memory_space<vmem>>, vector<1x16xf32>,
      %swap3A_1861 = vector.shape_cast %swap3A_1860 : vector<1x16xf32> to vector<16xf32>
      %swap3A_1862 = vector.shape_cast %mul3A_1856 : vector<16xf32> to vector<1x16xf32>
      tpu.vector_store %arg15[%swap3A_1858, %swap3A_1859], %swap3A_1862 {strides = array<i32>} : memref<4x112xf32, #tpu.memory_space<vmem>>, vector<1x16xf32>,
      %get3A_1863 = arith.constant 192 : index
      %get3A_1864 = tpu.vector_load %arg27[%get3A_1863] {strides = array<i32>} : memref<240xf32, #tpu.memory_space<vmem>>, vector<16xf32>,
      %get3A_1865 = vector.shape_cast %get3A_1864 : vector<16xf32> to vector<16xf32>
      %mul3A_1866 = arith.mulf %gather3A_34, %get3A_1865 : vector<16xf32>
      %mul3A_1867 = arith.mulf %gather3A_38, %gather3A_1157 : vector<16xf32>
      %add3A_1868 = arith.addf %mul3A_1866, %mul3A_1867 : vector<16xf32>
      %add3A_1869 = arith.addf %add3A_1868, %gather3A_42 : vector<16xf32>
      %mul3A_1870 = arith.mulf %gather3A_46, %get3A_1865 : vector<16xf32>
      %mul3A_1871 = arith.mulf %gather3A_50, %gather3A_1157 : vector<16xf32>
      %add3A_1872 = arith.addf %mul3A_1870, %mul3A_1871 : vector<16xf32>
      %add3A_1873 = arith.addf %add3A_1872, %gather3A_54 : vector<16xf32>
      %add3A_1874 = arith.constant 1.000000e+00 : f32
      %add3A_1875 = vector.broadcast %add3A_1874 : f32 to vector<16xf32>
      %add3A_1876 = arith.addf %add3A_1869, %add3A_1875 : vector<16xf32>
      %mul3A_1877 = arith.constant 5.000000e-01 : f32
      %mul3A_1878 = vector.broadcast %mul3A_1877 : f32 to vector<16xf32>
      %mul3A_1879 = arith.mulf %mul3A_1878, %add3A_1876 : vector<16xf32>
      %mul3A_1880 = arith.constant 2.240000e+02 : f32
      %mul3A_1881 = vector.broadcast %mul3A_1880 : f32 to vector<16xf32>
      %mul3A_1882 = arith.mulf %mul3A_1879, %mul3A_1881 : vector<16xf32>
      %add3A_1883 = arith.constant 1.000000e+00 : f32
      %add3A_1884 = vector.broadcast %add3A_1883 : f32 to vector<16xf32>
      %add3A_1885 = arith.addf %add3A_1873, %add3A_1884 : vector<16xf32>
      %mul3A_1886 = arith.constant 5.000000e-01 : f32
      %mul3A_1887 = vector.broadcast %mul3A_1886 : f32 to vector<16xf32>
      %mul3A_1888 = arith.mulf %mul3A_1887, %add3A_1885 : vector<16xf32>
      %mul3A_1889 = arith.constant 2.240000e+02 : f32
      %mul3A_1890 = vector.broadcast %mul3A_1889 : f32 to vector<16xf32>
      %mul3A_1891 = arith.mulf %mul3A_1888, %mul3A_1890 : vector<16xf32>
      %convert_element_type3A_1892 = arith.fptosi %mul3A_1882 : vector<16xf32> to vector<16xi32>
      %add3A_1893 = arith.constant 1 : i32
      %add3A_1894 = vector.broadcast %add3A_1893 : i32 to vector<16xi32>
      %add3A_1895 = arith.addi %convert_element_type3A_1892, %add3A_1894 : vector<16xi32>
      %convert_element_type3A_1896 = arith.fptosi %mul3A_1891 : vector<16xf32> to vector<16xi32>
      %add3A_1897 = arith.constant 1 : i32
      %add3A_1898 = vector.broadcast %add3A_1897 : i32 to vector<16xi32>
      %add3A_1899 = arith.addi %convert_element_type3A_1896, %add3A_1898 : vector<16xi32>
      %jit3A_1900 = arith.constant 0 : i32
      %jit3A_1901 = arith.constant 223 : i32
      %max3A_1902 = vector.broadcast %jit3A_1900 : i32 to vector<16xi32>
      %max3A_1903 = arith.maxsi %max3A_1902, %convert_element_type3A_1892 : vector<16xi32>
      %min3A_1904 = vector.broadcast %jit3A_1901 : i32 to vector<16xi32>
      %min3A_1905 = arith.minsi %min3A_1904, %max3A_1903 : vector<16xi32>
      %jit3A_1906 = arith.constant 0 : i32
      %jit3A_1907 = arith.constant 223 : i32
      %max3A_1908 = vector.broadcast %jit3A_1906 : i32 to vector<16xi32>
      %max3A_1909 = arith.maxsi %max3A_1908, %add3A_1895 : vector<16xi32>
      %min3A_1910 = vector.broadcast %jit3A_1907 : i32 to vector<16xi32>
      %min3A_1911 = arith.minsi %min3A_1910, %max3A_1909 : vector<16xi32>
      %jit3A_1912 = arith.constant 0 : i32
      %jit3A_1913 = arith.constant 223 : i32
      %max3A_1914 = vector.broadcast %jit3A_1912 : i32 to vector<16xi32>
      %max3A_1915 = arith.maxsi %max3A_1914, %convert_element_type3A_1896 : vector<16xi32>
      %min3A_1916 = vector.broadcast %jit3A_1913 : i32 to vector<16xi32>
      %min3A_1917 = arith.minsi %min3A_1916, %max3A_1915 : vector<16xi32>
      %jit3A_1918 = arith.constant 0 : i32
      %jit3A_1919 = arith.constant 223 : i32
      %max3A_1920 = vector.broadcast %jit3A_1918 : i32 to vector<16xi32>
      %max3A_1921 = arith.maxsi %max3A_1920, %add3A_1899 : vector<16xi32>
      %min3A_1922 = vector.broadcast %jit3A_1919 : i32 to vector<16xi32>
      %min3A_1923 = arith.minsi %min3A_1922, %max3A_1921 : vector<16xi32>
      %convert_element_type3A_1924 = arith.sitofp %min3A_1905 : vector<16xi32> to vector<16xf32>
      %convert_element_type3A_1925 = arith.sitofp %min3A_1911 : vector<16xi32> to vector<16xf32>
      %convert_element_type3A_1926 = arith.sitofp %min3A_1917 : vector<16xi32> to vector<16xf32>
      %convert_element_type3A_1927 = arith.sitofp %min3A_1923 : vector<16xi32> to vector<16xf32>
      %mul3A_1928 = arith.constant 224 : i32
      %mul3A_1929 = vector.broadcast %mul3A_1928 : i32 to vector<16xi32>
      %mul3A_1930 = arith.muli %min3A_1917, %mul3A_1929 : vector<16xi32>
      %add3A_1931 = vector.broadcast %mul3A_56 : i32 to vector<16xi32>
      %add3A_1932 = arith.addi %add3A_1931, %mul3A_1930 : vector<16xi32>
      %add3A_1933 = arith.addi %add3A_1932, %min3A_1905 : vector<16xi32>
      %swap3A_1934 = arith.constant 80 : index
      %swap3A_1935 = tpu.vector_load %arg10[%swap3A_1934] {strides = array<i32>} : memref<112xi32, #tpu.memory_space<vmem>>, vector<16xi32>,
      %swap3A_1936 = vector.shape_cast %swap3A_1935 : vector<16xi32> to vector<16xi32>
      %swap3A_1937 = vector.shape_cast %add3A_1933 : vector<16xi32> to vector<16xi32>
      tpu.vector_store %arg10[%swap3A_1934], %swap3A_1937 {strides = array<i32>} : memref<112xi32, #tpu.memory_space<vmem>>, vector<16xi32>,
      %mul3A_1938 = arith.constant 224 : i32
      %mul3A_1939 = vector.broadcast %mul3A_1938 : i32 to vector<16xi32>
      %mul3A_1940 = arith.muli %min3A_1923, %mul3A_1939 : vector<16xi32>
      %add3A_1941 = vector.broadcast %mul3A_56 : i32 to vector<16xi32>
      %add3A_1942 = arith.addi %add3A_1941, %mul3A_1940 : vector<16xi32>
      %add3A_1943 = arith.addi %add3A_1942, %min3A_1905 : vector<16xi32>
      %swap3A_1944 = arith.constant 80 : index
      %swap3A_1945 = tpu.vector_load %arg11[%swap3A_1944] {strides = array<i32>} : memref<112xi32, #tpu.memory_space<vmem>>, vector<16xi32>,
      %swap3A_1946 = vector.shape_cast %swap3A_1945 : vector<16xi32> to vector<16xi32>
      %swap3A_1947 = vector.shape_cast %add3A_1943 : vector<16xi32> to vector<16xi32>
      tpu.vector_store %arg11[%swap3A_1944], %swap3A_1947 {strides = array<i32>} : memref<112xi32, #tpu.memory_space<vmem>>, vector<16xi32>,
      %mul3A_1948 = arith.constant 224 : i32
      %mul3A_1949 = vector.broadcast %mul3A_1948 : i32 to vector<16xi32>
      %mul3A_1950 = arith.muli %min3A_1917, %mul3A_1949 : vector<16xi32>
      %add3A_1951 = vector.broadcast %mul3A_56 : i32 to vector<16xi32>
      %add3A_1952 = arith.addi %add3A_1951, %mul3A_1950 : vector<16xi32>
      %add3A_1953 = arith.addi %add3A_1952, %min3A_1911 : vector<16xi32>
      %swap3A_1954 = arith.constant 80 : index
      %swap3A_1955 = tpu.vector_load %arg12[%swap3A_1954] {strides = array<i32>} : memref<112xi32, #tpu.memory_space<vmem>>, vector<16xi32>,
      %swap3A_1956 = vector.shape_cast %swap3A_1955 : vector<16xi32> to vector<16xi32>
      %swap3A_1957 = vector.shape_cast %add3A_1953 : vector<16xi32> to vector<16xi32>
      tpu.vector_store %arg12[%swap3A_1954], %swap3A_1957 {strides = array<i32>} : memref<112xi32, #tpu.memory_space<vmem>>, vector<16xi32>,
      %mul3A_1958 = arith.constant 224 : i32
      %mul3A_1959 = vector.broadcast %mul3A_1958 : i32 to vector<16xi32>
      %mul3A_1960 = arith.muli %min3A_1923, %mul3A_1959 : vector<16xi32>
      %add3A_1961 = vector.broadcast %mul3A_56 : i32 to vector<16xi32>
      %add3A_1962 = arith.addi %add3A_1961, %mul3A_1960 : vector<16xi32>
      %add3A_1963 = arith.addi %add3A_1962, %min3A_1911 : vector<16xi32>
      %swap3A_1964 = arith.constant 80 : index
      %swap3A_1965 = tpu.vector_load %arg13[%swap3A_1964] {strides = array<i32>} : memref<112xi32, #tpu.memory_space<vmem>>, vector<16xi32>,
      %swap3A_1966 = vector.shape_cast %swap3A_1965 : vector<16xi32> to vector<16xi32>
      %swap3A_1967 = vector.shape_cast %add3A_1963 : vector<16xi32> to vector<16xi32>
      tpu.vector_store %arg13[%swap3A_1964], %swap3A_1967 {strides = array<i32>} : memref<112xi32, #tpu.memory_space<vmem>>, vector<16xi32>,
      %sub3A_1968 = arith.subf %convert_element_type3A_1925, %mul3A_1882 : vector<16xf32>
      %sub3A_1969 = arith.subf %convert_element_type3A_1927, %mul3A_1891 : vector<16xf32>
      %mul3A_1970 = arith.mulf %sub3A_1968, %sub3A_1969 : vector<16xf32>
      %swap3A_1971 = arith.constant 0 : i32
      %swap3A_1972 = arith.index_cast %swap3A_1971 : i32 to index
      %swap3A_1973 = arith.constant 80 : index
      %swap3A_1974 = tpu.vector_load %arg15[%swap3A_1972, %swap3A_1973] {strides = array<i32>} : memref<4x112xf32, #tpu.memory_space<vmem>>, vector<1x16xf32>,
      %swap3A_1975 = vector.shape_cast %swap3A_1974 : vector<1x16xf32> to vector<16xf32>
      %swap3A_1976 = vector.shape_cast %mul3A_1970 : vector<16xf32> to vector<1x16xf32>
      tpu.vector_store %arg15[%swap3A_1972, %swap3A_1973], %swap3A_1976 {strides = array<i32>} : memref<4x112xf32, #tpu.memory_space<vmem>>, vector<1x16xf32>,
      %sub3A_1977 = arith.subf %convert_element_type3A_1925, %mul3A_1882 : vector<16xf32>
      %sub3A_1978 = arith.subf %mul3A_1891, %convert_element_type3A_1926 : vector<16xf32>
      %mul3A_1979 = arith.mulf %sub3A_1977, %sub3A_1978 : vector<16xf32>
      %swap3A_1980 = arith.constant 1 : i32
      %swap3A_1981 = arith.index_cast %swap3A_1980 : i32 to index
      %swap3A_1982 = arith.constant 80 : index
      %swap3A_1983 = tpu.vector_load %arg15[%swap3A_1981, %swap3A_1982] {strides = array<i32>} : memref<4x112xf32, #tpu.memory_space<vmem>>, vector<1x16xf32>,
      %swap3A_1984 = vector.shape_cast %swap3A_1983 : vector<1x16xf32> to vector<16xf32>
      %swap3A_1985 = vector.shape_cast %mul3A_1979 : vector<16xf32> to vector<1x16xf32>
      tpu.vector_store %arg15[%swap3A_1981, %swap3A_1982], %swap3A_1985 {strides = array<i32>} : memref<4x112xf32, #tpu.memory_space<vmem>>, vector<1x16xf32>,
      %sub3A_1986 = arith.subf %mul3A_1882, %convert_element_type3A_1924 : vector<16xf32>
      %sub3A_1987 = arith.subf %convert_element_type3A_1927, %mul3A_1891 : vector<16xf32>
      %mul3A_1988 = arith.mulf %sub3A_1986, %sub3A_1987 : vector<16xf32>
      %swap3A_1989 = arith.constant 2 : i32
      %swap3A_1990 = arith.index_cast %swap3A_1989 : i32 to index
      %swap3A_1991 = arith.constant 80 : index
      %swap3A_1992 = tpu.vector_load %arg15[%swap3A_1990, %swap3A_1991] {strides = array<i32>} : memref<4x112xf32, #tpu.memory_space<vmem>>, vector<1x16xf32>,
      %swap3A_1993 = vector.shape_cast %swap3A_1992 : vector<1x16xf32> to vector<16xf32>
      %swap3A_1994 = vector.shape_cast %mul3A_1988 : vector<16xf32> to vector<1x16xf32>
      tpu.vector_store %arg15[%swap3A_1990, %swap3A_1991], %swap3A_1994 {strides = array<i32>} : memref<4x112xf32, #tpu.memory_space<vmem>>, vector<1x16xf32>,
      %sub3A_1995 = arith.subf %mul3A_1882, %convert_element_type3A_1924 : vector<16xf32>
      %sub3A_1996 = arith.subf %mul3A_1891, %convert_element_type3A_1926 : vector<16xf32>
      %mul3A_1997 = arith.mulf %sub3A_1995, %sub3A_1996 : vector<16xf32>
      %swap3A_1998 = arith.constant 3 : i32
      %swap3A_1999 = arith.index_cast %swap3A_1998 : i32 to index
      %swap3A_2000 = arith.constant 80 : index
      %swap3A_2001 = tpu.vector_load %arg15[%swap3A_1999, %swap3A_2000] {strides = array<i32>} : memref<4x112xf32, #tpu.memory_space<vmem>>, vector<1x16xf32>,
      %swap3A_2002 = vector.shape_cast %swap3A_2001 : vector<1x16xf32> to vector<16xf32>
      %swap3A_2003 = vector.shape_cast %mul3A_1997 : vector<16xf32> to vector<1x16xf32>
      tpu.vector_store %arg15[%swap3A_1999, %swap3A_2000], %swap3A_2003 {strides = array<i32>} : memref<4x112xf32, #tpu.memory_space<vmem>>, vector<1x16xf32>,
      %get3A_2004 = arith.constant 208 : index
      %get3A_2005 = tpu.vector_load %arg27[%get3A_2004] {strides = array<i32>} : memref<240xf32, #tpu.memory_space<vmem>>, vector<16xf32>,
      %get3A_2006 = vector.shape_cast %get3A_2005 : vector<16xf32> to vector<16xf32>
      %mul3A_2007 = arith.mulf %gather3A_34, %get3A_2006 : vector<16xf32>
      %mul3A_2008 = arith.mulf %gather3A_38, %gather3A_1157 : vector<16xf32>
      %add3A_2009 = arith.addf %mul3A_2007, %mul3A_2008 : vector<16xf32>
      %add3A_2010 = arith.addf %add3A_2009, %gather3A_42 : vector<16xf32>
      %mul3A_2011 = arith.mulf %gather3A_46, %get3A_2006 : vector<16xf32>
      %mul3A_2012 = arith.mulf %gather3A_50, %gather3A_1157 : vector<16xf32>
      %add3A_2013 = arith.addf %mul3A_2011, %mul3A_2012 : vector<16xf32>
      %add3A_2014 = arith.addf %add3A_2013, %gather3A_54 : vector<16xf32>
      %add3A_2015 = arith.constant 1.000000e+00 : f32
      %add3A_2016 = vector.broadcast %add3A_2015 : f32 to vector<16xf32>
      %add3A_2017 = arith.addf %add3A_2010, %add3A_2016 : vector<16xf32>
      %mul3A_2018 = arith.constant 5.000000e-01 : f32
      %mul3A_2019 = vector.broadcast %mul3A_2018 : f32 to vector<16xf32>
      %mul3A_2020 = arith.mulf %mul3A_2019, %add3A_2017 : vector<16xf32>
      %mul3A_2021 = arith.constant 2.240000e+02 : f32
      %mul3A_2022 = vector.broadcast %mul3A_2021 : f32 to vector<16xf32>
      %mul3A_2023 = arith.mulf %mul3A_2020, %mul3A_2022 : vector<16xf32>
      %add3A_2024 = arith.constant 1.000000e+00 : f32
      %add3A_2025 = vector.broadcast %add3A_2024 : f32 to vector<16xf32>
      %add3A_2026 = arith.addf %add3A_2014, %add3A_2025 : vector<16xf32>
      %mul3A_2027 = arith.constant 5.000000e-01 : f32
      %mul3A_2028 = vector.broadcast %mul3A_2027 : f32 to vector<16xf32>
      %mul3A_2029 = arith.mulf %mul3A_2028, %add3A_2026 : vector<16xf32>
      %mul3A_2030 = arith.constant 2.240000e+02 : f32
      %mul3A_2031 = vector.broadcast %mul3A_2030 : f32 to vector<16xf32>
      %mul3A_2032 = arith.mulf %mul3A_2029, %mul3A_2031 : vector<16xf32>
      %convert_element_type3A_2033 = arith.fptosi %mul3A_2023 : vector<16xf32> to vector<16xi32>
      %add3A_2034 = arith.constant 1 : i32
      %add3A_2035 = vector.broadcast %add3A_2034 : i32 to vector<16xi32>
      %add3A_2036 = arith.addi %convert_element_type3A_2033, %add3A_2035 : vector<16xi32>
      %convert_element_type3A_2037 = arith.fptosi %mul3A_2032 : vector<16xf32> to vector<16xi32>
      %add3A_2038 = arith.constant 1 : i32
      %add3A_2039 = vector.broadcast %add3A_2038 : i32 to vector<16xi32>
      %add3A_2040 = arith.addi %convert_element_type3A_2037, %add3A_2039 : vector<16xi32>
      %jit3A_2041 = arith.constant 0 : i32
      %jit3A_2042 = arith.constant 223 : i32
      %max3A_2043 = vector.broadcast %jit3A_2041 : i32 to vector<16xi32>
      %max3A_2044 = arith.maxsi %max3A_2043, %convert_element_type3A_2033 : vector<16xi32>
      %min3A_2045 = vector.broadcast %jit3A_2042 : i32 to vector<16xi32>
      %min3A_2046 = arith.minsi %min3A_2045, %max3A_2044 : vector<16xi32>
      %jit3A_2047 = arith.constant 0 : i32
      %jit3A_2048 = arith.constant 223 : i32
      %max3A_2049 = vector.broadcast %jit3A_2047 : i32 to vector<16xi32>
      %max3A_2050 = arith.maxsi %max3A_2049, %add3A_2036 : vector<16xi32>
      %min3A_2051 = vector.broadcast %jit3A_2048 : i32 to vector<16xi32>
      %min3A_2052 = arith.minsi %min3A_2051, %max3A_2050 : vector<16xi32>
      %jit3A_2053 = arith.constant 0 : i32
      %jit3A_2054 = arith.constant 223 : i32
      %max3A_2055 = vector.broadcast %jit3A_2053 : i32 to vector<16xi32>
      %max3A_2056 = arith.maxsi %max3A_2055, %convert_element_type3A_2037 : vector<16xi32>
      %min3A_2057 = vector.broadcast %jit3A_2054 : i32 to vector<16xi32>
      %min3A_2058 = arith.minsi %min3A_2057, %max3A_2056 : vector<16xi32>
      %jit3A_2059 = arith.constant 0 : i32
      %jit3A_2060 = arith.constant 223 : i32
      %max3A_2061 = vector.broadcast %jit3A_2059 : i32 to vector<16xi32>
      %max3A_2062 = arith.maxsi %max3A_2061, %add3A_2040 : vector<16xi32>
      %min3A_2063 = vector.broadcast %jit3A_2060 : i32 to vector<16xi32>
      %min3A_2064 = arith.minsi %min3A_2063, %max3A_2062 : vector<16xi32>
      %convert_element_type3A_2065 = arith.sitofp %min3A_2046 : vector<16xi32> to vector<16xf32>
      %convert_element_type3A_2066 = arith.sitofp %min3A_2052 : vector<16xi32> to vector<16xf32>
      %convert_element_type3A_2067 = arith.sitofp %min3A_2058 : vector<16xi32> to vector<16xf32>
      %convert_element_type3A_2068 = arith.sitofp %min3A_2064 : vector<16xi32> to vector<16xf32>
      %mul3A_2069 = arith.constant 224 : i32
      %mul3A_2070 = vector.broadcast %mul3A_2069 : i32 to vector<16xi32>
      %mul3A_2071 = arith.muli %min3A_2058, %mul3A_2070 : vector<16xi32>
      %add3A_2072 = vector.broadcast %mul3A_56 : i32 to vector<16xi32>
      %add3A_2073 = arith.addi %add3A_2072, %mul3A_2071 : vector<16xi32>
      %add3A_2074 = arith.addi %add3A_2073, %min3A_2046 : vector<16xi32>
      %swap3A_2075 = arith.constant 96 : index
      %swap3A_2076 = tpu.vector_load %arg10[%swap3A_2075] {strides = array<i32>} : memref<112xi32, #tpu.memory_space<vmem>>, vector<16xi32>,
      %swap3A_2077 = vector.shape_cast %swap3A_2076 : vector<16xi32> to vector<16xi32>
      %swap3A_2078 = vector.shape_cast %add3A_2074 : vector<16xi32> to vector<16xi32>
      tpu.vector_store %arg10[%swap3A_2075], %swap3A_2078 {strides = array<i32>} : memref<112xi32, #tpu.memory_space<vmem>>, vector<16xi32>,
      %mul3A_2079 = arith.constant 224 : i32
      %mul3A_2080 = vector.broadcast %mul3A_2079 : i32 to vector<16xi32>
      %mul3A_2081 = arith.muli %min3A_2064, %mul3A_2080 : vector<16xi32>
      %add3A_2082 = vector.broadcast %mul3A_56 : i32 to vector<16xi32>
      %add3A_2083 = arith.addi %add3A_2082, %mul3A_2081 : vector<16xi32>
      %add3A_2084 = arith.addi %add3A_2083, %min3A_2046 : vector<16xi32>
      %swap3A_2085 = arith.constant 96 : index
      %swap3A_2086 = tpu.vector_load %arg11[%swap3A_2085] {strides = array<i32>} : memref<112xi32, #tpu.memory_space<vmem>>, vector<16xi32>,
      %swap3A_2087 = vector.shape_cast %swap3A_2086 : vector<16xi32> to vector<16xi32>
      %swap3A_2088 = vector.shape_cast %add3A_2084 : vector<16xi32> to vector<16xi32>
      tpu.vector_store %arg11[%swap3A_2085], %swap3A_2088 {strides = array<i32>} : memref<112xi32, #tpu.memory_space<vmem>>, vector<16xi32>,
      %mul3A_2089 = arith.constant 224 : i32
      %mul3A_2090 = vector.broadcast %mul3A_2089 : i32 to vector<16xi32>
      %mul3A_2091 = arith.muli %min3A_2058, %mul3A_2090 : vector<16xi32>
      %add3A_2092 = vector.broadcast %mul3A_56 : i32 to vector<16xi32>
      %add3A_2093 = arith.addi %add3A_2092, %mul3A_2091 : vector<16xi32>
      %add3A_2094 = arith.addi %add3A_2093, %min3A_2052 : vector<16xi32>
      %swap3A_2095 = arith.constant 96 : index
      %swap3A_2096 = tpu.vector_load %arg12[%swap3A_2095] {strides = array<i32>} : memref<112xi32, #tpu.memory_space<vmem>>, vector<16xi32>,
      %swap3A_2097 = vector.shape_cast %swap3A_2096 : vector<16xi32> to vector<16xi32>
      %swap3A_2098 = vector.shape_cast %add3A_2094 : vector<16xi32> to vector<16xi32>
      tpu.vector_store %arg12[%swap3A_2095], %swap3A_2098 {strides = array<i32>} : memref<112xi32, #tpu.memory_space<vmem>>, vector<16xi32>,
      %mul3A_2099 = arith.constant 224 : i32
      %mul3A_2100 = vector.broadcast %mul3A_2099 : i32 to vector<16xi32>
      %mul3A_2101 = arith.muli %min3A_2064, %mul3A_2100 : vector<16xi32>
      %add3A_2102 = vector.broadcast %mul3A_56 : i32 to vector<16xi32>
      %add3A_2103 = arith.addi %add3A_2102, %mul3A_2101 : vector<16xi32>
      %add3A_2104 = arith.addi %add3A_2103, %min3A_2052 : vector<16xi32>
      %swap3A_2105 = arith.constant 96 : index
      %swap3A_2106 = tpu.vector_load %arg13[%swap3A_2105] {strides = array<i32>} : memref<112xi32, #tpu.memory_space<vmem>>, vector<16xi32>,
      %swap3A_2107 = vector.shape_cast %swap3A_2106 : vector<16xi32> to vector<16xi32>
      %swap3A_2108 = vector.shape_cast %add3A_2104 : vector<16xi32> to vector<16xi32>
      tpu.vector_store %arg13[%swap3A_2105], %swap3A_2108 {strides = array<i32>} : memref<112xi32, #tpu.memory_space<vmem>>, vector<16xi32>,
      %sub3A_2109 = arith.subf %convert_element_type3A_2066, %mul3A_2023 : vector<16xf32>
      %sub3A_2110 = arith.subf %convert_element_type3A_2068, %mul3A_2032 : vector<16xf32>
      %mul3A_2111 = arith.mulf %sub3A_2109, %sub3A_2110 : vector<16xf32>
      %swap3A_2112 = arith.constant 0 : i32
      %swap3A_2113 = arith.index_cast %swap3A_2112 : i32 to index
      %swap3A_2114 = arith.constant 96 : index
      %swap3A_2115 = tpu.vector_load %arg15[%swap3A_2113, %swap3A_2114] {strides = array<i32>} : memref<4x112xf32, #tpu.memory_space<vmem>>, vector<1x16xf32>,
      %swap3A_2116 = vector.shape_cast %swap3A_2115 : vector<1x16xf32> to vector<16xf32>
      %swap3A_2117 = vector.shape_cast %mul3A_2111 : vector<16xf32> to vector<1x16xf32>
      tpu.vector_store %arg15[%swap3A_2113, %swap3A_2114], %swap3A_2117 {strides = array<i32>} : memref<4x112xf32, #tpu.memory_space<vmem>>, vector<1x16xf32>,
      %sub3A_2118 = arith.subf %convert_element_type3A_2066, %mul3A_2023 : vector<16xf32>
      %sub3A_2119 = arith.subf %mul3A_2032, %convert_element_type3A_2067 : vector<16xf32>
      %mul3A_2120 = arith.mulf %sub3A_2118, %sub3A_2119 : vector<16xf32>
      %swap3A_2121 = arith.constant 1 : i32
      %swap3A_2122 = arith.index_cast %swap3A_2121 : i32 to index
      %swap3A_2123 = arith.constant 96 : index
      %swap3A_2124 = tpu.vector_load %arg15[%swap3A_2122, %swap3A_2123] {strides = array<i32>} : memref<4x112xf32, #tpu.memory_space<vmem>>, vector<1x16xf32>,
      %swap3A_2125 = vector.shape_cast %swap3A_2124 : vector<1x16xf32> to vector<16xf32>
      %swap3A_2126 = vector.shape_cast %mul3A_2120 : vector<16xf32> to vector<1x16xf32>
      tpu.vector_store %arg15[%swap3A_2122, %swap3A_2123], %swap3A_2126 {strides = array<i32>} : memref<4x112xf32, #tpu.memory_space<vmem>>, vector<1x16xf32>,
      %sub3A_2127 = arith.subf %mul3A_2023, %convert_element_type3A_2065 : vector<16xf32>
      %sub3A_2128 = arith.subf %convert_element_type3A_2068, %mul3A_2032 : vector<16xf32>
      %mul3A_2129 = arith.mulf %sub3A_2127, %sub3A_2128 : vector<16xf32>
      %swap3A_2130 = arith.constant 2 : i32
      %swap3A_2131 = arith.index_cast %swap3A_2130 : i32 to index
      %swap3A_2132 = arith.constant 96 : index
      %swap3A_2133 = tpu.vector_load %arg15[%swap3A_2131, %swap3A_2132] {strides = array<i32>} : memref<4x112xf32, #tpu.memory_space<vmem>>, vector<1x16xf32>,
      %swap3A_2134 = vector.shape_cast %swap3A_2133 : vector<1x16xf32> to vector<16xf32>
      %swap3A_2135 = vector.shape_cast %mul3A_2129 : vector<16xf32> to vector<1x16xf32>
      tpu.vector_store %arg15[%swap3A_2131, %swap3A_2132], %swap3A_2135 {strides = array<i32>} : memref<4x112xf32, #tpu.memory_space<vmem>>, vector<1x16xf32>,
      %sub3A_2136 = arith.subf %mul3A_2023, %convert_element_type3A_2065 : vector<16xf32>
      %sub3A_2137 = arith.subf %mul3A_2032, %convert_element_type3A_2067 : vector<16xf32>
      %mul3A_2138 = arith.mulf %sub3A_2136, %sub3A_2137 : vector<16xf32>
      %swap3A_2139 = arith.constant 3 : i32
      %swap3A_2140 = arith.index_cast %swap3A_2139 : i32 to index
      %swap3A_2141 = arith.constant 96 : index
      %swap3A_2142 = tpu.vector_load %arg15[%swap3A_2140, %swap3A_2141] {strides = array<i32>} : memref<4x112xf32, #tpu.memory_space<vmem>>, vector<1x16xf32>,
      %swap3A_2143 = vector.shape_cast %swap3A_2142 : vector<1x16xf32> to vector<16xf32>
      %swap3A_2144 = vector.shape_cast %mul3A_2138 : vector<16xf32> to vector<1x16xf32>
      tpu.vector_store %arg15[%swap3A_2140, %swap3A_2141], %swap3A_2144 {strides = array<i32>} : memref<4x112xf32, #tpu.memory_space<vmem>>, vector<1x16xf32>,
      %dma_start3A_2145 = arith.constant 0 : i32
      %dma_start3A_2146 = arith.constant 0 : i32
      %dma_start3A_2147 = tpu.memref_slice %arg2[%dma_start3A_2145, %dma_start3A_2146] : memref<401408x96xf32, #tpu.memory_space<hbm>> -> memref<401408x96xf32, #tpu.memory_space<hbm>>
      tpu.enqueue_indirect_dma source(%dma_start3A_2147 : memref<401408x96xf32, #tpu.memory_space<hbm>>) target(%arg20 : memref<112x96xf32, #tpu.memory_space<vmem>>) offsets(%arg10 : memref<112xi32, #tpu.memory_space<vmem>>) semaphore(%arg29 : memref<!tpu.dma_semaphore, #tpu.memory_space<semaphore_mem>>)
      %dma_start3A_2148 = arith.constant 0 : i32
      %dma_start3A_2149 = arith.constant 0 : i32
      %dma_start3A_2150 = tpu.memref_slice %arg2[%dma_start3A_2148, %dma_start3A_2149] : memref<401408x96xf32, #tpu.memory_space<hbm>> -> memref<401408x96xf32, #tpu.memory_space<hbm>>
      tpu.enqueue_indirect_dma source(%dma_start3A_2150 : memref<401408x96xf32, #tpu.memory_space<hbm>>) target(%arg21 : memref<112x96xf32, #tpu.memory_space<vmem>>) offsets(%arg11 : memref<112xi32, #tpu.memory_space<vmem>>) semaphore(%arg29 : memref<!tpu.dma_semaphore, #tpu.memory_space<semaphore_mem>>)
      %dma_start3A_2151 = arith.constant 0 : i32
      %dma_start3A_2152 = arith.constant 0 : i32
      %dma_start3A_2153 = tpu.memref_slice %arg2[%dma_start3A_2151, %dma_start3A_2152] : memref<401408x96xf32, #tpu.memory_space<hbm>> -> memref<401408x96xf32, #tpu.memory_space<hbm>>
      tpu.enqueue_indirect_dma source(%dma_start3A_2153 : memref<401408x96xf32, #tpu.memory_space<hbm>>) target(%arg22 : memref<112x96xf32, #tpu.memory_space<vmem>>) offsets(%arg12 : memref<112xi32, #tpu.memory_space<vmem>>) semaphore(%arg29 : memref<!tpu.dma_semaphore, #tpu.memory_space<semaphore_mem>>)
      %dma_start3A_2154 = arith.constant 0 : i32
      %dma_start3A_2155 = arith.constant 0 : i32
      %dma_start3A_2156 = tpu.memref_slice %arg2[%dma_start3A_2154, %dma_start3A_2155] : memref<401408x96xf32, #tpu.memory_space<hbm>> -> memref<401408x96xf32, #tpu.memory_space<hbm>>
      tpu.enqueue_indirect_dma source(%dma_start3A_2156 : memref<401408x96xf32, #tpu.memory_space<hbm>>) target(%arg23 : memref<112x96xf32, #tpu.memory_space<vmem>>) offsets(%arg13 : memref<112xi32, #tpu.memory_space<vmem>>) semaphore(%arg29 : memref<!tpu.dma_semaphore, #tpu.memory_space<semaphore_mem>>)
      %dma_wait3A_2157 = arith.constant 0 : i32
      %dma_wait3A_2158 = arith.constant 0 : i32
      %dma_wait3A_2159 = tpu.memref_slice %arg2[%dma_wait3A_2157, %dma_wait3A_2158] : memref<401408x96xf32, #tpu.memory_space<hbm>> -> memref<401408x96xf32, #tpu.memory_space<hbm>>
      tpu.wait_indirect_dma semaphore(%arg28 : memref<!tpu.dma_semaphore, #tpu.memory_space<semaphore_mem>>) src(%dma_wait3A_2159 : memref<401408x96xf32, #tpu.memory_space<hbm>>) dst(%arg16 : memref<112x96xf32, #tpu.memory_space<vmem>>)
      %dma_wait3A_2160 = arith.constant 0 : i32
      %dma_wait3A_2161 = arith.constant 0 : i32
      %dma_wait3A_2162 = tpu.memref_slice %arg2[%dma_wait3A_2160, %dma_wait3A_2161] : memref<401408x96xf32, #tpu.memory_space<hbm>> -> memref<401408x96xf32, #tpu.memory_space<hbm>>
      tpu.wait_indirect_dma semaphore(%arg28 : memref<!tpu.dma_semaphore, #tpu.memory_space<semaphore_mem>>) src(%dma_wait3A_2162 : memref<401408x96xf32, #tpu.memory_space<hbm>>) dst(%arg17 : memref<112x96xf32, #tpu.memory_space<vmem>>)
      %dma_wait3A_2163 = arith.constant 0 : i32
      %dma_wait3A_2164 = arith.constant 0 : i32
      %dma_wait3A_2165 = tpu.memref_slice %arg2[%dma_wait3A_2163, %dma_wait3A_2164] : memref<401408x96xf32, #tpu.memory_space<hbm>> -> memref<401408x96xf32, #tpu.memory_space<hbm>>
      tpu.wait_indirect_dma semaphore(%arg28 : memref<!tpu.dma_semaphore, #tpu.memory_space<semaphore_mem>>) src(%dma_wait3A_2165 : memref<401408x96xf32, #tpu.memory_space<hbm>>) dst(%arg18 : memref<112x96xf32, #tpu.memory_space<vmem>>)
      %dma_wait3A_2166 = arith.constant 0 : i32
      %dma_wait3A_2167 = arith.constant 0 : i32
      %dma_wait3A_2168 = tpu.memref_slice %arg2[%dma_wait3A_2166, %dma_wait3A_2167] : memref<401408x96xf32, #tpu.memory_space<hbm>> -> memref<401408x96xf32, #tpu.memory_space<hbm>>
      tpu.wait_indirect_dma semaphore(%arg28 : memref<!tpu.dma_semaphore, #tpu.memory_space<semaphore_mem>>) src(%dma_wait3A_2168 : memref<401408x96xf32, #tpu.memory_space<hbm>>) dst(%arg19 : memref<112x96xf32, #tpu.memory_space<vmem>>)
      %mul3A_2169 = arith.constant 224 : i32
      %mul3A_2170 = arith.muli %add3A_1116, %mul3A_2169 : i32
      %add3A_2171 = arith.addi %mul3A_56, %mul3A_2170 : i32
      %add3A_2172 = arith.constant 0 : i32
      %add3A_2173 = arith.addi %add3A_2171, %add3A_2172 : i32
      %gt3A = arith.constant 0 : i32
      %gt3A_2174 = arith.cmpi sgt, %scan3A_1113, %gt3A : i32
      %convert_element_type3A_2175 = arith.extui %gt3A_2174 : i1 to i32
      %cond3A = arith.constant 0 : i32
      %cond3A_2176 = arith.cmpi ne, %convert_element_type3A_2175, %cond3A : i32
      scf.if %cond3A_2176 {
        %dma_wait3A_2219 = arith.constant 0 : i32
        %dma_wait3A_2220 = tpu.memref_slice %arg5[%add3A_2173, %dma_wait3A_2219] : memref<401408x96xf32, #tpu.memory_space<hbm>> -> memref<112x96xf32, #tpu.memory_space<hbm>>
        %dma_wait3A_2221 = arith.constant 0 : i32
        %dma_wait3A_2222 = tpu.memref_slice %arg5[%add3A_2173, %dma_wait3A_2221] : memref<401408x96xf32, #tpu.memory_space<hbm>> -> memref<112x96xf32, #tpu.memory_space<hbm>>
        tpu.wait_dma2 semaphore(%arg30 : memref<!tpu.dma_semaphore, #tpu.memory_space<semaphore_mem>>) src(%arg24 : memref<112x96xf32, #tpu.memory_space<vmem>>) dst(%dma_wait3A_2222 : memref<112x96xf32, #tpu.memory_space<hbm>>)
      } else {
      }
      %parallel_loop3A = arith.constant 0 : i32
      %parallel_loop3A_2177 = arith.constant 112 : i32
      %parallel_loop3A_2178 = arith.constant 1 : i32
      scf.for %parallel_loop3A_2219 = %parallel_loop3A to %parallel_loop3A_2177 step %parallel_loop3A_2178  : i32 {
        %parallel_loop3A_2220 = arith.constant 16 : i32
        %parallel_loop3A_2221 = arith.divsi %parallel_loop3A_2219, %parallel_loop3A_2220 : i32
        %parallel_loop3A_2222 = arith.constant 0 : i32
        %parallel_loop3A_2223 = arith.cmpi sgt, %parallel_loop3A_2219, %parallel_loop3A_2222 : i32
        %parallel_loop3A_2224 = arith.extui %parallel_loop3A_2223 : i1 to i32
        %parallel_loop3A_2225 = arith.constant 0 : i32
        %parallel_loop3A_2226 = arith.cmpi slt, %parallel_loop3A_2219, %parallel_loop3A_2225 : i32
        %parallel_loop3A_2227 = arith.extui %parallel_loop3A_2226 : i1 to i32
        %parallel_loop3A_2228 = arith.subi %parallel_loop3A_2224, %parallel_loop3A_2227 : i32
        %parallel_loop3A_2229 = arith.constant 0 : i32
        %parallel_loop3A_2230 = arith.cmpi sgt, %parallel_loop3A_2220, %parallel_loop3A_2229 : i32
        %parallel_loop3A_2231 = arith.extui %parallel_loop3A_2230 : i1 to i32
        %parallel_loop3A_2232 = arith.constant 0 : i32
        %parallel_loop3A_2233 = arith.cmpi slt, %parallel_loop3A_2220, %parallel_loop3A_2232 : i32
        %parallel_loop3A_2234 = arith.extui %parallel_loop3A_2233 : i1 to i32
        %parallel_loop3A_2235 = arith.subi %parallel_loop3A_2231, %parallel_loop3A_2234 : i32
        %parallel_loop3A_2236 = arith.cmpi ne, %parallel_loop3A_2228, %parallel_loop3A_2235 : i32
        %parallel_loop3A_2237 = arith.remsi %parallel_loop3A_2219, %parallel_loop3A_2220 : i32
        %parallel_loop3A_2238 = arith.constant 0 : i32
        %parallel_loop3A_2239 = arith.cmpi ne, %parallel_loop3A_2237, %parallel_loop3A_2238 : i32
        %parallel_loop3A_2240 = arith.andi %parallel_loop3A_2236, %parallel_loop3A_2239 : i1
        %parallel_loop3A_2241 = arith.constant 1 : i32
        %parallel_loop3A_2242 = arith.subi %parallel_loop3A_2221, %parallel_loop3A_2241 : i32
        %parallel_loop3A_2243 = arith.select %parallel_loop3A_2240, %parallel_loop3A_2242, %parallel_loop3A_2221 : i32
        %parallel_loop3A_2244 = arith.constant 16 : i32
        %parallel_loop3A_2245 = arith.muli %parallel_loop3A_2243, %parallel_loop3A_2244 : i32
        %parallel_loop3A_2246 = arith.subi %parallel_loop3A_2219, %parallel_loop3A_2245 : i32
        %parallel_loop3A_2247 = tpu.iota {dimensions = array<i32: 0>} : vector<16xi32>
        %parallel_loop3A_2248 = arith.constant 0 : i32
        %parallel_loop3A_2249 = vector.broadcast %parallel_loop3A_2248 : i32 to vector<16xi32>
        %parallel_loop3A_2250 = arith.muli %parallel_loop3A_2247, %parallel_loop3A_2249 : vector<16xi32>
        %parallel_loop3A_2251 = vector.broadcast %parallel_loop3A_2246 : i32 to vector<16xi32>
        %parallel_loop3A_2252 = arith.addi %parallel_loop3A_2250, %parallel_loop3A_2251 : vector<16xi32>
        %parallel_loop3A_2253 = vector.shape_cast %parallel_loop3A_2252 : vector<16xi32> to vector<16x1xi32>
        %parallel_loop3A_2254 = arith.constant 0 : i32
        %parallel_loop3A_2255 = arith.index_cast %parallel_loop3A_2254 : i32 to index
        %parallel_loop3A_2256 = arith.index_cast %parallel_loop3A_2245 : i32 to index
        %parallel_loop3A_2257 = tpu.vector_load %arg14[%parallel_loop3A_2255, %parallel_loop3A_2256] {strides = array<i32>} : memref<4x112xf32, #tpu.memory_space<vmem>>, vector<1x16xf32>,
        %parallel_loop3A_2258 = vector.shape_cast %parallel_loop3A_2257 : vector<1x16xf32> to vector<16xf32>
        %parallel_loop3A_2259 = vector.shape_cast %parallel_loop3A_2253 : vector<16x1xi32> to vector<16xi32>
        %parallel_loop3A_2260 = tpu.dynamic_gather %parallel_loop3A_2258[%parallel_loop3A_2259] in [0] : vector<16xf32>, vector<16xi32> -> vector<16xf32>
        %parallel_loop3A_2261 = arith.constant 1 : i32
        %parallel_loop3A_2262 = arith.index_cast %parallel_loop3A_2261 : i32 to index
        %parallel_loop3A_2263 = arith.index_cast %parallel_loop3A_2245 : i32 to index
        %parallel_loop3A_2264 = tpu.vector_load %arg14[%parallel_loop3A_2262, %parallel_loop3A_2263] {strides = array<i32>} : memref<4x112xf32, #tpu.memory_space<vmem>>, vector<1x16xf32>,
        %parallel_loop3A_2265 = vector.shape_cast %parallel_loop3A_2264 : vector<1x16xf32> to vector<16xf32>
        %parallel_loop3A_2266 = vector.shape_cast %parallel_loop3A_2253 : vector<16x1xi32> to vector<16xi32>
        %parallel_loop3A_2267 = tpu.dynamic_gather %parallel_loop3A_2265[%parallel_loop3A_2266] in [0] : vector<16xf32>, vector<16xi32> -> vector<16xf32>
        %parallel_loop3A_2268 = arith.constant 2 : i32
        %parallel_loop3A_2269 = arith.index_cast %parallel_loop3A_2268 : i32 to index
        %parallel_loop3A_2270 = arith.index_cast %parallel_loop3A_2245 : i32 to index
        %parallel_loop3A_2271 = tpu.vector_load %arg14[%parallel_loop3A_2269, %parallel_loop3A_2270] {strides = array<i32>} : memref<4x112xf32, #tpu.memory_space<vmem>>, vector<1x16xf32>,
        %parallel_loop3A_2272 = vector.shape_cast %parallel_loop3A_2271 : vector<1x16xf32> to vector<16xf32>
        %parallel_loop3A_2273 = vector.shape_cast %parallel_loop3A_2253 : vector<16x1xi32> to vector<16xi32>
        %parallel_loop3A_2274 = tpu.dynamic_gather %parallel_loop3A_2272[%parallel_loop3A_2273] in [0] : vector<16xf32>, vector<16xi32> -> vector<16xf32>
        %parallel_loop3A_2275 = arith.constant 3 : i32
        %parallel_loop3A_2276 = arith.index_cast %parallel_loop3A_2275 : i32 to index
        %parallel_loop3A_2277 = arith.index_cast %parallel_loop3A_2245 : i32 to index
        %parallel_loop3A_2278 = tpu.vector_load %arg14[%parallel_loop3A_2276, %parallel_loop3A_2277] {strides = array<i32>} : memref<4x112xf32, #tpu.memory_space<vmem>>, vector<1x16xf32>,
        %parallel_loop3A_2279 = vector.shape_cast %parallel_loop3A_2278 : vector<1x16xf32> to vector<16xf32>
        %parallel_loop3A_2280 = vector.shape_cast %parallel_loop3A_2253 : vector<16x1xi32> to vector<16xi32>
        %parallel_loop3A_2281 = tpu.dynamic_gather %parallel_loop3A_2279[%parallel_loop3A_2280] in [0] : vector<16xf32>, vector<16xi32> -> vector<16xf32>
        %parallel_loop3A_2282 = arith.index_cast %parallel_loop3A_2219 : i32 to index
        %parallel_loop3A_2283 = arith.constant 0 : index
        %parallel_loop3A_2284 = tpu.vector_load %arg16[%parallel_loop3A_2282, %parallel_loop3A_2283] {strides = array<i32>} : memref<112x96xf32, #tpu.memory_space<vmem>>, vector<1x16xf32>,
        %parallel_loop3A_2285 = vector.shape_cast %parallel_loop3A_2284 : vector<1x16xf32> to vector<16xf32>
        %parallel_loop3A_2286 = arith.mulf %parallel_loop3A_2260, %parallel_loop3A_2285 : vector<16xf32>
        %parallel_loop3A_2287 = arith.index_cast %parallel_loop3A_2219 : i32 to index
        %parallel_loop3A_2288 = arith.constant 0 : index
        %parallel_loop3A_2289 = tpu.vector_load %arg17[%parallel_loop3A_2287, %parallel_loop3A_2288] {strides = array<i32>} : memref<112x96xf32, #tpu.memory_space<vmem>>, vector<1x16xf32>,
        %parallel_loop3A_2290 = vector.shape_cast %parallel_loop3A_2289 : vector<1x16xf32> to vector<16xf32>
        %parallel_loop3A_2291 = arith.mulf %parallel_loop3A_2267, %parallel_loop3A_2290 : vector<16xf32>
        %parallel_loop3A_2292 = arith.addf %parallel_loop3A_2286, %parallel_loop3A_2291 : vector<16xf32>
        %parallel_loop3A_2293 = arith.index_cast %parallel_loop3A_2219 : i32 to index
        %parallel_loop3A_2294 = arith.constant 0 : index
        %parallel_loop3A_2295 = tpu.vector_load %arg18[%parallel_loop3A_2293, %parallel_loop3A_2294] {strides = array<i32>} : memref<112x96xf32, #tpu.memory_space<vmem>>, vector<1x16xf32>,
        %parallel_loop3A_2296 = vector.shape_cast %parallel_loop3A_2295 : vector<1x16xf32> to vector<16xf32>
        %parallel_loop3A_2297 = arith.mulf %parallel_loop3A_2274, %parallel_loop3A_2296 : vector<16xf32>
        %parallel_loop3A_2298 = arith.addf %parallel_loop3A_2292, %parallel_loop3A_2297 : vector<16xf32>
        %parallel_loop3A_2299 = arith.index_cast %parallel_loop3A_2219 : i32 to index
        %parallel_loop3A_2300 = arith.constant 0 : index
        %parallel_loop3A_2301 = tpu.vector_load %arg19[%parallel_loop3A_2299, %parallel_loop3A_2300] {strides = array<i32>} : memref<112x96xf32, #tpu.memory_space<vmem>>, vector<1x16xf32>,
        %parallel_loop3A_2302 = vector.shape_cast %parallel_loop3A_2301 : vector<1x16xf32> to vector<16xf32>
        %parallel_loop3A_2303 = arith.mulf %parallel_loop3A_2281, %parallel_loop3A_2302 : vector<16xf32>
        %parallel_loop3A_2304 = arith.addf %parallel_loop3A_2298, %parallel_loop3A_2303 : vector<16xf32>
        %parallel_loop3A_2305 = arith.index_cast %parallel_loop3A_2219 : i32 to index
        %parallel_loop3A_2306 = arith.constant 0 : index
        %parallel_loop3A_2307 = tpu.vector_load %arg24[%parallel_loop3A_2305, %parallel_loop3A_2306] {strides = array<i32>} : memref<112x96xf32, #tpu.memory_space<vmem>>, vector<1x16xf32>,
        %parallel_loop3A_2308 = vector.shape_cast %parallel_loop3A_2307 : vector<1x16xf32> to vector<16xf32>
        %parallel_loop3A_2309 = vector.shape_cast %parallel_loop3A_2304 : vector<16xf32> to vector<1x16xf32>
        tpu.vector_store %arg24[%parallel_loop3A_2305, %parallel_loop3A_2306], %parallel_loop3A_2309 {strides = array<i32>} : memref<112x96xf32, #tpu.memory_space<vmem>>, vector<1x16xf32>,
        %parallel_loop3A_2310 = arith.index_cast %parallel_loop3A_2219 : i32 to index
        %parallel_loop3A_2311 = arith.constant 16 : index
        %parallel_loop3A_2312 = tpu.vector_load %arg16[%parallel_loop3A_2310, %parallel_loop3A_2311] {strides = array<i32>} : memref<112x96xf32, #tpu.memory_space<vmem>>, vector<1x16xf32>,
        %parallel_loop3A_2313 = vector.shape_cast %parallel_loop3A_2312 : vector<1x16xf32> to vector<16xf32>
        %parallel_loop3A_2314 = arith.mulf %parallel_loop3A_2260, %parallel_loop3A_2313 : vector<16xf32>
        %parallel_loop3A_2315 = arith.index_cast %parallel_loop3A_2219 : i32 to index
        %parallel_loop3A_2316 = arith.constant 16 : index
        %parallel_loop3A_2317 = tpu.vector_load %arg17[%parallel_loop3A_2315, %parallel_loop3A_2316] {strides = array<i32>} : memref<112x96xf32, #tpu.memory_space<vmem>>, vector<1x16xf32>,
        %parallel_loop3A_2318 = vector.shape_cast %parallel_loop3A_2317 : vector<1x16xf32> to vector<16xf32>
        %parallel_loop3A_2319 = arith.mulf %parallel_loop3A_2267, %parallel_loop3A_2318 : vector<16xf32>
        %parallel_loop3A_2320 = arith.addf %parallel_loop3A_2314, %parallel_loop3A_2319 : vector<16xf32>
        %parallel_loop3A_2321 = arith.index_cast %parallel_loop3A_2219 : i32 to index
        %parallel_loop3A_2322 = arith.constant 16 : index
        %parallel_loop3A_2323 = tpu.vector_load %arg18[%parallel_loop3A_2321, %parallel_loop3A_2322] {strides = array<i32>} : memref<112x96xf32, #tpu.memory_space<vmem>>, vector<1x16xf32>,
        %parallel_loop3A_2324 = vector.shape_cast %parallel_loop3A_2323 : vector<1x16xf32> to vector<16xf32>
        %parallel_loop3A_2325 = arith.mulf %parallel_loop3A_2274, %parallel_loop3A_2324 : vector<16xf32>
        %parallel_loop3A_2326 = arith.addf %parallel_loop3A_2320, %parallel_loop3A_2325 : vector<16xf32>
        %parallel_loop3A_2327 = arith.index_cast %parallel_loop3A_2219 : i32 to index
        %parallel_loop3A_2328 = arith.constant 16 : index
        %parallel_loop3A_2329 = tpu.vector_load %arg19[%parallel_loop3A_2327, %parallel_loop3A_2328] {strides = array<i32>} : memref<112x96xf32, #tpu.memory_space<vmem>>, vector<1x16xf32>,
        %parallel_loop3A_2330 = vector.shape_cast %parallel_loop3A_2329 : vector<1x16xf32> to vector<16xf32>
        %parallel_loop3A_2331 = arith.mulf %parallel_loop3A_2281, %parallel_loop3A_2330 : vector<16xf32>
        %parallel_loop3A_2332 = arith.addf %parallel_loop3A_2326, %parallel_loop3A_2331 : vector<16xf32>
        %parallel_loop3A_2333 = arith.index_cast %parallel_loop3A_2219 : i32 to index
        %parallel_loop3A_2334 = arith.constant 16 : index
        %parallel_loop3A_2335 = tpu.vector_load %arg24[%parallel_loop3A_2333, %parallel_loop3A_2334] {strides = array<i32>} : memref<112x96xf32, #tpu.memory_space<vmem>>, vector<1x16xf32>,
        %parallel_loop3A_2336 = vector.shape_cast %parallel_loop3A_2335 : vector<1x16xf32> to vector<16xf32>
        %parallel_loop3A_2337 = vector.shape_cast %parallel_loop3A_2332 : vector<16xf32> to vector<1x16xf32>
        tpu.vector_store %arg24[%parallel_loop3A_2333, %parallel_loop3A_2334], %parallel_loop3A_2337 {strides = array<i32>} : memref<112x96xf32, #tpu.memory_space<vmem>>, vector<1x16xf32>,
        %parallel_loop3A_2338 = arith.index_cast %parallel_loop3A_2219 : i32 to index
        %parallel_loop3A_2339 = arith.constant 32 : index
        %parallel_loop3A_2340 = tpu.vector_load %arg16[%parallel_loop3A_2338, %parallel_loop3A_2339] {strides = array<i32>} : memref<112x96xf32, #tpu.memory_space<vmem>>, vector<1x16xf32>,
        %parallel_loop3A_2341 = vector.shape_cast %parallel_loop3A_2340 : vector<1x16xf32> to vector<16xf32>
        %parallel_loop3A_2342 = arith.mulf %parallel_loop3A_2260, %parallel_loop3A_2341 : vector<16xf32>
        %parallel_loop3A_2343 = arith.index_cast %parallel_loop3A_2219 : i32 to index
        %parallel_loop3A_2344 = arith.constant 32 : index
        %parallel_loop3A_2345 = tpu.vector_load %arg17[%parallel_loop3A_2343, %parallel_loop3A_2344] {strides = array<i32>} : memref<112x96xf32, #tpu.memory_space<vmem>>, vector<1x16xf32>,
        %parallel_loop3A_2346 = vector.shape_cast %parallel_loop3A_2345 : vector<1x16xf32> to vector<16xf32>
        %parallel_loop3A_2347 = arith.mulf %parallel_loop3A_2267, %parallel_loop3A_2346 : vector<16xf32>
        %parallel_loop3A_2348 = arith.addf %parallel_loop3A_2342, %parallel_loop3A_2347 : vector<16xf32>
        %parallel_loop3A_2349 = arith.index_cast %parallel_loop3A_2219 : i32 to index
        %parallel_loop3A_2350 = arith.constant 32 : index
        %parallel_loop3A_2351 = tpu.vector_load %arg18[%parallel_loop3A_2349, %parallel_loop3A_2350] {strides = array<i32>} : memref<112x96xf32, #tpu.memory_space<vmem>>, vector<1x16xf32>,
        %parallel_loop3A_2352 = vector.shape_cast %parallel_loop3A_2351 : vector<1x16xf32> to vector<16xf32>
        %parallel_loop3A_2353 = arith.mulf %parallel_loop3A_2274, %parallel_loop3A_2352 : vector<16xf32>
        %parallel_loop3A_2354 = arith.addf %parallel_loop3A_2348, %parallel_loop3A_2353 : vector<16xf32>
        %parallel_loop3A_2355 = arith.index_cast %parallel_loop3A_2219 : i32 to index
        %parallel_loop3A_2356 = arith.constant 32 : index
        %parallel_loop3A_2357 = tpu.vector_load %arg19[%parallel_loop3A_2355, %parallel_loop3A_2356] {strides = array<i32>} : memref<112x96xf32, #tpu.memory_space<vmem>>, vector<1x16xf32>,
        %parallel_loop3A_2358 = vector.shape_cast %parallel_loop3A_2357 : vector<1x16xf32> to vector<16xf32>
        %parallel_loop3A_2359 = arith.mulf %parallel_loop3A_2281, %parallel_loop3A_2358 : vector<16xf32>
        %parallel_loop3A_2360 = arith.addf %parallel_loop3A_2354, %parallel_loop3A_2359 : vector<16xf32>
        %parallel_loop3A_2361 = arith.index_cast %parallel_loop3A_2219 : i32 to index
        %parallel_loop3A_2362 = arith.constant 32 : index
        %parallel_loop3A_2363 = tpu.vector_load %arg24[%parallel_loop3A_2361, %parallel_loop3A_2362] {strides = array<i32>} : memref<112x96xf32, #tpu.memory_space<vmem>>, vector<1x16xf32>,
        %parallel_loop3A_2364 = vector.shape_cast %parallel_loop3A_2363 : vector<1x16xf32> to vector<16xf32>
        %parallel_loop3A_2365 = vector.shape_cast %parallel_loop3A_2360 : vector<16xf32> to vector<1x16xf32>
        tpu.vector_store %arg24[%parallel_loop3A_2361, %parallel_loop3A_2362], %parallel_loop3A_2365 {strides = array<i32>} : memref<112x96xf32, #tpu.memory_space<vmem>>, vector<1x16xf32>,
        %parallel_loop3A_2366 = arith.index_cast %parallel_loop3A_2219 : i32 to index
        %parallel_loop3A_2367 = arith.constant 48 : index
        %parallel_loop3A_2368 = tpu.vector_load %arg16[%parallel_loop3A_2366, %parallel_loop3A_2367] {strides = array<i32>} : memref<112x96xf32, #tpu.memory_space<vmem>>, vector<1x16xf32>,
        %parallel_loop3A_2369 = vector.shape_cast %parallel_loop3A_2368 : vector<1x16xf32> to vector<16xf32>
        %parallel_loop3A_2370 = arith.mulf %parallel_loop3A_2260, %parallel_loop3A_2369 : vector<16xf32>
        %parallel_loop3A_2371 = arith.index_cast %parallel_loop3A_2219 : i32 to index
        %parallel_loop3A_2372 = arith.constant 48 : index
        %parallel_loop3A_2373 = tpu.vector_load %arg17[%parallel_loop3A_2371, %parallel_loop3A_2372] {strides = array<i32>} : memref<112x96xf32, #tpu.memory_space<vmem>>, vector<1x16xf32>,
        %parallel_loop3A_2374 = vector.shape_cast %parallel_loop3A_2373 : vector<1x16xf32> to vector<16xf32>
        %parallel_loop3A_2375 = arith.mulf %parallel_loop3A_2267, %parallel_loop3A_2374 : vector<16xf32>
        %parallel_loop3A_2376 = arith.addf %parallel_loop3A_2370, %parallel_loop3A_2375 : vector<16xf32>
        %parallel_loop3A_2377 = arith.index_cast %parallel_loop3A_2219 : i32 to index
        %parallel_loop3A_2378 = arith.constant 48 : index
        %parallel_loop3A_2379 = tpu.vector_load %arg18[%parallel_loop3A_2377, %parallel_loop3A_2378] {strides = array<i32>} : memref<112x96xf32, #tpu.memory_space<vmem>>, vector<1x16xf32>,
        %parallel_loop3A_2380 = vector.shape_cast %parallel_loop3A_2379 : vector<1x16xf32> to vector<16xf32>
        %parallel_loop3A_2381 = arith.mulf %parallel_loop3A_2274, %parallel_loop3A_2380 : vector<16xf32>
        %parallel_loop3A_2382 = arith.addf %parallel_loop3A_2376, %parallel_loop3A_2381 : vector<16xf32>
        %parallel_loop3A_2383 = arith.index_cast %parallel_loop3A_2219 : i32 to index
        %parallel_loop3A_2384 = arith.constant 48 : index
        %parallel_loop3A_2385 = tpu.vector_load %arg19[%parallel_loop3A_2383, %parallel_loop3A_2384] {strides = array<i32>} : memref<112x96xf32, #tpu.memory_space<vmem>>, vector<1x16xf32>,
        %parallel_loop3A_2386 = vector.shape_cast %parallel_loop3A_2385 : vector<1x16xf32> to vector<16xf32>
        %parallel_loop3A_2387 = arith.mulf %parallel_loop3A_2281, %parallel_loop3A_2386 : vector<16xf32>
        %parallel_loop3A_2388 = arith.addf %parallel_loop3A_2382, %parallel_loop3A_2387 : vector<16xf32>
        %parallel_loop3A_2389 = arith.index_cast %parallel_loop3A_2219 : i32 to index
        %parallel_loop3A_2390 = arith.constant 48 : index
        %parallel_loop3A_2391 = tpu.vector_load %arg24[%parallel_loop3A_2389, %parallel_loop3A_2390] {strides = array<i32>} : memref<112x96xf32, #tpu.memory_space<vmem>>, vector<1x16xf32>,
        %parallel_loop3A_2392 = vector.shape_cast %parallel_loop3A_2391 : vector<1x16xf32> to vector<16xf32>
        %parallel_loop3A_2393 = vector.shape_cast %parallel_loop3A_2388 : vector<16xf32> to vector<1x16xf32>
        tpu.vector_store %arg24[%parallel_loop3A_2389, %parallel_loop3A_2390], %parallel_loop3A_2393 {strides = array<i32>} : memref<112x96xf32, #tpu.memory_space<vmem>>, vector<1x16xf32>,
        %parallel_loop3A_2394 = arith.index_cast %parallel_loop3A_2219 : i32 to index
        %parallel_loop3A_2395 = arith.constant 64 : index
        %parallel_loop3A_2396 = tpu.vector_load %arg16[%parallel_loop3A_2394, %parallel_loop3A_2395] {strides = array<i32>} : memref<112x96xf32, #tpu.memory_space<vmem>>, vector<1x16xf32>,
        %parallel_loop3A_2397 = vector.shape_cast %parallel_loop3A_2396 : vector<1x16xf32> to vector<16xf32>
        %parallel_loop3A_2398 = arith.mulf %parallel_loop3A_2260, %parallel_loop3A_2397 : vector<16xf32>
        %parallel_loop3A_2399 = arith.index_cast %parallel_loop3A_2219 : i32 to index
        %parallel_loop3A_2400 = arith.constant 64 : index
        %parallel_loop3A_2401 = tpu.vector_load %arg17[%parallel_loop3A_2399, %parallel_loop3A_2400] {strides = array<i32>} : memref<112x96xf32, #tpu.memory_space<vmem>>, vector<1x16xf32>,
        %parallel_loop3A_2402 = vector.shape_cast %parallel_loop3A_2401 : vector<1x16xf32> to vector<16xf32>
        %parallel_loop3A_2403 = arith.mulf %parallel_loop3A_2267, %parallel_loop3A_2402 : vector<16xf32>
        %parallel_loop3A_2404 = arith.addf %parallel_loop3A_2398, %parallel_loop3A_2403 : vector<16xf32>
        %parallel_loop3A_2405 = arith.index_cast %parallel_loop3A_2219 : i32 to index
        %parallel_loop3A_2406 = arith.constant 64 : index
        %parallel_loop3A_2407 = tpu.vector_load %arg18[%parallel_loop3A_2405, %parallel_loop3A_2406] {strides = array<i32>} : memref<112x96xf32, #tpu.memory_space<vmem>>, vector<1x16xf32>,
        %parallel_loop3A_2408 = vector.shape_cast %parallel_loop3A_2407 : vector<1x16xf32> to vector<16xf32>
        %parallel_loop3A_2409 = arith.mulf %parallel_loop3A_2274, %parallel_loop3A_2408 : vector<16xf32>
        %parallel_loop3A_2410 = arith.addf %parallel_loop3A_2404, %parallel_loop3A_2409 : vector<16xf32>
        %parallel_loop3A_2411 = arith.index_cast %parallel_loop3A_2219 : i32 to index
        %parallel_loop3A_2412 = arith.constant 64 : index
        %parallel_loop3A_2413 = tpu.vector_load %arg19[%parallel_loop3A_2411, %parallel_loop3A_2412] {strides = array<i32>} : memref<112x96xf32, #tpu.memory_space<vmem>>, vector<1x16xf32>,
        %parallel_loop3A_2414 = vector.shape_cast %parallel_loop3A_2413 : vector<1x16xf32> to vector<16xf32>
        %parallel_loop3A_2415 = arith.mulf %parallel_loop3A_2281, %parallel_loop3A_2414 : vector<16xf32>
        %parallel_loop3A_2416 = arith.addf %parallel_loop3A_2410, %parallel_loop3A_2415 : vector<16xf32>
        %parallel_loop3A_2417 = arith.index_cast %parallel_loop3A_2219 : i32 to index
        %parallel_loop3A_2418 = arith.constant 64 : index
        %parallel_loop3A_2419 = tpu.vector_load %arg24[%parallel_loop3A_2417, %parallel_loop3A_2418] {strides = array<i32>} : memref<112x96xf32, #tpu.memory_space<vmem>>, vector<1x16xf32>,
        %parallel_loop3A_2420 = vector.shape_cast %parallel_loop3A_2419 : vector<1x16xf32> to vector<16xf32>
        %parallel_loop3A_2421 = vector.shape_cast %parallel_loop3A_2416 : vector<16xf32> to vector<1x16xf32>
        tpu.vector_store %arg24[%parallel_loop3A_2417, %parallel_loop3A_2418], %parallel_loop3A_2421 {strides = array<i32>} : memref<112x96xf32, #tpu.memory_space<vmem>>, vector<1x16xf32>,
        %parallel_loop3A_2422 = arith.index_cast %parallel_loop3A_2219 : i32 to index
        %parallel_loop3A_2423 = arith.constant 80 : index
        %parallel_loop3A_2424 = tpu.vector_load %arg16[%parallel_loop3A_2422, %parallel_loop3A_2423] {strides = array<i32>} : memref<112x96xf32, #tpu.memory_space<vmem>>, vector<1x16xf32>,
        %parallel_loop3A_2425 = vector.shape_cast %parallel_loop3A_2424 : vector<1x16xf32> to vector<16xf32>
        %parallel_loop3A_2426 = arith.mulf %parallel_loop3A_2260, %parallel_loop3A_2425 : vector<16xf32>
        %parallel_loop3A_2427 = arith.index_cast %parallel_loop3A_2219 : i32 to index
        %parallel_loop3A_2428 = arith.constant 80 : index
        %parallel_loop3A_2429 = tpu.vector_load %arg17[%parallel_loop3A_2427, %parallel_loop3A_2428] {strides = array<i32>} : memref<112x96xf32, #tpu.memory_space<vmem>>, vector<1x16xf32>,
        %parallel_loop3A_2430 = vector.shape_cast %parallel_loop3A_2429 : vector<1x16xf32> to vector<16xf32>
        %parallel_loop3A_2431 = arith.mulf %parallel_loop3A_2267, %parallel_loop3A_2430 : vector<16xf32>
        %parallel_loop3A_2432 = arith.addf %parallel_loop3A_2426, %parallel_loop3A_2431 : vector<16xf32>
        %parallel_loop3A_2433 = arith.index_cast %parallel_loop3A_2219 : i32 to index
        %parallel_loop3A_2434 = arith.constant 80 : index
        %parallel_loop3A_2435 = tpu.vector_load %arg18[%parallel_loop3A_2433, %parallel_loop3A_2434] {strides = array<i32>} : memref<112x96xf32, #tpu.memory_space<vmem>>, vector<1x16xf32>,
        %parallel_loop3A_2436 = vector.shape_cast %parallel_loop3A_2435 : vector<1x16xf32> to vector<16xf32>
        %parallel_loop3A_2437 = arith.mulf %parallel_loop3A_2274, %parallel_loop3A_2436 : vector<16xf32>
        %parallel_loop3A_2438 = arith.addf %parallel_loop3A_2432, %parallel_loop3A_2437 : vector<16xf32>
        %parallel_loop3A_2439 = arith.index_cast %parallel_loop3A_2219 : i32 to index
        %parallel_loop3A_2440 = arith.constant 80 : index
        %parallel_loop3A_2441 = tpu.vector_load %arg19[%parallel_loop3A_2439, %parallel_loop3A_2440] {strides = array<i32>} : memref<112x96xf32, #tpu.memory_space<vmem>>, vector<1x16xf32>,
        %parallel_loop3A_2442 = vector.shape_cast %parallel_loop3A_2441 : vector<1x16xf32> to vector<16xf32>
        %parallel_loop3A_2443 = arith.mulf %parallel_loop3A_2281, %parallel_loop3A_2442 : vector<16xf32>
        %parallel_loop3A_2444 = arith.addf %parallel_loop3A_2438, %parallel_loop3A_2443 : vector<16xf32>
        %parallel_loop3A_2445 = arith.index_cast %parallel_loop3A_2219 : i32 to index
        %parallel_loop3A_2446 = arith.constant 80 : index
        %parallel_loop3A_2447 = tpu.vector_load %arg24[%parallel_loop3A_2445, %parallel_loop3A_2446] {strides = array<i32>} : memref<112x96xf32, #tpu.memory_space<vmem>>, vector<1x16xf32>,
        %parallel_loop3A_2448 = vector.shape_cast %parallel_loop3A_2447 : vector<1x16xf32> to vector<16xf32>
        %parallel_loop3A_2449 = vector.shape_cast %parallel_loop3A_2444 : vector<16xf32> to vector<1x16xf32>
        tpu.vector_store %arg24[%parallel_loop3A_2445, %parallel_loop3A_2446], %parallel_loop3A_2449 {strides = array<i32>} : memref<112x96xf32, #tpu.memory_space<vmem>>, vector<1x16xf32>,
      } {sc.loop_unroll_factor = 4 : i64, sc.parallel_access}
      %dma_start3A_2179 = arith.constant 0 : i32
      %dma_start3A_2180 = tpu.memref_slice %arg5[%add3A_2173, %dma_start3A_2179] : memref<401408x96xf32, #tpu.memory_space<hbm>> -> memref<112x96xf32, #tpu.memory_space<hbm>>
      %dma_start3A_2181 = arith.constant 0 : i32
      %dma_start3A_2182 = tpu.memref_slice %arg5[%add3A_2173, %dma_start3A_2181] : memref<401408x96xf32, #tpu.memory_space<hbm>> -> memref<112x96xf32, #tpu.memory_space<hbm>>
      tpu.enqueue_dma source(%arg24 : memref<112x96xf32, #tpu.memory_space<vmem>>) target(%dma_start3A_2182 : memref<112x96xf32, #tpu.memory_space<hbm>>) target_semaphore(%arg30 : memref<!tpu.dma_semaphore, #tpu.memory_space<semaphore_mem>>)
      %add3A_2183 = arith.constant 1 : i32
      %add3A_2184 = arith.addi %add3A_1116, %add3A_2183 : i32
      %lt3A_2185 = arith.constant 55 : i32
      %lt3A_2186 = arith.cmpi slt, %scan3A_1113, %lt3A_2185 : i32
      %convert_element_type3A_2187 = arith.extui %lt3A_2186 : i1 to i32
      %cond3A_2188 = arith.constant 0 : i32
      %cond3A_2189 = arith.cmpi ne, %convert_element_type3A_2187, %cond3A_2188 : i32
      scf.if %cond3A_2189 {
        %jit3A_2219 = arith.constant 16 : i32
        %div3A_2220 = arith.divsi %add3A_2184, %jit3A_2219 : i32
        %sign3A_2221 = arith.constant 0 : i32
        %sign3A_2222 = arith.cmpi sgt, %add3A_2184, %sign3A_2221 : i32
        %sign3A_2223 = arith.extui %sign3A_2222 : i1 to i32
        %sign3A_2224 = arith.constant 0 : i32
        %sign3A_2225 = arith.cmpi slt, %add3A_2184, %sign3A_2224 : i32
        %sign3A_2226 = arith.extui %sign3A_2225 : i1 to i32
        %sign3A_2227 = arith.subi %sign3A_2223, %sign3A_2226 : i32
        %sign3A_2228 = arith.constant 0 : i32
        %sign3A_2229 = arith.cmpi sgt, %jit3A_2219, %sign3A_2228 : i32
        %sign3A_2230 = arith.extui %sign3A_2229 : i1 to i32
        %sign3A_2231 = arith.constant 0 : i32
        %sign3A_2232 = arith.cmpi slt, %jit3A_2219, %sign3A_2231 : i32
        %sign3A_2233 = arith.extui %sign3A_2232 : i1 to i32
        %sign3A_2234 = arith.subi %sign3A_2230, %sign3A_2233 : i32
        %ne3A_2235 = arith.cmpi ne, %sign3A_2227, %sign3A_2234 : i32
        %rem3A_2236 = arith.remsi %add3A_2184, %jit3A_2219 : i32
        %ne3A_2237 = arith.constant 0 : i32
        %ne3A_2238 = arith.cmpi ne, %rem3A_2236, %ne3A_2237 : i32
        %and3A_2239 = arith.andi %ne3A_2235, %ne3A_2238 : i1
        %sub3A_2240 = arith.constant 1 : i32
        %sub3A_2241 = arith.subi %div3A_2220, %sub3A_2240 : i32
        %select_n3A_2242 = arith.select %and3A_2239, %sub3A_2241, %div3A_2220 : i32
        %mul3A_2243 = arith.constant 16 : i32
        %mul3A_2244 = arith.muli %select_n3A_2242, %mul3A_2243 : i32
        %get3A_2245 = arith.index_cast %mul3A_2244 : i32 to index
        %get3A_2246 = tpu.vector_load %arg27[%get3A_2245] {strides = array<i32>} : memref<240xf32, #tpu.memory_space<vmem>>, vector<16xf32>,
        %get3A_2247 = vector.shape_cast %get3A_2246 : vector<16xf32> to vector<16xf32>
        %sub3A_2248 = arith.subi %add3A_2184, %mul3A_2244 : i32
        %iota3A_2249 = tpu.iota {dimensions = array<i32: 0>} : vector<16xi32>
        %mul3A_2250 = arith.constant 0 : i32
        %mul3A_2251 = vector.broadcast %mul3A_2250 : i32 to vector<16xi32>
        %mul3A_2252 = arith.muli %iota3A_2249, %mul3A_2251 : vector<16xi32>
        %add3A_2253 = vector.broadcast %sub3A_2248 : i32 to vector<16xi32>
        %add3A_2254 = arith.addi %mul3A_2252, %add3A_2253 : vector<16xi32>
        %reshape3A_2255 = vector.shape_cast %add3A_2254 : vector<16xi32> to vector<16x1xi32>
        %gather3A_2256 = vector.shape_cast %reshape3A_2255 : vector<16x1xi32> to vector<16xi32>
        %gather3A_2257 = tpu.dynamic_gather %get3A_2247[%gather3A_2256] in [0] : vector<16xf32>, vector<16xi32> -> vector<16xf32>
        %get3A_2258 = arith.constant 0 : index
        %get3A_2259 = tpu.vector_load %arg27[%get3A_2258] {strides = array<i32>} : memref<240xf32, #tpu.memory_space<vmem>>, vector<16xf32>,
        %get3A_2260 = vector.shape_cast %get3A_2259 : vector<16xf32> to vector<16xf32>
        %mul3A_2261 = arith.mulf %gather3A_34, %get3A_2260 : vector<16xf32>
        %mul3A_2262 = arith.mulf %gather3A_38, %gather3A_2257 : vector<16xf32>
        %add3A_2263 = arith.addf %mul3A_2261, %mul3A_2262 : vector<16xf32>
        %add3A_2264 = arith.addf %add3A_2263, %gather3A_42 : vector<16xf32>
        %mul3A_2265 = arith.mulf %gather3A_46, %get3A_2260 : vector<16xf32>
        %mul3A_2266 = arith.mulf %gather3A_50, %gather3A_2257 : vector<16xf32>
        %add3A_2267 = arith.addf %mul3A_2265, %mul3A_2266 : vector<16xf32>
        %add3A_2268 = arith.addf %add3A_2267, %gather3A_54 : vector<16xf32>
        %add3A_2269 = arith.constant 1.000000e+00 : f32
        %add3A_2270 = vector.broadcast %add3A_2269 : f32 to vector<16xf32>
        %add3A_2271 = arith.addf %add3A_2264, %add3A_2270 : vector<16xf32>
        %mul3A_2272 = arith.constant 5.000000e-01 : f32
        %mul3A_2273 = vector.broadcast %mul3A_2272 : f32 to vector<16xf32>
        %mul3A_2274 = arith.mulf %mul3A_2273, %add3A_2271 : vector<16xf32>
        %mul3A_2275 = arith.constant 2.240000e+02 : f32
        %mul3A_2276 = vector.broadcast %mul3A_2275 : f32 to vector<16xf32>
        %mul3A_2277 = arith.mulf %mul3A_2274, %mul3A_2276 : vector<16xf32>
        %add3A_2278 = arith.constant 1.000000e+00 : f32
        %add3A_2279 = vector.broadcast %add3A_2278 : f32 to vector<16xf32>
        %add3A_2280 = arith.addf %add3A_2268, %add3A_2279 : vector<16xf32>
        %mul3A_2281 = arith.constant 5.000000e-01 : f32
        %mul3A_2282 = vector.broadcast %mul3A_2281 : f32 to vector<16xf32>
        %mul3A_2283 = arith.mulf %mul3A_2282, %add3A_2280 : vector<16xf32>
        %mul3A_2284 = arith.constant 2.240000e+02 : f32
        %mul3A_2285 = vector.broadcast %mul3A_2284 : f32 to vector<16xf32>
        %mul3A_2286 = arith.mulf %mul3A_2283, %mul3A_2285 : vector<16xf32>
        %convert_element_type3A_2287 = arith.fptosi %mul3A_2277 : vector<16xf32> to vector<16xi32>
        %add3A_2288 = arith.constant 1 : i32
        %add3A_2289 = vector.broadcast %add3A_2288 : i32 to vector<16xi32>
        %add3A_2290 = arith.addi %convert_element_type3A_2287, %add3A_2289 : vector<16xi32>
        %convert_element_type3A_2291 = arith.fptosi %mul3A_2286 : vector<16xf32> to vector<16xi32>
        %add3A_2292 = arith.constant 1 : i32
        %add3A_2293 = vector.broadcast %add3A_2292 : i32 to vector<16xi32>
        %add3A_2294 = arith.addi %convert_element_type3A_2291, %add3A_2293 : vector<16xi32>
        %jit3A_2295 = arith.constant 0 : i32
        %jit3A_2296 = arith.constant 223 : i32
        %max3A_2297 = vector.broadcast %jit3A_2295 : i32 to vector<16xi32>
        %max3A_2298 = arith.maxsi %max3A_2297, %convert_element_type3A_2287 : vector<16xi32>
        %min3A_2299 = vector.broadcast %jit3A_2296 : i32 to vector<16xi32>
        %min3A_2300 = arith.minsi %min3A_2299, %max3A_2298 : vector<16xi32>
        %jit3A_2301 = arith.constant 0 : i32
        %jit3A_2302 = arith.constant 223 : i32
        %max3A_2303 = vector.broadcast %jit3A_2301 : i32 to vector<16xi32>
        %max3A_2304 = arith.maxsi %max3A_2303, %add3A_2290 : vector<16xi32>
        %min3A_2305 = vector.broadcast %jit3A_2302 : i32 to vector<16xi32>
        %min3A_2306 = arith.minsi %min3A_2305, %max3A_2304 : vector<16xi32>
        %jit3A_2307 = arith.constant 0 : i32
        %jit3A_2308 = arith.constant 223 : i32
        %max3A_2309 = vector.broadcast %jit3A_2307 : i32 to vector<16xi32>
        %max3A_2310 = arith.maxsi %max3A_2309, %convert_element_type3A_2291 : vector<16xi32>
        %min3A_2311 = vector.broadcast %jit3A_2308 : i32 to vector<16xi32>
        %min3A_2312 = arith.minsi %min3A_2311, %max3A_2310 : vector<16xi32>
        %jit3A_2313 = arith.constant 0 : i32
        %jit3A_2314 = arith.constant 223 : i32
        %max3A_2315 = vector.broadcast %jit3A_2313 : i32 to vector<16xi32>
        %max3A_2316 = arith.maxsi %max3A_2315, %add3A_2294 : vector<16xi32>
        %min3A_2317 = vector.broadcast %jit3A_2314 : i32 to vector<16xi32>
        %min3A_2318 = arith.minsi %min3A_2317, %max3A_2316 : vector<16xi32>
        %convert_element_type3A_2319 = arith.sitofp %min3A_2300 : vector<16xi32> to vector<16xf32>
        %convert_element_type3A_2320 = arith.sitofp %min3A_2306 : vector<16xi32> to vector<16xf32>
        %convert_element_type3A_2321 = arith.sitofp %min3A_2312 : vector<16xi32> to vector<16xf32>
        %convert_element_type3A_2322 = arith.sitofp %min3A_2318 : vector<16xi32> to vector<16xf32>
        %mul3A_2323 = arith.constant 224 : i32
        %mul3A_2324 = vector.broadcast %mul3A_2323 : i32 to vector<16xi32>
        %mul3A_2325 = arith.muli %min3A_2312, %mul3A_2324 : vector<16xi32>
        %add3A_2326 = vector.broadcast %mul3A_56 : i32 to vector<16xi32>
        %add3A_2327 = arith.addi %add3A_2326, %mul3A_2325 : vector<16xi32>
        %add3A_2328 = arith.addi %add3A_2327, %min3A_2300 : vector<16xi32>
        %swap3A_2329 = arith.constant 0 : index
        %swap3A_2330 = tpu.vector_load %arg6[%swap3A_2329] {strides = array<i32>} : memref<112xi32, #tpu.memory_space<vmem>>, vector<16xi32>,
        %swap3A_2331 = vector.shape_cast %swap3A_2330 : vector<16xi32> to vector<16xi32>
        %swap3A_2332 = vector.shape_cast %add3A_2328 : vector<16xi32> to vector<16xi32>
        tpu.vector_store %arg6[%swap3A_2329], %swap3A_2332 {strides = array<i32>} : memref<112xi32, #tpu.memory_space<vmem>>, vector<16xi32>,
        %mul3A_2333 = arith.constant 224 : i32
        %mul3A_2334 = vector.broadcast %mul3A_2333 : i32 to vector<16xi32>
        %mul3A_2335 = arith.muli %min3A_2318, %mul3A_2334 : vector<16xi32>
        %add3A_2336 = vector.broadcast %mul3A_56 : i32 to vector<16xi32>
        %add3A_2337 = arith.addi %add3A_2336, %mul3A_2335 : vector<16xi32>
        %add3A_2338 = arith.addi %add3A_2337, %min3A_2300 : vector<16xi32>
        %swap3A_2339 = arith.constant 0 : index
        %swap3A_2340 = tpu.vector_load %arg7[%swap3A_2339] {strides = array<i32>} : memref<112xi32, #tpu.memory_space<vmem>>, vector<16xi32>,
        %swap3A_2341 = vector.shape_cast %swap3A_2340 : vector<16xi32> to vector<16xi32>
        %swap3A_2342 = vector.shape_cast %add3A_2338 : vector<16xi32> to vector<16xi32>
        tpu.vector_store %arg7[%swap3A_2339], %swap3A_2342 {strides = array<i32>} : memref<112xi32, #tpu.memory_space<vmem>>, vector<16xi32>,
        %mul3A_2343 = arith.constant 224 : i32
        %mul3A_2344 = vector.broadcast %mul3A_2343 : i32 to vector<16xi32>
        %mul3A_2345 = arith.muli %min3A_2312, %mul3A_2344 : vector<16xi32>
        %add3A_2346 = vector.broadcast %mul3A_56 : i32 to vector<16xi32>
        %add3A_2347 = arith.addi %add3A_2346, %mul3A_2345 : vector<16xi32>
        %add3A_2348 = arith.addi %add3A_2347, %min3A_2306 : vector<16xi32>
        %swap3A_2349 = arith.constant 0 : index
        %swap3A_2350 = tpu.vector_load %arg8[%swap3A_2349] {strides = array<i32>} : memref<112xi32, #tpu.memory_space<vmem>>, vector<16xi32>,
        %swap3A_2351 = vector.shape_cast %swap3A_2350 : vector<16xi32> to vector<16xi32>
        %swap3A_2352 = vector.shape_cast %add3A_2348 : vector<16xi32> to vector<16xi32>
        tpu.vector_store %arg8[%swap3A_2349], %swap3A_2352 {strides = array<i32>} : memref<112xi32, #tpu.memory_space<vmem>>, vector<16xi32>,
        %mul3A_2353 = arith.constant 224 : i32
        %mul3A_2354 = vector.broadcast %mul3A_2353 : i32 to vector<16xi32>
        %mul3A_2355 = arith.muli %min3A_2318, %mul3A_2354 : vector<16xi32>
        %add3A_2356 = vector.broadcast %mul3A_56 : i32 to vector<16xi32>
        %add3A_2357 = arith.addi %add3A_2356, %mul3A_2355 : vector<16xi32>
        %add3A_2358 = arith.addi %add3A_2357, %min3A_2306 : vector<16xi32>
        %swap3A_2359 = arith.constant 0 : index
        %swap3A_2360 = tpu.vector_load %arg9[%swap3A_2359] {strides = array<i32>} : memref<112xi32, #tpu.memory_space<vmem>>, vector<16xi32>,
        %swap3A_2361 = vector.shape_cast %swap3A_2360 : vector<16xi32> to vector<16xi32>
        %swap3A_2362 = vector.shape_cast %add3A_2358 : vector<16xi32> to vector<16xi32>
        tpu.vector_store %arg9[%swap3A_2359], %swap3A_2362 {strides = array<i32>} : memref<112xi32, #tpu.memory_space<vmem>>, vector<16xi32>,
        %sub3A_2363 = arith.subf %convert_element_type3A_2320, %mul3A_2277 : vector<16xf32>
        %sub3A_2364 = arith.subf %convert_element_type3A_2322, %mul3A_2286 : vector<16xf32>
        %mul3A_2365 = arith.mulf %sub3A_2363, %sub3A_2364 : vector<16xf32>
        %swap3A_2366 = arith.constant 0 : i32
        %swap3A_2367 = arith.index_cast %swap3A_2366 : i32 to index
        %swap3A_2368 = arith.constant 0 : index
        %swap3A_2369 = tpu.vector_load %arg14[%swap3A_2367, %swap3A_2368] {strides = array<i32>} : memref<4x112xf32, #tpu.memory_space<vmem>>, vector<1x16xf32>,
        %swap3A_2370 = vector.shape_cast %swap3A_2369 : vector<1x16xf32> to vector<16xf32>
        %swap3A_2371 = vector.shape_cast %mul3A_2365 : vector<16xf32> to vector<1x16xf32>
        tpu.vector_store %arg14[%swap3A_2367, %swap3A_2368], %swap3A_2371 {strides = array<i32>} : memref<4x112xf32, #tpu.memory_space<vmem>>, vector<1x16xf32>,
        %sub3A_2372 = arith.subf %convert_element_type3A_2320, %mul3A_2277 : vector<16xf32>
        %sub3A_2373 = arith.subf %mul3A_2286, %convert_element_type3A_2321 : vector<16xf32>
        %mul3A_2374 = arith.mulf %sub3A_2372, %sub3A_2373 : vector<16xf32>
        %swap3A_2375 = arith.constant 1 : i32
        %swap3A_2376 = arith.index_cast %swap3A_2375 : i32 to index
        %swap3A_2377 = arith.constant 0 : index
        %swap3A_2378 = tpu.vector_load %arg14[%swap3A_2376, %swap3A_2377] {strides = array<i32>} : memref<4x112xf32, #tpu.memory_space<vmem>>, vector<1x16xf32>,
        %swap3A_2379 = vector.shape_cast %swap3A_2378 : vector<1x16xf32> to vector<16xf32>
        %swap3A_2380 = vector.shape_cast %mul3A_2374 : vector<16xf32> to vector<1x16xf32>
        tpu.vector_store %arg14[%swap3A_2376, %swap3A_2377], %swap3A_2380 {strides = array<i32>} : memref<4x112xf32, #tpu.memory_space<vmem>>, vector<1x16xf32>,
        %sub3A_2381 = arith.subf %mul3A_2277, %convert_element_type3A_2319 : vector<16xf32>
        %sub3A_2382 = arith.subf %convert_element_type3A_2322, %mul3A_2286 : vector<16xf32>
        %mul3A_2383 = arith.mulf %sub3A_2381, %sub3A_2382 : vector<16xf32>
        %swap3A_2384 = arith.constant 2 : i32
        %swap3A_2385 = arith.index_cast %swap3A_2384 : i32 to index
        %swap3A_2386 = arith.constant 0 : index
        %swap3A_2387 = tpu.vector_load %arg14[%swap3A_2385, %swap3A_2386] {strides = array<i32>} : memref<4x112xf32, #tpu.memory_space<vmem>>, vector<1x16xf32>,
        %swap3A_2388 = vector.shape_cast %swap3A_2387 : vector<1x16xf32> to vector<16xf32>
        %swap3A_2389 = vector.shape_cast %mul3A_2383 : vector<16xf32> to vector<1x16xf32>
        tpu.vector_store %arg14[%swap3A_2385, %swap3A_2386], %swap3A_2389 {strides = array<i32>} : memref<4x112xf32, #tpu.memory_space<vmem>>, vector<1x16xf32>,
        %sub3A_2390 = arith.subf %mul3A_2277, %convert_element_type3A_2319 : vector<16xf32>
        %sub3A_2391 = arith.subf %mul3A_2286, %convert_element_type3A_2321 : vector<16xf32>
        %mul3A_2392 = arith.mulf %sub3A_2390, %sub3A_2391 : vector<16xf32>
        %swap3A_2393 = arith.constant 3 : i32
        %swap3A_2394 = arith.index_cast %swap3A_2393 : i32 to index
        %swap3A_2395 = arith.constant 0 : index
        %swap3A_2396 = tpu.vector_load %arg14[%swap3A_2394, %swap3A_2395] {strides = array<i32>} : memref<4x112xf32, #tpu.memory_space<vmem>>, vector<1x16xf32>,
        %swap3A_2397 = vector.shape_cast %swap3A_2396 : vector<1x16xf32> to vector<16xf32>
        %swap3A_2398 = vector.shape_cast %mul3A_2392 : vector<16xf32> to vector<1x16xf32>
        tpu.vector_store %arg14[%swap3A_2394, %swap3A_2395], %swap3A_2398 {strides = array<i32>} : memref<4x112xf32, #tpu.memory_space<vmem>>, vector<1x16xf32>,
        %get3A_2399 = arith.constant 16 : index
        %get3A_2400 = tpu.vector_load %arg27[%get3A_2399] {strides = array<i32>} : memref<240xf32, #tpu.memory_space<vmem>>, vector<16xf32>,
        %get3A_2401 = vector.shape_cast %get3A_2400 : vector<16xf32> to vector<16xf32>
        %mul3A_2402 = arith.mulf %gather3A_34, %get3A_2401 : vector<16xf32>
        %mul3A_2403 = arith.mulf %gather3A_38, %gather3A_2257 : vector<16xf32>
        %add3A_2404 = arith.addf %mul3A_2402, %mul3A_2403 : vector<16xf32>
        %add3A_2405 = arith.addf %add3A_2404, %gather3A_42 : vector<16xf32>
        %mul3A_2406 = arith.mulf %gather3A_46, %get3A_2401 : vector<16xf32>
        %mul3A_2407 = arith.mulf %gather3A_50, %gather3A_2257 : vector<16xf32>
        %add3A_2408 = arith.addf %mul3A_2406, %mul3A_2407 : vector<16xf32>
        %add3A_2409 = arith.addf %add3A_2408, %gather3A_54 : vector<16xf32>
        %add3A_2410 = arith.constant 1.000000e+00 : f32
        %add3A_2411 = vector.broadcast %add3A_2410 : f32 to vector<16xf32>
        %add3A_2412 = arith.addf %add3A_2405, %add3A_2411 : vector<16xf32>
        %mul3A_2413 = arith.constant 5.000000e-01 : f32
        %mul3A_2414 = vector.broadcast %mul3A_2413 : f32 to vector<16xf32>
        %mul3A_2415 = arith.mulf %mul3A_2414, %add3A_2412 : vector<16xf32>
        %mul3A_2416 = arith.constant 2.240000e+02 : f32
        %mul3A_2417 = vector.broadcast %mul3A_2416 : f32 to vector<16xf32>
        %mul3A_2418 = arith.mulf %mul3A_2415, %mul3A_2417 : vector<16xf32>
        %add3A_2419 = arith.constant 1.000000e+00 : f32
        %add3A_2420 = vector.broadcast %add3A_2419 : f32 to vector<16xf32>
        %add3A_2421 = arith.addf %add3A_2409, %add3A_2420 : vector<16xf32>
        %mul3A_2422 = arith.constant 5.000000e-01 : f32
        %mul3A_2423 = vector.broadcast %mul3A_2422 : f32 to vector<16xf32>
        %mul3A_2424 = arith.mulf %mul3A_2423, %add3A_2421 : vector<16xf32>
        %mul3A_2425 = arith.constant 2.240000e+02 : f32
        %mul3A_2426 = vector.broadcast %mul3A_2425 : f32 to vector<16xf32>
        %mul3A_2427 = arith.mulf %mul3A_2424, %mul3A_2426 : vector<16xf32>
        %convert_element_type3A_2428 = arith.fptosi %mul3A_2418 : vector<16xf32> to vector<16xi32>
        %add3A_2429 = arith.constant 1 : i32
        %add3A_2430 = vector.broadcast %add3A_2429 : i32 to vector<16xi32>
        %add3A_2431 = arith.addi %convert_element_type3A_2428, %add3A_2430 : vector<16xi32>
        %convert_element_type3A_2432 = arith.fptosi %mul3A_2427 : vector<16xf32> to vector<16xi32>
        %add3A_2433 = arith.constant 1 : i32
        %add3A_2434 = vector.broadcast %add3A_2433 : i32 to vector<16xi32>
        %add3A_2435 = arith.addi %convert_element_type3A_2432, %add3A_2434 : vector<16xi32>
        %jit3A_2436 = arith.constant 0 : i32
        %jit3A_2437 = arith.constant 223 : i32
        %max3A_2438 = vector.broadcast %jit3A_2436 : i32 to vector<16xi32>
        %max3A_2439 = arith.maxsi %max3A_2438, %convert_element_type3A_2428 : vector<16xi32>
        %min3A_2440 = vector.broadcast %jit3A_2437 : i32 to vector<16xi32>
        %min3A_2441 = arith.minsi %min3A_2440, %max3A_2439 : vector<16xi32>
        %jit3A_2442 = arith.constant 0 : i32
        %jit3A_2443 = arith.constant 223 : i32
        %max3A_2444 = vector.broadcast %jit3A_2442 : i32 to vector<16xi32>
        %max3A_2445 = arith.maxsi %max3A_2444, %add3A_2431 : vector<16xi32>
        %min3A_2446 = vector.broadcast %jit3A_2443 : i32 to vector<16xi32>
        %min3A_2447 = arith.minsi %min3A_2446, %max3A_2445 : vector<16xi32>
        %jit3A_2448 = arith.constant 0 : i32
        %jit3A_2449 = arith.constant 223 : i32
        %max3A_2450 = vector.broadcast %jit3A_2448 : i32 to vector<16xi32>
        %max3A_2451 = arith.maxsi %max3A_2450, %convert_element_type3A_2432 : vector<16xi32>
        %min3A_2452 = vector.broadcast %jit3A_2449 : i32 to vector<16xi32>
        %min3A_2453 = arith.minsi %min3A_2452, %max3A_2451 : vector<16xi32>
        %jit3A_2454 = arith.constant 0 : i32
        %jit3A_2455 = arith.constant 223 : i32
        %max3A_2456 = vector.broadcast %jit3A_2454 : i32 to vector<16xi32>
        %max3A_2457 = arith.maxsi %max3A_2456, %add3A_2435 : vector<16xi32>
        %min3A_2458 = vector.broadcast %jit3A_2455 : i32 to vector<16xi32>
        %min3A_2459 = arith.minsi %min3A_2458, %max3A_2457 : vector<16xi32>
        %convert_element_type3A_2460 = arith.sitofp %min3A_2441 : vector<16xi32> to vector<16xf32>
        %convert_element_type3A_2461 = arith.sitofp %min3A_2447 : vector<16xi32> to vector<16xf32>
        %convert_element_type3A_2462 = arith.sitofp %min3A_2453 : vector<16xi32> to vector<16xf32>
        %convert_element_type3A_2463 = arith.sitofp %min3A_2459 : vector<16xi32> to vector<16xf32>
        %mul3A_2464 = arith.constant 224 : i32
        %mul3A_2465 = vector.broadcast %mul3A_2464 : i32 to vector<16xi32>
        %mul3A_2466 = arith.muli %min3A_2453, %mul3A_2465 : vector<16xi32>
        %add3A_2467 = vector.broadcast %mul3A_56 : i32 to vector<16xi32>
        %add3A_2468 = arith.addi %add3A_2467, %mul3A_2466 : vector<16xi32>
        %add3A_2469 = arith.addi %add3A_2468, %min3A_2441 : vector<16xi32>
        %swap3A_2470 = arith.constant 16 : index
        %swap3A_2471 = tpu.vector_load %arg6[%swap3A_2470] {strides = array<i32>} : memref<112xi32, #tpu.memory_space<vmem>>, vector<16xi32>,
        %swap3A_2472 = vector.shape_cast %swap3A_2471 : vector<16xi32> to vector<16xi32>
        %swap3A_2473 = vector.shape_cast %add3A_2469 : vector<16xi32> to vector<16xi32>
        tpu.vector_store %arg6[%swap3A_2470], %swap3A_2473 {strides = array<i32>} : memref<112xi32, #tpu.memory_space<vmem>>, vector<16xi32>,
        %mul3A_2474 = arith.constant 224 : i32
        %mul3A_2475 = vector.broadcast %mul3A_2474 : i32 to vector<16xi32>
        %mul3A_2476 = arith.muli %min3A_2459, %mul3A_2475 : vector<16xi32>
        %add3A_2477 = vector.broadcast %mul3A_56 : i32 to vector<16xi32>
        %add3A_2478 = arith.addi %add3A_2477, %mul3A_2476 : vector<16xi32>
        %add3A_2479 = arith.addi %add3A_2478, %min3A_2441 : vector<16xi32>
        %swap3A_2480 = arith.constant 16 : index
        %swap3A_2481 = tpu.vector_load %arg7[%swap3A_2480] {strides = array<i32>} : memref<112xi32, #tpu.memory_space<vmem>>, vector<16xi32>,
        %swap3A_2482 = vector.shape_cast %swap3A_2481 : vector<16xi32> to vector<16xi32>
        %swap3A_2483 = vector.shape_cast %add3A_2479 : vector<16xi32> to vector<16xi32>
        tpu.vector_store %arg7[%swap3A_2480], %swap3A_2483 {strides = array<i32>} : memref<112xi32, #tpu.memory_space<vmem>>, vector<16xi32>,
        %mul3A_2484 = arith.constant 224 : i32
        %mul3A_2485 = vector.broadcast %mul3A_2484 : i32 to vector<16xi32>
        %mul3A_2486 = arith.muli %min3A_2453, %mul3A_2485 : vector<16xi32>
        %add3A_2487 = vector.broadcast %mul3A_56 : i32 to vector<16xi32>
        %add3A_2488 = arith.addi %add3A_2487, %mul3A_2486 : vector<16xi32>
        %add3A_2489 = arith.addi %add3A_2488, %min3A_2447 : vector<16xi32>
        %swap3A_2490 = arith.constant 16 : index
        %swap3A_2491 = tpu.vector_load %arg8[%swap3A_2490] {strides = array<i32>} : memref<112xi32, #tpu.memory_space<vmem>>, vector<16xi32>,
        %swap3A_2492 = vector.shape_cast %swap3A_2491 : vector<16xi32> to vector<16xi32>
        %swap3A_2493 = vector.shape_cast %add3A_2489 : vector<16xi32> to vector<16xi32>
        tpu.vector_store %arg8[%swap3A_2490], %swap3A_2493 {strides = array<i32>} : memref<112xi32, #tpu.memory_space<vmem>>, vector<16xi32>,
        %mul3A_2494 = arith.constant 224 : i32
        %mul3A_2495 = vector.broadcast %mul3A_2494 : i32 to vector<16xi32>
        %mul3A_2496 = arith.muli %min3A_2459, %mul3A_2495 : vector<16xi32>
        %add3A_2497 = vector.broadcast %mul3A_56 : i32 to vector<16xi32>
        %add3A_2498 = arith.addi %add3A_2497, %mul3A_2496 : vector<16xi32>
        %add3A_2499 = arith.addi %add3A_2498, %min3A_2447 : vector<16xi32>
        %swap3A_2500 = arith.constant 16 : index
        %swap3A_2501 = tpu.vector_load %arg9[%swap3A_2500] {strides = array<i32>} : memref<112xi32, #tpu.memory_space<vmem>>, vector<16xi32>,
        %swap3A_2502 = vector.shape_cast %swap3A_2501 : vector<16xi32> to vector<16xi32>
        %swap3A_2503 = vector.shape_cast %add3A_2499 : vector<16xi32> to vector<16xi32>
        tpu.vector_store %arg9[%swap3A_2500], %swap3A_2503 {strides = array<i32>} : memref<112xi32, #tpu.memory_space<vmem>>, vector<16xi32>,
        %sub3A_2504 = arith.subf %convert_element_type3A_2461, %mul3A_2418 : vector<16xf32>
        %sub3A_2505 = arith.subf %convert_element_type3A_2463, %mul3A_2427 : vector<16xf32>
        %mul3A_2506 = arith.mulf %sub3A_2504, %sub3A_2505 : vector<16xf32>
        %swap3A_2507 = arith.constant 0 : i32
        %swap3A_2508 = arith.index_cast %swap3A_2507 : i32 to index
        %swap3A_2509 = arith.constant 16 : index
        %swap3A_2510 = tpu.vector_load %arg14[%swap3A_2508, %swap3A_2509] {strides = array<i32>} : memref<4x112xf32, #tpu.memory_space<vmem>>, vector<1x16xf32>,
        %swap3A_2511 = vector.shape_cast %swap3A_2510 : vector<1x16xf32> to vector<16xf32>
        %swap3A_2512 = vector.shape_cast %mul3A_2506 : vector<16xf32> to vector<1x16xf32>
        tpu.vector_store %arg14[%swap3A_2508, %swap3A_2509], %swap3A_2512 {strides = array<i32>} : memref<4x112xf32, #tpu.memory_space<vmem>>, vector<1x16xf32>,
        %sub3A_2513 = arith.subf %convert_element_type3A_2461, %mul3A_2418 : vector<16xf32>
        %sub3A_2514 = arith.subf %mul3A_2427, %convert_element_type3A_2462 : vector<16xf32>
        %mul3A_2515 = arith.mulf %sub3A_2513, %sub3A_2514 : vector<16xf32>
        %swap3A_2516 = arith.constant 1 : i32
        %swap3A_2517 = arith.index_cast %swap3A_2516 : i32 to index
        %swap3A_2518 = arith.constant 16 : index
        %swap3A_2519 = tpu.vector_load %arg14[%swap3A_2517, %swap3A_2518] {strides = array<i32>} : memref<4x112xf32, #tpu.memory_space<vmem>>, vector<1x16xf32>,
        %swap3A_2520 = vector.shape_cast %swap3A_2519 : vector<1x16xf32> to vector<16xf32>
        %swap3A_2521 = vector.shape_cast %mul3A_2515 : vector<16xf32> to vector<1x16xf32>
        tpu.vector_store %arg14[%swap3A_2517, %swap3A_2518], %swap3A_2521 {strides = array<i32>} : memref<4x112xf32, #tpu.memory_space<vmem>>, vector<1x16xf32>,
        %sub3A_2522 = arith.subf %mul3A_2418, %convert_element_type3A_2460 : vector<16xf32>
        %sub3A_2523 = arith.subf %convert_element_type3A_2463, %mul3A_2427 : vector<16xf32>
        %mul3A_2524 = arith.mulf %sub3A_2522, %sub3A_2523 : vector<16xf32>
        %swap3A_2525 = arith.constant 2 : i32
        %swap3A_2526 = arith.index_cast %swap3A_2525 : i32 to index
        %swap3A_2527 = arith.constant 16 : index
        %swap3A_2528 = tpu.vector_load %arg14[%swap3A_2526, %swap3A_2527] {strides = array<i32>} : memref<4x112xf32, #tpu.memory_space<vmem>>, vector<1x16xf32>,
        %swap3A_2529 = vector.shape_cast %swap3A_2528 : vector<1x16xf32> to vector<16xf32>
        %swap3A_2530 = vector.shape_cast %mul3A_2524 : vector<16xf32> to vector<1x16xf32>
        tpu.vector_store %arg14[%swap3A_2526, %swap3A_2527], %swap3A_2530 {strides = array<i32>} : memref<4x112xf32, #tpu.memory_space<vmem>>, vector<1x16xf32>,
        %sub3A_2531 = arith.subf %mul3A_2418, %convert_element_type3A_2460 : vector<16xf32>
        %sub3A_2532 = arith.subf %mul3A_2427, %convert_element_type3A_2462 : vector<16xf32>
        %mul3A_2533 = arith.mulf %sub3A_2531, %sub3A_2532 : vector<16xf32>
        %swap3A_2534 = arith.constant 3 : i32
        %swap3A_2535 = arith.index_cast %swap3A_2534 : i32 to index
        %swap3A_2536 = arith.constant 16 : index
        %swap3A_2537 = tpu.vector_load %arg14[%swap3A_2535, %swap3A_2536] {strides = array<i32>} : memref<4x112xf32, #tpu.memory_space<vmem>>, vector<1x16xf32>,
        %swap3A_2538 = vector.shape_cast %swap3A_2537 : vector<1x16xf32> to vector<16xf32>
        %swap3A_2539 = vector.shape_cast %mul3A_2533 : vector<16xf32> to vector<1x16xf32>
        tpu.vector_store %arg14[%swap3A_2535, %swap3A_2536], %swap3A_2539 {strides = array<i32>} : memref<4x112xf32, #tpu.memory_space<vmem>>, vector<1x16xf32>,
        %get3A_2540 = arith.constant 32 : index
        %get3A_2541 = tpu.vector_load %arg27[%get3A_2540] {strides = array<i32>} : memref<240xf32, #tpu.memory_space<vmem>>, vector<16xf32>,
        %get3A_2542 = vector.shape_cast %get3A_2541 : vector<16xf32> to vector<16xf32>
        %mul3A_2543 = arith.mulf %gather3A_34, %get3A_2542 : vector<16xf32>
        %mul3A_2544 = arith.mulf %gather3A_38, %gather3A_2257 : vector<16xf32>
        %add3A_2545 = arith.addf %mul3A_2543, %mul3A_2544 : vector<16xf32>
        %add3A_2546 = arith.addf %add3A_2545, %gather3A_42 : vector<16xf32>
        %mul3A_2547 = arith.mulf %gather3A_46, %get3A_2542 : vector<16xf32>
        %mul3A_2548 = arith.mulf %gather3A_50, %gather3A_2257 : vector<16xf32>
        %add3A_2549 = arith.addf %mul3A_2547, %mul3A_2548 : vector<16xf32>
        %add3A_2550 = arith.addf %add3A_2549, %gather3A_54 : vector<16xf32>
        %add3A_2551 = arith.constant 1.000000e+00 : f32
        %add3A_2552 = vector.broadcast %add3A_2551 : f32 to vector<16xf32>
        %add3A_2553 = arith.addf %add3A_2546, %add3A_2552 : vector<16xf32>
        %mul3A_2554 = arith.constant 5.000000e-01 : f32
        %mul3A_2555 = vector.broadcast %mul3A_2554 : f32 to vector<16xf32>
        %mul3A_2556 = arith.mulf %mul3A_2555, %add3A_2553 : vector<16xf32>
        %mul3A_2557 = arith.constant 2.240000e+02 : f32
        %mul3A_2558 = vector.broadcast %mul3A_2557 : f32 to vector<16xf32>
        %mul3A_2559 = arith.mulf %mul3A_2556, %mul3A_2558 : vector<16xf32>
        %add3A_2560 = arith.constant 1.000000e+00 : f32
        %add3A_2561 = vector.broadcast %add3A_2560 : f32 to vector<16xf32>
        %add3A_2562 = arith.addf %add3A_2550, %add3A_2561 : vector<16xf32>
        %mul3A_2563 = arith.constant 5.000000e-01 : f32
        %mul3A_2564 = vector.broadcast %mul3A_2563 : f32 to vector<16xf32>
        %mul3A_2565 = arith.mulf %mul3A_2564, %add3A_2562 : vector<16xf32>
        %mul3A_2566 = arith.constant 2.240000e+02 : f32
        %mul3A_2567 = vector.broadcast %mul3A_2566 : f32 to vector<16xf32>
        %mul3A_2568 = arith.mulf %mul3A_2565, %mul3A_2567 : vector<16xf32>
        %convert_element_type3A_2569 = arith.fptosi %mul3A_2559 : vector<16xf32> to vector<16xi32>
        %add3A_2570 = arith.constant 1 : i32
        %add3A_2571 = vector.broadcast %add3A_2570 : i32 to vector<16xi32>
        %add3A_2572 = arith.addi %convert_element_type3A_2569, %add3A_2571 : vector<16xi32>
        %convert_element_type3A_2573 = arith.fptosi %mul3A_2568 : vector<16xf32> to vector<16xi32>
        %add3A_2574 = arith.constant 1 : i32
        %add3A_2575 = vector.broadcast %add3A_2574 : i32 to vector<16xi32>
        %add3A_2576 = arith.addi %convert_element_type3A_2573, %add3A_2575 : vector<16xi32>
        %jit3A_2577 = arith.constant 0 : i32
        %jit3A_2578 = arith.constant 223 : i32
        %max3A_2579 = vector.broadcast %jit3A_2577 : i32 to vector<16xi32>
        %max3A_2580 = arith.maxsi %max3A_2579, %convert_element_type3A_2569 : vector<16xi32>
        %min3A_2581 = vector.broadcast %jit3A_2578 : i32 to vector<16xi32>
        %min3A_2582 = arith.minsi %min3A_2581, %max3A_2580 : vector<16xi32>
        %jit3A_2583 = arith.constant 0 : i32
        %jit3A_2584 = arith.constant 223 : i32
        %max3A_2585 = vector.broadcast %jit3A_2583 : i32 to vector<16xi32>
        %max3A_2586 = arith.maxsi %max3A_2585, %add3A_2572 : vector<16xi32>
        %min3A_2587 = vector.broadcast %jit3A_2584 : i32 to vector<16xi32>
        %min3A_2588 = arith.minsi %min3A_2587, %max3A_2586 : vector<16xi32>
        %jit3A_2589 = arith.constant 0 : i32
        %jit3A_2590 = arith.constant 223 : i32
        %max3A_2591 = vector.broadcast %jit3A_2589 : i32 to vector<16xi32>
        %max3A_2592 = arith.maxsi %max3A_2591, %convert_element_type3A_2573 : vector<16xi32>
        %min3A_2593 = vector.broadcast %jit3A_2590 : i32 to vector<16xi32>
        %min3A_2594 = arith.minsi %min3A_2593, %max3A_2592 : vector<16xi32>
        %jit3A_2595 = arith.constant 0 : i32
        %jit3A_2596 = arith.constant 223 : i32
        %max3A_2597 = vector.broadcast %jit3A_2595 : i32 to vector<16xi32>
        %max3A_2598 = arith.maxsi %max3A_2597, %add3A_2576 : vector<16xi32>
        %min3A_2599 = vector.broadcast %jit3A_2596 : i32 to vector<16xi32>
        %min3A_2600 = arith.minsi %min3A_2599, %max3A_2598 : vector<16xi32>
        %convert_element_type3A_2601 = arith.sitofp %min3A_2582 : vector<16xi32> to vector<16xf32>
        %convert_element_type3A_2602 = arith.sitofp %min3A_2588 : vector<16xi32> to vector<16xf32>
        %convert_element_type3A_2603 = arith.sitofp %min3A_2594 : vector<16xi32> to vector<16xf32>
        %convert_element_type3A_2604 = arith.sitofp %min3A_2600 : vector<16xi32> to vector<16xf32>
        %mul3A_2605 = arith.constant 224 : i32
        %mul3A_2606 = vector.broadcast %mul3A_2605 : i32 to vector<16xi32>
        %mul3A_2607 = arith.muli %min3A_2594, %mul3A_2606 : vector<16xi32>
        %add3A_2608 = vector.broadcast %mul3A_56 : i32 to vector<16xi32>
        %add3A_2609 = arith.addi %add3A_2608, %mul3A_2607 : vector<16xi32>
        %add3A_2610 = arith.addi %add3A_2609, %min3A_2582 : vector<16xi32>
        %swap3A_2611 = arith.constant 32 : index
        %swap3A_2612 = tpu.vector_load %arg6[%swap3A_2611] {strides = array<i32>} : memref<112xi32, #tpu.memory_space<vmem>>, vector<16xi32>,
        %swap3A_2613 = vector.shape_cast %swap3A_2612 : vector<16xi32> to vector<16xi32>
        %swap3A_2614 = vector.shape_cast %add3A_2610 : vector<16xi32> to vector<16xi32>
        tpu.vector_store %arg6[%swap3A_2611], %swap3A_2614 {strides = array<i32>} : memref<112xi32, #tpu.memory_space<vmem>>, vector<16xi32>,
        %mul3A_2615 = arith.constant 224 : i32
        %mul3A_2616 = vector.broadcast %mul3A_2615 : i32 to vector<16xi32>
        %mul3A_2617 = arith.muli %min3A_2600, %mul3A_2616 : vector<16xi32>
        %add3A_2618 = vector.broadcast %mul3A_56 : i32 to vector<16xi32>
        %add3A_2619 = arith.addi %add3A_2618, %mul3A_2617 : vector<16xi32>
        %add3A_2620 = arith.addi %add3A_2619, %min3A_2582 : vector<16xi32>
        %swap3A_2621 = arith.constant 32 : index
        %swap3A_2622 = tpu.vector_load %arg7[%swap3A_2621] {strides = array<i32>} : memref<112xi32, #tpu.memory_space<vmem>>, vector<16xi32>,
        %swap3A_2623 = vector.shape_cast %swap3A_2622 : vector<16xi32> to vector<16xi32>
        %swap3A_2624 = vector.shape_cast %add3A_2620 : vector<16xi32> to vector<16xi32>
        tpu.vector_store %arg7[%swap3A_2621], %swap3A_2624 {strides = array<i32>} : memref<112xi32, #tpu.memory_space<vmem>>, vector<16xi32>,
        %mul3A_2625 = arith.constant 224 : i32
        %mul3A_2626 = vector.broadcast %mul3A_2625 : i32 to vector<16xi32>
        %mul3A_2627 = arith.muli %min3A_2594, %mul3A_2626 : vector<16xi32>
        %add3A_2628 = vector.broadcast %mul3A_56 : i32 to vector<16xi32>
        %add3A_2629 = arith.addi %add3A_2628, %mul3A_2627 : vector<16xi32>
        %add3A_2630 = arith.addi %add3A_2629, %min3A_2588 : vector<16xi32>
        %swap3A_2631 = arith.constant 32 : index
        %swap3A_2632 = tpu.vector_load %arg8[%swap3A_2631] {strides = array<i32>} : memref<112xi32, #tpu.memory_space<vmem>>, vector<16xi32>,
        %swap3A_2633 = vector.shape_cast %swap3A_2632 : vector<16xi32> to vector<16xi32>
        %swap3A_2634 = vector.shape_cast %add3A_2630 : vector<16xi32> to vector<16xi32>
        tpu.vector_store %arg8[%swap3A_2631], %swap3A_2634 {strides = array<i32>} : memref<112xi32, #tpu.memory_space<vmem>>, vector<16xi32>,
        %mul3A_2635 = arith.constant 224 : i32
        %mul3A_2636 = vector.broadcast %mul3A_2635 : i32 to vector<16xi32>
        %mul3A_2637 = arith.muli %min3A_2600, %mul3A_2636 : vector<16xi32>
        %add3A_2638 = vector.broadcast %mul3A_56 : i32 to vector<16xi32>
        %add3A_2639 = arith.addi %add3A_2638, %mul3A_2637 : vector<16xi32>
        %add3A_2640 = arith.addi %add3A_2639, %min3A_2588 : vector<16xi32>
        %swap3A_2641 = arith.constant 32 : index
        %swap3A_2642 = tpu.vector_load %arg9[%swap3A_2641] {strides = array<i32>} : memref<112xi32, #tpu.memory_space<vmem>>, vector<16xi32>,
        %swap3A_2643 = vector.shape_cast %swap3A_2642 : vector<16xi32> to vector<16xi32>
        %swap3A_2644 = vector.shape_cast %add3A_2640 : vector<16xi32> to vector<16xi32>
        tpu.vector_store %arg9[%swap3A_2641], %swap3A_2644 {strides = array<i32>} : memref<112xi32, #tpu.memory_space<vmem>>, vector<16xi32>,
        %sub3A_2645 = arith.subf %convert_element_type3A_2602, %mul3A_2559 : vector<16xf32>
        %sub3A_2646 = arith.subf %convert_element_type3A_2604, %mul3A_2568 : vector<16xf32>
        %mul3A_2647 = arith.mulf %sub3A_2645, %sub3A_2646 : vector<16xf32>
        %swap3A_2648 = arith.constant 0 : i32
        %swap3A_2649 = arith.index_cast %swap3A_2648 : i32 to index
        %swap3A_2650 = arith.constant 32 : index
        %swap3A_2651 = tpu.vector_load %arg14[%swap3A_2649, %swap3A_2650] {strides = array<i32>} : memref<4x112xf32, #tpu.memory_space<vmem>>, vector<1x16xf32>,
        %swap3A_2652 = vector.shape_cast %swap3A_2651 : vector<1x16xf32> to vector<16xf32>
        %swap3A_2653 = vector.shape_cast %mul3A_2647 : vector<16xf32> to vector<1x16xf32>
        tpu.vector_store %arg14[%swap3A_2649, %swap3A_2650], %swap3A_2653 {strides = array<i32>} : memref<4x112xf32, #tpu.memory_space<vmem>>, vector<1x16xf32>,
        %sub3A_2654 = arith.subf %convert_element_type3A_2602, %mul3A_2559 : vector<16xf32>
        %sub3A_2655 = arith.subf %mul3A_2568, %convert_element_type3A_2603 : vector<16xf32>
        %mul3A_2656 = arith.mulf %sub3A_2654, %sub3A_2655 : vector<16xf32>
        %swap3A_2657 = arith.constant 1 : i32
        %swap3A_2658 = arith.index_cast %swap3A_2657 : i32 to index
        %swap3A_2659 = arith.constant 32 : index
        %swap3A_2660 = tpu.vector_load %arg14[%swap3A_2658, %swap3A_2659] {strides = array<i32>} : memref<4x112xf32, #tpu.memory_space<vmem>>, vector<1x16xf32>,
        %swap3A_2661 = vector.shape_cast %swap3A_2660 : vector<1x16xf32> to vector<16xf32>
        %swap3A_2662 = vector.shape_cast %mul3A_2656 : vector<16xf32> to vector<1x16xf32>
        tpu.vector_store %arg14[%swap3A_2658, %swap3A_2659], %swap3A_2662 {strides = array<i32>} : memref<4x112xf32, #tpu.memory_space<vmem>>, vector<1x16xf32>,
        %sub3A_2663 = arith.subf %mul3A_2559, %convert_element_type3A_2601 : vector<16xf32>
        %sub3A_2664 = arith.subf %convert_element_type3A_2604, %mul3A_2568 : vector<16xf32>
        %mul3A_2665 = arith.mulf %sub3A_2663, %sub3A_2664 : vector<16xf32>
        %swap3A_2666 = arith.constant 2 : i32
        %swap3A_2667 = arith.index_cast %swap3A_2666 : i32 to index
        %swap3A_2668 = arith.constant 32 : index
        %swap3A_2669 = tpu.vector_load %arg14[%swap3A_2667, %swap3A_2668] {strides = array<i32>} : memref<4x112xf32, #tpu.memory_space<vmem>>, vector<1x16xf32>,
        %swap3A_2670 = vector.shape_cast %swap3A_2669 : vector<1x16xf32> to vector<16xf32>
        %swap3A_2671 = vector.shape_cast %mul3A_2665 : vector<16xf32> to vector<1x16xf32>
        tpu.vector_store %arg14[%swap3A_2667, %swap3A_2668], %swap3A_2671 {strides = array<i32>} : memref<4x112xf32, #tpu.memory_space<vmem>>, vector<1x16xf32>,
        %sub3A_2672 = arith.subf %mul3A_2559, %convert_element_type3A_2601 : vector<16xf32>
        %sub3A_2673 = arith.subf %mul3A_2568, %convert_element_type3A_2603 : vector<16xf32>
        %mul3A_2674 = arith.mulf %sub3A_2672, %sub3A_2673 : vector<16xf32>
        %swap3A_2675 = arith.constant 3 : i32
        %swap3A_2676 = arith.index_cast %swap3A_2675 : i32 to index
        %swap3A_2677 = arith.constant 32 : index
        %swap3A_2678 = tpu.vector_load %arg14[%swap3A_2676, %swap3A_2677] {strides = array<i32>} : memref<4x112xf32, #tpu.memory_space<vmem>>, vector<1x16xf32>,
        %swap3A_2679 = vector.shape_cast %swap3A_2678 : vector<1x16xf32> to vector<16xf32>
        %swap3A_2680 = vector.shape_cast %mul3A_2674 : vector<16xf32> to vector<1x16xf32>
        tpu.vector_store %arg14[%swap3A_2676, %swap3A_2677], %swap3A_2680 {strides = array<i32>} : memref<4x112xf32, #tpu.memory_space<vmem>>, vector<1x16xf32>,
        %get3A_2681 = arith.constant 48 : index
        %get3A_2682 = tpu.vector_load %arg27[%get3A_2681] {strides = array<i32>} : memref<240xf32, #tpu.memory_space<vmem>>, vector<16xf32>,
        %get3A_2683 = vector.shape_cast %get3A_2682 : vector<16xf32> to vector<16xf32>
        %mul3A_2684 = arith.mulf %gather3A_34, %get3A_2683 : vector<16xf32>
        %mul3A_2685 = arith.mulf %gather3A_38, %gather3A_2257 : vector<16xf32>
        %add3A_2686 = arith.addf %mul3A_2684, %mul3A_2685 : vector<16xf32>
        %add3A_2687 = arith.addf %add3A_2686, %gather3A_42 : vector<16xf32>
        %mul3A_2688 = arith.mulf %gather3A_46, %get3A_2683 : vector<16xf32>
        %mul3A_2689 = arith.mulf %gather3A_50, %gather3A_2257 : vector<16xf32>
        %add3A_2690 = arith.addf %mul3A_2688, %mul3A_2689 : vector<16xf32>
        %add3A_2691 = arith.addf %add3A_2690, %gather3A_54 : vector<16xf32>
        %add3A_2692 = arith.constant 1.000000e+00 : f32
        %add3A_2693 = vector.broadcast %add3A_2692 : f32 to vector<16xf32>
        %add3A_2694 = arith.addf %add3A_2687, %add3A_2693 : vector<16xf32>
        %mul3A_2695 = arith.constant 5.000000e-01 : f32
        %mul3A_2696 = vector.broadcast %mul3A_2695 : f32 to vector<16xf32>
        %mul3A_2697 = arith.mulf %mul3A_2696, %add3A_2694 : vector<16xf32>
        %mul3A_2698 = arith.constant 2.240000e+02 : f32
        %mul3A_2699 = vector.broadcast %mul3A_2698 : f32 to vector<16xf32>
        %mul3A_2700 = arith.mulf %mul3A_2697, %mul3A_2699 : vector<16xf32>
        %add3A_2701 = arith.constant 1.000000e+00 : f32
        %add3A_2702 = vector.broadcast %add3A_2701 : f32 to vector<16xf32>
        %add3A_2703 = arith.addf %add3A_2691, %add3A_2702 : vector<16xf32>
        %mul3A_2704 = arith.constant 5.000000e-01 : f32
        %mul3A_2705 = vector.broadcast %mul3A_2704 : f32 to vector<16xf32>
        %mul3A_2706 = arith.mulf %mul3A_2705, %add3A_2703 : vector<16xf32>
        %mul3A_2707 = arith.constant 2.240000e+02 : f32
        %mul3A_2708 = vector.broadcast %mul3A_2707 : f32 to vector<16xf32>
        %mul3A_2709 = arith.mulf %mul3A_2706, %mul3A_2708 : vector<16xf32>
        %convert_element_type3A_2710 = arith.fptosi %mul3A_2700 : vector<16xf32> to vector<16xi32>
        %add3A_2711 = arith.constant 1 : i32
        %add3A_2712 = vector.broadcast %add3A_2711 : i32 to vector<16xi32>
        %add3A_2713 = arith.addi %convert_element_type3A_2710, %add3A_2712 : vector<16xi32>
        %convert_element_type3A_2714 = arith.fptosi %mul3A_2709 : vector<16xf32> to vector<16xi32>
        %add3A_2715 = arith.constant 1 : i32
        %add3A_2716 = vector.broadcast %add3A_2715 : i32 to vector<16xi32>
        %add3A_2717 = arith.addi %convert_element_type3A_2714, %add3A_2716 : vector<16xi32>
        %jit3A_2718 = arith.constant 0 : i32
        %jit3A_2719 = arith.constant 223 : i32
        %max3A_2720 = vector.broadcast %jit3A_2718 : i32 to vector<16xi32>
        %max3A_2721 = arith.maxsi %max3A_2720, %convert_element_type3A_2710 : vector<16xi32>
        %min3A_2722 = vector.broadcast %jit3A_2719 : i32 to vector<16xi32>
        %min3A_2723 = arith.minsi %min3A_2722, %max3A_2721 : vector<16xi32>
        %jit3A_2724 = arith.constant 0 : i32
        %jit3A_2725 = arith.constant 223 : i32
        %max3A_2726 = vector.broadcast %jit3A_2724 : i32 to vector<16xi32>
        %max3A_2727 = arith.maxsi %max3A_2726, %add3A_2713 : vector<16xi32>
        %min3A_2728 = vector.broadcast %jit3A_2725 : i32 to vector<16xi32>
        %min3A_2729 = arith.minsi %min3A_2728, %max3A_2727 : vector<16xi32>
        %jit3A_2730 = arith.constant 0 : i32
        %jit3A_2731 = arith.constant 223 : i32
        %max3A_2732 = vector.broadcast %jit3A_2730 : i32 to vector<16xi32>
        %max3A_2733 = arith.maxsi %max3A_2732, %convert_element_type3A_2714 : vector<16xi32>
        %min3A_2734 = vector.broadcast %jit3A_2731 : i32 to vector<16xi32>
        %min3A_2735 = arith.minsi %min3A_2734, %max3A_2733 : vector<16xi32>
        %jit3A_2736 = arith.constant 0 : i32
        %jit3A_2737 = arith.constant 223 : i32
        %max3A_2738 = vector.broadcast %jit3A_2736 : i32 to vector<16xi32>
        %max3A_2739 = arith.maxsi %max3A_2738, %add3A_2717 : vector<16xi32>
        %min3A_2740 = vector.broadcast %jit3A_2737 : i32 to vector<16xi32>
        %min3A_2741 = arith.minsi %min3A_2740, %max3A_2739 : vector<16xi32>
        %convert_element_type3A_2742 = arith.sitofp %min3A_2723 : vector<16xi32> to vector<16xf32>
        %convert_element_type3A_2743 = arith.sitofp %min3A_2729 : vector<16xi32> to vector<16xf32>
        %convert_element_type3A_2744 = arith.sitofp %min3A_2735 : vector<16xi32> to vector<16xf32>
        %convert_element_type3A_2745 = arith.sitofp %min3A_2741 : vector<16xi32> to vector<16xf32>
        %mul3A_2746 = arith.constant 224 : i32
        %mul3A_2747 = vector.broadcast %mul3A_2746 : i32 to vector<16xi32>
        %mul3A_2748 = arith.muli %min3A_2735, %mul3A_2747 : vector<16xi32>
        %add3A_2749 = vector.broadcast %mul3A_56 : i32 to vector<16xi32>
        %add3A_2750 = arith.addi %add3A_2749, %mul3A_2748 : vector<16xi32>
        %add3A_2751 = arith.addi %add3A_2750, %min3A_2723 : vector<16xi32>
        %swap3A_2752 = arith.constant 48 : index
        %swap3A_2753 = tpu.vector_load %arg6[%swap3A_2752] {strides = array<i32>} : memref<112xi32, #tpu.memory_space<vmem>>, vector<16xi32>,
        %swap3A_2754 = vector.shape_cast %swap3A_2753 : vector<16xi32> to vector<16xi32>
        %swap3A_2755 = vector.shape_cast %add3A_2751 : vector<16xi32> to vector<16xi32>
        tpu.vector_store %arg6[%swap3A_2752], %swap3A_2755 {strides = array<i32>} : memref<112xi32, #tpu.memory_space<vmem>>, vector<16xi32>,
        %mul3A_2756 = arith.constant 224 : i32
        %mul3A_2757 = vector.broadcast %mul3A_2756 : i32 to vector<16xi32>
        %mul3A_2758 = arith.muli %min3A_2741, %mul3A_2757 : vector<16xi32>
        %add3A_2759 = vector.broadcast %mul3A_56 : i32 to vector<16xi32>
        %add3A_2760 = arith.addi %add3A_2759, %mul3A_2758 : vector<16xi32>
        %add3A_2761 = arith.addi %add3A_2760, %min3A_2723 : vector<16xi32>
        %swap3A_2762 = arith.constant 48 : index
        %swap3A_2763 = tpu.vector_load %arg7[%swap3A_2762] {strides = array<i32>} : memref<112xi32, #tpu.memory_space<vmem>>, vector<16xi32>,
        %swap3A_2764 = vector.shape_cast %swap3A_2763 : vector<16xi32> to vector<16xi32>
        %swap3A_2765 = vector.shape_cast %add3A_2761 : vector<16xi32> to vector<16xi32>
        tpu.vector_store %arg7[%swap3A_2762], %swap3A_2765 {strides = array<i32>} : memref<112xi32, #tpu.memory_space<vmem>>, vector<16xi32>,
        %mul3A_2766 = arith.constant 224 : i32
        %mul3A_2767 = vector.broadcast %mul3A_2766 : i32 to vector<16xi32>
        %mul3A_2768 = arith.muli %min3A_2735, %mul3A_2767 : vector<16xi32>
        %add3A_2769 = vector.broadcast %mul3A_56 : i32 to vector<16xi32>
        %add3A_2770 = arith.addi %add3A_2769, %mul3A_2768 : vector<16xi32>
        %add3A_2771 = arith.addi %add3A_2770, %min3A_2729 : vector<16xi32>
        %swap3A_2772 = arith.constant 48 : index
        %swap3A_2773 = tpu.vector_load %arg8[%swap3A_2772] {strides = array<i32>} : memref<112xi32, #tpu.memory_space<vmem>>, vector<16xi32>,
        %swap3A_2774 = vector.shape_cast %swap3A_2773 : vector<16xi32> to vector<16xi32>
        %swap3A_2775 = vector.shape_cast %add3A_2771 : vector<16xi32> to vector<16xi32>
        tpu.vector_store %arg8[%swap3A_2772], %swap3A_2775 {strides = array<i32>} : memref<112xi32, #tpu.memory_space<vmem>>, vector<16xi32>,
        %mul3A_2776 = arith.constant 224 : i32
        %mul3A_2777 = vector.broadcast %mul3A_2776 : i32 to vector<16xi32>
        %mul3A_2778 = arith.muli %min3A_2741, %mul3A_2777 : vector<16xi32>
        %add3A_2779 = vector.broadcast %mul3A_56 : i32 to vector<16xi32>
        %add3A_2780 = arith.addi %add3A_2779, %mul3A_2778 : vector<16xi32>
        %add3A_2781 = arith.addi %add3A_2780, %min3A_2729 : vector<16xi32>
        %swap3A_2782 = arith.constant 48 : index
        %swap3A_2783 = tpu.vector_load %arg9[%swap3A_2782] {strides = array<i32>} : memref<112xi32, #tpu.memory_space<vmem>>, vector<16xi32>,
        %swap3A_2784 = vector.shape_cast %swap3A_2783 : vector<16xi32> to vector<16xi32>
        %swap3A_2785 = vector.shape_cast %add3A_2781 : vector<16xi32> to vector<16xi32>
        tpu.vector_store %arg9[%swap3A_2782], %swap3A_2785 {strides = array<i32>} : memref<112xi32, #tpu.memory_space<vmem>>, vector<16xi32>,
        %sub3A_2786 = arith.subf %convert_element_type3A_2743, %mul3A_2700 : vector<16xf32>
        %sub3A_2787 = arith.subf %convert_element_type3A_2745, %mul3A_2709 : vector<16xf32>
        %mul3A_2788 = arith.mulf %sub3A_2786, %sub3A_2787 : vector<16xf32>
        %swap3A_2789 = arith.constant 0 : i32
        %swap3A_2790 = arith.index_cast %swap3A_2789 : i32 to index
        %swap3A_2791 = arith.constant 48 : index
        %swap3A_2792 = tpu.vector_load %arg14[%swap3A_2790, %swap3A_2791] {strides = array<i32>} : memref<4x112xf32, #tpu.memory_space<vmem>>, vector<1x16xf32>,
        %swap3A_2793 = vector.shape_cast %swap3A_2792 : vector<1x16xf32> to vector<16xf32>
        %swap3A_2794 = vector.shape_cast %mul3A_2788 : vector<16xf32> to vector<1x16xf32>
        tpu.vector_store %arg14[%swap3A_2790, %swap3A_2791], %swap3A_2794 {strides = array<i32>} : memref<4x112xf32, #tpu.memory_space<vmem>>, vector<1x16xf32>,
        %sub3A_2795 = arith.subf %convert_element_type3A_2743, %mul3A_2700 : vector<16xf32>
        %sub3A_2796 = arith.subf %mul3A_2709, %convert_element_type3A_2744 : vector<16xf32>
        %mul3A_2797 = arith.mulf %sub3A_2795, %sub3A_2796 : vector<16xf32>
        %swap3A_2798 = arith.constant 1 : i32
        %swap3A_2799 = arith.index_cast %swap3A_2798 : i32 to index
        %swap3A_2800 = arith.constant 48 : index
        %swap3A_2801 = tpu.vector_load %arg14[%swap3A_2799, %swap3A_2800] {strides = array<i32>} : memref<4x112xf32, #tpu.memory_space<vmem>>, vector<1x16xf32>,
        %swap3A_2802 = vector.shape_cast %swap3A_2801 : vector<1x16xf32> to vector<16xf32>
        %swap3A_2803 = vector.shape_cast %mul3A_2797 : vector<16xf32> to vector<1x16xf32>
        tpu.vector_store %arg14[%swap3A_2799, %swap3A_2800], %swap3A_2803 {strides = array<i32>} : memref<4x112xf32, #tpu.memory_space<vmem>>, vector<1x16xf32>,
        %sub3A_2804 = arith.subf %mul3A_2700, %convert_element_type3A_2742 : vector<16xf32>
        %sub3A_2805 = arith.subf %convert_element_type3A_2745, %mul3A_2709 : vector<16xf32>
        %mul3A_2806 = arith.mulf %sub3A_2804, %sub3A_2805 : vector<16xf32>
        %swap3A_2807 = arith.constant 2 : i32
        %swap3A_2808 = arith.index_cast %swap3A_2807 : i32 to index
        %swap3A_2809 = arith.constant 48 : index
        %swap3A_2810 = tpu.vector_load %arg14[%swap3A_2808, %swap3A_2809] {strides = array<i32>} : memref<4x112xf32, #tpu.memory_space<vmem>>, vector<1x16xf32>,
        %swap3A_2811 = vector.shape_cast %swap3A_2810 : vector<1x16xf32> to vector<16xf32>
        %swap3A_2812 = vector.shape_cast %mul3A_2806 : vector<16xf32> to vector<1x16xf32>
        tpu.vector_store %arg14[%swap3A_2808, %swap3A_2809], %swap3A_2812 {strides = array<i32>} : memref<4x112xf32, #tpu.memory_space<vmem>>, vector<1x16xf32>,
        %sub3A_2813 = arith.subf %mul3A_2700, %convert_element_type3A_2742 : vector<16xf32>
        %sub3A_2814 = arith.subf %mul3A_2709, %convert_element_type3A_2744 : vector<16xf32>
        %mul3A_2815 = arith.mulf %sub3A_2813, %sub3A_2814 : vector<16xf32>
        %swap3A_2816 = arith.constant 3 : i32
        %swap3A_2817 = arith.index_cast %swap3A_2816 : i32 to index
        %swap3A_2818 = arith.constant 48 : index
        %swap3A_2819 = tpu.vector_load %arg14[%swap3A_2817, %swap3A_2818] {strides = array<i32>} : memref<4x112xf32, #tpu.memory_space<vmem>>, vector<1x16xf32>,
        %swap3A_2820 = vector.shape_cast %swap3A_2819 : vector<1x16xf32> to vector<16xf32>
        %swap3A_2821 = vector.shape_cast %mul3A_2815 : vector<16xf32> to vector<1x16xf32>
        tpu.vector_store %arg14[%swap3A_2817, %swap3A_2818], %swap3A_2821 {strides = array<i32>} : memref<4x112xf32, #tpu.memory_space<vmem>>, vector<1x16xf32>,
        %get3A_2822 = arith.constant 64 : index
        %get3A_2823 = tpu.vector_load %arg27[%get3A_2822] {strides = array<i32>} : memref<240xf32, #tpu.memory_space<vmem>>, vector<16xf32>,
        %get3A_2824 = vector.shape_cast %get3A_2823 : vector<16xf32> to vector<16xf32>
        %mul3A_2825 = arith.mulf %gather3A_34, %get3A_2824 : vector<16xf32>
        %mul3A_2826 = arith.mulf %gather3A_38, %gather3A_2257 : vector<16xf32>
        %add3A_2827 = arith.addf %mul3A_2825, %mul3A_2826 : vector<16xf32>
        %add3A_2828 = arith.addf %add3A_2827, %gather3A_42 : vector<16xf32>
        %mul3A_2829 = arith.mulf %gather3A_46, %get3A_2824 : vector<16xf32>
        %mul3A_2830 = arith.mulf %gather3A_50, %gather3A_2257 : vector<16xf32>
        %add3A_2831 = arith.addf %mul3A_2829, %mul3A_2830 : vector<16xf32>
        %add3A_2832 = arith.addf %add3A_2831, %gather3A_54 : vector<16xf32>
        %add3A_2833 = arith.constant 1.000000e+00 : f32
        %add3A_2834 = vector.broadcast %add3A_2833 : f32 to vector<16xf32>
        %add3A_2835 = arith.addf %add3A_2828, %add3A_2834 : vector<16xf32>
        %mul3A_2836 = arith.constant 5.000000e-01 : f32
        %mul3A_2837 = vector.broadcast %mul3A_2836 : f32 to vector<16xf32>
        %mul3A_2838 = arith.mulf %mul3A_2837, %add3A_2835 : vector<16xf32>
        %mul3A_2839 = arith.constant 2.240000e+02 : f32
        %mul3A_2840 = vector.broadcast %mul3A_2839 : f32 to vector<16xf32>
        %mul3A_2841 = arith.mulf %mul3A_2838, %mul3A_2840 : vector<16xf32>
        %add3A_2842 = arith.constant 1.000000e+00 : f32
        %add3A_2843 = vector.broadcast %add3A_2842 : f32 to vector<16xf32>
        %add3A_2844 = arith.addf %add3A_2832, %add3A_2843 : vector<16xf32>
        %mul3A_2845 = arith.constant 5.000000e-01 : f32
        %mul3A_2846 = vector.broadcast %mul3A_2845 : f32 to vector<16xf32>
        %mul3A_2847 = arith.mulf %mul3A_2846, %add3A_2844 : vector<16xf32>
        %mul3A_2848 = arith.constant 2.240000e+02 : f32
        %mul3A_2849 = vector.broadcast %mul3A_2848 : f32 to vector<16xf32>
        %mul3A_2850 = arith.mulf %mul3A_2847, %mul3A_2849 : vector<16xf32>
        %convert_element_type3A_2851 = arith.fptosi %mul3A_2841 : vector<16xf32> to vector<16xi32>
        %add3A_2852 = arith.constant 1 : i32
        %add3A_2853 = vector.broadcast %add3A_2852 : i32 to vector<16xi32>
        %add3A_2854 = arith.addi %convert_element_type3A_2851, %add3A_2853 : vector<16xi32>
        %convert_element_type3A_2855 = arith.fptosi %mul3A_2850 : vector<16xf32> to vector<16xi32>
        %add3A_2856 = arith.constant 1 : i32
        %add3A_2857 = vector.broadcast %add3A_2856 : i32 to vector<16xi32>
        %add3A_2858 = arith.addi %convert_element_type3A_2855, %add3A_2857 : vector<16xi32>
        %jit3A_2859 = arith.constant 0 : i32
        %jit3A_2860 = arith.constant 223 : i32
        %max3A_2861 = vector.broadcast %jit3A_2859 : i32 to vector<16xi32>
        %max3A_2862 = arith.maxsi %max3A_2861, %convert_element_type3A_2851 : vector<16xi32>
        %min3A_2863 = vector.broadcast %jit3A_2860 : i32 to vector<16xi32>
        %min3A_2864 = arith.minsi %min3A_2863, %max3A_2862 : vector<16xi32>
        %jit3A_2865 = arith.constant 0 : i32
        %jit3A_2866 = arith.constant 223 : i32
        %max3A_2867 = vector.broadcast %jit3A_2865 : i32 to vector<16xi32>
        %max3A_2868 = arith.maxsi %max3A_2867, %add3A_2854 : vector<16xi32>
        %min3A_2869 = vector.broadcast %jit3A_2866 : i32 to vector<16xi32>
        %min3A_2870 = arith.minsi %min3A_2869, %max3A_2868 : vector<16xi32>
        %jit3A_2871 = arith.constant 0 : i32
        %jit3A_2872 = arith.constant 223 : i32
        %max3A_2873 = vector.broadcast %jit3A_2871 : i32 to vector<16xi32>
        %max3A_2874 = arith.maxsi %max3A_2873, %convert_element_type3A_2855 : vector<16xi32>
        %min3A_2875 = vector.broadcast %jit3A_2872 : i32 to vector<16xi32>
        %min3A_2876 = arith.minsi %min3A_2875, %max3A_2874 : vector<16xi32>
        %jit3A_2877 = arith.constant 0 : i32
        %jit3A_2878 = arith.constant 223 : i32
        %max3A_2879 = vector.broadcast %jit3A_2877 : i32 to vector<16xi32>
        %max3A_2880 = arith.maxsi %max3A_2879, %add3A_2858 : vector<16xi32>
        %min3A_2881 = vector.broadcast %jit3A_2878 : i32 to vector<16xi32>
        %min3A_2882 = arith.minsi %min3A_2881, %max3A_2880 : vector<16xi32>
        %convert_element_type3A_2883 = arith.sitofp %min3A_2864 : vector<16xi32> to vector<16xf32>
        %convert_element_type3A_2884 = arith.sitofp %min3A_2870 : vector<16xi32> to vector<16xf32>
        %convert_element_type3A_2885 = arith.sitofp %min3A_2876 : vector<16xi32> to vector<16xf32>
        %convert_element_type3A_2886 = arith.sitofp %min3A_2882 : vector<16xi32> to vector<16xf32>
        %mul3A_2887 = arith.constant 224 : i32
        %mul3A_2888 = vector.broadcast %mul3A_2887 : i32 to vector<16xi32>
        %mul3A_2889 = arith.muli %min3A_2876, %mul3A_2888 : vector<16xi32>
        %add3A_2890 = vector.broadcast %mul3A_56 : i32 to vector<16xi32>
        %add3A_2891 = arith.addi %add3A_2890, %mul3A_2889 : vector<16xi32>
        %add3A_2892 = arith.addi %add3A_2891, %min3A_2864 : vector<16xi32>
        %swap3A_2893 = arith.constant 64 : index
        %swap3A_2894 = tpu.vector_load %arg6[%swap3A_2893] {strides = array<i32>} : memref<112xi32, #tpu.memory_space<vmem>>, vector<16xi32>,
        %swap3A_2895 = vector.shape_cast %swap3A_2894 : vector<16xi32> to vector<16xi32>
        %swap3A_2896 = vector.shape_cast %add3A_2892 : vector<16xi32> to vector<16xi32>
        tpu.vector_store %arg6[%swap3A_2893], %swap3A_2896 {strides = array<i32>} : memref<112xi32, #tpu.memory_space<vmem>>, vector<16xi32>,
        %mul3A_2897 = arith.constant 224 : i32
        %mul3A_2898 = vector.broadcast %mul3A_2897 : i32 to vector<16xi32>
        %mul3A_2899 = arith.muli %min3A_2882, %mul3A_2898 : vector<16xi32>
        %add3A_2900 = vector.broadcast %mul3A_56 : i32 to vector<16xi32>
        %add3A_2901 = arith.addi %add3A_2900, %mul3A_2899 : vector<16xi32>
        %add3A_2902 = arith.addi %add3A_2901, %min3A_2864 : vector<16xi32>
        %swap3A_2903 = arith.constant 64 : index
        %swap3A_2904 = tpu.vector_load %arg7[%swap3A_2903] {strides = array<i32>} : memref<112xi32, #tpu.memory_space<vmem>>, vector<16xi32>,
        %swap3A_2905 = vector.shape_cast %swap3A_2904 : vector<16xi32> to vector<16xi32>
        %swap3A_2906 = vector.shape_cast %add3A_2902 : vector<16xi32> to vector<16xi32>
        tpu.vector_store %arg7[%swap3A_2903], %swap3A_2906 {strides = array<i32>} : memref<112xi32, #tpu.memory_space<vmem>>, vector<16xi32>,
        %mul3A_2907 = arith.constant 224 : i32
        %mul3A_2908 = vector.broadcast %mul3A_2907 : i32 to vector<16xi32>
        %mul3A_2909 = arith.muli %min3A_2876, %mul3A_2908 : vector<16xi32>
        %add3A_2910 = vector.broadcast %mul3A_56 : i32 to vector<16xi32>
        %add3A_2911 = arith.addi %add3A_2910, %mul3A_2909 : vector<16xi32>
        %add3A_2912 = arith.addi %add3A_2911, %min3A_2870 : vector<16xi32>
        %swap3A_2913 = arith.constant 64 : index
        %swap3A_2914 = tpu.vector_load %arg8[%swap3A_2913] {strides = array<i32>} : memref<112xi32, #tpu.memory_space<vmem>>, vector<16xi32>,
        %swap3A_2915 = vector.shape_cast %swap3A_2914 : vector<16xi32> to vector<16xi32>
        %swap3A_2916 = vector.shape_cast %add3A_2912 : vector<16xi32> to vector<16xi32>
        tpu.vector_store %arg8[%swap3A_2913], %swap3A_2916 {strides = array<i32>} : memref<112xi32, #tpu.memory_space<vmem>>, vector<16xi32>,
        %mul3A_2917 = arith.constant 224 : i32
        %mul3A_2918 = vector.broadcast %mul3A_2917 : i32 to vector<16xi32>
        %mul3A_2919 = arith.muli %min3A_2882, %mul3A_2918 : vector<16xi32>
        %add3A_2920 = vector.broadcast %mul3A_56 : i32 to vector<16xi32>
        %add3A_2921 = arith.addi %add3A_2920, %mul3A_2919 : vector<16xi32>
        %add3A_2922 = arith.addi %add3A_2921, %min3A_2870 : vector<16xi32>
        %swap3A_2923 = arith.constant 64 : index
        %swap3A_2924 = tpu.vector_load %arg9[%swap3A_2923] {strides = array<i32>} : memref<112xi32, #tpu.memory_space<vmem>>, vector<16xi32>,
        %swap3A_2925 = vector.shape_cast %swap3A_2924 : vector<16xi32> to vector<16xi32>
        %swap3A_2926 = vector.shape_cast %add3A_2922 : vector<16xi32> to vector<16xi32>
        tpu.vector_store %arg9[%swap3A_2923], %swap3A_2926 {strides = array<i32>} : memref<112xi32, #tpu.memory_space<vmem>>, vector<16xi32>,
        %sub3A_2927 = arith.subf %convert_element_type3A_2884, %mul3A_2841 : vector<16xf32>
        %sub3A_2928 = arith.subf %convert_element_type3A_2886, %mul3A_2850 : vector<16xf32>
        %mul3A_2929 = arith.mulf %sub3A_2927, %sub3A_2928 : vector<16xf32>
        %swap3A_2930 = arith.constant 0 : i32
        %swap3A_2931 = arith.index_cast %swap3A_2930 : i32 to index
        %swap3A_2932 = arith.constant 64 : index
        %swap3A_2933 = tpu.vector_load %arg14[%swap3A_2931, %swap3A_2932] {strides = array<i32>} : memref<4x112xf32, #tpu.memory_space<vmem>>, vector<1x16xf32>,
        %swap3A_2934 = vector.shape_cast %swap3A_2933 : vector<1x16xf32> to vector<16xf32>
        %swap3A_2935 = vector.shape_cast %mul3A_2929 : vector<16xf32> to vector<1x16xf32>
        tpu.vector_store %arg14[%swap3A_2931, %swap3A_2932], %swap3A_2935 {strides = array<i32>} : memref<4x112xf32, #tpu.memory_space<vmem>>, vector<1x16xf32>,
        %sub3A_2936 = arith.subf %convert_element_type3A_2884, %mul3A_2841 : vector<16xf32>
        %sub3A_2937 = arith.subf %mul3A_2850, %convert_element_type3A_2885 : vector<16xf32>
        %mul3A_2938 = arith.mulf %sub3A_2936, %sub3A_2937 : vector<16xf32>
        %swap3A_2939 = arith.constant 1 : i32
        %swap3A_2940 = arith.index_cast %swap3A_2939 : i32 to index
        %swap3A_2941 = arith.constant 64 : index
        %swap3A_2942 = tpu.vector_load %arg14[%swap3A_2940, %swap3A_2941] {strides = array<i32>} : memref<4x112xf32, #tpu.memory_space<vmem>>, vector<1x16xf32>,
        %swap3A_2943 = vector.shape_cast %swap3A_2942 : vector<1x16xf32> to vector<16xf32>
        %swap3A_2944 = vector.shape_cast %mul3A_2938 : vector<16xf32> to vector<1x16xf32>
        tpu.vector_store %arg14[%swap3A_2940, %swap3A_2941], %swap3A_2944 {strides = array<i32>} : memref<4x112xf32, #tpu.memory_space<vmem>>, vector<1x16xf32>,
        %sub3A_2945 = arith.subf %mul3A_2841, %convert_element_type3A_2883 : vector<16xf32>
        %sub3A_2946 = arith.subf %convert_element_type3A_2886, %mul3A_2850 : vector<16xf32>
        %mul3A_2947 = arith.mulf %sub3A_2945, %sub3A_2946 : vector<16xf32>
        %swap3A_2948 = arith.constant 2 : i32
        %swap3A_2949 = arith.index_cast %swap3A_2948 : i32 to index
        %swap3A_2950 = arith.constant 64 : index
        %swap3A_2951 = tpu.vector_load %arg14[%swap3A_2949, %swap3A_2950] {strides = array<i32>} : memref<4x112xf32, #tpu.memory_space<vmem>>, vector<1x16xf32>,
        %swap3A_2952 = vector.shape_cast %swap3A_2951 : vector<1x16xf32> to vector<16xf32>
        %swap3A_2953 = vector.shape_cast %mul3A_2947 : vector<16xf32> to vector<1x16xf32>
        tpu.vector_store %arg14[%swap3A_2949, %swap3A_2950], %swap3A_2953 {strides = array<i32>} : memref<4x112xf32, #tpu.memory_space<vmem>>, vector<1x16xf32>,
        %sub3A_2954 = arith.subf %mul3A_2841, %convert_element_type3A_2883 : vector<16xf32>
        %sub3A_2955 = arith.subf %mul3A_2850, %convert_element_type3A_2885 : vector<16xf32>
        %mul3A_2956 = arith.mulf %sub3A_2954, %sub3A_2955 : vector<16xf32>
        %swap3A_2957 = arith.constant 3 : i32
        %swap3A_2958 = arith.index_cast %swap3A_2957 : i32 to index
        %swap3A_2959 = arith.constant 64 : index
        %swap3A_2960 = tpu.vector_load %arg14[%swap3A_2958, %swap3A_2959] {strides = array<i32>} : memref<4x112xf32, #tpu.memory_space<vmem>>, vector<1x16xf32>,
        %swap3A_2961 = vector.shape_cast %swap3A_2960 : vector<1x16xf32> to vector<16xf32>
        %swap3A_2962 = vector.shape_cast %mul3A_2956 : vector<16xf32> to vector<1x16xf32>
        tpu.vector_store %arg14[%swap3A_2958, %swap3A_2959], %swap3A_2962 {strides = array<i32>} : memref<4x112xf32, #tpu.memory_space<vmem>>, vector<1x16xf32>,
        %get3A_2963 = arith.constant 80 : index
        %get3A_2964 = tpu.vector_load %arg27[%get3A_2963] {strides = array<i32>} : memref<240xf32, #tpu.memory_space<vmem>>, vector<16xf32>,
        %get3A_2965 = vector.shape_cast %get3A_2964 : vector<16xf32> to vector<16xf32>
        %mul3A_2966 = arith.mulf %gather3A_34, %get3A_2965 : vector<16xf32>
        %mul3A_2967 = arith.mulf %gather3A_38, %gather3A_2257 : vector<16xf32>
        %add3A_2968 = arith.addf %mul3A_2966, %mul3A_2967 : vector<16xf32>
        %add3A_2969 = arith.addf %add3A_2968, %gather3A_42 : vector<16xf32>
        %mul3A_2970 = arith.mulf %gather3A_46, %get3A_2965 : vector<16xf32>
        %mul3A_2971 = arith.mulf %gather3A_50, %gather3A_2257 : vector<16xf32>
        %add3A_2972 = arith.addf %mul3A_2970, %mul3A_2971 : vector<16xf32>
        %add3A_2973 = arith.addf %add3A_2972, %gather3A_54 : vector<16xf32>
        %add3A_2974 = arith.constant 1.000000e+00 : f32
        %add3A_2975 = vector.broadcast %add3A_2974 : f32 to vector<16xf32>
        %add3A_2976 = arith.addf %add3A_2969, %add3A_2975 : vector<16xf32>
        %mul3A_2977 = arith.constant 5.000000e-01 : f32
        %mul3A_2978 = vector.broadcast %mul3A_2977 : f32 to vector<16xf32>
        %mul3A_2979 = arith.mulf %mul3A_2978, %add3A_2976 : vector<16xf32>
        %mul3A_2980 = arith.constant 2.240000e+02 : f32
        %mul3A_2981 = vector.broadcast %mul3A_2980 : f32 to vector<16xf32>
        %mul3A_2982 = arith.mulf %mul3A_2979, %mul3A_2981 : vector<16xf32>
        %add3A_2983 = arith.constant 1.000000e+00 : f32
        %add3A_2984 = vector.broadcast %add3A_2983 : f32 to vector<16xf32>
        %add3A_2985 = arith.addf %add3A_2973, %add3A_2984 : vector<16xf32>
        %mul3A_2986 = arith.constant 5.000000e-01 : f32
        %mul3A_2987 = vector.broadcast %mul3A_2986 : f32 to vector<16xf32>
        %mul3A_2988 = arith.mulf %mul3A_2987, %add3A_2985 : vector<16xf32>
        %mul3A_2989 = arith.constant 2.240000e+02 : f32
        %mul3A_2990 = vector.broadcast %mul3A_2989 : f32 to vector<16xf32>
        %mul3A_2991 = arith.mulf %mul3A_2988, %mul3A_2990 : vector<16xf32>
        %convert_element_type3A_2992 = arith.fptosi %mul3A_2982 : vector<16xf32> to vector<16xi32>
        %add3A_2993 = arith.constant 1 : i32
        %add3A_2994 = vector.broadcast %add3A_2993 : i32 to vector<16xi32>
        %add3A_2995 = arith.addi %convert_element_type3A_2992, %add3A_2994 : vector<16xi32>
        %convert_element_type3A_2996 = arith.fptosi %mul3A_2991 : vector<16xf32> to vector<16xi32>
        %add3A_2997 = arith.constant 1 : i32
        %add3A_2998 = vector.broadcast %add3A_2997 : i32 to vector<16xi32>
        %add3A_2999 = arith.addi %convert_element_type3A_2996, %add3A_2998 : vector<16xi32>
        %jit3A_3000 = arith.constant 0 : i32
        %jit3A_3001 = arith.constant 223 : i32
        %max3A_3002 = vector.broadcast %jit3A_3000 : i32 to vector<16xi32>
        %max3A_3003 = arith.maxsi %max3A_3002, %convert_element_type3A_2992 : vector<16xi32>
        %min3A_3004 = vector.broadcast %jit3A_3001 : i32 to vector<16xi32>
        %min3A_3005 = arith.minsi %min3A_3004, %max3A_3003 : vector<16xi32>
        %jit3A_3006 = arith.constant 0 : i32
        %jit3A_3007 = arith.constant 223 : i32
        %max3A_3008 = vector.broadcast %jit3A_3006 : i32 to vector<16xi32>
        %max3A_3009 = arith.maxsi %max3A_3008, %add3A_2995 : vector<16xi32>
        %min3A_3010 = vector.broadcast %jit3A_3007 : i32 to vector<16xi32>
        %min3A_3011 = arith.minsi %min3A_3010, %max3A_3009 : vector<16xi32>
        %jit3A_3012 = arith.constant 0 : i32
        %jit3A_3013 = arith.constant 223 : i32
        %max3A_3014 = vector.broadcast %jit3A_3012 : i32 to vector<16xi32>
        %max3A_3015 = arith.maxsi %max3A_3014, %convert_element_type3A_2996 : vector<16xi32>
        %min3A_3016 = vector.broadcast %jit3A_3013 : i32 to vector<16xi32>
        %min3A_3017 = arith.minsi %min3A_3016, %max3A_3015 : vector<16xi32>
        %jit3A_3018 = arith.constant 0 : i32
        %jit3A_3019 = arith.constant 223 : i32
        %max3A_3020 = vector.broadcast %jit3A_3018 : i32 to vector<16xi32>
        %max3A_3021 = arith.maxsi %max3A_3020, %add3A_2999 : vector<16xi32>
        %min3A_3022 = vector.broadcast %jit3A_3019 : i32 to vector<16xi32>
        %min3A_3023 = arith.minsi %min3A_3022, %max3A_3021 : vector<16xi32>
        %convert_element_type3A_3024 = arith.sitofp %min3A_3005 : vector<16xi32> to vector<16xf32>
        %convert_element_type3A_3025 = arith.sitofp %min3A_3011 : vector<16xi32> to vector<16xf32>
        %convert_element_type3A_3026 = arith.sitofp %min3A_3017 : vector<16xi32> to vector<16xf32>
        %convert_element_type3A_3027 = arith.sitofp %min3A_3023 : vector<16xi32> to vector<16xf32>
        %mul3A_3028 = arith.constant 224 : i32
        %mul3A_3029 = vector.broadcast %mul3A_3028 : i32 to vector<16xi32>
        %mul3A_3030 = arith.muli %min3A_3017, %mul3A_3029 : vector<16xi32>
        %add3A_3031 = vector.broadcast %mul3A_56 : i32 to vector<16xi32>
        %add3A_3032 = arith.addi %add3A_3031, %mul3A_3030 : vector<16xi32>
        %add3A_3033 = arith.addi %add3A_3032, %min3A_3005 : vector<16xi32>
        %swap3A_3034 = arith.constant 80 : index
        %swap3A_3035 = tpu.vector_load %arg6[%swap3A_3034] {strides = array<i32>} : memref<112xi32, #tpu.memory_space<vmem>>, vector<16xi32>,
        %swap3A_3036 = vector.shape_cast %swap3A_3035 : vector<16xi32> to vector<16xi32>
        %swap3A_3037 = vector.shape_cast %add3A_3033 : vector<16xi32> to vector<16xi32>
        tpu.vector_store %arg6[%swap3A_3034], %swap3A_3037 {strides = array<i32>} : memref<112xi32, #tpu.memory_space<vmem>>, vector<16xi32>,
        %mul3A_3038 = arith.constant 224 : i32
        %mul3A_3039 = vector.broadcast %mul3A_3038 : i32 to vector<16xi32>
        %mul3A_3040 = arith.muli %min3A_3023, %mul3A_3039 : vector<16xi32>
        %add3A_3041 = vector.broadcast %mul3A_56 : i32 to vector<16xi32>
        %add3A_3042 = arith.addi %add3A_3041, %mul3A_3040 : vector<16xi32>
        %add3A_3043 = arith.addi %add3A_3042, %min3A_3005 : vector<16xi32>
        %swap3A_3044 = arith.constant 80 : index
        %swap3A_3045 = tpu.vector_load %arg7[%swap3A_3044] {strides = array<i32>} : memref<112xi32, #tpu.memory_space<vmem>>, vector<16xi32>,
        %swap3A_3046 = vector.shape_cast %swap3A_3045 : vector<16xi32> to vector<16xi32>
        %swap3A_3047 = vector.shape_cast %add3A_3043 : vector<16xi32> to vector<16xi32>
        tpu.vector_store %arg7[%swap3A_3044], %swap3A_3047 {strides = array<i32>} : memref<112xi32, #tpu.memory_space<vmem>>, vector<16xi32>,
        %mul3A_3048 = arith.constant 224 : i32
        %mul3A_3049 = vector.broadcast %mul3A_3048 : i32 to vector<16xi32>
        %mul3A_3050 = arith.muli %min3A_3017, %mul3A_3049 : vector<16xi32>
        %add3A_3051 = vector.broadcast %mul3A_56 : i32 to vector<16xi32>
        %add3A_3052 = arith.addi %add3A_3051, %mul3A_3050 : vector<16xi32>
        %add3A_3053 = arith.addi %add3A_3052, %min3A_3011 : vector<16xi32>
        %swap3A_3054 = arith.constant 80 : index
        %swap3A_3055 = tpu.vector_load %arg8[%swap3A_3054] {strides = array<i32>} : memref<112xi32, #tpu.memory_space<vmem>>, vector<16xi32>,
        %swap3A_3056 = vector.shape_cast %swap3A_3055 : vector<16xi32> to vector<16xi32>
        %swap3A_3057 = vector.shape_cast %add3A_3053 : vector<16xi32> to vector<16xi32>
        tpu.vector_store %arg8[%swap3A_3054], %swap3A_3057 {strides = array<i32>} : memref<112xi32, #tpu.memory_space<vmem>>, vector<16xi32>,
        %mul3A_3058 = arith.constant 224 : i32
        %mul3A_3059 = vector.broadcast %mul3A_3058 : i32 to vector<16xi32>
        %mul3A_3060 = arith.muli %min3A_3023, %mul3A_3059 : vector<16xi32>
        %add3A_3061 = vector.broadcast %mul3A_56 : i32 to vector<16xi32>
        %add3A_3062 = arith.addi %add3A_3061, %mul3A_3060 : vector<16xi32>
        %add3A_3063 = arith.addi %add3A_3062, %min3A_3011 : vector<16xi32>
        %swap3A_3064 = arith.constant 80 : index
        %swap3A_3065 = tpu.vector_load %arg9[%swap3A_3064] {strides = array<i32>} : memref<112xi32, #tpu.memory_space<vmem>>, vector<16xi32>,
        %swap3A_3066 = vector.shape_cast %swap3A_3065 : vector<16xi32> to vector<16xi32>
        %swap3A_3067 = vector.shape_cast %add3A_3063 : vector<16xi32> to vector<16xi32>
        tpu.vector_store %arg9[%swap3A_3064], %swap3A_3067 {strides = array<i32>} : memref<112xi32, #tpu.memory_space<vmem>>, vector<16xi32>,
        %sub3A_3068 = arith.subf %convert_element_type3A_3025, %mul3A_2982 : vector<16xf32>
        %sub3A_3069 = arith.subf %convert_element_type3A_3027, %mul3A_2991 : vector<16xf32>
        %mul3A_3070 = arith.mulf %sub3A_3068, %sub3A_3069 : vector<16xf32>
        %swap3A_3071 = arith.constant 0 : i32
        %swap3A_3072 = arith.index_cast %swap3A_3071 : i32 to index
        %swap3A_3073 = arith.constant 80 : index
        %swap3A_3074 = tpu.vector_load %arg14[%swap3A_3072, %swap3A_3073] {strides = array<i32>} : memref<4x112xf32, #tpu.memory_space<vmem>>, vector<1x16xf32>,
        %swap3A_3075 = vector.shape_cast %swap3A_3074 : vector<1x16xf32> to vector<16xf32>
        %swap3A_3076 = vector.shape_cast %mul3A_3070 : vector<16xf32> to vector<1x16xf32>
        tpu.vector_store %arg14[%swap3A_3072, %swap3A_3073], %swap3A_3076 {strides = array<i32>} : memref<4x112xf32, #tpu.memory_space<vmem>>, vector<1x16xf32>,
        %sub3A_3077 = arith.subf %convert_element_type3A_3025, %mul3A_2982 : vector<16xf32>
        %sub3A_3078 = arith.subf %mul3A_2991, %convert_element_type3A_3026 : vector<16xf32>
        %mul3A_3079 = arith.mulf %sub3A_3077, %sub3A_3078 : vector<16xf32>
        %swap3A_3080 = arith.constant 1 : i32
        %swap3A_3081 = arith.index_cast %swap3A_3080 : i32 to index
        %swap3A_3082 = arith.constant 80 : index
        %swap3A_3083 = tpu.vector_load %arg14[%swap3A_3081, %swap3A_3082] {strides = array<i32>} : memref<4x112xf32, #tpu.memory_space<vmem>>, vector<1x16xf32>,
        %swap3A_3084 = vector.shape_cast %swap3A_3083 : vector<1x16xf32> to vector<16xf32>
        %swap3A_3085 = vector.shape_cast %mul3A_3079 : vector<16xf32> to vector<1x16xf32>
        tpu.vector_store %arg14[%swap3A_3081, %swap3A_3082], %swap3A_3085 {strides = array<i32>} : memref<4x112xf32, #tpu.memory_space<vmem>>, vector<1x16xf32>,
        %sub3A_3086 = arith.subf %mul3A_2982, %convert_element_type3A_3024 : vector<16xf32>
        %sub3A_3087 = arith.subf %convert_element_type3A_3027, %mul3A_2991 : vector<16xf32>
        %mul3A_3088 = arith.mulf %sub3A_3086, %sub3A_3087 : vector<16xf32>
        %swap3A_3089 = arith.constant 2 : i32
        %swap3A_3090 = arith.index_cast %swap3A_3089 : i32 to index
        %swap3A_3091 = arith.constant 80 : index
        %swap3A_3092 = tpu.vector_load %arg14[%swap3A_3090, %swap3A_3091] {strides = array<i32>} : memref<4x112xf32, #tpu.memory_space<vmem>>, vector<1x16xf32>,
        %swap3A_3093 = vector.shape_cast %swap3A_3092 : vector<1x16xf32> to vector<16xf32>
        %swap3A_3094 = vector.shape_cast %mul3A_3088 : vector<16xf32> to vector<1x16xf32>
        tpu.vector_store %arg14[%swap3A_3090, %swap3A_3091], %swap3A_3094 {strides = array<i32>} : memref<4x112xf32, #tpu.memory_space<vmem>>, vector<1x16xf32>,
        %sub3A_3095 = arith.subf %mul3A_2982, %convert_element_type3A_3024 : vector<16xf32>
        %sub3A_3096 = arith.subf %mul3A_2991, %convert_element_type3A_3026 : vector<16xf32>
        %mul3A_3097 = arith.mulf %sub3A_3095, %sub3A_3096 : vector<16xf32>
        %swap3A_3098 = arith.constant 3 : i32
        %swap3A_3099 = arith.index_cast %swap3A_3098 : i32 to index
        %swap3A_3100 = arith.constant 80 : index
        %swap3A_3101 = tpu.vector_load %arg14[%swap3A_3099, %swap3A_3100] {strides = array<i32>} : memref<4x112xf32, #tpu.memory_space<vmem>>, vector<1x16xf32>,
        %swap3A_3102 = vector.shape_cast %swap3A_3101 : vector<1x16xf32> to vector<16xf32>
        %swap3A_3103 = vector.shape_cast %mul3A_3097 : vector<16xf32> to vector<1x16xf32>
        tpu.vector_store %arg14[%swap3A_3099, %swap3A_3100], %swap3A_3103 {strides = array<i32>} : memref<4x112xf32, #tpu.memory_space<vmem>>, vector<1x16xf32>,
        %get3A_3104 = arith.constant 96 : index
        %get3A_3105 = tpu.vector_load %arg27[%get3A_3104] {strides = array<i32>} : memref<240xf32, #tpu.memory_space<vmem>>, vector<16xf32>,
        %get3A_3106 = vector.shape_cast %get3A_3105 : vector<16xf32> to vector<16xf32>
        %mul3A_3107 = arith.mulf %gather3A_34, %get3A_3106 : vector<16xf32>
        %mul3A_3108 = arith.mulf %gather3A_38, %gather3A_2257 : vector<16xf32>
        %add3A_3109 = arith.addf %mul3A_3107, %mul3A_3108 : vector<16xf32>
        %add3A_3110 = arith.addf %add3A_3109, %gather3A_42 : vector<16xf32>
        %mul3A_3111 = arith.mulf %gather3A_46, %get3A_3106 : vector<16xf32>
        %mul3A_3112 = arith.mulf %gather3A_50, %gather3A_2257 : vector<16xf32>
        %add3A_3113 = arith.addf %mul3A_3111, %mul3A_3112 : vector<16xf32>
        %add3A_3114 = arith.addf %add3A_3113, %gather3A_54 : vector<16xf32>
        %add3A_3115 = arith.constant 1.000000e+00 : f32
        %add3A_3116 = vector.broadcast %add3A_3115 : f32 to vector<16xf32>
        %add3A_3117 = arith.addf %add3A_3110, %add3A_3116 : vector<16xf32>
        %mul3A_3118 = arith.constant 5.000000e-01 : f32
        %mul3A_3119 = vector.broadcast %mul3A_3118 : f32 to vector<16xf32>
        %mul3A_3120 = arith.mulf %mul3A_3119, %add3A_3117 : vector<16xf32>
        %mul3A_3121 = arith.constant 2.240000e+02 : f32
        %mul3A_3122 = vector.broadcast %mul3A_3121 : f32 to vector<16xf32>
        %mul3A_3123 = arith.mulf %mul3A_3120, %mul3A_3122 : vector<16xf32>
        %add3A_3124 = arith.constant 1.000000e+00 : f32
        %add3A_3125 = vector.broadcast %add3A_3124 : f32 to vector<16xf32>
        %add3A_3126 = arith.addf %add3A_3114, %add3A_3125 : vector<16xf32>
        %mul3A_3127 = arith.constant 5.000000e-01 : f32
        %mul3A_3128 = vector.broadcast %mul3A_3127 : f32 to vector<16xf32>
        %mul3A_3129 = arith.mulf %mul3A_3128, %add3A_3126 : vector<16xf32>
        %mul3A_3130 = arith.constant 2.240000e+02 : f32
        %mul3A_3131 = vector.broadcast %mul3A_3130 : f32 to vector<16xf32>
        %mul3A_3132 = arith.mulf %mul3A_3129, %mul3A_3131 : vector<16xf32>
        %convert_element_type3A_3133 = arith.fptosi %mul3A_3123 : vector<16xf32> to vector<16xi32>
        %add3A_3134 = arith.constant 1 : i32
        %add3A_3135 = vector.broadcast %add3A_3134 : i32 to vector<16xi32>
        %add3A_3136 = arith.addi %convert_element_type3A_3133, %add3A_3135 : vector<16xi32>
        %convert_element_type3A_3137 = arith.fptosi %mul3A_3132 : vector<16xf32> to vector<16xi32>
        %add3A_3138 = arith.constant 1 : i32
        %add3A_3139 = vector.broadcast %add3A_3138 : i32 to vector<16xi32>
        %add3A_3140 = arith.addi %convert_element_type3A_3137, %add3A_3139 : vector<16xi32>
        %jit3A_3141 = arith.constant 0 : i32
        %jit3A_3142 = arith.constant 223 : i32
        %max3A_3143 = vector.broadcast %jit3A_3141 : i32 to vector<16xi32>
        %max3A_3144 = arith.maxsi %max3A_3143, %convert_element_type3A_3133 : vector<16xi32>
        %min3A_3145 = vector.broadcast %jit3A_3142 : i32 to vector<16xi32>
        %min3A_3146 = arith.minsi %min3A_3145, %max3A_3144 : vector<16xi32>
        %jit3A_3147 = arith.constant 0 : i32
        %jit3A_3148 = arith.constant 223 : i32
        %max3A_3149 = vector.broadcast %jit3A_3147 : i32 to vector<16xi32>
        %max3A_3150 = arith.maxsi %max3A_3149, %add3A_3136 : vector<16xi32>
        %min3A_3151 = vector.broadcast %jit3A_3148 : i32 to vector<16xi32>
        %min3A_3152 = arith.minsi %min3A_3151, %max3A_3150 : vector<16xi32>
        %jit3A_3153 = arith.constant 0 : i32
        %jit3A_3154 = arith.constant 223 : i32
        %max3A_3155 = vector.broadcast %jit3A_3153 : i32 to vector<16xi32>
        %max3A_3156 = arith.maxsi %max3A_3155, %convert_element_type3A_3137 : vector<16xi32>
        %min3A_3157 = vector.broadcast %jit3A_3154 : i32 to vector<16xi32>
        %min3A_3158 = arith.minsi %min3A_3157, %max3A_3156 : vector<16xi32>
        %jit3A_3159 = arith.constant 0 : i32
        %jit3A_3160 = arith.constant 223 : i32
        %max3A_3161 = vector.broadcast %jit3A_3159 : i32 to vector<16xi32>
        %max3A_3162 = arith.maxsi %max3A_3161, %add3A_3140 : vector<16xi32>
        %min3A_3163 = vector.broadcast %jit3A_3160 : i32 to vector<16xi32>
        %min3A_3164 = arith.minsi %min3A_3163, %max3A_3162 : vector<16xi32>
        %convert_element_type3A_3165 = arith.sitofp %min3A_3146 : vector<16xi32> to vector<16xf32>
        %convert_element_type3A_3166 = arith.sitofp %min3A_3152 : vector<16xi32> to vector<16xf32>
        %convert_element_type3A_3167 = arith.sitofp %min3A_3158 : vector<16xi32> to vector<16xf32>
        %convert_element_type3A_3168 = arith.sitofp %min3A_3164 : vector<16xi32> to vector<16xf32>
        %mul3A_3169 = arith.constant 224 : i32
        %mul3A_3170 = vector.broadcast %mul3A_3169 : i32 to vector<16xi32>
        %mul3A_3171 = arith.muli %min3A_3158, %mul3A_3170 : vector<16xi32>
        %add3A_3172 = vector.broadcast %mul3A_56 : i32 to vector<16xi32>
        %add3A_3173 = arith.addi %add3A_3172, %mul3A_3171 : vector<16xi32>
        %add3A_3174 = arith.addi %add3A_3173, %min3A_3146 : vector<16xi32>
        %swap3A_3175 = arith.constant 96 : index
        %swap3A_3176 = tpu.vector_load %arg6[%swap3A_3175] {strides = array<i32>} : memref<112xi32, #tpu.memory_space<vmem>>, vector<16xi32>,
        %swap3A_3177 = vector.shape_cast %swap3A_3176 : vector<16xi32> to vector<16xi32>
        %swap3A_3178 = vector.shape_cast %add3A_3174 : vector<16xi32> to vector<16xi32>
        tpu.vector_store %arg6[%swap3A_3175], %swap3A_3178 {strides = array<i32>} : memref<112xi32, #tpu.memory_space<vmem>>, vector<16xi32>,
        %mul3A_3179 = arith.constant 224 : i32
        %mul3A_3180 = vector.broadcast %mul3A_3179 : i32 to vector<16xi32>
        %mul3A_3181 = arith.muli %min3A_3164, %mul3A_3180 : vector<16xi32>
        %add3A_3182 = vector.broadcast %mul3A_56 : i32 to vector<16xi32>
        %add3A_3183 = arith.addi %add3A_3182, %mul3A_3181 : vector<16xi32>
        %add3A_3184 = arith.addi %add3A_3183, %min3A_3146 : vector<16xi32>
        %swap3A_3185 = arith.constant 96 : index
        %swap3A_3186 = tpu.vector_load %arg7[%swap3A_3185] {strides = array<i32>} : memref<112xi32, #tpu.memory_space<vmem>>, vector<16xi32>,
        %swap3A_3187 = vector.shape_cast %swap3A_3186 : vector<16xi32> to vector<16xi32>
        %swap3A_3188 = vector.shape_cast %add3A_3184 : vector<16xi32> to vector<16xi32>
        tpu.vector_store %arg7[%swap3A_3185], %swap3A_3188 {strides = array<i32>} : memref<112xi32, #tpu.memory_space<vmem>>, vector<16xi32>,
        %mul3A_3189 = arith.constant 224 : i32
        %mul3A_3190 = vector.broadcast %mul3A_3189 : i32 to vector<16xi32>
        %mul3A_3191 = arith.muli %min3A_3158, %mul3A_3190 : vector<16xi32>
        %add3A_3192 = vector.broadcast %mul3A_56 : i32 to vector<16xi32>
        %add3A_3193 = arith.addi %add3A_3192, %mul3A_3191 : vector<16xi32>
        %add3A_3194 = arith.addi %add3A_3193, %min3A_3152 : vector<16xi32>
        %swap3A_3195 = arith.constant 96 : index
        %swap3A_3196 = tpu.vector_load %arg8[%swap3A_3195] {strides = array<i32>} : memref<112xi32, #tpu.memory_space<vmem>>, vector<16xi32>,
        %swap3A_3197 = vector.shape_cast %swap3A_3196 : vector<16xi32> to vector<16xi32>
        %swap3A_3198 = vector.shape_cast %add3A_3194 : vector<16xi32> to vector<16xi32>
        tpu.vector_store %arg8[%swap3A_3195], %swap3A_3198 {strides = array<i32>} : memref<112xi32, #tpu.memory_space<vmem>>, vector<16xi32>,
        %mul3A_3199 = arith.constant 224 : i32
        %mul3A_3200 = vector.broadcast %mul3A_3199 : i32 to vector<16xi32>
        %mul3A_3201 = arith.muli %min3A_3164, %mul3A_3200 : vector<16xi32>
        %add3A_3202 = vector.broadcast %mul3A_56 : i32 to vector<16xi32>
        %add3A_3203 = arith.addi %add3A_3202, %mul3A_3201 : vector<16xi32>
        %add3A_3204 = arith.addi %add3A_3203, %min3A_3152 : vector<16xi32>
        %swap3A_3205 = arith.constant 96 : index
        %swap3A_3206 = tpu.vector_load %arg9[%swap3A_3205] {strides = array<i32>} : memref<112xi32, #tpu.memory_space<vmem>>, vector<16xi32>,
        %swap3A_3207 = vector.shape_cast %swap3A_3206 : vector<16xi32> to vector<16xi32>
        %swap3A_3208 = vector.shape_cast %add3A_3204 : vector<16xi32> to vector<16xi32>
        tpu.vector_store %arg9[%swap3A_3205], %swap3A_3208 {strides = array<i32>} : memref<112xi32, #tpu.memory_space<vmem>>, vector<16xi32>,
        %sub3A_3209 = arith.subf %convert_element_type3A_3166, %mul3A_3123 : vector<16xf32>
        %sub3A_3210 = arith.subf %convert_element_type3A_3168, %mul3A_3132 : vector<16xf32>
        %mul3A_3211 = arith.mulf %sub3A_3209, %sub3A_3210 : vector<16xf32>
        %swap3A_3212 = arith.constant 0 : i32
        %swap3A_3213 = arith.index_cast %swap3A_3212 : i32 to index
        %swap3A_3214 = arith.constant 96 : index
        %swap3A_3215 = tpu.vector_load %arg14[%swap3A_3213, %swap3A_3214] {strides = array<i32>} : memref<4x112xf32, #tpu.memory_space<vmem>>, vector<1x16xf32>,
        %swap3A_3216 = vector.shape_cast %swap3A_3215 : vector<1x16xf32> to vector<16xf32>
        %swap3A_3217 = vector.shape_cast %mul3A_3211 : vector<16xf32> to vector<1x16xf32>
        tpu.vector_store %arg14[%swap3A_3213, %swap3A_3214], %swap3A_3217 {strides = array<i32>} : memref<4x112xf32, #tpu.memory_space<vmem>>, vector<1x16xf32>,
        %sub3A_3218 = arith.subf %convert_element_type3A_3166, %mul3A_3123 : vector<16xf32>
        %sub3A_3219 = arith.subf %mul3A_3132, %convert_element_type3A_3167 : vector<16xf32>
        %mul3A_3220 = arith.mulf %sub3A_3218, %sub3A_3219 : vector<16xf32>
        %swap3A_3221 = arith.constant 1 : i32
        %swap3A_3222 = arith.index_cast %swap3A_3221 : i32 to index
        %swap3A_3223 = arith.constant 96 : index
        %swap3A_3224 = tpu.vector_load %arg14[%swap3A_3222, %swap3A_3223] {strides = array<i32>} : memref<4x112xf32, #tpu.memory_space<vmem>>, vector<1x16xf32>,
        %swap3A_3225 = vector.shape_cast %swap3A_3224 : vector<1x16xf32> to vector<16xf32>
        %swap3A_3226 = vector.shape_cast %mul3A_3220 : vector<16xf32> to vector<1x16xf32>
        tpu.vector_store %arg14[%swap3A_3222, %swap3A_3223], %swap3A_3226 {strides = array<i32>} : memref<4x112xf32, #tpu.memory_space<vmem>>, vector<1x16xf32>,
        %sub3A_3227 = arith.subf %mul3A_3123, %convert_element_type3A_3165 : vector<16xf32>
        %sub3A_3228 = arith.subf %convert_element_type3A_3168, %mul3A_3132 : vector<16xf32>
        %mul3A_3229 = arith.mulf %sub3A_3227, %sub3A_3228 : vector<16xf32>
        %swap3A_3230 = arith.constant 2 : i32
        %swap3A_3231 = arith.index_cast %swap3A_3230 : i32 to index
        %swap3A_3232 = arith.constant 96 : index
        %swap3A_3233 = tpu.vector_load %arg14[%swap3A_3231, %swap3A_3232] {strides = array<i32>} : memref<4x112xf32, #tpu.memory_space<vmem>>, vector<1x16xf32>,
        %swap3A_3234 = vector.shape_cast %swap3A_3233 : vector<1x16xf32> to vector<16xf32>
        %swap3A_3235 = vector.shape_cast %mul3A_3229 : vector<16xf32> to vector<1x16xf32>
        tpu.vector_store %arg14[%swap3A_3231, %swap3A_3232], %swap3A_3235 {strides = array<i32>} : memref<4x112xf32, #tpu.memory_space<vmem>>, vector<1x16xf32>,
        %sub3A_3236 = arith.subf %mul3A_3123, %convert_element_type3A_3165 : vector<16xf32>
        %sub3A_3237 = arith.subf %mul3A_3132, %convert_element_type3A_3167 : vector<16xf32>
        %mul3A_3238 = arith.mulf %sub3A_3236, %sub3A_3237 : vector<16xf32>
        %swap3A_3239 = arith.constant 3 : i32
        %swap3A_3240 = arith.index_cast %swap3A_3239 : i32 to index
        %swap3A_3241 = arith.constant 96 : index
        %swap3A_3242 = tpu.vector_load %arg14[%swap3A_3240, %swap3A_3241] {strides = array<i32>} : memref<4x112xf32, #tpu.memory_space<vmem>>, vector<1x16xf32>,
        %swap3A_3243 = vector.shape_cast %swap3A_3242 : vector<1x16xf32> to vector<16xf32>
        %swap3A_3244 = vector.shape_cast %mul3A_3238 : vector<16xf32> to vector<1x16xf32>
        tpu.vector_store %arg14[%swap3A_3240, %swap3A_3241], %swap3A_3244 {strides = array<i32>} : memref<4x112xf32, #tpu.memory_space<vmem>>, vector<1x16xf32>,
        %dma_start3A_3245 = arith.constant 0 : i32
        %dma_start3A_3246 = arith.constant 0 : i32
        %dma_start3A_3247 = tpu.memref_slice %arg2[%dma_start3A_3245, %dma_start3A_3246] : memref<401408x96xf32, #tpu.memory_space<hbm>> -> memref<401408x96xf32, #tpu.memory_space<hbm>>
        tpu.enqueue_indirect_dma source(%dma_start3A_3247 : memref<401408x96xf32, #tpu.memory_space<hbm>>) target(%arg16 : memref<112x96xf32, #tpu.memory_space<vmem>>) offsets(%arg6 : memref<112xi32, #tpu.memory_space<vmem>>) semaphore(%arg28 : memref<!tpu.dma_semaphore, #tpu.memory_space<semaphore_mem>>)
        %dma_start3A_3248 = arith.constant 0 : i32
        %dma_start3A_3249 = arith.constant 0 : i32
        %dma_start3A_3250 = tpu.memref_slice %arg2[%dma_start3A_3248, %dma_start3A_3249] : memref<401408x96xf32, #tpu.memory_space<hbm>> -> memref<401408x96xf32, #tpu.memory_space<hbm>>
        tpu.enqueue_indirect_dma source(%dma_start3A_3250 : memref<401408x96xf32, #tpu.memory_space<hbm>>) target(%arg17 : memref<112x96xf32, #tpu.memory_space<vmem>>) offsets(%arg7 : memref<112xi32, #tpu.memory_space<vmem>>) semaphore(%arg28 : memref<!tpu.dma_semaphore, #tpu.memory_space<semaphore_mem>>)
        %dma_start3A_3251 = arith.constant 0 : i32
        %dma_start3A_3252 = arith.constant 0 : i32
        %dma_start3A_3253 = tpu.memref_slice %arg2[%dma_start3A_3251, %dma_start3A_3252] : memref<401408x96xf32, #tpu.memory_space<hbm>> -> memref<401408x96xf32, #tpu.memory_space<hbm>>
        tpu.enqueue_indirect_dma source(%dma_start3A_3253 : memref<401408x96xf32, #tpu.memory_space<hbm>>) target(%arg18 : memref<112x96xf32, #tpu.memory_space<vmem>>) offsets(%arg8 : memref<112xi32, #tpu.memory_space<vmem>>) semaphore(%arg28 : memref<!tpu.dma_semaphore, #tpu.memory_space<semaphore_mem>>)
        %dma_start3A_3254 = arith.constant 0 : i32
        %dma_start3A_3255 = arith.constant 0 : i32
        %dma_start3A_3256 = tpu.memref_slice %arg2[%dma_start3A_3254, %dma_start3A_3255] : memref<401408x96xf32, #tpu.memory_space<hbm>> -> memref<401408x96xf32, #tpu.memory_space<hbm>>
        tpu.enqueue_indirect_dma source(%dma_start3A_3256 : memref<401408x96xf32, #tpu.memory_space<hbm>>) target(%arg19 : memref<112x96xf32, #tpu.memory_space<vmem>>) offsets(%arg9 : memref<112xi32, #tpu.memory_space<vmem>>) semaphore(%arg28 : memref<!tpu.dma_semaphore, #tpu.memory_space<semaphore_mem>>)
      } else {
      }
      %dma_wait3A_2190 = arith.constant 0 : i32
      %dma_wait3A_2191 = arith.constant 0 : i32
      %dma_wait3A_2192 = tpu.memref_slice %arg2[%dma_wait3A_2190, %dma_wait3A_2191] : memref<401408x96xf32, #tpu.memory_space<hbm>> -> memref<401408x96xf32, #tpu.memory_space<hbm>>
      tpu.wait_indirect_dma semaphore(%arg29 : memref<!tpu.dma_semaphore, #tpu.memory_space<semaphore_mem>>) src(%dma_wait3A_2192 : memref<401408x96xf32, #tpu.memory_space<hbm>>) dst(%arg20 : memref<112x96xf32, #tpu.memory_space<vmem>>)
      %dma_wait3A_2193 = arith.constant 0 : i32
      %dma_wait3A_2194 = arith.constant 0 : i32
      %dma_wait3A_2195 = tpu.memref_slice %arg2[%dma_wait3A_2193, %dma_wait3A_2194] : memref<401408x96xf32, #tpu.memory_space<hbm>> -> memref<401408x96xf32, #tpu.memory_space<hbm>>
      tpu.wait_indirect_dma semaphore(%arg29 : memref<!tpu.dma_semaphore, #tpu.memory_space<semaphore_mem>>) src(%dma_wait3A_2195 : memref<401408x96xf32, #tpu.memory_space<hbm>>) dst(%arg21 : memref<112x96xf32, #tpu.memory_space<vmem>>)
      %dma_wait3A_2196 = arith.constant 0 : i32
      %dma_wait3A_2197 = arith.constant 0 : i32
      %dma_wait3A_2198 = tpu.memref_slice %arg2[%dma_wait3A_2196, %dma_wait3A_2197] : memref<401408x96xf32, #tpu.memory_space<hbm>> -> memref<401408x96xf32, #tpu.memory_space<hbm>>
      tpu.wait_indirect_dma semaphore(%arg29 : memref<!tpu.dma_semaphore, #tpu.memory_space<semaphore_mem>>) src(%dma_wait3A_2198 : memref<401408x96xf32, #tpu.memory_space<hbm>>) dst(%arg22 : memref<112x96xf32, #tpu.memory_space<vmem>>)
      %dma_wait3A_2199 = arith.constant 0 : i32
      %dma_wait3A_2200 = arith.constant 0 : i32
      %dma_wait3A_2201 = tpu.memref_slice %arg2[%dma_wait3A_2199, %dma_wait3A_2200] : memref<401408x96xf32, #tpu.memory_space<hbm>> -> memref<401408x96xf32, #tpu.memory_space<hbm>>
      tpu.wait_indirect_dma semaphore(%arg29 : memref<!tpu.dma_semaphore, #tpu.memory_space<semaphore_mem>>) src(%dma_wait3A_2201 : memref<401408x96xf32, #tpu.memory_space<hbm>>) dst(%arg23 : memref<112x96xf32, #tpu.memory_space<vmem>>)
      %mul3A_2202 = arith.constant 224 : i32
      %mul3A_2203 = arith.muli %add3A_1116, %mul3A_2202 : i32
      %add3A_2204 = arith.addi %mul3A_56, %mul3A_2203 : i32
      %add3A_2205 = arith.constant 112 : i32
      %add3A_2206 = arith.addi %add3A_2204, %add3A_2205 : i32
      %gt3A_2207 = arith.constant 0 : i32
      %gt3A_2208 = arith.cmpi sgt, %scan3A_1113, %gt3A_2207 : i32
      %convert_element_type3A_2209 = arith.extui %gt3A_2208 : i1 to i32
      %cond3A_2210 = arith.constant 0 : i32
      %cond3A_2211 = arith.cmpi ne, %convert_element_type3A_2209, %cond3A_2210 : i32
      scf.if %cond3A_2211 {
        %dma_wait3A_2219 = arith.constant 0 : i32
        %dma_wait3A_2220 = tpu.memref_slice %arg5[%add3A_2206, %dma_wait3A_2219] : memref<401408x96xf32, #tpu.memory_space<hbm>> -> memref<112x96xf32, #tpu.memory_space<hbm>>
        %dma_wait3A_2221 = arith.constant 0 : i32
        %dma_wait3A_2222 = tpu.memref_slice %arg5[%add3A_2206, %dma_wait3A_2221] : memref<401408x96xf32, #tpu.memory_space<hbm>> -> memref<112x96xf32, #tpu.memory_space<hbm>>
        tpu.wait_dma2 semaphore(%arg31 : memref<!tpu.dma_semaphore, #tpu.memory_space<semaphore_mem>>) src(%arg25 : memref<112x96xf32, #tpu.memory_space<vmem>>) dst(%dma_wait3A_2222 : memref<112x96xf32, #tpu.memory_space<hbm>>)
      } else {
      }
      %parallel_loop3A_2212 = arith.constant 0 : i32
      %parallel_loop3A_2213 = arith.constant 112 : i32
      %parallel_loop3A_2214 = arith.constant 1 : i32
      scf.for %parallel_loop3A_2219 = %parallel_loop3A_2212 to %parallel_loop3A_2213 step %parallel_loop3A_2214  : i32 {
        %parallel_loop3A_2220 = arith.constant 16 : i32
        %parallel_loop3A_2221 = arith.divsi %parallel_loop3A_2219, %parallel_loop3A_2220 : i32
        %parallel_loop3A_2222 = arith.constant 0 : i32
        %parallel_loop3A_2223 = arith.cmpi sgt, %parallel_loop3A_2219, %parallel_loop3A_2222 : i32
        %parallel_loop3A_2224 = arith.extui %parallel_loop3A_2223 : i1 to i32
        %parallel_loop3A_2225 = arith.constant 0 : i32
        %parallel_loop3A_2226 = arith.cmpi slt, %parallel_loop3A_2219, %parallel_loop3A_2225 : i32
        %parallel_loop3A_2227 = arith.extui %parallel_loop3A_2226 : i1 to i32
        %parallel_loop3A_2228 = arith.subi %parallel_loop3A_2224, %parallel_loop3A_2227 : i32
        %parallel_loop3A_2229 = arith.constant 0 : i32
        %parallel_loop3A_2230 = arith.cmpi sgt, %parallel_loop3A_2220, %parallel_loop3A_2229 : i32
        %parallel_loop3A_2231 = arith.extui %parallel_loop3A_2230 : i1 to i32
        %parallel_loop3A_2232 = arith.constant 0 : i32
        %parallel_loop3A_2233 = arith.cmpi slt, %parallel_loop3A_2220, %parallel_loop3A_2232 : i32
        %parallel_loop3A_2234 = arith.extui %parallel_loop3A_2233 : i1 to i32
        %parallel_loop3A_2235 = arith.subi %parallel_loop3A_2231, %parallel_loop3A_2234 : i32
        %parallel_loop3A_2236 = arith.cmpi ne, %parallel_loop3A_2228, %parallel_loop3A_2235 : i32
        %parallel_loop3A_2237 = arith.remsi %parallel_loop3A_2219, %parallel_loop3A_2220 : i32
        %parallel_loop3A_2238 = arith.constant 0 : i32
        %parallel_loop3A_2239 = arith.cmpi ne, %parallel_loop3A_2237, %parallel_loop3A_2238 : i32
        %parallel_loop3A_2240 = arith.andi %parallel_loop3A_2236, %parallel_loop3A_2239 : i1
        %parallel_loop3A_2241 = arith.constant 1 : i32
        %parallel_loop3A_2242 = arith.subi %parallel_loop3A_2221, %parallel_loop3A_2241 : i32
        %parallel_loop3A_2243 = arith.select %parallel_loop3A_2240, %parallel_loop3A_2242, %parallel_loop3A_2221 : i32
        %parallel_loop3A_2244 = arith.constant 16 : i32
        %parallel_loop3A_2245 = arith.muli %parallel_loop3A_2243, %parallel_loop3A_2244 : i32
        %parallel_loop3A_2246 = arith.subi %parallel_loop3A_2219, %parallel_loop3A_2245 : i32
        %parallel_loop3A_2247 = tpu.iota {dimensions = array<i32: 0>} : vector<16xi32>
        %parallel_loop3A_2248 = arith.constant 0 : i32
        %parallel_loop3A_2249 = vector.broadcast %parallel_loop3A_2248 : i32 to vector<16xi32>
        %parallel_loop3A_2250 = arith.muli %parallel_loop3A_2247, %parallel_loop3A_2249 : vector<16xi32>
        %parallel_loop3A_2251 = vector.broadcast %parallel_loop3A_2246 : i32 to vector<16xi32>
        %parallel_loop3A_2252 = arith.addi %parallel_loop3A_2250, %parallel_loop3A_2251 : vector<16xi32>
        %parallel_loop3A_2253 = vector.shape_cast %parallel_loop3A_2252 : vector<16xi32> to vector<16x1xi32>
        %parallel_loop3A_2254 = arith.constant 0 : i32
        %parallel_loop3A_2255 = arith.index_cast %parallel_loop3A_2254 : i32 to index
        %parallel_loop3A_2256 = arith.index_cast %parallel_loop3A_2245 : i32 to index
        %parallel_loop3A_2257 = tpu.vector_load %arg15[%parallel_loop3A_2255, %parallel_loop3A_2256] {strides = array<i32>} : memref<4x112xf32, #tpu.memory_space<vmem>>, vector<1x16xf32>,
        %parallel_loop3A_2258 = vector.shape_cast %parallel_loop3A_2257 : vector<1x16xf32> to vector<16xf32>
        %parallel_loop3A_2259 = vector.shape_cast %parallel_loop3A_2253 : vector<16x1xi32> to vector<16xi32>
        %parallel_loop3A_2260 = tpu.dynamic_gather %parallel_loop3A_2258[%parallel_loop3A_2259] in [0] : vector<16xf32>, vector<16xi32> -> vector<16xf32>
        %parallel_loop3A_2261 = arith.constant 1 : i32
        %parallel_loop3A_2262 = arith.index_cast %parallel_loop3A_2261 : i32 to index
        %parallel_loop3A_2263 = arith.index_cast %parallel_loop3A_2245 : i32 to index
        %parallel_loop3A_2264 = tpu.vector_load %arg15[%parallel_loop3A_2262, %parallel_loop3A_2263] {strides = array<i32>} : memref<4x112xf32, #tpu.memory_space<vmem>>, vector<1x16xf32>,
        %parallel_loop3A_2265 = vector.shape_cast %parallel_loop3A_2264 : vector<1x16xf32> to vector<16xf32>
        %parallel_loop3A_2266 = vector.shape_cast %parallel_loop3A_2253 : vector<16x1xi32> to vector<16xi32>
        %parallel_loop3A_2267 = tpu.dynamic_gather %parallel_loop3A_2265[%parallel_loop3A_2266] in [0] : vector<16xf32>, vector<16xi32> -> vector<16xf32>
        %parallel_loop3A_2268 = arith.constant 2 : i32
        %parallel_loop3A_2269 = arith.index_cast %parallel_loop3A_2268 : i32 to index
        %parallel_loop3A_2270 = arith.index_cast %parallel_loop3A_2245 : i32 to index
        %parallel_loop3A_2271 = tpu.vector_load %arg15[%parallel_loop3A_2269, %parallel_loop3A_2270] {strides = array<i32>} : memref<4x112xf32, #tpu.memory_space<vmem>>, vector<1x16xf32>,
        %parallel_loop3A_2272 = vector.shape_cast %parallel_loop3A_2271 : vector<1x16xf32> to vector<16xf32>
        %parallel_loop3A_2273 = vector.shape_cast %parallel_loop3A_2253 : vector<16x1xi32> to vector<16xi32>
        %parallel_loop3A_2274 = tpu.dynamic_gather %parallel_loop3A_2272[%parallel_loop3A_2273] in [0] : vector<16xf32>, vector<16xi32> -> vector<16xf32>
        %parallel_loop3A_2275 = arith.constant 3 : i32
        %parallel_loop3A_2276 = arith.index_cast %parallel_loop3A_2275 : i32 to index
        %parallel_loop3A_2277 = arith.index_cast %parallel_loop3A_2245 : i32 to index
        %parallel_loop3A_2278 = tpu.vector_load %arg15[%parallel_loop3A_2276, %parallel_loop3A_2277] {strides = array<i32>} : memref<4x112xf32, #tpu.memory_space<vmem>>, vector<1x16xf32>,
        %parallel_loop3A_2279 = vector.shape_cast %parallel_loop3A_2278 : vector<1x16xf32> to vector<16xf32>
        %parallel_loop3A_2280 = vector.shape_cast %parallel_loop3A_2253 : vector<16x1xi32> to vector<16xi32>
        %parallel_loop3A_2281 = tpu.dynamic_gather %parallel_loop3A_2279[%parallel_loop3A_2280] in [0] : vector<16xf32>, vector<16xi32> -> vector<16xf32>
        %parallel_loop3A_2282 = arith.index_cast %parallel_loop3A_2219 : i32 to index
        %parallel_loop3A_2283 = arith.constant 0 : index
        %parallel_loop3A_2284 = tpu.vector_load %arg20[%parallel_loop3A_2282, %parallel_loop3A_2283] {strides = array<i32>} : memref<112x96xf32, #tpu.memory_space<vmem>>, vector<1x16xf32>,
        %parallel_loop3A_2285 = vector.shape_cast %parallel_loop3A_2284 : vector<1x16xf32> to vector<16xf32>
        %parallel_loop3A_2286 = arith.mulf %parallel_loop3A_2260, %parallel_loop3A_2285 : vector<16xf32>
        %parallel_loop3A_2287 = arith.index_cast %parallel_loop3A_2219 : i32 to index
        %parallel_loop3A_2288 = arith.constant 0 : index
        %parallel_loop3A_2289 = tpu.vector_load %arg21[%parallel_loop3A_2287, %parallel_loop3A_2288] {strides = array<i32>} : memref<112x96xf32, #tpu.memory_space<vmem>>, vector<1x16xf32>,
        %parallel_loop3A_2290 = vector.shape_cast %parallel_loop3A_2289 : vector<1x16xf32> to vector<16xf32>
        %parallel_loop3A_2291 = arith.mulf %parallel_loop3A_2267, %parallel_loop3A_2290 : vector<16xf32>
        %parallel_loop3A_2292 = arith.addf %parallel_loop3A_2286, %parallel_loop3A_2291 : vector<16xf32>
        %parallel_loop3A_2293 = arith.index_cast %parallel_loop3A_2219 : i32 to index
        %parallel_loop3A_2294 = arith.constant 0 : index
        %parallel_loop3A_2295 = tpu.vector_load %arg22[%parallel_loop3A_2293, %parallel_loop3A_2294] {strides = array<i32>} : memref<112x96xf32, #tpu.memory_space<vmem>>, vector<1x16xf32>,
        %parallel_loop3A_2296 = vector.shape_cast %parallel_loop3A_2295 : vector<1x16xf32> to vector<16xf32>
        %parallel_loop3A_2297 = arith.mulf %parallel_loop3A_2274, %parallel_loop3A_2296 : vector<16xf32>
        %parallel_loop3A_2298 = arith.addf %parallel_loop3A_2292, %parallel_loop3A_2297 : vector<16xf32>
        %parallel_loop3A_2299 = arith.index_cast %parallel_loop3A_2219 : i32 to index
        %parallel_loop3A_2300 = arith.constant 0 : index
        %parallel_loop3A_2301 = tpu.vector_load %arg23[%parallel_loop3A_2299, %parallel_loop3A_2300] {strides = array<i32>} : memref<112x96xf32, #tpu.memory_space<vmem>>, vector<1x16xf32>,
        %parallel_loop3A_2302 = vector.shape_cast %parallel_loop3A_2301 : vector<1x16xf32> to vector<16xf32>
        %parallel_loop3A_2303 = arith.mulf %parallel_loop3A_2281, %parallel_loop3A_2302 : vector<16xf32>
        %parallel_loop3A_2304 = arith.addf %parallel_loop3A_2298, %parallel_loop3A_2303 : vector<16xf32>
        %parallel_loop3A_2305 = arith.index_cast %parallel_loop3A_2219 : i32 to index
        %parallel_loop3A_2306 = arith.constant 0 : index
        %parallel_loop3A_2307 = tpu.vector_load %arg25[%parallel_loop3A_2305, %parallel_loop3A_2306] {strides = array<i32>} : memref<112x96xf32, #tpu.memory_space<vmem>>, vector<1x16xf32>,
        %parallel_loop3A_2308 = vector.shape_cast %parallel_loop3A_2307 : vector<1x16xf32> to vector<16xf32>
        %parallel_loop3A_2309 = vector.shape_cast %parallel_loop3A_2304 : vector<16xf32> to vector<1x16xf32>
        tpu.vector_store %arg25[%parallel_loop3A_2305, %parallel_loop3A_2306], %parallel_loop3A_2309 {strides = array<i32>} : memref<112x96xf32, #tpu.memory_space<vmem>>, vector<1x16xf32>,
        %parallel_loop3A_2310 = arith.index_cast %parallel_loop3A_2219 : i32 to index
        %parallel_loop3A_2311 = arith.constant 16 : index
        %parallel_loop3A_2312 = tpu.vector_load %arg20[%parallel_loop3A_2310, %parallel_loop3A_2311] {strides = array<i32>} : memref<112x96xf32, #tpu.memory_space<vmem>>, vector<1x16xf32>,
        %parallel_loop3A_2313 = vector.shape_cast %parallel_loop3A_2312 : vector<1x16xf32> to vector<16xf32>
        %parallel_loop3A_2314 = arith.mulf %parallel_loop3A_2260, %parallel_loop3A_2313 : vector<16xf32>
        %parallel_loop3A_2315 = arith.index_cast %parallel_loop3A_2219 : i32 to index
        %parallel_loop3A_2316 = arith.constant 16 : index
        %parallel_loop3A_2317 = tpu.vector_load %arg21[%parallel_loop3A_2315, %parallel_loop3A_2316] {strides = array<i32>} : memref<112x96xf32, #tpu.memory_space<vmem>>, vector<1x16xf32>,
        %parallel_loop3A_2318 = vector.shape_cast %parallel_loop3A_2317 : vector<1x16xf32> to vector<16xf32>
        %parallel_loop3A_2319 = arith.mulf %parallel_loop3A_2267, %parallel_loop3A_2318 : vector<16xf32>
        %parallel_loop3A_2320 = arith.addf %parallel_loop3A_2314, %parallel_loop3A_2319 : vector<16xf32>
        %parallel_loop3A_2321 = arith.index_cast %parallel_loop3A_2219 : i32 to index
        %parallel_loop3A_2322 = arith.constant 16 : index
        %parallel_loop3A_2323 = tpu.vector_load %arg22[%parallel_loop3A_2321, %parallel_loop3A_2322] {strides = array<i32>} : memref<112x96xf32, #tpu.memory_space<vmem>>, vector<1x16xf32>,
        %parallel_loop3A_2324 = vector.shape_cast %parallel_loop3A_2323 : vector<1x16xf32> to vector<16xf32>
        %parallel_loop3A_2325 = arith.mulf %parallel_loop3A_2274, %parallel_loop3A_2324 : vector<16xf32>
        %parallel_loop3A_2326 = arith.addf %parallel_loop3A_2320, %parallel_loop3A_2325 : vector<16xf32>
        %parallel_loop3A_2327 = arith.index_cast %parallel_loop3A_2219 : i32 to index
        %parallel_loop3A_2328 = arith.constant 16 : index
        %parallel_loop3A_2329 = tpu.vector_load %arg23[%parallel_loop3A_2327, %parallel_loop3A_2328] {strides = array<i32>} : memref<112x96xf32, #tpu.memory_space<vmem>>, vector<1x16xf32>,
        %parallel_loop3A_2330 = vector.shape_cast %parallel_loop3A_2329 : vector<1x16xf32> to vector<16xf32>
        %parallel_loop3A_2331 = arith.mulf %parallel_loop3A_2281, %parallel_loop3A_2330 : vector<16xf32>
        %parallel_loop3A_2332 = arith.addf %parallel_loop3A_2326, %parallel_loop3A_2331 : vector<16xf32>
        %parallel_loop3A_2333 = arith.index_cast %parallel_loop3A_2219 : i32 to index
        %parallel_loop3A_2334 = arith.constant 16 : index
        %parallel_loop3A_2335 = tpu.vector_load %arg25[%parallel_loop3A_2333, %parallel_loop3A_2334] {strides = array<i32>} : memref<112x96xf32, #tpu.memory_space<vmem>>, vector<1x16xf32>,
        %parallel_loop3A_2336 = vector.shape_cast %parallel_loop3A_2335 : vector<1x16xf32> to vector<16xf32>
        %parallel_loop3A_2337 = vector.shape_cast %parallel_loop3A_2332 : vector<16xf32> to vector<1x16xf32>
        tpu.vector_store %arg25[%parallel_loop3A_2333, %parallel_loop3A_2334], %parallel_loop3A_2337 {strides = array<i32>} : memref<112x96xf32, #tpu.memory_space<vmem>>, vector<1x16xf32>,
        %parallel_loop3A_2338 = arith.index_cast %parallel_loop3A_2219 : i32 to index
        %parallel_loop3A_2339 = arith.constant 32 : index
        %parallel_loop3A_2340 = tpu.vector_load %arg20[%parallel_loop3A_2338, %parallel_loop3A_2339] {strides = array<i32>} : memref<112x96xf32, #tpu.memory_space<vmem>>, vector<1x16xf32>,
        %parallel_loop3A_2341 = vector.shape_cast %parallel_loop3A_2340 : vector<1x16xf32> to vector<16xf32>
        %parallel_loop3A_2342 = arith.mulf %parallel_loop3A_2260, %parallel_loop3A_2341 : vector<16xf32>
        %parallel_loop3A_2343 = arith.index_cast %parallel_loop3A_2219 : i32 to index
        %parallel_loop3A_2344 = arith.constant 32 : index
        %parallel_loop3A_2345 = tpu.vector_load %arg21[%parallel_loop3A_2343, %parallel_loop3A_2344] {strides = array<i32>} : memref<112x96xf32, #tpu.memory_space<vmem>>, vector<1x16xf32>,
        %parallel_loop3A_2346 = vector.shape_cast %parallel_loop3A_2345 : vector<1x16xf32> to vector<16xf32>
        %parallel_loop3A_2347 = arith.mulf %parallel_loop3A_2267, %parallel_loop3A_2346 : vector<16xf32>
        %parallel_loop3A_2348 = arith.addf %parallel_loop3A_2342, %parallel_loop3A_2347 : vector<16xf32>
        %parallel_loop3A_2349 = arith.index_cast %parallel_loop3A_2219 : i32 to index
        %parallel_loop3A_2350 = arith.constant 32 : index
        %parallel_loop3A_2351 = tpu.vector_load %arg22[%parallel_loop3A_2349, %parallel_loop3A_2350] {strides = array<i32>} : memref<112x96xf32, #tpu.memory_space<vmem>>, vector<1x16xf32>,
        %parallel_loop3A_2352 = vector.shape_cast %parallel_loop3A_2351 : vector<1x16xf32> to vector<16xf32>
        %parallel_loop3A_2353 = arith.mulf %parallel_loop3A_2274, %parallel_loop3A_2352 : vector<16xf32>
        %parallel_loop3A_2354 = arith.addf %parallel_loop3A_2348, %parallel_loop3A_2353 : vector<16xf32>
        %parallel_loop3A_2355 = arith.index_cast %parallel_loop3A_2219 : i32 to index
        %parallel_loop3A_2356 = arith.constant 32 : index
        %parallel_loop3A_2357 = tpu.vector_load %arg23[%parallel_loop3A_2355, %parallel_loop3A_2356] {strides = array<i32>} : memref<112x96xf32, #tpu.memory_space<vmem>>, vector<1x16xf32>,
        %parallel_loop3A_2358 = vector.shape_cast %parallel_loop3A_2357 : vector<1x16xf32> to vector<16xf32>
        %parallel_loop3A_2359 = arith.mulf %parallel_loop3A_2281, %parallel_loop3A_2358 : vector<16xf32>
        %parallel_loop3A_2360 = arith.addf %parallel_loop3A_2354, %parallel_loop3A_2359 : vector<16xf32>
        %parallel_loop3A_2361 = arith.index_cast %parallel_loop3A_2219 : i32 to index
        %parallel_loop3A_2362 = arith.constant 32 : index
        %parallel_loop3A_2363 = tpu.vector_load %arg25[%parallel_loop3A_2361, %parallel_loop3A_2362] {strides = array<i32>} : memref<112x96xf32, #tpu.memory_space<vmem>>, vector<1x16xf32>,
        %parallel_loop3A_2364 = vector.shape_cast %parallel_loop3A_2363 : vector<1x16xf32> to vector<16xf32>
        %parallel_loop3A_2365 = vector.shape_cast %parallel_loop3A_2360 : vector<16xf32> to vector<1x16xf32>
        tpu.vector_store %arg25[%parallel_loop3A_2361, %parallel_loop3A_2362], %parallel_loop3A_2365 {strides = array<i32>} : memref<112x96xf32, #tpu.memory_space<vmem>>, vector<1x16xf32>,
        %parallel_loop3A_2366 = arith.index_cast %parallel_loop3A_2219 : i32 to index
        %parallel_loop3A_2367 = arith.constant 48 : index
        %parallel_loop3A_2368 = tpu.vector_load %arg20[%parallel_loop3A_2366, %parallel_loop3A_2367] {strides = array<i32>} : memref<112x96xf32, #tpu.memory_space<vmem>>, vector<1x16xf32>,
        %parallel_loop3A_2369 = vector.shape_cast %parallel_loop3A_2368 : vector<1x16xf32> to vector<16xf32>
        %parallel_loop3A_2370 = arith.mulf %parallel_loop3A_2260, %parallel_loop3A_2369 : vector<16xf32>
        %parallel_loop3A_2371 = arith.index_cast %parallel_loop3A_2219 : i32 to index
        %parallel_loop3A_2372 = arith.constant 48 : index
        %parallel_loop3A_2373 = tpu.vector_load %arg21[%parallel_loop3A_2371, %parallel_loop3A_2372] {strides = array<i32>} : memref<112x96xf32, #tpu.memory_space<vmem>>, vector<1x16xf32>,
        %parallel_loop3A_2374 = vector.shape_cast %parallel_loop3A_2373 : vector<1x16xf32> to vector<16xf32>
        %parallel_loop3A_2375 = arith.mulf %parallel_loop3A_2267, %parallel_loop3A_2374 : vector<16xf32>
        %parallel_loop3A_2376 = arith.addf %parallel_loop3A_2370, %parallel_loop3A_2375 : vector<16xf32>
        %parallel_loop3A_2377 = arith.index_cast %parallel_loop3A_2219 : i32 to index
        %parallel_loop3A_2378 = arith.constant 48 : index
        %parallel_loop3A_2379 = tpu.vector_load %arg22[%parallel_loop3A_2377, %parallel_loop3A_2378] {strides = array<i32>} : memref<112x96xf32, #tpu.memory_space<vmem>>, vector<1x16xf32>,
        %parallel_loop3A_2380 = vector.shape_cast %parallel_loop3A_2379 : vector<1x16xf32> to vector<16xf32>
        %parallel_loop3A_2381 = arith.mulf %parallel_loop3A_2274, %parallel_loop3A_2380 : vector<16xf32>
        %parallel_loop3A_2382 = arith.addf %parallel_loop3A_2376, %parallel_loop3A_2381 : vector<16xf32>
        %parallel_loop3A_2383 = arith.index_cast %parallel_loop3A_2219 : i32 to index
        %parallel_loop3A_2384 = arith.constant 48 : index
        %parallel_loop3A_2385 = tpu.vector_load %arg23[%parallel_loop3A_2383, %parallel_loop3A_2384] {strides = array<i32>} : memref<112x96xf32, #tpu.memory_space<vmem>>, vector<1x16xf32>,
        %parallel_loop3A_2386 = vector.shape_cast %parallel_loop3A_2385 : vector<1x16xf32> to vector<16xf32>
        %parallel_loop3A_2387 = arith.mulf %parallel_loop3A_2281, %parallel_loop3A_2386 : vector<16xf32>
        %parallel_loop3A_2388 = arith.addf %parallel_loop3A_2382, %parallel_loop3A_2387 : vector<16xf32>
        %parallel_loop3A_2389 = arith.index_cast %parallel_loop3A_2219 : i32 to index
        %parallel_loop3A_2390 = arith.constant 48 : index
        %parallel_loop3A_2391 = tpu.vector_load %arg25[%parallel_loop3A_2389, %parallel_loop3A_2390] {strides = array<i32>} : memref<112x96xf32, #tpu.memory_space<vmem>>, vector<1x16xf32>,
        %parallel_loop3A_2392 = vector.shape_cast %parallel_loop3A_2391 : vector<1x16xf32> to vector<16xf32>
        %parallel_loop3A_2393 = vector.shape_cast %parallel_loop3A_2388 : vector<16xf32> to vector<1x16xf32>
        tpu.vector_store %arg25[%parallel_loop3A_2389, %parallel_loop3A_2390], %parallel_loop3A_2393 {strides = array<i32>} : memref<112x96xf32, #tpu.memory_space<vmem>>, vector<1x16xf32>,
        %parallel_loop3A_2394 = arith.index_cast %parallel_loop3A_2219 : i32 to index
        %parallel_loop3A_2395 = arith.constant 64 : index
        %parallel_loop3A_2396 = tpu.vector_load %arg20[%parallel_loop3A_2394, %parallel_loop3A_2395] {strides = array<i32>} : memref<112x96xf32, #tpu.memory_space<vmem>>, vector<1x16xf32>,
        %parallel_loop3A_2397 = vector.shape_cast %parallel_loop3A_2396 : vector<1x16xf32> to vector<16xf32>
        %parallel_loop3A_2398 = arith.mulf %parallel_loop3A_2260, %parallel_loop3A_2397 : vector<16xf32>
        %parallel_loop3A_2399 = arith.index_cast %parallel_loop3A_2219 : i32 to index
        %parallel_loop3A_2400 = arith.constant 64 : index
        %parallel_loop3A_2401 = tpu.vector_load %arg21[%parallel_loop3A_2399, %parallel_loop3A_2400] {strides = array<i32>} : memref<112x96xf32, #tpu.memory_space<vmem>>, vector<1x16xf32>,
        %parallel_loop3A_2402 = vector.shape_cast %parallel_loop3A_2401 : vector<1x16xf32> to vector<16xf32>
        %parallel_loop3A_2403 = arith.mulf %parallel_loop3A_2267, %parallel_loop3A_2402 : vector<16xf32>
        %parallel_loop3A_2404 = arith.addf %parallel_loop3A_2398, %parallel_loop3A_2403 : vector<16xf32>
        %parallel_loop3A_2405 = arith.index_cast %parallel_loop3A_2219 : i32 to index
        %parallel_loop3A_2406 = arith.constant 64 : index
        %parallel_loop3A_2407 = tpu.vector_load %arg22[%parallel_loop3A_2405, %parallel_loop3A_2406] {strides = array<i32>} : memref<112x96xf32, #tpu.memory_space<vmem>>, vector<1x16xf32>,
        %parallel_loop3A_2408 = vector.shape_cast %parallel_loop3A_2407 : vector<1x16xf32> to vector<16xf32>
        %parallel_loop3A_2409 = arith.mulf %parallel_loop3A_2274, %parallel_loop3A_2408 : vector<16xf32>
        %parallel_loop3A_2410 = arith.addf %parallel_loop3A_2404, %parallel_loop3A_2409 : vector<16xf32>
        %parallel_loop3A_2411 = arith.index_cast %parallel_loop3A_2219 : i32 to index
        %parallel_loop3A_2412 = arith.constant 64 : index
        %parallel_loop3A_2413 = tpu.vector_load %arg23[%parallel_loop3A_2411, %parallel_loop3A_2412] {strides = array<i32>} : memref<112x96xf32, #tpu.memory_space<vmem>>, vector<1x16xf32>,
        %parallel_loop3A_2414 = vector.shape_cast %parallel_loop3A_2413 : vector<1x16xf32> to vector<16xf32>
        %parallel_loop3A_2415 = arith.mulf %parallel_loop3A_2281, %parallel_loop3A_2414 : vector<16xf32>
        %parallel_loop3A_2416 = arith.addf %parallel_loop3A_2410, %parallel_loop3A_2415 : vector<16xf32>
        %parallel_loop3A_2417 = arith.index_cast %parallel_loop3A_2219 : i32 to index
        %parallel_loop3A_2418 = arith.constant 64 : index
        %parallel_loop3A_2419 = tpu.vector_load %arg25[%parallel_loop3A_2417, %parallel_loop3A_2418] {strides = array<i32>} : memref<112x96xf32, #tpu.memory_space<vmem>>, vector<1x16xf32>,
        %parallel_loop3A_2420 = vector.shape_cast %parallel_loop3A_2419 : vector<1x16xf32> to vector<16xf32>
        %parallel_loop3A_2421 = vector.shape_cast %parallel_loop3A_2416 : vector<16xf32> to vector<1x16xf32>
        tpu.vector_store %arg25[%parallel_loop3A_2417, %parallel_loop3A_2418], %parallel_loop3A_2421 {strides = array<i32>} : memref<112x96xf32, #tpu.memory_space<vmem>>, vector<1x16xf32>,
        %parallel_loop3A_2422 = arith.index_cast %parallel_loop3A_2219 : i32 to index
        %parallel_loop3A_2423 = arith.constant 80 : index
        %parallel_loop3A_2424 = tpu.vector_load %arg20[%parallel_loop3A_2422, %parallel_loop3A_2423] {strides = array<i32>} : memref<112x96xf32, #tpu.memory_space<vmem>>, vector<1x16xf32>,
        %parallel_loop3A_2425 = vector.shape_cast %parallel_loop3A_2424 : vector<1x16xf32> to vector<16xf32>
        %parallel_loop3A_2426 = arith.mulf %parallel_loop3A_2260, %parallel_loop3A_2425 : vector<16xf32>
        %parallel_loop3A_2427 = arith.index_cast %parallel_loop3A_2219 : i32 to index
        %parallel_loop3A_2428 = arith.constant 80 : index
        %parallel_loop3A_2429 = tpu.vector_load %arg21[%parallel_loop3A_2427, %parallel_loop3A_2428] {strides = array<i32>} : memref<112x96xf32, #tpu.memory_space<vmem>>, vector<1x16xf32>,
        %parallel_loop3A_2430 = vector.shape_cast %parallel_loop3A_2429 : vector<1x16xf32> to vector<16xf32>
        %parallel_loop3A_2431 = arith.mulf %parallel_loop3A_2267, %parallel_loop3A_2430 : vector<16xf32>
        %parallel_loop3A_2432 = arith.addf %parallel_loop3A_2426, %parallel_loop3A_2431 : vector<16xf32>
        %parallel_loop3A_2433 = arith.index_cast %parallel_loop3A_2219 : i32 to index
        %parallel_loop3A_2434 = arith.constant 80 : index
        %parallel_loop3A_2435 = tpu.vector_load %arg22[%parallel_loop3A_2433, %parallel_loop3A_2434] {strides = array<i32>} : memref<112x96xf32, #tpu.memory_space<vmem>>, vector<1x16xf32>,
        %parallel_loop3A_2436 = vector.shape_cast %parallel_loop3A_2435 : vector<1x16xf32> to vector<16xf32>
        %parallel_loop3A_2437 = arith.mulf %parallel_loop3A_2274, %parallel_loop3A_2436 : vector<16xf32>
        %parallel_loop3A_2438 = arith.addf %parallel_loop3A_2432, %parallel_loop3A_2437 : vector<16xf32>
        %parallel_loop3A_2439 = arith.index_cast %parallel_loop3A_2219 : i32 to index
        %parallel_loop3A_2440 = arith.constant 80 : index
        %parallel_loop3A_2441 = tpu.vector_load %arg23[%parallel_loop3A_2439, %parallel_loop3A_2440] {strides = array<i32>} : memref<112x96xf32, #tpu.memory_space<vmem>>, vector<1x16xf32>,
        %parallel_loop3A_2442 = vector.shape_cast %parallel_loop3A_2441 : vector<1x16xf32> to vector<16xf32>
        %parallel_loop3A_2443 = arith.mulf %parallel_loop3A_2281, %parallel_loop3A_2442 : vector<16xf32>
        %parallel_loop3A_2444 = arith.addf %parallel_loop3A_2438, %parallel_loop3A_2443 : vector<16xf32>
        %parallel_loop3A_2445 = arith.index_cast %parallel_loop3A_2219 : i32 to index
        %parallel_loop3A_2446 = arith.constant 80 : index
        %parallel_loop3A_2447 = tpu.vector_load %arg25[%parallel_loop3A_2445, %parallel_loop3A_2446] {strides = array<i32>} : memref<112x96xf32, #tpu.memory_space<vmem>>, vector<1x16xf32>,
        %parallel_loop3A_2448 = vector.shape_cast %parallel_loop3A_2447 : vector<1x16xf32> to vector<16xf32>
        %parallel_loop3A_2449 = vector.shape_cast %parallel_loop3A_2444 : vector<16xf32> to vector<1x16xf32>
        tpu.vector_store %arg25[%parallel_loop3A_2445, %parallel_loop3A_2446], %parallel_loop3A_2449 {strides = array<i32>} : memref<112x96xf32, #tpu.memory_space<vmem>>, vector<1x16xf32>,
      } {sc.loop_unroll_factor = 4 : i64, sc.parallel_access}
      %dma_start3A_2215 = arith.constant 0 : i32
      %dma_start3A_2216 = tpu.memref_slice %arg5[%add3A_2206, %dma_start3A_2215] : memref<401408x96xf32, #tpu.memory_space<hbm>> -> memref<112x96xf32, #tpu.memory_space<hbm>>
      %dma_start3A_2217 = arith.constant 0 : i32
      %dma_start3A_2218 = tpu.memref_slice %arg5[%add3A_2206, %dma_start3A_2217] : memref<401408x96xf32, #tpu.memory_space<hbm>> -> memref<112x96xf32, #tpu.memory_space<hbm>>
      tpu.enqueue_dma source(%arg25 : memref<112x96xf32, #tpu.memory_space<vmem>>) target(%dma_start3A_2218 : memref<112x96xf32, #tpu.memory_space<hbm>>) target_semaphore(%arg31 : memref<!tpu.dma_semaphore, #tpu.memory_space<semaphore_mem>>)
    }
    %scan3A_1094 = arith.constant 56 : i32
    %mul3A_1095 = arith.constant 56 : i32
    %mul3A_1096 = arith.muli %select_n3A_30, %mul3A_1095 : i32
    %add3A_1097 = arith.constant 56 : i32
    %add3A_1098 = arith.addi %mul3A_1096, %add3A_1097 : i32
    %sub3A_1099 = arith.constant 1 : i32
    %sub3A_1100 = arith.subi %add3A_1098, %sub3A_1099 : i32
    %mul3A_1101 = arith.constant 224 : i32
    %mul3A_1102 = arith.muli %sub3A_1100, %mul3A_1101 : i32
    %add3A_1103 = arith.addi %mul3A_56, %mul3A_1102 : i32
    %dma_wait3A = arith.constant 0 : i32
    %dma_wait3A_1104 = tpu.memref_slice %arg5[%add3A_1103, %dma_wait3A] : memref<401408x96xf32, #tpu.memory_space<hbm>> -> memref<112x96xf32, #tpu.memory_space<hbm>>
    %dma_wait3A_1105 = arith.constant 0 : i32
    %dma_wait3A_1106 = tpu.memref_slice %arg5[%add3A_1103, %dma_wait3A_1105] : memref<401408x96xf32, #tpu.memory_space<hbm>> -> memref<112x96xf32, #tpu.memory_space<hbm>>
    tpu.wait_dma2 semaphore(%arg30 : memref<!tpu.dma_semaphore, #tpu.memory_space<semaphore_mem>>) src(%arg24 : memref<112x96xf32, #tpu.memory_space<vmem>>) dst(%dma_wait3A_1106 : memref<112x96xf32, #tpu.memory_space<hbm>>)
    %add3A_1107 = arith.constant 112 : i32
    %add3A_1108 = arith.addi %add3A_1103, %add3A_1107 : i32
    %dma_wait3A_1109 = arith.constant 0 : i32
    %dma_wait3A_1110 = tpu.memref_slice %arg5[%add3A_1108, %dma_wait3A_1109] : memref<401408x96xf32, #tpu.memory_space<hbm>> -> memref<112x96xf32, #tpu.memory_space<hbm>>
    %dma_wait3A_1111 = arith.constant 0 : i32
    %dma_wait3A_1112 = tpu.memref_slice %arg5[%add3A_1108, %dma_wait3A_1111] : memref<401408x96xf32, #tpu.memory_space<hbm>> -> memref<112x96xf32, #tpu.memory_space<hbm>>
    tpu.wait_dma2 semaphore(%arg31 : memref<!tpu.dma_semaphore, #tpu.memory_space<semaphore_mem>>) src(%arg25 : memref<112x96xf32, #tpu.memory_space<vmem>>) dst(%dma_wait3A_1112 : memref<112x96xf32, #tpu.memory_space<hbm>>)
    return
  }
}

</mosaic_0001>

<sc_bundles>
// kernel: _run.3.cloned.1.call-start
scs
__scs_entry_jumppad:
0x0: {  	(pc) =	sbr.rel $0x88, $3  }
0x1: {  	(tag) =	ssettag $0x0;
	lr =	simm.s32 $0x1  }
0x2: {  	[smem:$0x3F9E] =	sst lr;
	_ =	strace $0xD0000000  }
0x3: {  	_ = 	snop  }
0x4: {  	_ = 	snop  }
0x5: {  	_ = 	snop  }
0x6: {  	_ = 	snop  }
0x7: {  	_ = 	snop  }
__scs_overlays_trampoline_lowered:
0x8: {  	[smem:$0x3FAD] =	sst s0  }
0x9: {  	[smem:$0x3FAE] =	sst s1  }
0xa: {  	[smem:$0x3FAF] =	sst s2  }
0xb: {  	[smem:$0x3FB0] =	sst s3  }
0xc: {  	[smem:$0x3FB1] =	sst s4  }
0xd: {  	[smem:$0x3FB2] =	sst s5  }
0xe: {  	[smem:$0x3FB3] =	sst s6  }
0xf: {  	[smem:$0x3FB4] =	sst s7  }
0x10: {  	[smem:$0x3FB5] =	sst s8  }
0x11: {  	[smem:$0x3FB6] =	sst s9;
	s0 =	simm.s32 @!p0 $0x0  }
0x12: {  	s1 =	sld [smem:$0x3F9C];
	s0 =	simm.s32 @p0 $0x1  }
0x13: {  	[smem:$0x3FB7] =	sst s0;
	s0 =	simm.s32 @!p1 $0x0  }
0x14: {  	s2 =	sld [smem:$0x3F9B];
	s0 =	simm.s32 @p1 $0x1  }
0x15: {  	[smem:$0x3FB8] =	sst s0;
	s0 =	simm.s32 @!p2 $0x0  }
0x16: {  	s3 =	sld [smem:$0x3FDB];
	s0 =	simm.s32 @p2 $0x1  }
0x17: {  	s4 =	simm.s32 $0x1BF5;
	[smem:$0x3FBA] =	sst s0  }
0x18: {  	s0 =	sld [smem:$0x3F9D];
	_ =	swait.ge [sflag:s4], $0x0  }
0x19: {  	s7 =	sld [smem:$0x3F9E]  }
0x1a: {  	s8 =	sadd.s32 $0xFFFFE003, lr  }
0x1b: {  	s9 =	sadd.s32 $0xFFFFFEF7, lr;
	s5 =	simm.s32 $0xFFFFFFFF;
	p2 =	slt.u32 s8, $0xFFFFF086  }
0x1c: {  	p1 =	slt.u32 s9, $0xF7A;
	s5 =	simm.s32 @!p2 $0x0  }
0x1d: {  	s5 =	simm.s32 @p1 $0x1;
	p0 =	seq.s32 s7, s2  }
0x1e: {  	s7 =	smul.u32 @!p0 $0xF7A, s2;
	p2 =	seq.s32 @!p0 s5, $0x0  }
0x1f: {  	s9 =	smul.u32 $0xF7A, s1;
	s8 =	simm.s32 @!p0 $0x1BF5;
	p2 =	por !p2, p0  }
0x20: {  	[sflag:s8] =	ssyncset.s32 @!p0 $0xFFFFF086;
	s6 =	sadd.s32 @!p0 s3, s7;
	s7 =	simm.s32 @!p0 $0x108  }
0x21: {  	s3 =	sadd.s32 s3, s9;
	s6 =	sadd.s32 @!p0 $0x88, s6;
	s7 =	simm.s32 @p2 $0x1082  }
0x22: {  	[simem:s7], [sflag:s8] =	dma.local @!p0 [hbm:s6], $0xF7A  }
0x23: {  	s9 =	sor.u32 $0xD0000000, s2;
	s6 =	simm.s32 $0x108;
	_ =	swait.ge @!p0 [sflag:s8], $0x0  }
0x24: {  	s3 =	sadd.s32 $0x88, s3;
	s6 =	simm.s32 @!p1 $0x1082;
	[sflag:s4] =	ssyncset.s32 $0xFFFFF086  }
0x25: {  	[simem:s6], [sflag:s4] =	dma.local [hbm:s3], $0xF7A  }
0x26: {  	[smem:$0x3F9E] =	sst s1;
	(tag) =	ssettag s2;
	_ =	strace s9  }
0x27: {  	s1 =	sld [smem:$0x3FAE]  }
0x28: {  	s2 =	sld [smem:$0x3FAF]  }
0x29: {  	s4 =	sld [smem:$0x3FB1]  }
0x2a: {  	p0 =	seq.s32 s5, $0x0;
	s5 =	sld [smem:$0x3FB2]  }
0x2b: {  	s6 =	sld [smem:$0x3FB3]  }
0x2c: {  	s7 =	sld [smem:$0x3FB4]  }
0x2d: {  	s3 =	simm.s32 $0x108;
	s8 =	sld [smem:$0x3FB5]  }
0x2e: {  	s3 =	simm.s32 @!p0 $0x1082;
	s9 =	sld [smem:$0x3FB6]  }
0x2f: {  	lr =	sadd.s32 s0, s3;
	s0 =	sld [smem:$0x3FAD]  }
0x30: {  	s3 =	sld [smem:$0x3FB0]  }
0x31: {  	[smem:$0x3FB9] =	sst s10  }
0x32: {  	s10 =	sld [smem:$0x3FB7];
	_ =	sdelay $0x3  }
0x33: {  	p0 =	seq.s32 s10, $0x1;
	s10 =	sld [smem:$0x3FB9];
	_ =	sdelay $0x3  }
0x34: {  	[smem:$0x3FB9] =	sst s10  }
0x35: {  	s10 =	sld [smem:$0x3FB8];
	_ =	sdelay $0x3  }
0x36: {  	p1 =	seq.s32 s10, $0x1;
	s10 =	sld [smem:$0x3FB9];
	_ =	sdelay $0x3  }
0x37: {  	[smem:$0x3FB9] =	sst s10  }
0x38: {  	s10 =	sld [smem:$0x3FBA]  }
0x39: {  	_ = 	snop;
	(pc) =	sbr.ind lr, $3  }
0x3a: {  	_ = 	snop  }
0x3b: {  	_ = 	snop  }
0x3c: {  	p2 =	seq.s32 s10, $0x1;
	s10 =	sld [smem:$0x3FB9]  }
0x3d: {  	_ =	shalt  }
0x3e: {  	_ =	shalt  }
0x3f: {  	_ =	shalt  }
0x40: {  	_ =	shalt  }
0x41: {  	_ =	shalt  }
0x42: {  	_ =	shalt  }
0x43: {  	_ =	shalt  }
0x44: {  	_ =	shalt  }
0x45: {  	_ =	shalt  }
0x46: {  	_ =	shalt  }
0x47: {  	_ =	shalt  }
0x48: {  	_ =	shalt  }
0x49: {  	_ =	shalt  }
0x4a: {  	_ =	shalt  }
0x4b: {  	_ =	shalt  }
0x4c: {  	_ =	shalt  }
0x4d: {  	_ =	shalt  }
0x4e: {  	_ =	shalt  }
0x4f: {  	_ =	shalt  }
0x50: {  	_ =	shalt  }
0x51: {  	_ =	shalt  }
0x52: {  	_ =	shalt  }
0x53: {  	_ =	shalt  }
0x54: {  	_ =	shalt  }
0x55: {  	_ =	shalt  }
0x56: {  	_ =	shalt  }
0x57: {  	_ =	shalt  }
0x58: {  	_ =	shalt  }
0x59: {  	_ =	shalt  }
0x5a: {  	_ =	shalt  }
0x5b: {  	_ =	shalt  }
0x5c: {  	_ =	shalt  }
0x5d: {  	_ =	shalt  }
0x5e: {  	_ =	shalt  }
0x5f: {  	_ =	shalt  }
0x60: {  	_ =	shalt  }
0x61: {  	_ =	shalt  }
0x62: {  	_ =	shalt  }
0x63: {  	_ =	shalt  }
0x64: {  	_ =	shalt  }
0x65: {  	_ =	shalt  }
0x66: {  	_ =	shalt  }
0x67: {  	_ =	shalt  }
0x68: {  	_ =	shalt  }
0x69: {  	_ =	shalt  }
0x6a: {  	_ =	shalt  }
0x6b: {  	_ =	shalt  }
0x6c: {  	_ =	shalt  }
0x6d: {  	_ =	shalt  }
0x6e: {  	_ =	shalt  }
0x6f: {  	_ =	shalt  }
0x70: {  	_ =	shalt  }
0x71: {  	_ =	shalt  }
0x72: {  	_ =	shalt  }
0x73: {  	_ =	shalt  }
0x74: {  	_ =	shalt  }
0x75: {  	_ =	shalt  }
0x76: {  	_ =	shalt  }
0x77: {  	_ =	shalt  }
0x78: {  	_ =	shalt  }
0x79: {  	_ =	shalt  }
0x7a: {  	_ =	shalt  }
0x7b: {  	_ =	shalt  }
0x7c: {  	_ =	shalt  }
0x7d: {  	_ =	shalt  }
0x7e: {  	_ =	shalt  }
0x7f: {  	_ =	shalt  }
0x80: {  	_ =	shalt  }
0x81: {  	_ =	shalt  }
0x82: {  	_ =	shalt  }
0x83: {  	_ =	shalt  }
0x84: {  	_ =	shalt  }
0x85: {  	_ =	shalt  }
0x86: {  	_ =	shalt  }
0x87: {  	_ =	shalt  }
.Lfunc_end0:
.L_simem_size_0:
called_computation.1_lowered:
.L_overlay_start_0:
0x88: {  	s2 =	sld [smem:$0x3FD9]  }
0x89: {  	s3 =	sld [smem:$0x3FFE];
	_ =	sdelay $0x1  }
0x8a: {  	s1 =	srdreg.scid  }
0x8b: {  	s0 =	sand.u32 $0x1, s1  }
0x8c: {  	s17 =	sshll.u32 s0, $0xA;
	s2 =	sadd.s32 s3, s2  }
0x8d: {  	s2 =	sadd.s32 s2, s17  }
0x8e: {  	[smem:$0x3FC5] =	sst s2  }
0x8f: {  	_ = 	snop  }
0x90: {  	s2 =	sld [smem:$0x3FC7]  }
0x91: {  	s18 =	sld [smem:$0x3FD0];
	(tm) =	ssettm $0x1  }
0x92: {  	s4 =	sld [smem:$0x3FFB];
	_ =	sdelay $0x3  }
0x93: {  	_ =	strace s4  }
0x94: {  	s4 =	sld [smem:$0x3FFC];
	_ =	sdelay $0x3  }
0x95: {  	_ =	strace s4  }
0x96: {  	s4 =	sld [smem:$0x3FFD];
	_ =	sdelay $0x3  }
0x97: {  	_ =	strace s4  }
0x98: {  	_ =	strace $0x8FFFFFFF  }
0x99: {  	s19 =	sld [smem:$0x3FDB];
	_ =	sdelay $0x1  }
0x9a: {  	s5 =	simm.s32 $_scs_section_size  }
0x9b: {  	s6 =	simm.s32 $_size__tile_overlayer_lowered;
	s7 =	simm.s32 $_tile_overlayer_lowered  }
0x9c: {  	s22 =	simm.s32 $0x1BFF;
	s21 =	sshll.u32 s7, $0x1;
	s4 =	sadd.s32 s5, s19  }
0x9d: {  	s8 =	simm.s32 $0x0;
	s20 =	sshll.u32 s6, $0x1;
	s6 =	sadd.s32 s21, s4  }
0x9e: {  	[timem:s8], [sflag:s22] =	dma.local [hbm:s6], s20  }
0x9f: {  	_ =	swait.ge [sflag:s22], s20  }
0xa0: {  	s5 =	ssub.s32 $0x0, s20;
	[sflag:s22] =	ssyncset.done $0x0  }
0xa1: {  	[sflag:s22] =	ssyncadd.s32 s5;
	_ =	sdelay $0x1  }
0xa2: {  	s23 =	simm.s32 $0x1B8B  }
0xa3: {  	_ =	swait.ge [sflag:s23], $0x1  }
0xa4: {  	[sflag:s23] =	ssyncset.done $0x0  }
0xa5: {  	s25 =	simm.s32 $0x1B8E;
	s24 =	sld [smem:$0x3FFE];
	[sflag:s23] =	ssyncadd.s32 $0xFFFFFFFF  }
0xa6: {  	s26 =	simm.s32 $execute0_lowered;
	[smem:$0x3FD2] =	sst s25  }
0xa7: {  	s6 =	sshll.u32 s26, $0x1;
	_ =	strace $0x80000046;
	[dreg:$0x1] =	wrdreg $0xFFFFFFFF  }
0xa8: {  	s28 =	simm.s32 $_size_execute0_lowered;
	s4 =	sadd.s32 s4, s6;
	[dreg:$0x0] =	wrdreg $0x0  }
0xa9: {  	s6 =	sshll.u32 s28, $0x1;
	[dreg:$0x2] =	wrdreg s4  }
0xaa: {  	[dreg:$0x3] =	wrdreg s6  }
0xab: {  	[dreg:$0x4] =	wrdreg $0xC0  }
0xac: {  	_ =	task [dreg:s8], $0x5FFFF  }
0xad: {  	[dreg:$0x1] =	wrdreg $0xFFFFFFFF  }
0xae: {  	[dreg:$0x0] =	wrdreg $0x60  }
0xaf: {  	[dreg:$0x2] =	wrdreg s18  }
0xb0: {  	[dreg:$0x3] =	wrdreg s24  }
0xb1: {  	[dreg:$0x4] =	wrdreg s2  }
0xb2: {  	[dreg:$0x5] =	wrdreg $0x9  }
0xb3: {  	_ =	task.clear_ibuf [dreg:s8], $0x6FFFF;
	_ =	strace $0x90000046  }
0xb4: {  	s29 =	simm.s32 $0x9;
	_ =	strace $0x80000048  }
0xb5: {  	_ =	swait.ge [sflag:s29], $0x1  }
0xb6: {  	[sflag:s29] =	ssyncadd.s32 $0xFFFFFFFF  }
0xb7: {  	_ =	strace $0x90000048  }
0xb8: {  	_ =	sfence  }
0xb9: {  	s30 =	sld [smem:$0x0];
	_ =	sdelay $0x2  }
0xba: {  	s31 =	sshll.u32 s1, $0xD;
	s1 =	sshrl.u32 s1, $0x2  }
0xbb: {  	s3 =	sand.u32 $0x4000, s31;
	s1 =	sadd.s32 s1, s30  }
0xbc: {  	s0 =	sor.u32 s3, s0;
	s1 =	sshll.u32 s1, $0x11  }
0xbd: {  	s0 =	sor.u32 s1, s0  }
0xbe: {  	s0 =	sadd.s32 $0x8F2B, s0  }
0xbf: {  	[sflag:s0] =	ssyncadd.remote.s32 $0x1  }
0xc0: {  	_ =	sfence.sel $0xFFFF  }
0xc1: {  	[dreg:$0x0] =	wrdreg $0xFFFFFFFF;
	(pc) =	sbr.abs _section_cstart, $3  }
0xc2: {  	[dreg:$0x1] =	wrdreg $0xFFFFFFFF  }
0xc3: {  	_ =	task.clear_ibuf [dreg:s8], $0x2FFFF;
	_ =	strace $0x9FFFFFFF  }
0xc4: {  	(tm) =	ssettm $0x7FFFFFFF  }
0xc5: {  	_ =	shalt  }
tec
execute0_lowered:
.L_overlay_start_1:
0x0: {  	(tag) =	ssettag $0x1  }
0x1: {  	s1 =	rddreg [dreg:$0x0]  }
0x2: {  	s0 =	rddreg [dreg:$0x1];
	s4 =	simm.s32 $0x0  }
0x3: {  	s9 =	stileid.u32;
	s2 =	srdreg.scid;
	s14 =	simm.s32 $0x70  }
0x4: {  	s30 =	simm.s32 $0x1;
	s31 =	simm.s32 $0x15700;
	[smem:$0x7FF] =	sst s4  }
0x5: {  	s3 =	sshll.u32 s9, $0x1;
	s2 =	sand.u32 $0x1, s2;
	s5 =	sand.u32 $0xE, s9  }
0x6: {  	s6 =	sadd.s32 $0xA00, s0;
	s26 =	sshrl.u32 s9, $0x1;
	s3 =	sand.u32 $0x2, s3  }
0x7: {  	s7 =	ssub.s32 $0x2, s2;
	s24 =	sadd.s32 s5, s0;
	s2 =	sor.u32 s2, s3  }
0x8: {  	s8 =	sshrl.u32 s7, $0x1;
	s3 =	sadd.s32 $0x800, s24;
	s5 =	smul.u32 $0x38, s2  }
0x9: {  	_ =	strace $0x80000047;
	s25 =	ssub.s32 s7, s8;
	[dreg:$0x4] =	wrdreg s3  }
0xa: {  	s8 =	smul.u32 $0xC400, s26;
	s0 =	smax.u32 s25, $0x1;
	s29 =	sand.u32 $0x8, s5  }
0xb: {  	s9 =	simm.s32 $0x0;
	s28 =	sand.u32 $0xF0, s5;
	[dreg:$0x6] =	wrdreg s0;
	v0 =	vmov s29  }
0xc: {  	s2 =	simm.s32 $0x18100;
	v1 =	vmov s8;
	s0 =	simm.s32 $0x2;
	[dreg:$0x5] =	wrdreg s28;
	[tilespmem:$0x1FFF0] =	vst v0  }
.LBB2_1:
0xd: {  	[dreg:$0x7] =	wrdreg s9  }
0xe: {  	s3 =	rddreg [dreg:$0x4];
	s7 =	simm.s32 $0x1AB00;
	s19 =	simm.s32 $0x5  }
0xf: {  	[tilespmem:s7], [sflag:$0x5] =	stream.linear.gather [hbm4b:s3+s4], $0x10, $0x38;
	[tilespmem:$0x1AC00] =	vst v63  }
0x10: {  	_ =	swait.ge [sflag:s19], $0x10  }
0x11: {  	[sflag:s19] =	ssyncset.done $0x0  }
0x12: {  	[sflag:s19] =	ssyncadd.s32 $0xFFFFFFF0  }
0x13: {  	s21 =	simm.s32 $0x1AB10;
	s20 =	rddreg [dreg:$0x2]  }
0x14: {  	[tilespmem:s21], [sflag:$0x5] =	stream.linear.gather [hbm4b:s20+s4], $0xF0, $0x38;
	[tilespmem:$0x1AC00] =	vst v63  }
0x15: {  	_ =	swait.ge [sflag:s19], $0xF0  }
0x16: {  	[sflag:s19] =	ssyncset.done $0x0  }
0x17: {  	[sflag:s19] =	ssyncadd.s32 $0xFFFFFF10  }
0x18: {  	v13 =	vld [tilespmem:$0x1AB00];
	_ =	sdelay $0x3  }
0x19: {  	v0 =	vimm.s32 $0x0;
	s22 =	rddreg [dreg:$0x5]  }
0x1a: {  	v10 =	vld [tilespmem:s22+$0x1AB10];
	v8 =	vperm.xlane v13, v0;
	v0 =	vimm.s32 $0x1  }
0x1b: {  	v2 =	vperm.xlane v13, v0;
	v0 =	vld [tilespmem:$0x1FFF0]  }
0x1c: {  	v15 =	vld [tilespmem:$0x1AB10];
	_ =	sdelay $0x1  }
0x1d: {  	v59 =	vld [tilespmem:$0x1AB20];
	_ =	sdelay $0x1  }
0x1e: {  	v16 =	vperm.xlane v10, v0;
	v0 =	vimm.s32 $0x3  }
0x1f: {  	v17 =	vmul.f32 v15, v8;
	v10 =	vperm.xlane v13, v0;
	v0 =	vimm.s32 $0x4  }
0x20: {  	v14 =	vmul.f32 v16, v2;
	v11 =	vperm.xlane v13, v0;
	v0 =	vimm.s32 $0x2  }
0x21: {  	v22 =	vmul.f32 v59, v8;
	v12 =	vperm.xlane v13, v0  }
0x22: {  	v18 =	vmul.f32 v15, v10;
	v17 =	vadd.f32 v17, v14;
	v15 =	vmul.f32 v16, v11  }
0x23: {  	v0 =	vimm.s32 $0x5;
	v22 =	vadd.f32 v22, v14  }
0x24: {  	v13 =	vperm.xlane v13, v0;
	v55 =	vadd.f32 v17, v12;
	v56 =	vadd.f32 v18, v15  }
0x25: {  	v18 =	vmul.f32 v59, v10;
	v22 =	vadd.f32 v22, v12  }
0x26: {  	v39 =	vld [tilespmem:$0x1AB30];
	v16 =	vadd.f32 $1.000000000e+00, v55;
	v17 =	vadd.f32 v56, v13  }
0x27: {  	v18 =	vadd.f32 v18, v15;
	v63 =	vadd.f32 $1.000000000e+00, v22  }
0x28: {  	v16 =	vmul.f32 $5.000000000e-01, v16;
	v17 =	vadd.f32 $1.000000000e+00, v17  }
0x29: {  	v18 =	vadd.f32 v18, v13;
	v28 =	vmul.f32 $5.000000000e-01, v63  }
0x2a: {  	v19 =	vmul.f32 $2.240000000e+02, v16;
	v57 =	vmul.f32 $5.000000000e-01, v17  }
0x2b: {  	v46 =	vmul.f32 v39, v8;
	v18 =	vadd.f32 $1.000000000e+00, v18;
	v30 =	vmul.f32 $2.240000000e+02, v28  }
0x2c: {  	v58 =	vtrunc.f32 v19;
	v16 =	vmul.f32 $2.240000000e+02, v57  }
0x2d: {  	v18 =	vmul.f32 $5.000000000e-01, v18;
	v41 =	vtrunc.f32 v30  }
0x2e: {  	v17 =	vcvt.f32.s32 v58;
	v43 =	vcvt.f32.s32 v41  }
0x2f: {  	v21 =	vtrunc.f32 v16;
	v31 =	vmul.f32 $2.240000000e+02, v18  }
0x30: {  	v20 =	vadd.s32 $0x1, v17;
	v21 =	vcvt.f32.s32 v21;
	vm0 =	vgt.s32 v17, $0x0  }
0x31: {  	v44 =	vadd.s32 $0x1, v43;
	vm4 =	vgt.s32 v43, $0x0;
	vm1 =	vgt.s32 v20, $0x0  }
0x32: {  	v17 =	vnsel vm0, $0x0, v17;
	v42 =	vtrunc.f32 v31;
	vm5 =	vgt.s32 v44, $0x0  }
0x33: {  	v20 =	vnsel vm1, $0x0, v20;
	vm14 =	vgt.s32 v21, $0x0;
	v23 =	vadd.s32 $0x1, v21  }
0x34: {  	v17 =	vmin.u32 v17, $0xDF;
	v28 =	vcvt.f32.s32 v42;
	v21 =	vnsel vm14, $0x0, v21  }
0x35: {  	vm15 =	vgt.s32 v23, $0x0;
	v24 =	vmin.u32 v20, $0xDF;
	v62 =	vcvt.s32.f32 v17  }
0x36: {  	v60 =	vmin.u32 v21, $0xDF;
	v61 =	vnsel vm15, $0x0, v23;
	v25 =	vcvt.s32.f32 v24  }
0x37: {  	v45 =	vadd.s32 $0x1, v28;
	vm6 =	vgt.s32 v28, $0x0;
	v21 =	vmin.u32 v61, $0xDF  }
0x38: {  	v26 =	vmul.u32 $0xE0, v60;
	v27 =	vcvt.s32.f32 v60;
	v40 =	vsub.f32 v19, v62  }
0x39: {  	v28 =	vnsel vm6, $0x0, v28;
	vm7 =	vgt.s32 v45, $0x0;
	v4 =	vcvt.s32.f32 v21  }
0x3a: {  	v21 =	vmul.u32 $0xE0, v21;
	v25 =	vsub.f32 v25, v19;
	v47 =	vmin.u32 v28, $0xDF  }
0x3b: {  	v26 =	vadd.s32 v1, v26;
	v27 =	vsub.f32 v16, v27;
	v49 =	vmul.u32 $0xE0, v47  }
0x3c: {  	v35 =	vcvt.s32.f32 v47;
	v5 =	vadd.s32 v17, v26;
	v29 =	vsub.f32 v4, v16  }
0x3d: {  	v62 =	vld [tilespmem:$0x1AB50];
	v38 =	vadd.s32 v1, v21;
	v23 =	vadd.s32 v24, v26;
	v26 =	vnsel vm4, $0x0, v43  }
0x3e: {  	v21 =	vadd.s32 v17, v38;
	v16 =	vmul.f32 v25, v27;
	v22 =	vadd.s32 v24, v38  }
0x3f: {  	v17 =	vmul.f32 v27, v40;
	v26 =	vmin.u32 v26, $0xDF;
	v24 =	vnsel vm5, $0x0, v44  }
0x40: {  	v27 =	vnsel vm7, $0x0, v45;
	v18 =	vmul.f32 v29, v25;
	v19 =	vmul.f32 v29, v40  }
0x41: {  	v29 =	vadd.f32 v46, v14;
	v25 =	vmul.f32 v39, v10;
	v32 =	vmin.u32 v24, $0xDF  }
0x42: {  	v27 =	vmin.u32 v27, $0xDF;
	v33 =	vcvt.s32.f32 v26;
	v46 =	vmul.f32 v62, v8  }
0x43: {  	v35 =	vsub.f32 v31, v35;
	v34 =	vcvt.s32.f32 v32;
	v50 =	vcvt.s32.f32 v27  }
0x44: {  	v40 =	vld [tilespmem:$0x1AB40];
	v27 =	vmul.u32 $0xE0, v27;
	v48 =	vadd.f32 v29, v12;
	v25 =	vadd.f32 v25, v15  }
0x45: {  	v36 =	vadd.s32 v1, v49;
	v33 =	vsub.f32 v30, v33;
	v46 =	vadd.f32 v46, v14  }
0x46: {  	v34 =	vsub.f32 v34, v30;
	v37 =	vsub.f32 v50, v31;
	v27 =	vadd.s32 v1, v27  }
0x47: {  	v25 =	vadd.f32 v25, v13;
	v28 =	vadd.f32 $1.000000000e+00, v48;
	v29 =	vadd.s32 v26, v27  }
0x48: {  	v30 =	vadd.s32 v32, v27;
	v27 =	vmul.f32 v35, v33;
	v24 =	vmul.f32 v37, v34  }
0x49: {  	v46 =	vadd.f32 v46, v12;
	v58 =	vmul.f32 v40, v8;
	v60 =	vmul.f32 v40, v10  }
0x4a: {  	v40 =	vmul.f32 v62, v10;
	v51 =	vmul.f32 $5.000000000e-01, v28;
	v25 =	vadd.f32 $1.000000000e+00, v25  }
0x4b: {  	v28 =	vadd.s32 v26, v36;
	v26 =	vmul.f32 v34, v35;
	v46 =	vadd.f32 $1.000000000e+00, v46  }
0x4c: {  	v34 =	vadd.f32 v58, v14;
	v40 =	vadd.f32 v40, v15;
	v58 =	vld [tilespmem:$0x1AB60];
	v25 =	vmul.f32 $5.000000000e-01, v25  }
0x4d: {  	v31 =	vadd.s32 v32, v36;
	v38 =	vmul.f32 $2.240000000e+02, v51;
	v46 =	vmul.f32 $5.000000000e-01, v46  }
0x4e: {  	v34 =	vadd.f32 v34, v12;
	v40 =	vadd.f32 v40, v13;
	v39 =	vmul.f32 $2.240000000e+02, v25  }
0x4f: {  	v52 =	vtrunc.f32 v38;
	v25 =	vmul.f32 v37, v33;
	v37 =	vadd.f32 v60, v15  }
0x50: {  	v53 =	vcvt.f32.s32 v52;
	v34 =	vadd.f32 $1.000000000e+00, v34;
	v40 =	vadd.f32 $1.000000000e+00, v40  }
0x51: {  	v54 =	vtrunc.f32 v39;
	v37 =	vadd.f32 v37, v13;
	v62 =	vmul.f32 v58, v10  }
0x52: {  	v55 =	vadd.s32 $0x1, v53;
	v56 =	vcvt.f32.s32 v54;
	vm8 =	vgt.s32 v53, $0x0  }
0x53: {  	v34 =	vmul.f32 $5.000000000e-01, v34;
	v40 =	vmul.f32 $5.000000000e-01, v40;
	v57 =	vnsel vm8, $0x0, v53  }
0x54: {  	vm9 =	vgt.s32 v55, $0x0;
	v37 =	vadd.f32 $1.000000000e+00, v37;
	v53 =	vmul.f32 $2.240000000e+02, v46  }
0x55: {  	[tilespmem:$0x10] =	vst v28;
	v28 =	vadd.f32 v62, v15;
	v32 =	vnsel vm9, $0x0, v55;
	vm10 =	vgt.s32 v56, $0x0  }
0x56: {  	v59 =	vadd.s32 $0x1, v56;
	v33 =	vmin.u32 v57, $0xDF;
	v34 =	vmul.f32 $2.240000000e+02, v34  }
0x57: {  	v36 =	vnsel vm10, $0x0, v56;
	vm11 =	vgt.s32 v59, $0x0;
	v61 =	vcvt.s32.f32 v33  }
0x58: {  	v32 =	vmin.u32 v32, $0xDF;
	v37 =	vmul.f32 $5.000000000e-01, v37;
	v56 =	vmul.f32 $2.240000000e+02, v40  }
0x59: {  	v57 =	vtrunc.f32 v53;
	v28 =	vadd.f32 v28, v13;
	v36 =	vmin.u32 v36, $0xDF  }
0x5a: {  	v35 =	vnsel vm11, $0x0, v59;
	v41 =	vcvt.s32.f32 v32;
	v45 =	vtrunc.f32 v34  }
0x5b: {  	v42 =	vmul.u32 $0xE0, v36;
	v36 =	vcvt.s32.f32 v36;
	v37 =	vmul.f32 $2.240000000e+02, v37  }
0x5c: {  	v35 =	vmin.u32 v35, $0xDF;
	v45 =	vcvt.f32.s32 v45;
	v59 =	vtrunc.f32 v56  }
0x5d: {  	v28 =	vadd.f32 $1.000000000e+00, v28;
	v43 =	vcvt.s32.f32 v35;
	v35 =	vmul.u32 $0xE0, v35  }
0x5e: {  	v41 =	vsub.f32 v41, v38;
	v38 =	vsub.f32 v38, v61;
	v46 =	vcvt.f32.s32 v59  }
0x5f: {  	v42 =	vadd.s32 v1, v42;
	v36 =	vsub.f32 v39, v36;
	v63 =	vtrunc.f32 v37  }
0x60: {  	v4 =	vadd.s32 $0x1, v45;
	vm12 =	vgt.s32 v45, $0x0;
	v28 =	vmul.f32 $5.000000000e-01, v28  }
0x61: {  	v44 =	vadd.s32 v33, v42;
	v43 =	vsub.f32 v43, v39;
	v35 =	vadd.s32 v1, v35  }
0x62: {  	v42 =	vadd.s32 v32, v42;
	v45 =	vnsel vm12, $0x0, v45;
	vm13 =	vgt.s32 v4, $0x0  }
0x63: {  	v33 =	vadd.s32 v33, v35;
	v32 =	vadd.s32 v32, v35;
	v35 =	vmul.f32 v36, v38  }
0x64: {  	vm6 =	vgt.s32 v46, $0x0;
	v28 =	vmul.f32 $2.240000000e+02, v28;
	v39 =	vmul.f32 v43, v41  }
0x65: {  	v45 =	vmin.u32 v45, $0xDF;
	v41 =	vmul.f32 v41, v36;
	v43 =	vmul.f32 v43, v38  }
0x66: {  	v36 =	vcvt.f32.s32 v63;
	v38 =	vnsel vm13, $0x0, v4;
	v48 =	vcvt.s32.f32 v45  }
0x67: {  	v63 =	vnsel vm6, $0x0, v46;
	v4 =	vadd.s32 $0x1, v46;
	v38 =	vmin.u32 v38, $0xDF  }
0x68: {  	[tilespmem:$0x80] =	vst v29;
	v29 =	vmin.u32 v63, $0xDF;
	vm7 =	vgt.s32 v4, $0x0;
	vm14 =	vgt.s32 v36, $0x0  }
0x69: {  	[tilespmem:$0x0] =	vst v5;
	v47 =	vadd.s32 $0x1, v36;
	v50 =	vcvt.s32.f32 v38;
	v36 =	vnsel vm14, $0x0, v36  }
0x6a: {  	[tilespmem:$0xE0] =	vst v23;
	v46 =	vmul.u32 $0xE0, v29;
	vm15 =	vgt.s32 v47, $0x0;
	v36 =	vmin.u32 v36, $0xDF  }
0x6b: {  	[tilespmem:$0x70] =	vst v21;
	v47 =	vnsel vm15, $0x0, v47;
	v54 =	vsub.f32 v50, v34;
	v49 =	vmul.u32 $0xE0, v36  }
0x6c: {  	[tilespmem:$0x150] =	vst v22;
	v34 =	vsub.f32 v34, v48;
	v47 =	vmin.u32 v47, $0xDF;
	v36 =	vcvt.s32.f32 v36  }
0x6d: {  	[tilespmem:$0x3F0] =	vst v16;
	v51 =	vmul.u32 $0xE0, v47;
	v5 =	vcvt.s32.f32 v47;
	v49 =	vadd.s32 v1, v49  }
0x6e: {  	[tilespmem:$0xF0] =	vst v31;
	v31 =	vadd.s32 v1, v46;
	v55 =	vsub.f32 v37, v36;
	v47 =	vadd.s32 v45, v49  }
0x6f: {  	[tilespmem:$0x4D0] =	vst v17;
	v51 =	vadd.s32 v1, v51;
	v20 =	vsub.f32 v5, v37;
	v37 =	vcvt.f32.s32 v57  }
0x70: {  	[tilespmem:$0x380] =	vst v18;
	v23 =	vadd.s32 v38, v49;
	v5 =	vmul.f32 v58, v8;
	v49 =	vcvt.s32.f32 v29  }
0x71: {  	[tilespmem:$0x460] =	vst v19;
	v21 =	vadd.s32 v45, v51;
	v18 =	vadd.s32 v38, v51;
	v16 =	vmul.f32 v54, v55  }
0x72: {  	[tilespmem:$0x160] =	vst v30;
	v22 =	vmul.f32 v55, v34;
	v38 =	vmul.f32 v20, v54;
	v60 =	vadd.s32 $0x1, v37  }
0x73: {  	[tilespmem:$0x4E0] =	vst v27;
	vm4 =	vgt.s32 v37, $0x0;
	v17 =	vmul.f32 v20, v34;
	v34 =	vnsel vm7, $0x0, v4  }
0x74: {  	[tilespmem:$0x390] =	vst v24;
	v27 =	vsub.f32 v56, v49;
	v61 =	vnsel vm4, $0x0, v37;
	vm5 =	vgt.s32 v60, $0x0  }
0x75: {  	[tilespmem:$0x400] =	vst v26;
	v54 =	vld [tilespmem:$0x1AB70];
	v37 =	vadd.f32 v5, v14;
	v24 =	vmin.u32 v34, $0xDF;
	v19 =	vnsel vm5, $0x0, v60  }
0x76: {  	[tilespmem:$0x470] =	vst v25;
	v20 =	vmin.u32 v61, $0xDF;
	v50 =	vcvt.s32.f32 v24;
	v24 =	vmul.u32 $0xE0, v24  }
0x77: {  	[tilespmem:$0x20] =	vst v44;
	v19 =	vmin.u32 v19, $0xDF;
	v40 =	vcvt.s32.f32 v20;
	v30 =	vadd.f32 v37, v12  }
0x78: {  	[tilespmem:$0x100] =	vst v42;
	v51 =	vadd.s32 v20, v31;
	v48 =	vcvt.s32.f32 v19;
	v29 =	vsub.f32 v50, v56  }
0x79: {  	[tilespmem:$0x90] =	vst v33;
	v24 =	vadd.s32 v1, v24;
	v31 =	vadd.s32 v19, v31;
	v30 =	vadd.f32 $1.000000000e+00, v30  }
0x7a: {  	[tilespmem:$0x170] =	vst v32;
	v20 =	vadd.s32 v20, v24;
	v26 =	vsub.f32 v53, v40;
	v60 =	vmul.f32 v54, v8  }
0x7b: {  	[tilespmem:$0x4F0] =	vst v35;
	v62 =	vmul.f32 v54, v10;
	v25 =	vsub.f32 v48, v53;
	v53 =	vtrunc.f32 v28  }
0x7c: {  	[tilespmem:$0x3A0] =	vst v39;
	v19 =	vadd.s32 v19, v24;
	v30 =	vmul.f32 $5.000000000e-01, v30;
	v34 =	vcvt.f32.s32 v53  }
0x7d: {  	[tilespmem:$0x410] =	vst v41;
	v55 =	vmul.f32 v29, v26;
	v26 =	vmul.f32 v27, v26;
	v14 =	vadd.f32 v60, v14  }
0x7e: {  	[tilespmem:$0x480] =	vst v43;
	v15 =	vadd.f32 v62, v15;
	v52 =	vmul.f32 v29, v25;
	v25 =	vmul.f32 v25, v27  }
0x7f: {  	[tilespmem:$0x30] =	vst v47;
	v30 =	vmul.f32 $2.240000000e+02, v30;
	v57 =	vadd.s32 $0x1, v34;
	vm8 =	vgt.s32 v34, $0x0  }
0x80: {  	[tilespmem:$0x110] =	vst v23;
	v14 =	vadd.f32 v14, v12;
	v15 =	vadd.f32 v15, v13;
	vm9 =	vgt.s32 v57, $0x0  }
0x81: {  	[tilespmem:$0xA0] =	vst v21;
	v58 =	vnsel vm8, $0x0, v34;
	v56 =	vtrunc.f32 v30;
	v59 =	vnsel vm9, $0x0, v57  }
0x82: {  	[tilespmem:$0x180] =	vst v18;
	v63 =	vmin.u32 v58, $0xDF;
	v14 =	vadd.f32 $1.000000000e+00, v14;
	v15 =	vadd.f32 $1.000000000e+00, v15  }
0x83: {  	[tilespmem:$0x420] =	vst v16;
	v29 =	vcvt.f32.s32 v56;
	v21 =	vmin.u32 v59, $0xDF;
	v5 =	vcvt.s32.f32 v63  }
0x84: {  	[tilespmem:$0x500] =	vst v22;
	v18 =	vmul.u32 $0xE0, v63;
	v4 =	vcvt.s32.f32 v21;
	v21 =	vmul.u32 $0xE0, v21  }
0x85: {  	[tilespmem:$0x3B0] =	vst v38;
	v14 =	vmul.f32 $5.000000000e-01, v14;
	v15 =	vmul.f32 $5.000000000e-01, v15;
	vm10 =	vgt.s32 v29, $0x0  }
0x86: {  	[tilespmem:$0x490] =	vst v17;
	v37 =	vsub.f32 v28, v5;
	v18 =	vadd.s32 v1, v18;
	v61 =	vnsel vm10, $0x0, v29  }
0x87: {  	[tilespmem:$0x40] =	vst v51;
	v29 =	vadd.s32 $0x1, v29;
	v36 =	vsub.f32 v4, v28;
	v21 =	vadd.s32 v1, v21  }
0x88: {  	[tilespmem:$0x120] =	vst v31;
	v14 =	vmul.f32 $2.240000000e+02, v14;
	vm11 =	vgt.s32 v29, $0x0;
	v39 =	vmin.u32 v61, $0xDF  }
0x89: {  	[tilespmem:$0xB0] =	vst v20;
	v15 =	vmul.f32 $2.240000000e+02, v15;
	v38 =	vnsel vm11, $0x0, v29;
	v41 =	vcvt.s32.f32 v39  }
0x8a: {  	[tilespmem:$0x190] =	vst v19;
	v42 =	vadd.s32 v39, v18;
	v22 =	vadd.s32 v39, v21;
	v45 =	vtrunc.f32 v14  }
0x8b: {  	[tilespmem:$0x4A0] =	vst v55;
	v47 =	vtrunc.f32 v15;
	v40 =	vmin.u32 v38, $0xDF;
	v46 =	vcvt.f32.s32 v45  }
0x8c: {  	[tilespmem:$0x510] =	vst v26;
	v48 =	vcvt.f32.s32 v47;
	v27 =	vcvt.s32.f32 v40;
	v20 =	vsub.f32 v30, v41  }
0x8d: {  	[tilespmem:$0x3C0] =	vst v52;
	v18 =	vadd.s32 v40, v18;
	v21 =	vadd.s32 v40, v21;
	v49 =	vadd.s32 $0x1, v46  }
0x8e: {  	[tilespmem:$0x430] =	vst v25;
	vm12 =	vgt.s32 v46, $0x0;
	v50 =	vadd.s32 $0x1, v48;
	vm13 =	vgt.s32 v48, $0x0  }
0x8f: {  	[tilespmem:$0x50] =	vst v42;
	v27 =	vsub.f32 v27, v30;
	v16 =	vmul.f32 v36, v20;
	v17 =	vmul.f32 v37, v20  }
0x90: {  	[tilespmem:$0xC0] =	vst v22;
	v51 =	vnsel vm12, $0x0, v46;
	v53 =	vnsel vm13, $0x0, v48;
	vm14 =	vgt.s32 v50, $0x0  }
0x91: {  	[tilespmem:$0x130] =	vst v18;
	vm15 =	vgt.s32 v49, $0x0;
	v52 =	vmin.u32 v51, $0xDF;
	v20 =	vnsel vm14, $0x0, v50  }
0x92: {  	[tilespmem:$0x1A0] =	vst v21;
	v54 =	vmin.u32 v53, $0xDF;
	v19 =	vnsel vm15, $0x0, v49;
	v43 =	vmul.f32 v36, v27  }
0x93: {  	v44 =	vmul.f32 v27, v37;
	v20 =	vmin.u32 v20, $0xDF;
	v22 =	vmul.u32 $0xE0, v54;
	[tilespmem:$0x4B0] =	vst v16  }
0x94: {  	v19 =	vmin.u32 v19, $0xDF;
	v55 =	vcvt.s32.f32 v52;
	[tilespmem:$0x520] =	vst v17;
	v56 =	vmul.u32 $0xE0, v20  }
0x95: {  	v57 =	vcvt.s32.f32 v19;
	v20 =	vcvt.s32.f32 v20;
	[tilespmem:$0x3D0] =	vst v43;
	v22 =	vadd.s32 v1, v22  }
0x96: {  	v58 =	vcvt.s32.f32 v54;
	[tilespmem:$0x440] =	vst v44;
	v59 =	vadd.s32 v52, v22;
	v24 =	vadd.s32 v1, v56  }
0x97: {  	v16 =	vsub.f32 v57, v14;
	v20 =	vsub.f32 v20, v15;
	v60 =	vadd.s32 v19, v22;
	[tilespmem:$0x60] =	vst v59  }
0x98: {  	v15 =	vsub.f32 v15, v58;
	v18 =	vadd.s32 v52, v24;
	[tilespmem:$0x140] =	vst v60  }
0x99: {  	v14 =	vsub.f32 v14, v55;
	v61 =	vadd.s32 v19, v24;
	[tilespmem:$0xD0] =	vst v18;
	v62 =	vmul.f32 v20, v16  }
0x9a: {  	[tilespmem:$0x1B0] =	vst v61;
	v16 =	vmul.f32 v16, v15  }
0x9b: {  	v63 =	vmul.f32 v20, v14;
	[tilespmem:$0x3E0] =	vst v62  }
0x9c: {  	v14 =	vmul.f32 v15, v14;
	[tilespmem:$0x450] =	vst v16  }
0x9d: {  	[tilespmem:$0x4C0] =	vst v63  }
0x9e: {  	s23 =	simm.s32 $0x700;
	[tilespmem:$0x530] =	vst v14  }
0x9f: {  	[tilespmem:s23], [sflag:$0x1] =	stream.indirect.gather [hbm4b:s1+s14], $0x60, s4, s14, $0xb8;
	[tilespmem:$0x1AC00] =	vst v63  }
0xa0: {  	s24 =	simm.s32 $0x3100  }
0xa1: {  	[tilespmem:s24], [sflag:$0x1] =	stream.indirect.gather [hbm4b:s1+s14], $0x60, s14, s14, $0xb8;
	[tilespmem:$0x1AC00] =	vst v63  }
0xa2: {  	s25 =	simm.s32 $0xE0;
	s26 =	simm.s32 $0x5B00  }
0xa3: {  	[tilespmem:s26], [sflag:$0x1] =	stream.indirect.gather [hbm4b:s1+s14], $0x60, s25, s14, $0xb8;
	[tilespmem:$0x1AC00] =	vst v63  }
0xa4: {  	s28 =	simm.s32 $0x150;
	s29 =	simm.s32 $0x8500;
	s7 =	simm.s32 $0x0;
	[tilespmem:$0x1FFE0] =	vst v2  }
0xa5: {  	[tilespmem:s29], [sflag:$0x1] =	stream.indirect.gather [hbm4b:s1+s14], $0x60, s28, s14, $0xb8;
	[tilespmem:$0x1AC00] =	vst v63  }
.LBB2_2:
0xa6: {  	s10 =	sadd.s32 s5, s7  }
0xa7: {  	s3 =	sand.u32 $0x1F0, s10  }
0xa8: {  	v14 =	vld [tilespmem:s3+$0x1AB10]  }
0xa9: {  	v16 =	vld [tilespmem:$0x1AB80]  }
0xaa: {  	v0 =	vld [tilespmem:$0x1FFE0]  }
0xab: {  	v47 =	vld [tilespmem:$0x1ABB0]  }
0xac: {  	v15 =	vmov s10  }
0xad: {  	v19 =	vld [tilespmem:$0x1AB90];
	v14 =	vperm.xlane v14, v15  }
0xae: {  	v17 =	vmul.f32 v16, v8;
	v16 =	vmul.f32 v16, v10  }
0xaf: {  	v15 =	vmul.f32 v14, v0;
	v14 =	vmul.f32 v14, v11  }
0xb0: {  	v39 =	vmul.f32 v47, v8  }
0xb1: {  	v54 =	vld [tilespmem:$0x1ABC0];
	v17 =	vadd.f32 v17, v15;
	v16 =	vadd.f32 v16, v14  }
0xb2: {  	v22 =	vmul.f32 v19, v8;
	v19 =	vmul.f32 v19, v10;
	v39 =	vadd.f32 v39, v15  }
0xb3: {  	v60 =	vld [tilespmem:$0x1ABD0];
	v17 =	vadd.f32 v17, v12;
	v16 =	vadd.f32 v16, v13  }
0xb4: {  	v19 =	vadd.f32 v19, v14;
	v39 =	vadd.f32 v39, v12  }
0xb5: {  	v17 =	vadd.f32 $1.000000000e+00, v17;
	v16 =	vadd.f32 $1.000000000e+00, v16  }
0xb6: {  	v57 =	vmul.f32 v54, v8;
	v19 =	vadd.f32 v19, v13;
	v39 =	vadd.f32 $1.000000000e+00, v39  }
0xb7: {  	v17 =	vmul.f32 $5.000000000e-01, v17;
	v16 =	vmul.f32 $5.000000000e-01, v16  }
0xb8: {  	v4 =	vmul.f32 v60, v8;
	v19 =	vadd.f32 $1.000000000e+00, v19;
	v39 =	vmul.f32 $5.000000000e-01, v39  }
0xb9: {  	v17 =	vmul.f32 $2.240000000e+02, v17;
	v16 =	vmul.f32 $2.240000000e+02, v16  }
0xba: {  	v19 =	vmul.f32 $5.000000000e-01, v19;
	v39 =	vmul.f32 $2.240000000e+02, v39  }
0xbb: {  	v22 =	vadd.f32 v22, v15;
	v18 =	vtrunc.f32 v17;
	v21 =	vtrunc.f32 v16  }
0xbc: {  	v52 =	vtrunc.f32 v39;
	v18 =	vcvt.f32.s32 v18  }
0xbd: {  	v22 =	vadd.f32 v22, v12;
	v21 =	vcvt.f32.s32 v21;
	v53 =	vcvt.f32.s32 v52  }
0xbe: {  	v31 =	vmul.f32 $2.240000000e+02, v19;
	v20 =	vadd.s32 $0x1, v18;
	vm0 =	vgt.s32 v18, $0x0  }
0xbf: {  	vm14 =	vgt.s32 v21, $0x0;
	v23 =	vadd.s32 $0x1, v21;
	v55 =	vadd.s32 $0x1, v53  }
0xc0: {  	vm12 =	vgt.s32 v53, $0x0;
	vm1 =	vgt.s32 v20, $0x0;
	v18 =	vnsel vm0, $0x0, v18  }
0xc1: {  	v21 =	vnsel vm14, $0x0, v21;
	vm15 =	vgt.s32 v23, $0x0;
	v20 =	vnsel vm1, $0x0, v20  }
0xc2: {  	vm13 =	vgt.s32 v55, $0x0;
	v18 =	vmin.u32 v18, $0xDF;
	v25 =	vmin.u32 v20, $0xDF  }
0xc3: {  	v20 =	vmin.u32 v21, $0xDF;
	v21 =	vnsel vm15, $0x0, v23;
	v23 =	vcvt.s32.f32 v18  }
0xc4: {  	v21 =	vmin.u32 v21, $0xDF;
	v24 =	vcvt.s32.f32 v25;
	v26 =	vmul.u32 $0xE0, v20  }
0xc5: {  	v27 =	vcvt.s32.f32 v20;
	v20 =	vadd.f32 $1.000000000e+00, v22;
	v22 =	vcvt.s32.f32 v21  }
0xc6: {  	v21 =	vmul.u32 $0xE0, v21;
	v26 =	vadd.s32 v1, v26;
	v24 =	vsub.f32 v24, v17  }
0xc7: {  	v28 =	vmul.f32 $5.000000000e-01, v20;
	v27 =	vsub.f32 v16, v27;
	v17 =	vsub.f32 v17, v23  }
0xc8: {  	v23 =	vtrunc.f32 v31;
	v20 =	vadd.s32 v18, v26;
	v22 =	vsub.f32 v22, v16  }
0xc9: {  	v29 =	vadd.s32 v1, v21;
	v32 =	vcvt.f32.s32 v23;
	v30 =	vmul.f32 $2.240000000e+02, v28  }
0xca: {  	v21 =	vadd.s32 v18, v29;
	v16 =	vmul.f32 v24, v27;
	v28 =	vld [tilespmem:$0x1ABA0];
	v23 =	vadd.s32 v25, v29  }
0xcb: {  	v18 =	vmul.f32 v22, v24;
	v24 =	vadd.s32 v25, v26;
	v25 =	vadd.s32 $0x1, v32  }
0xcc: {  	v56 =	vnsel vm13, $0x0, v55;
	v19 =	vtrunc.f32 v30;
	vm7 =	vgt.s32 v25, $0x0  }
0xcd: {  	vm6 =	vgt.s32 v32, $0x0;
	v26 =	vcvt.f32.s32 v19;
	v25 =	vnsel vm7, $0x0, v25  }
0xce: {  	v19 =	vmul.f32 v22, v17;
	v17 =	vmul.f32 v27, v17;
	v25 =	vmin.u32 v25, $0xDF  }
0xcf: {  	v22 =	vadd.s32 $0x1, v26;
	vm4 =	vgt.s32 v26, $0x0;
	v27 =	vmul.f32 v28, v8  }
0xd0: {  	v28 =	vmul.f32 v28, v10;
	v35 =	vcvt.s32.f32 v25;
	v26 =	vnsel vm4, $0x0, v26  }
0xd1: {  	v25 =	vmul.u32 $0xE0, v25;
	vm5 =	vgt.s32 v22, $0x0;
	v29 =	vmin.u32 v26, $0xDF  }
0xd2: {  	v22 =	vnsel vm5, $0x0, v22;
	v26 =	vnsel vm6, $0x0, v32;
	v27 =	vadd.f32 v27, v15  }
0xd3: {  	v35 =	vsub.f32 v35, v31;
	v48 =	vadd.s32 v1, v25;
	v5 =	vmin.u32 v22, $0xDF  }
0xd4: {  	v22 =	vmin.u32 v26, $0xDF;
	v26 =	vadd.f32 v27, v12;
	v27 =	vadd.f32 v28, v14  }
0xd5: {  	v28 =	vmul.u32 $0xE0, v22;
	v34 =	vcvt.s32.f32 v5;
	v22 =	vcvt.s32.f32 v22  }
0xd6: {  	v33 =	vcvt.s32.f32 v29;
	v27 =	vadd.f32 v27, v13;
	v26 =	vadd.f32 $1.000000000e+00, v26  }
0xd7: {  	v36 =	vadd.s32 v1, v28;
	v34 =	vsub.f32 v34, v30;
	v31 =	vsub.f32 v31, v22  }
0xd8: {  	v30 =	vsub.f32 v30, v33;
	v33 =	vmul.f32 v47, v10;
	v28 =	vadd.s32 v29, v36  }
0xd9: {  	v29 =	vadd.s32 v29, v48;
	v26 =	vmul.f32 $5.000000000e-01, v26;
	v27 =	vadd.f32 $1.000000000e+00, v27  }
0xda: {  	v22 =	vmul.f32 v34, v31;
	v33 =	vadd.f32 v33, v14;
	[tilespmem:$0x240] =	vst v29;
	v29 =	vmul.f32 v60, v10  }
0xdb: {  	v32 =	vadd.s32 v5, v48;
	v37 =	vmul.f32 $2.240000000e+02, v26;
	v27 =	vmul.f32 $5.000000000e-01, v27  }
0xdc: {  	v26 =	vmul.f32 v35, v34;
	v33 =	vadd.f32 v33, v13;
	v29 =	vadd.f32 v29, v14  }
0xdd: {  	v36 =	vadd.s32 v5, v36;
	v38 =	vmul.f32 $2.240000000e+02, v27;
	v25 =	vtrunc.f32 v37  }
0xde: {  	v27 =	vmul.f32 v35, v30;
	v33 =	vadd.f32 $1.000000000e+00, v33;
	v29 =	vadd.f32 v29, v13  }
0xdf: {  	v5 =	vadd.f32 v4, v15;
	v49 =	vcvt.f32.s32 v25;
	v25 =	vmul.f32 v31, v30  }
0xe0: {  	v30 =	vtrunc.f32 v38;
	v33 =	vmul.f32 $5.000000000e-01, v33;
	v29 =	vadd.f32 $1.000000000e+00, v29  }
0xe1: {  	v31 =	vadd.s32 $0x1, v49;
	v30 =	vcvt.f32.s32 v30;
	vm8 =	vgt.s32 v49, $0x0  }
0xe2: {  	v35 =	vnsel vm8, $0x0, v49;
	vm9 =	vgt.s32 v31, $0x0;
	v33 =	vmul.f32 $2.240000000e+02, v33  }
0xe3: {  	v29 =	vmul.f32 $5.000000000e-01, v29;
	v40 =	vadd.s32 $0x1, v30;
	v31 =	vnsel vm9, $0x0, v31  }
0xe4: {  	v35 =	vmin.u32 v35, $0xDF;
	vm10 =	vgt.s32 v30, $0x0;
	v31 =	vmin.u32 v31, $0xDF  }
0xe5: {  	v30 =	vnsel vm10, $0x0, v30;
	vm11 =	vgt.s32 v40, $0x0;
	v41 =	vcvt.s32.f32 v35  }
0xe6: {  	v46 =	vtrunc.f32 v33;
	v29 =	vmul.f32 $2.240000000e+02, v29;
	v30 =	vmin.u32 v30, $0xDF  }
0xe7: {  	v40 =	vnsel vm11, $0x0, v40;
	v42 =	vcvt.s32.f32 v31;
	v46 =	vcvt.f32.s32 v46  }
0xe8: {  	v40 =	vmin.u32 v40, $0xDF;
	v43 =	vcvt.s32.f32 v30;
	v30 =	vmul.u32 $0xE0, v30  }
0xe9: {  	v44 =	vmul.u32 $0xE0, v40;
	v50 =	vcvt.s32.f32 v40;
	v42 =	vsub.f32 v42, v37  }
0xea: {  	v37 =	vsub.f32 v37, v41;
	v40 =	vnsel vm12, $0x0, v53;
	vm14 =	vgt.s32 v46, $0x0  }
0xeb: {  	v47 =	vadd.s32 $0x1, v46;
	v41 =	vadd.f32 v57, v15;
	v53 =	vtrunc.f32 v29  }
0xec: {  	v30 =	vadd.s32 v1, v30;
	v40 =	vmin.u32 v40, $0xDF;
	v46 =	vnsel vm14, $0x0, v46  }
0xed: {  	vm15 =	vgt.s32 v47, $0x0;
	v51 =	vadd.s32 v1, v44;
	v44 =	vadd.s32 v35, v30  }
0xee: {  	v30 =	vadd.s32 v31, v30;
	v34 =	vsub.f32 v50, v38;
	v38 =	vsub.f32 v38, v43  }
0xef: {  	v43 =	vmul.f32 v54, v10;
	v46 =	vmin.u32 v46, $0xDF;
	v47 =	vnsel vm15, $0x0, v47  }
0xf0: {  	v52 =	vld [tilespmem:$0x1ABE0];
	v41 =	vadd.f32 v41, v12;
	v48 =	vcvt.s32.f32 v40;
	v35 =	vadd.s32 v35, v51  }
0xf1: {  	v31 =	vadd.s32 v31, v51;
	v50 =	vmul.u32 $0xE0, v46;
	v46 =	vcvt.s32.f32 v46  }
0xf2: {  	v47 =	vmin.u32 v47, $0xDF;
	v45 =	vmul.f32 v34, v42;
	v42 =	vmul.f32 v42, v38  }
0xf3: {  	v34 =	vmul.f32 v34, v37;
	v37 =	vmul.f32 v38, v37;
	v43 =	vadd.f32 v43, v14  }
0xf4: {  	v38 =	vmin.u32 v56, $0xDF;
	v41 =	vadd.f32 $1.000000000e+00, v41;
	v51 =	vcvt.s32.f32 v47  }
0xf5: {  	[tilespmem:$0x540] =	vst v18;
	v47 =	vmul.u32 $0xE0, v47;
	v18 =	vsub.f32 v39, v48;
	v56 =	vmul.f32 v52, v8  }
0xf6: {  	[tilespmem:$0x1C0] =	vst v20;
	v49 =	vcvt.s32.f32 v38;
	v43 =	vadd.f32 v43, v13;
	v58 =	vsub.f32 v51, v33  }
0xf7: {  	[tilespmem:$0x310] =	vst v23;
	v41 =	vmul.f32 $5.000000000e-01, v41;
	v33 =	vsub.f32 v33, v46;
	v46 =	vadd.f32 v5, v12  }
0xf8: {  	[tilespmem:$0x2A0] =	vst v24;
	v24 =	vadd.s32 v1, v47;
	v15 =	vadd.f32 v56, v15;
	v20 =	vsub.f32 v49, v39  }
0xf9: {  	[tilespmem:$0x620] =	vst v19;
	v23 =	vadd.s32 v40, v24;
	v19 =	vadd.s32 v38, v24;
	v41 =	vmul.f32 $2.240000000e+02, v41  }
0xfa: {  	[tilespmem:$0x230] =	vst v21;
	v43 =	vadd.f32 $1.000000000e+00, v43;
	v24 =	vmul.f32 v58, v18;
	v18 =	vmul.f32 v33, v18  }
0xfb: {  	[tilespmem:$0x5B0] =	vst v16;
	v15 =	vadd.f32 v15, v12;
	v59 =	vmul.f32 v58, v20;
	v20 =	vmul.f32 v20, v33  }
0xfc: {  	[tilespmem:$0x690] =	vst v17;
	v33 =	vadd.f32 $1.000000000e+00, v46;
	v43 =	vmul.f32 $5.000000000e-01, v43;
	v61 =	vtrunc.f32 v41  }
0xfd: {  	[tilespmem:$0x320] =	vst v32;
	v50 =	vadd.s32 v1, v50;
	v15 =	vadd.f32 $1.000000000e+00, v15;
	v39 =	vcvt.f32.s32 v61  }
0xfe: {  	[tilespmem:$0x1D0] =	vst v28;
	v21 =	vadd.s32 v40, v50;
	v33 =	vmul.f32 $5.000000000e-01, v33;
	v43 =	vmul.f32 $2.240000000e+02, v43  }
0xff: {  	[tilespmem:$0x2B0] =	vst v36;
	v16 =	vadd.s32 v38, v50;
	v15 =	vmul.f32 $5.000000000e-01, v15;
	v17 =	vadd.s32 $0x1, v39  }
0x100: {  	[tilespmem:$0x2C0] =	vst v30;
	vm4 =	vgt.s32 v39, $0x0;
	v30 =	vmul.f32 $2.240000000e+02, v33;
	v62 =	vtrunc.f32 v43  }
0x101: {  	[tilespmem:$0x5C0] =	vst v22;
	v28 =	vnsel vm4, $0x0, v39;
	vm5 =	vgt.s32 v17, $0x0;
	v47 =	vcvt.f32.s32 v62  }
0x102: {  	[tilespmem:$0x550] =	vst v26;
	v15 =	vmul.f32 $2.240000000e+02, v15;
	v28 =	vmin.u32 v28, $0xDF;
	v17 =	vnsel vm5, $0x0, v17  }
0x103: {  	[tilespmem:$0x630] =	vst v27;
	v51 =	vtrunc.f32 v30;
	v63 =	vadd.s32 $0x1, v47;
	vm6 =	vgt.s32 v47, $0x0  }
0x104: {  	[tilespmem:$0x6A0] =	vst v25;
	v17 =	vmin.u32 v17, $0xDF;
	v38 =	vnsel vm6, $0x0, v47;
	vm7 =	vgt.s32 v63, $0x0  }
0x105: {  	[tilespmem:$0x1E0] =	vst v44;
	v27 =	vcvt.s32.f32 v17;
	v26 =	vmin.u32 v38, $0xDF;
	v39 =	vnsel vm7, $0x0, v63  }
0x106: {  	[tilespmem:$0x250] =	vst v35;
	v47 =	vcvt.s32.f32 v28;
	v22 =	vmin.u32 v39, $0xDF;
	v48 =	vmul.u32 $0xE0, v26  }
0x107: {  	[tilespmem:$0x330] =	vst v31;
	v27 =	vsub.f32 v27, v41;
	v25 =	vcvt.s32.f32 v26;
	v26 =	vmul.u32 $0xE0, v22  }
0x108: {  	[tilespmem:$0x560] =	vst v45;
	v32 =	vsub.f32 v41, v47;
	v22 =	vcvt.s32.f32 v22;
	v36 =	vadd.s32 v1, v48  }
0x109: {  	[tilespmem:$0x5D0] =	vst v42;
	v25 =	vsub.f32 v43, v25;
	v49 =	vadd.s32 v28, v36;
	v26 =	vadd.s32 v1, v26  }
0x10a: {  	[tilespmem:$0x640] =	vst v34;
	v22 =	vsub.f32 v22, v43;
	v31 =	vadd.s32 v17, v36;
	v36 =	vcvt.f32.s32 v51  }
0x10b: {  	[tilespmem:$0x6B0] =	vst v37;
	v28 =	vadd.s32 v28, v26;
	v17 =	vadd.s32 v17, v26;
	v26 =	vmul.f32 v27, v25  }
0x10c: {  	[tilespmem:$0x1F0] =	vst v21;
	v25 =	vmul.f32 v25, v32;
	v50 =	vmul.f32 v22, v27;
	v21 =	vadd.s32 $0x1, v36  }
0x10d: {  	[tilespmem:$0x2D0] =	vst v16;
	v27 =	vcvt.f32.s32 v53;
	v22 =	vmul.f32 v22, v32;
	vm9 =	vgt.s32 v21, $0x0  }
0x10e: {  	[tilespmem:$0x260] =	vst v23;
	vm8 =	vgt.s32 v36, $0x0;
	v16 =	vnsel vm9, $0x0, v21;
	v21 =	vmul.f32 v52, v10  }
0x10f: {  	v55 =	vnsel vm8, $0x0, v36;
	[tilespmem:$0x5F0] =	vst v26;
	v26 =	vtrunc.f32 v15;
	v54 =	vadd.s32 $0x1, v27  }
0x110: {  	[tilespmem:$0x340] =	vst v19;
	v23 =	vmin.u32 v55, $0xDF;
	vm10 =	vgt.s32 v27, $0x0;
	v14 =	vadd.f32 v21, v14  }
0x111: {  	[tilespmem:$0x650] =	vst v24;
	v19 =	vnsel vm10, $0x0, v27;
	vm11 =	vgt.s32 v54, $0x0;
	v16 =	vmin.u32 v16, $0xDF  }
0x112: {  	[tilespmem:$0x6C0] =	vst v18;
	v27 =	vnsel vm11, $0x0, v54;
	v19 =	vmin.u32 v19, $0xDF;
	v14 =	vadd.f32 v14, v13  }
0x113: {  	[tilespmem:$0x5E0] =	vst v20;
	v21 =	vcvt.s32.f32 v23;
	v18 =	vcvt.s32.f32 v16;
	v20 =	vmin.u32 v27, $0xDF  }
0x114: {  	[tilespmem:$0x570] =	vst v59;
	v24 =	vmul.u32 $0xE0, v19;
	v19 =	vcvt.s32.f32 v19;
	v14 =	vadd.f32 $1.000000000e+00, v14  }
0x115: {  	[tilespmem:$0x200] =	vst v49;
	v27 =	vcvt.s32.f32 v20;
	v20 =	vmul.u32 $0xE0, v20;
	v18 =	vsub.f32 v18, v30  }
0x116: {  	[tilespmem:$0x270] =	vst v28;
	v21 =	vsub.f32 v30, v21;
	v24 =	vadd.s32 v1, v24;
	v14 =	vmul.f32 $5.000000000e-01, v14  }
0x117: {  	[tilespmem:$0x350] =	vst v17;
	v19 =	vsub.f32 v29, v19;
	v28 =	vadd.s32 v23, v24;
	v27 =	vsub.f32 v27, v29  }
0x118: {  	[tilespmem:$0x660] =	vst v22;
	v17 =	vadd.s32 v1, v20;
	v22 =	vadd.s32 v16, v24;
	v14 =	vmul.f32 $2.240000000e+02, v14  }
0x119: {  	[tilespmem:$0x2E0] =	vst v31;
	v24 =	vcvt.f32.s32 v26;
	v20 =	vadd.s32 v23, v17;
	v23 =	vmul.f32 v27, v18  }
0x11a: {  	[tilespmem:$0x6D0] =	vst v25;
	v18 =	vmul.f32 v18, v19;
	v26 =	vtrunc.f32 v14  }
0x11b: {  	[tilespmem:$0x580] =	vst v50;
	v16 =	vadd.s32 v16, v17;
	v17 =	vmul.f32 v27, v21;
	v25 =	vcvt.f32.s32 v26  }
0x11c: {  	[tilespmem:$0x210] =	vst v28;
	v19 =	vmul.f32 v19, v21;
	v21 =	vadd.s32 $0x1, v24;
	vm12 =	vgt.s32 v24, $0x0  }
0x11d: {  	[tilespmem:$0x280] =	vst v20;
	v24 =	vnsel vm12, $0x0, v24;
	v20 =	vadd.s32 $0x1, v25;
	vm13 =	vgt.s32 v25, $0x0  }
0x11e: {  	[tilespmem:$0x2F0] =	vst v22;
	v22 =	vmin.u32 v24, $0xDF;
	v24 =	vnsel vm13, $0x0, v25;
	vm14 =	vgt.s32 v20, $0x0  }
0x11f: {  	[tilespmem:$0x360] =	vst v16;
	vm15 =	vgt.s32 v21, $0x0;
	v16 =	vnsel vm14, $0x0, v20;
	v20 =	vmin.u32 v24, $0xDF  }
0x120: {  	[tilespmem:$0x590] =	vst v23;
	v21 =	vnsel vm15, $0x0, v21;
	v16 =	vmin.u32 v16, $0xDF;
	v23 =	vmul.u32 $0xE0, v20  }
0x121: {  	[tilespmem:$0x600] =	vst v18;
	v18 =	vmin.u32 v21, $0xDF;
	v21 =	vcvt.s32.f32 v22;
	v24 =	vmul.u32 $0xE0, v16  }
0x122: {  	[tilespmem:$0x670] =	vst v17;
	v17 =	vcvt.s32.f32 v18;
	v16 =	vcvt.s32.f32 v16;
	v23 =	vadd.s32 v1, v23  }
0x123: {  	[tilespmem:$0x6E0] =	vst v19;
	v19 =	vcvt.s32.f32 v20;
	v20 =	vadd.s32 v22, v23;
	v24 =	vadd.s32 v1, v24  }
0x124: {  	v17 =	vsub.f32 v17, v15;
	v16 =	vsub.f32 v16, v14;
	[tilespmem:$0x220] =	vst v20;
	v20 =	vadd.s32 v22, v24  }
0x125: {  	v14 =	vsub.f32 v14, v19;
	[tilespmem:$0x290] =	vst v20;
	v20 =	vadd.s32 v18, v23  }
0x126: {  	v15 =	vsub.f32 v15, v21;
	v18 =	vadd.s32 v18, v24;
	v19 =	vmul.f32 v16, v17;
	[tilespmem:$0x300] =	vst v20  }
0x127: {  	v17 =	vmul.f32 v17, v14;
	[tilespmem:$0x370] =	vst v18  }
0x128: {  	v16 =	vmul.f32 v16, v15;
	[tilespmem:$0x5A0] =	vst v19  }
0x129: {  	v14 =	vmul.f32 v14, v15;
	[tilespmem:$0x610] =	vst v17  }
0x12a: {  	[tilespmem:$0x680] =	vst v16  }
0x12b: {  	s16 =	simm.s32 $0x1C0;
	s9 =	simm.s32 $0xAF00;
	[tilespmem:$0x6F0] =	vst v14  }
0x12c: {  	[tilespmem:s9], [sflag:$0x2] =	stream.indirect.gather [hbm4b:s1+s14], $0x60, s16, s14, $0xb8;
	[tilespmem:$0x1AC00] =	vst v63  }
0x12d: {  	s17 =	simm.s32 $0x230;
	s18 =	simm.s32 $0xD900  }
0x12e: {  	[tilespmem:s18], [sflag:$0x2] =	stream.indirect.gather [hbm4b:s1+s14], $0x60, s17, s14, $0xb8;
	[tilespmem:$0x1AC00] =	vst v63  }
0x12f: {  	s19 =	simm.s32 $0x2A0;
	s20 =	simm.s32 $0x10300  }
0x130: {  	[tilespmem:s20], [sflag:$0x2] =	stream.indirect.gather [hbm4b:s1+s14], $0x60, s19, s14, $0xb8;
	[tilespmem:$0x1AC00] =	vst v63  }
0x131: {  	s21 =	simm.s32 $0x310;
	s22 =	simm.s32 $0x12D00  }
0x132: {  	[tilespmem:s22], [sflag:$0x2] =	stream.indirect.gather [hbm4b:s1+s14], $0x60, s21, s14, $0xb8;
	[tilespmem:$0x1AC00] =	vst v63  }
0x133: {  	_ =	swait.ge [sflag:s30], $0x2A00  }
0x134: {  	[sflag:s30] =	ssyncset.done $0x0  }
0x135: {  	[sflag:s30] =	ssyncadd.s32 $0xFFFFD600  }
0x136: {  	_ =	swait.ge [sflag:s30], $0x2A00  }
0x137: {  	[sflag:s30] =	ssyncset.done $0x0  }
0x138: {  	[sflag:s30] =	ssyncadd.s32 $0xFFFFD600  }
0x139: {  	_ =	swait.ge [sflag:s30], $0x2A00  }
0x13a: {  	[sflag:s30] =	ssyncset.done $0x0  }
0x13b: {  	[sflag:s30] =	ssyncadd.s32 $0xFFFFD600  }
0x13c: {  	_ =	swait.ge [sflag:s30], $0x2A00  }
0x13d: {  	p0 =	seq.s32 s7, $0x0;
	[sflag:s30] =	ssyncset.done $0x0  }
0x13e: {  	s3 =	simm.s32 @!p0 $0x3;
	[sflag:s30] =	ssyncadd.s32 $0xFFFFD600  }
0x13f: {  	_ =	swait.ge @!p0 [sflag:s3], $0x2A00  }
0x140: {  	s23 =	simm.s32 $0x0;
	[sflag:s3] =	ssyncset.done @!p0 $0x0  }
0x141: {  	s12 =	simm.s32 $0x0;
	s20 =	simm.s32 $0x7C0;
	[sflag:s3] =	ssyncadd.s32 @!p0 $0xFFFFD600  }
0x142: {  	s11 =	sand.u32 $0x70, s12;
	s3 =	sand.u32 $0xFFFFFFF0, s23;
	v14 =	vld [tilespmem:s20+$0x60]  }
0x143: {  	v15 =	vld [tilespmem:s11+$0x380];
	s13 =	ssub.s32 $0xFFFFFFFC, s3  }
0x144: {  	v16 =	vld [tilespmem:s11+$0x3F0];
	s3 =	sadd.s32 $0x7, s13  }
0x145: {  	s21 =	simm.s32 $0x31C0;
	v17 =	vld [tilespmem:s11+$0x460];
	v18 =	vmov s3  }
0x146: {  	s24 =	simm.s32 $0x5BC0;
	v19 =	vld [tilespmem:s21+$0x60];
	v18 =	vand.u32 $0xF, v18  }
0x147: {  	v20 =	vld [tilespmem:s24+$0x60];
	v18 =	vbroadcast v18, $0x0  }
0x148: {  	v21 =	vld [tilespmem:s11+$0x4D0]  }
0x149: {  	s11 =	simm.s32 $0x85C0;
	v35 =	vperm.xlane v15, v18;
	v36 =	vperm.xlane v16, v18  }
0x14a: {  	v22 =	vld [tilespmem:s11+$0x60];
	v34 =	vperm.xlane v17, v18  }
0x14b: {  	v14 =	vmul.f32 v14, v35;
	v19 =	vmul.f32 v19, v36;
	_ =	sdelay $0x1  }
0x14c: {  	v33 =	vperm.xlane v21, v18;
	v18 =	vmul.f32 v20, v34;
	v14 =	vadd.f32 v19, v14;
	_ =	sdelay $0x1  }
0x14d: {  	v14 =	vadd.f32 v18, v14;
	v18 =	vmul.f32 v22, v33  }
0x14e: {  	v23 =	vld [tilespmem:s24+$0xFFFFFF40]  }
0x14f: {  	v20 =	vld [tilespmem:s21+$0xFFFFFF40];
	v14 =	vadd.f32 v18, v14  }
0x150: {  	s3 =	simm.s32 $0x157C0;
	v19 =	vld [tilespmem:s20+$0xFFFFFF40]  }
0x151: {  	s12 =	sand.u32 $0xC, s12;
	v26 =	vld [tilespmem:s11+$0xFFFFFF40];
	[tilespmem:s3+$0x60] =	vst v14  }
0x152: {  	v22 =	vmov s12;
	v24 =	vld [tilespmem:s20+$0x70]  }
0x153: {  	v40 =	vperm.xlane v15, v22;
	v39 =	vperm.xlane v16, v22;
	v25 =	vld [tilespmem:s21+$0x70]  }
0x154: {  	v57 =	vld [tilespmem:s21+$0xFFFFFFA0];
	s25 =	sadd.s32 $0x5, s13;
	v29 =	vperm.xlane v17, v22;
	v28 =	vperm.xlane v21, v22  }
0x155: {  	v19 =	vmul.f32 v19, v40;
	v20 =	vmul.f32 v20, v39;
	v14 =	vmov s25;
	v27 =	vld [tilespmem:s24+$0x70]  }
0x156: {  	v18 =	vld [tilespmem:s20+$0xFFFFFFA0];
	v26 =	vmul.f32 v26, v28;
	v14 =	vand.u32 $0xF, v14  }
0x157: {  	s26 =	sadd.s32 $0x6, s13;
	v19 =	vadd.f32 v20, v19;
	v20 =	vmul.f32 v23, v29;
	v22 =	vld [tilespmem:s11+$0x70];
	v14 =	vbroadcast v14, $0x0  }
0x158: {  	v58 =	vld [tilespmem:s24+$0xFFFFFFA0];
	v23 =	vmov s26;
	v24 =	vmul.f32 v24, v35;
	v25 =	vmul.f32 v25, v36  }
0x159: {  	s17 =	simm.s32 $0x5D40;
	v60 =	vld [tilespmem:s21+$0x0];
	v23 =	vand.u32 $0xF, v23;
	v19 =	vadd.f32 v20, v19;
	v41 =	vperm.xlane v15, v14  }
0x15a: {  	v62 =	vld [tilespmem:s17+$0xFFFFFF40];
	v31 =	vperm.xlane v16, v14;
	v24 =	vadd.f32 v25, v24;
	v25 =	vmul.f32 v27, v34  }
0x15b: {  	v59 =	vld [tilespmem:s11+$0xFFFFFFA0];
	v30 =	vperm.xlane v17, v14;
	v19 =	vadd.f32 v26, v19;
	v18 =	vmul.f32 v18, v41  }
0x15c: {  	v20 =	vld [tilespmem:s20+$0x0];
	v22 =	vmul.f32 v22, v33;
	v27 =	vmul.f32 v57, v31;
	v24 =	vadd.f32 v25, v24  }
0x15d: {  	v23 =	vbroadcast v23, $0x0;
	v14 =	vperm.xlane v21, v14;
	v25 =	vld [tilespmem:s24+$0x0]  }
0x15e: {  	v26 =	vmul.f32 v58, v30;
	[tilespmem:s3+$0xFFFFFF40] =	vst v19;
	v18 =	vadd.f32 v27, v18;
	v27 =	vld [tilespmem:s11+$0x0];
	v19 =	vadd.f32 v22, v24  }
0x15f: {  	v38 =	vperm.xlane v15, v23;
	v22 =	vld [tilespmem:s20+$0xFFFFFF50]  }
0x160: {  	v37 =	vperm.xlane v16, v23;
	v16 =	vmul.f32 v59, v14;
	v15 =	vadd.f32 v26, v18;
	v18 =	vld [tilespmem:s21+$0xFFFFFF50];
	[tilespmem:s3+$0x70] =	vst v19  }
0x161: {  	v32 =	vperm.xlane v17, v23;
	v17 =	vld [tilespmem:s20+$0x80]  }
0x162: {  	v19 =	vmul.f32 v20, v38;
	v20 =	vmul.f32 v60, v37;
	v16 =	vadd.f32 v16, v15;
	v24 =	vld [tilespmem:s21+$0x80]  }
0x163: {  	v26 =	vld [tilespmem:s24+$0xFFFFFF50]  }
0x164: {  	v15 =	vperm.xlane v21, v23;
	v19 =	vadd.f32 v20, v19;
	v20 =	vmul.f32 v25, v32;
	[tilespmem:s3+$0xFFFFFFA0] =	vst v16;
	v16 =	vld [tilespmem:s24+$0x80]  }
0x165: {  	v23 =	vld [tilespmem:s11+$0x80]  }
0x166: {  	v21 =	vld [tilespmem:s20+$0xFFFFFFB0];
	v19 =	vadd.f32 v20, v19;
	v20 =	vmul.f32 v27, v15  }
0x167: {  	v25 =	vld [tilespmem:s21+$0xFFFFFFB0];
	v17 =	vmul.f32 v17, v35;
	v24 =	vmul.f32 v24, v36  }
0x168: {  	v19 =	vadd.f32 v20, v19;
	v20 =	vmul.f32 v22, v40;
	v22 =	vld [tilespmem:s11+$0xFFFFFF50]  }
0x169: {  	v5 =	vld [tilespmem:s17+$0xFFFFFFA0];
	v18 =	vmul.f32 v18, v39;
	v16 =	vmul.f32 v16, v34;
	v17 =	vadd.f32 v24, v17  }
0x16a: {  	[tilespmem:s3+$0x0] =	vst v19;
	v19 =	vmul.f32 v26, v29;
	v24 =	vld [tilespmem:s24+$0xFFFFFFB0]  }
0x16b: {  	v18 =	vadd.f32 v18, v20;
	v26 =	vld [tilespmem:s20+$0x10];
	v16 =	vadd.f32 v16, v17;
	v17 =	vmul.f32 v23, v33  }
0x16c: {  	v20 =	vmul.f32 v21, v41;
	v21 =	vmul.f32 v25, v31;
	v23 =	vld [tilespmem:s11+$0xFFFFFFB0]  }
0x16d: {  	v25 =	vld [tilespmem:s21+$0x10];
	v18 =	vadd.f32 v19, v18;
	v19 =	vmul.f32 v22, v28;
	v16 =	vadd.f32 v17, v16  }
0x16e: {  	v22 =	vld [tilespmem:s11+$0x10]  }
0x16f: {  	v20 =	vadd.f32 v21, v20;
	v17 =	vld [tilespmem:s24+$0x10];
	v21 =	vmul.f32 v24, v30;
	v18 =	vadd.f32 v19, v18;
	[tilespmem:s3+$0x80] =	vst v16  }
0x170: {  	v16 =	vld [tilespmem:s20+$0x90]  }
0x171: {  	v19 =	vadd.f32 v21, v20;
	v20 =	vmul.f32 v23, v14;
	[tilespmem:s3+$0xFFFFFF50] =	vst v18;
	v18 =	vld [tilespmem:s21+$0x90]  }
0x172: {  	v21 =	vmul.f32 v26, v38;
	v23 =	vmul.f32 v25, v37;
	v24 =	vld [tilespmem:s20+$0xFFFFFF60]  }
0x173: {  	v19 =	vadd.f32 v20, v19;
	v20 =	vld [tilespmem:s24+$0x90]  }
0x174: {  	v21 =	vadd.f32 v23, v21;
	v17 =	vmul.f32 v17, v32;
	v23 =	vld [tilespmem:s21+$0xFFFFFF60]  }
0x175: {  	v22 =	vmul.f32 v22, v15;
	[tilespmem:s3+$0xFFFFFFB0] =	vst v19;
	v19 =	vld [tilespmem:s11+$0x90]  }
0x176: {  	v17 =	vadd.f32 v17, v21;
	v21 =	vld [tilespmem:s20+$0xFFFFFFC0];
	v16 =	vmul.f32 v16, v35;
	v18 =	vmul.f32 v18, v36  }
0x177: {  	v25 =	vld [tilespmem:s21+$0xFFFFFFC0]  }
0x178: {  	v17 =	vadd.f32 v22, v17;
	v16 =	vadd.f32 v18, v16;
	v18 =	vmul.f32 v20, v34;
	v20 =	vld [tilespmem:s24+$0xFFFFFF60]  }
0x179: {  	v22 =	vld [tilespmem:s24+$0xFFFFFFC0]  }
0x17a: {  	[tilespmem:s3+$0x10] =	vst v17;
	v16 =	vadd.f32 v18, v16;
	v17 =	vmul.f32 v19, v33;
	v18 =	vld [tilespmem:s11+$0xFFFFFF60]  }
0x17b: {  	v23 =	vmul.f32 v23, v39;
	v19 =	vmul.f32 v24, v40;
	v24 =	vld [tilespmem:s20+$0x20]  }
0x17c: {  	v21 =	vmul.f32 v21, v41;
	v16 =	vadd.f32 v17, v16;
	v17 =	vld [tilespmem:s11+$0xFFFFFFC0]  }
0x17d: {  	v26 =	vld [tilespmem:s21+$0x20];
	v25 =	vmul.f32 v25, v31;
	v19 =	vadd.f32 v23, v19;
	v20 =	vmul.f32 v20, v29  }
0x17e: {  	v23 =	vld [tilespmem:s24+$0x20];
	v22 =	vmul.f32 v22, v30;
	[tilespmem:s3+$0x90] =	vst v16  }
0x17f: {  	v21 =	vadd.f32 v25, v21;
	v16 =	vld [tilespmem:s20+$0xA0];
	v19 =	vadd.f32 v20, v19;
	v18 =	vmul.f32 v18, v28  }
0x180: {  	v20 =	vld [tilespmem:s21+$0xA0]  }
0x181: {  	v25 =	vld [tilespmem:s11+$0x20];
	v21 =	vadd.f32 v22, v21;
	v17 =	vmul.f32 v17, v14;
	v18 =	vadd.f32 v18, v19  }
0x182: {  	v22 =	vmul.f32 v26, v37;
	v19 =	vmul.f32 v24, v38;
	v24 =	vld [tilespmem:s24+$0xA0]  }
0x183: {  	v26 =	vld [tilespmem:s11+$0xA0];
	v17 =	vadd.f32 v17, v21;
	[tilespmem:s3+$0xFFFFFF60] =	vst v18  }
0x184: {  	v18 =	vadd.f32 v22, v19;
	v19 =	vmul.f32 v23, v32;
	v21 =	vld [tilespmem:s20+$0xFFFFFF70]  }
0x185: {  	v16 =	vmul.f32 v16, v35;
	v20 =	vmul.f32 v20, v36;
	[tilespmem:s3+$0xFFFFFFC0] =	vst v17;
	v17 =	vld [tilespmem:s21+$0xFFFFFF70]  }
0x186: {  	v18 =	vadd.f32 v19, v18;
	v19 =	vmul.f32 v25, v15;
	v22 =	vld [tilespmem:s20+$0xFFFFFFD0]  }
0x187: {  	v16 =	vadd.f32 v20, v16;
	v20 =	vmul.f32 v24, v34;
	v23 =	vld [tilespmem:s21+$0xFFFFFFD0]  }
0x188: {  	v18 =	vadd.f32 v19, v18;
	v19 =	vld [tilespmem:s24+$0xFFFFFF70]  }
0x189: {  	v0 =	vld [tilespmem:s17+$0x0];
	v16 =	vadd.f32 v20, v16;
	v20 =	vmul.f32 v26, v33  }
0x18a: {  	v24 =	vld [tilespmem:s24+$0xFFFFFFD0]  }
0x18b: {  	[tilespmem:s3+$0x20] =	vst v18;
	v18 =	vld [tilespmem:s11+$0xFFFFFF70];
	v16 =	vadd.f32 v20, v16;
	v20 =	vmul.f32 v21, v40;
	v17 =	vmul.f32 v17, v39  }
0x18c: {  	s15 =	simm.s32 $0x940;
	s12 =	simm.s32 $0x4;
	v21 =	vmul.f32 v22, v41;
	v22 =	vmul.f32 v23, v31;
	v23 =	vld [tilespmem:s11+$0xFFFFFFD0]  }
0x18d: {  	s18 =	sand.u32 $0x70, s12;
	v58 =	vld [tilespmem:s15+$0x0];
	[tilespmem:s3+$0xA0] =	vst v16;
	v16 =	vadd.f32 v17, v20;
	v17 =	vmul.f32 v19, v29  }
0x18e: {  	v27 =	vld [tilespmem:s18+$0x4D0]  }
0x18f: {  	v25 =	vld [tilespmem:s20+$0x30];
	v19 =	vadd.f32 v22, v21;
	v16 =	vadd.f32 v17, v16;
	v17 =	vmul.f32 v24, v30  }
0x190: {  	v26 =	vld [tilespmem:s21+$0x30];
	v18 =	vmul.f32 v18, v28  }
0x191: {  	v20 =	vld [tilespmem:s24+$0x30];
	v17 =	vadd.f32 v17, v19;
	v19 =	vmul.f32 v23, v14  }
0x192: {  	v42 =	vld [tilespmem:s20+$0xB0];
	v16 =	vadd.f32 v18, v16  }
0x193: {  	v43 =	vld [tilespmem:s21+$0xB0];
	v17 =	vadd.f32 v19, v17  }
0x194: {  	v18 =	vld [tilespmem:s11+$0x30];
	[tilespmem:s3+$0xFFFFFF70] =	vst v16  }
0x195: {  	v45 =	vld [tilespmem:s24+$0xB0];
	v16 =	vmul.f32 v25, v38;
	[tilespmem:s3+$0xFFFFFFD0] =	vst v17;
	v17 =	vmul.f32 v26, v37  }
0x196: {  	s13 =	simm.s32 $0x4;
	v46 =	vld [tilespmem:s11+$0xB0]  }
0x197: {  	s16 =	sand.u32 $0xFFFFFFF0, s13;
	v21 =	vld [tilespmem:s18+$0x3F0];
	v16 =	vadd.f32 v17, v16;
	v17 =	vmul.f32 v20, v32  }
0x198: {  	s19 =	ssub.s32 $0x0, s16;
	v19 =	vld [tilespmem:s15+$0x60]  }
0x199: {  	s16 =	sadd.s32 $0x7, s19;
	v20 =	vld [tilespmem:s18+$0x380];
	v16 =	vadd.f32 v17, v16;
	v17 =	vmul.f32 v18, v15  }
0x19a: {  	v25 =	vld [tilespmem:s18+$0x460];
	v18 =	vmov s16;
	s16 =	simm.s32 $0x3340  }
0x19b: {  	v16 =	vadd.f32 v17, v16;
	v17 =	vand.u32 $0xF, v18;
	v18 =	vld [tilespmem:s16+$0x60]  }
0x19c: {  	v22 =	vld [tilespmem:s17+$0x60];
	v17 =	vbroadcast v17, $0x0  }
0x19d: {  	v24 =	vld [tilespmem:s15+$0xFFFFFF40]  }
0x19e: {  	v54 =	vld [tilespmem:s20+$0xFFFFFF80];
	s18 =	simm.s32 $0x8740;
	v47 =	vperm.xlane v20, v17;
	v48 =	vperm.xlane v21, v17  }
0x19f: {  	[tilespmem:s3+$0x30] =	vst v16;
	v16 =	vld [tilespmem:s18+$0x60];
	v44 =	vperm.xlane v25, v17  }
0x1a0: {  	v52 =	vld [tilespmem:s21+$0xFFFFFF80];
	v19 =	vmul.f32 v19, v47;
	v18 =	vmul.f32 v18, v48  }
0x1a1: {  	v55 =	vld [tilespmem:s20+$0xFFFFFFE0]  }
0x1a2: {  	v53 =	vld [tilespmem:s21+$0xFFFFFFE0];
	v49 =	vperm.xlane v27, v17;
	v17 =	vadd.f32 v18, v19;
	v18 =	vmul.f32 v22, v44  }
0x1a3: {  	s22 =	sadd.s32 $0x5, s19;
	v63 =	vld [tilespmem:s18+$0xFFFFFF40]  }
0x1a4: {  	s19 =	sadd.s32 $0x6, s19;
	s28 =	sand.u32 $0xC, s12;
	v26 =	vld [tilespmem:s16+$0xFFFFFF40];
	v19 =	vmov s22;
	v17 =	vadd.f32 v18, v17;
	v18 =	vmul.f32 v16, v49  }
0x1a5: {  	v57 =	vmov s28;
	v23 =	vmov s19;
	v56 =	vld [tilespmem:s16+$0xFFFFFFA0];
	v16 =	vand.u32 $0xF, v19  }
0x1a6: {  	v22 =	vld [tilespmem:s15+$0xFFFFFFA0];
	v19 =	vand.u32 $0xF, v23;
	v59 =	vbroadcast v16, $0x0;
	v17 =	vadd.f32 v18, v17  }
0x1a7: {  	s19 =	simm.s32 $0x15940;
	v60 =	vld [tilespmem:s16+$0x0];
	v16 =	vperm.xlane v20, v57;
	v61 =	vbroadcast v19, $0x0  }
0x1a8: {  	v50 =	vld [tilespmem:s20+$0x40];
	v18 =	vperm.xlane v21, v57;
	v19 =	vperm.xlane v20, v59;
	[tilespmem:s19+$0x60] =	vst v17  }
0x1a9: {  	v23 =	vperm.xlane v21, v59;
	v3 =	vmul.f32 v24, v16;
	v2 =	vld [tilespmem:s15+$0x70]  }
0x1aa: {  	v17 =	vperm.xlane v25, v57;
	v26 =	vmul.f32 v26, v18;
	v4 =	vld [tilespmem:s16+$0x70]  }
0x1ab: {  	v51 =	vld [tilespmem:s21+$0x40];
	v20 =	vperm.xlane v20, v61;
	v6 =	vmul.f32 v22, v19  }
0x1ac: {  	v22 =	vperm.xlane v27, v57;
	v57 =	vld [tilespmem:s17+$0x70];
	v3 =	vadd.f32 v26, v3;
	v26 =	vmul.f32 v62, v17  }
0x1ad: {  	v21 =	vperm.xlane v21, v61;
	v56 =	vmul.f32 v56, v23;
	v62 =	vld [tilespmem:s18+$0xFFFFFFA0]  }
0x1ae: {  	v24 =	vperm.xlane v25, v59;
	v7 =	vld [tilespmem:s18+$0x70];
	v63 =	vmul.f32 v63, v22;
	v3 =	vadd.f32 v26, v3  }
0x1af: {  	v6 =	vadd.f32 v56, v6;
	v56 =	vld [tilespmem:s24+$0x40];
	v2 =	vmul.f32 v2, v47;
	v4 =	vmul.f32 v4, v48  }
0x1b0: {  	v5 =	vmul.f32 v5, v24;
	v26 =	vperm.xlane v27, v59;
	v59 =	vld [tilespmem:s18+$0x0];
	v3 =	vadd.f32 v63, v3  }
0x1b1: {  	v25 =	vperm.xlane v25, v61;
	v63 =	vld [tilespmem:s24+$0xFFFFFF80];
	v2 =	vadd.f32 v4, v2;
	v4 =	vmul.f32 v57, v44  }
0x1b2: {  	v5 =	vadd.f32 v5, v6;
	v6 =	vmul.f32 v62, v26;
	v57 =	vmul.f32 v58, v20;
	v58 =	vld [tilespmem:s24+$0xFFFFFFE0];
	[tilespmem:s19+$0xFFFFFF40] =	vst v3  }
0x1b3: {  	v60 =	vmul.f32 v60, v21;
	v3 =	vmul.f32 v7, v49;
	v7 =	vld [tilespmem:s16+$0xFFFFFF50];
	v2 =	vadd.f32 v4, v2  }
0x1b4: {  	v0 =	vmul.f32 v0, v25;
	v5 =	vadd.f32 v6, v5;
	v62 =	vld [tilespmem:s18+$0xFFFFFF50]  }
0x1b5: {  	v27 =	vperm.xlane v27, v61;
	v4 =	vld [tilespmem:s15+$0xFFFFFF50];
	v6 =	vadd.f32 v60, v57;
	v2 =	vadd.f32 v3, v2  }
0x1b6: {  	[tilespmem:s19+$0xFFFFFFA0] =	vst v5;
	v3 =	vld [tilespmem:s17+$0xFFFFFF50]  }
0x1b7: {  	v61 =	vmul.f32 v59, v27;
	v0 =	vadd.f32 v0, v6;
	v6 =	vld [tilespmem:s15+$0xFFFFFFB0];
	[tilespmem:s19+$0x70] =	vst v2  }
0x1b8: {  	v2 =	vld [tilespmem:s15+$0x80]  }
0x1b9: {  	v0 =	vadd.f32 v61, v0;
	v5 =	vld [tilespmem:s16+$0x80]  }
0x1ba: {  	v57 =	vld [tilespmem:s16+$0xFFFFFFB0]  }
0x1bb: {  	[tilespmem:s19+$0x0] =	vst v0;
	v0 =	vld [tilespmem:s17+$0x80]  }
0x1bc: {  	v9 =	vld [tilespmem:s17+$0xFFFFFFB0];
	v7 =	vmul.f32 v7, v18;
	v4 =	vmul.f32 v4, v16  }
0x1bd: {  	v62 =	vmul.f32 v62, v22;
	v60 =	vld [tilespmem:s18+$0x80];
	v3 =	vmul.f32 v3, v17  }
0x1be: {  	v59 =	vld [tilespmem:s15+$0x10];
	v4 =	vadd.f32 v7, v4;
	v2 =	vmul.f32 v2, v47;
	v5 =	vmul.f32 v5, v48  }
0x1bf: {  	v7 =	vld [tilespmem:s18+$0xFFFFFFB0];
	v6 =	vmul.f32 v6, v19;
	v57 =	vmul.f32 v57, v23  }
0x1c0: {  	v61 =	vld [tilespmem:s16+$0x10];
	v3 =	vadd.f32 v3, v4;
	v0 =	vmul.f32 v0, v44;
	v2 =	vadd.f32 v5, v2  }
0x1c1: {  	v9 =	vmul.f32 v9, v24;
	v4 =	vld [tilespmem:s11+$0xFFFFFF80];
	v6 =	vadd.f32 v57, v6  }
0x1c2: {  	v57 =	vld [tilespmem:s11+$0x40];
	v3 =	vadd.f32 v62, v3;
	v0 =	vadd.f32 v0, v2;
	v2 =	vmul.f32 v60, v49  }
0x1c3: {  	v5 =	vld [tilespmem:s17+$0x10]  }
0x1c4: {  	v6 =	vadd.f32 v9, v6;
	v7 =	vmul.f32 v7, v26;
	[tilespmem:s19+$0xFFFFFF50] =	vst v3;
	v60 =	vld [tilespmem:s18+$0x10];
	v0 =	vadd.f32 v2, v0  }
0x1c5: {  	v9 =	vld [tilespmem:s15+$0xFFFFFF60];
	v2 =	vmul.f32 v59, v20;
	v59 =	vmul.f32 v61, v21  }
0x1c6: {  	v6 =	vadd.f32 v7, v6;
	v61 =	vld [tilespmem:s11+$0xFFFFFFE0];
	[tilespmem:s19+$0x80] =	vst v0  }
0x1c7: {  	v0 =	vadd.f32 v59, v2;
	v2 =	vld [tilespmem:s15+$0x90]  }
0x1c8: {  	[tilespmem:s19+$0xFFFFFFB0] =	vst v6;
	v5 =	vmul.f32 v5, v25;
	v3 =	vld [tilespmem:s16+$0x90]  }
0x1c9: {  	v6 =	vld [tilespmem:s15+$0xFFFFFFC0]  }
0x1ca: {  	v62 =	vmul.f32 v60, v27;
	v7 =	vld [tilespmem:s17+$0x90];
	v0 =	vadd.f32 v5, v0  }
0x1cb: {  	v59 =	vld [tilespmem:s16+$0xFFFFFF60]  }
0x1cc: {  	v5 =	vld [tilespmem:s18+$0x90];
	v0 =	vadd.f32 v62, v0  }
0x1cd: {  	v62 =	vld [tilespmem:s17+$0xFFFFFFC0];
	v2 =	vmul.f32 v2, v47;
	v3 =	vmul.f32 v3, v48  }
0x1ce: {  	v54 =	vmul.f32 v54, v40;
	[tilespmem:s19+$0x10] =	vst v0;
	v0 =	vld [tilespmem:s16+$0xFFFFFFC0]  }
0x1cf: {  	v53 =	vmul.f32 v53, v31;
	v60 =	vld [tilespmem:s15+$0x20];
	v2 =	vadd.f32 v3, v2;
	v3 =	vmul.f32 v7, v44  }
0x1d0: {  	v7 =	vmul.f32 v52, v39;
	v52 =	vmul.f32 v55, v41;
	v55 =	vld [tilespmem:s16+$0x20]  }
0x1d1: {  	v4 =	vmul.f32 v4, v28;
	v5 =	vmul.f32 v5, v49;
	v2 =	vadd.f32 v3, v2;
	v3 =	vld [tilespmem:s17+$0xFFFFFF60]  }
0x1d2: {  	v7 =	vadd.f32 v7, v54;
	v54 =	vmul.f32 v63, v29;
	v63 =	vmul.f32 v58, v30;
	v58 =	vld [tilespmem:s18+$0xFFFFFF60]  }
0x1d3: {  	v9 =	vmul.f32 v9, v16;
	v6 =	vmul.f32 v6, v19;
	v2 =	vadd.f32 v5, v2;
	v5 =	vld [tilespmem:s17+$0x20]  }
0x1d4: {  	v52 =	vadd.f32 v53, v52;
	v7 =	vadd.f32 v54, v7;
	v53 =	vmul.f32 v60, v20;
	v60 =	vld [tilespmem:s18+$0x20]  }
0x1d5: {  	v54 =	vmul.f32 v61, v14;
	v61 =	vmul.f32 v59, v18;
	[tilespmem:s19+$0x90] =	vst v2;
	v2 =	vld [tilespmem:s18+$0xFFFFFFC0]  }
0x1d6: {  	v0 =	vmul.f32 v0, v23;
	v52 =	vadd.f32 v63, v52;
	v4 =	vadd.f32 v4, v7;
	v7 =	vld [tilespmem:s15+$0xA0]  }
0x1d7: {  	v9 =	vadd.f32 v61, v9;
	v3 =	vmul.f32 v3, v17;
	v63 =	vmul.f32 v58, v22;
	v58 =	vld [tilespmem:s18+$0xA0]  }
0x1d8: {  	v0 =	vadd.f32 v0, v6;
	v6 =	vmul.f32 v55, v21;
	v59 =	vld [tilespmem:s16+$0xA0]  }
0x1d9: {  	v52 =	vadd.f32 v54, v52;
	[tilespmem:s3+$0xFFFFFF80] =	vst v4;
	v3 =	vadd.f32 v3, v9;
	v9 =	vld [tilespmem:s17+$0xA0]  }
0x1da: {  	v50 =	vmul.f32 v50, v38;
	v51 =	vmul.f32 v51, v37;
	v6 =	vadd.f32 v6, v53;
	v53 =	vld [tilespmem:s20+$0xFFFFFF90]  }
0x1db: {  	v55 =	vmul.f32 v62, v24;
	[tilespmem:s3+$0xFFFFFFE0] =	vst v52;
	v5 =	vmul.f32 v5, v25;
	v62 =	vld [tilespmem:s21+$0xFFFFFF90];
	v3 =	vadd.f32 v63, v3  }
0x1dc: {  	v4 =	vmul.f32 v58, v49;
	v58 =	vmul.f32 v56, v32;
	v56 =	vld [tilespmem:s21+$0xFFFFFFF0]  }
0x1dd: {  	v0 =	vadd.f32 v55, v0;
	v2 =	vmul.f32 v2, v26;
	[tilespmem:s19+$0xFFFFFF60] =	vst v3;
	v3 =	vld [tilespmem:s20+$0xFFFFFFF0]  }
0x1de: {  	v5 =	vadd.f32 v5, v6;
	v63 =	vadd.f32 v51, v50;
	v6 =	vld [tilespmem:s15+$0xFFFFFF70]  }
0x1df: {  	v7 =	vmul.f32 v7, v47;
	v61 =	vmul.f32 v59, v48;
	v0 =	vadd.f32 v2, v0;
	v52 =	vld [tilespmem:s17+$0xFFFFFF70]  }
0x1e0: {  	v36 =	vmul.f32 v43, v36;
	v2 =	vmul.f32 v60, v27;
	v43 =	vadd.f32 v58, v63;
	v63 =	vld [tilespmem:s18+$0xFFFFFF70]  }
0x1e1: {  	v7 =	vadd.f32 v61, v7;
	v9 =	vmul.f32 v9, v44;
	[tilespmem:s19+$0xFFFFFFC0] =	vst v0;
	v0 =	vld [tilespmem:s16+$0xFFFFFF70]  }
0x1e2: {  	v2 =	vadd.f32 v2, v5;
	v5 =	vld [tilespmem:s15+$0xFFFFFFD0]  }
0x1e3: {  	v7 =	vadd.f32 v9, v7;
	v9 =	vld [tilespmem:s16+$0xFFFFFFD0]  }
0x1e4: {  	v35 =	vmul.f32 v42, v35;
	v42 =	vld [tilespmem:s17+$0xFFFFFFD0]  }
0x1e5: {  	v59 =	vmul.f32 v53, v40;
	v53 =	vld [tilespmem:s18+$0xFFFFFFD0];
	[tilespmem:s19+$0x20] =	vst v2  }
0x1e6: {  	v34 =	vmul.f32 v45, v34;
	v35 =	vadd.f32 v36, v35;
	v2 =	vld [tilespmem:s15+$0x30]  }
0x1e7: {  	v4 =	vadd.f32 v4, v7;
	v7 =	vld [tilespmem:s16+$0x30]  }
0x1e8: {  	v33 =	vmul.f32 v46, v33;
	v34 =	vadd.f32 v34, v35;
	v60 =	vld [tilespmem:s17+$0x30]  }
0x1e9: {  	v61 =	vmul.f32 v57, v15;
	v39 =	vmul.f32 v62, v39;
	v54 =	vld [tilespmem:s18+$0x30];
	[tilespmem:s19+$0xA0] =	vst v4  }
0x1ea: {  	v33 =	vadd.f32 v33, v34;
	v31 =	vmul.f32 v56, v31;
	v6 =	vmul.f32 v6, v16;
	v4 =	vld [tilespmem:s15+$0xB0]  }
0x1eb: {  	v51 =	vadd.f32 v61, v43;
	v0 =	vmul.f32 v0, v18;
	v55 =	vld [tilespmem:s16+$0xB0];
	v5 =	vmul.f32 v5, v19  }
0x1ec: {  	v39 =	vadd.f32 v39, v59;
	v50 =	vld [tilespmem:s17+$0xB0];
	v9 =	vmul.f32 v9, v23;
	v2 =	vmul.f32 v2, v20  }
0x1ed: {  	[tilespmem:s3+$0x40] =	vst v51;
	v62 =	vld [tilespmem:s18+$0xB0];
	v0 =	vadd.f32 v0, v6;
	v6 =	vmul.f32 v7, v21;
	v7 =	vmul.f32 v52, v17  }
0x1ee: {  	v3 =	vmul.f32 v3, v41;
	v57 =	vld [tilespmem:s20+$0x50];
	v5 =	vadd.f32 v9, v5;
	v9 =	vmul.f32 v42, v24  }
0x1ef: {  	v2 =	vadd.f32 v6, v2;
	v0 =	vadd.f32 v7, v0;
	v6 =	vmul.f32 v63, v22;
	v7 =	vld [tilespmem:s21+$0x50]  }
0x1f0: {  	v5 =	vadd.f32 v9, v5;
	v9 =	vld [tilespmem:s24+$0xFFFFFF90];
	v4 =	vmul.f32 v4, v47;
	v58 =	vmul.f32 v55, v48  }
0x1f1: {  	v59 =	vmul.f32 v53, v26;
	v40 =	vmul.f32 v60, v25;
	v0 =	vadd.f32 v6, v0;
	v6 =	vld [tilespmem:s24+$0xFFFFFFF0]  }
0x1f2: {  	v60 =	vmul.f32 v50, v44;
	v61 =	vmul.f32 v62, v49;
	v62 =	vld [tilespmem:s24+$0x50];
	v4 =	vadd.f32 v58, v4  }
0x1f3: {  	v34 =	vmul.f32 v54, v27;
	v2 =	vadd.f32 v40, v2;
	v5 =	vadd.f32 v59, v5;
	[tilespmem:s19+$0xFFFFFF70] =	vst v0;
	v0 =	vld [tilespmem:s11+$0xFFFFFF90]  }
0x1f4: {  	v3 =	vadd.f32 v31, v3;
	v4 =	vadd.f32 v60, v4;
	v35 =	vld [tilespmem:s15+$0xFFFFFF80]  }
0x1f5: {  	s29 =	smul.u32 $0xE0, s10;
	v38 =	vmul.f32 v57, v38;
	v2 =	vadd.f32 v34, v2;
	[tilespmem:s19+$0xFFFFFFD0] =	vst v5;
	v63 =	vmul.f32 v7, v37;
	v34 =	vld [tilespmem:s16+$0xFFFFFF80]  }
0x1f6: {  	[tilespmem:s3+$0xB0] =	vst v33;
	v7 =	vmul.f32 v9, v29;
	v36 =	vld [tilespmem:s15+$0xFFFFFFE0];
	v4 =	vadd.f32 v61, v4;
	v6 =	vmul.f32 v6, v30  }
0x1f7: {  	s9 =	sadd.s32 s8, s29;
	s23 =	simm.s32 $0x940;
	s22 =	simm.s32 $0x5D40;
	v37 =	vld [tilespmem:s16+$0xFFFFFFE0];
	[tilespmem:s19+$0x30] =	vst v2;
	v32 =	vmul.f32 v62, v32;
	v30 =	vadd.f32 v63, v38  }
0x1f8: {  	s20 =	simm.s32 $0x15940;
	s21 =	simm.s32 $0x8740;
	s24 =	simm.s32 $0x3340;
	v29 =	vadd.f32 v7, v39;
	v46 =	vld [tilespmem:s15+$0x40];
	[tilespmem:s19+$0xB0] =	vst v4;
	v28 =	vmul.f32 v0, v28;
	v39 =	vadd.f32 v6, v3  }
.LBB2_3:
0x1f9: {  	s13 =	sadd.s32 $0x4, s13  }
0x1fa: {  	v0 =	vmul.f32 v35, v16;
	v2 =	vld [tilespmem:s16+$0x40];
	s15 =	sadd.s32 $0x180, s15;
	v43 =	vadd.f32 v32, v30;
	s25 =	smov.u32 s12;
	s12 =	sadd.s32 $0x4, s12  }
0x1fb: {  	s26 =	sand.u32 $0xFFFFFFF0, s13;
	s28 =	sand.u32 $0x70, s12;
	s29 =	sand.u32 $0xC, s12;
	v3 =	vld [tilespmem:s15+$0x60];
	v4 =	vmul.f32 v34, v18;
	v5 =	vadd.f32 v28, v29  }
0x1fc: {  	v6 =	vld [tilespmem:s28+$0x380];
	v7 =	vmov s29;
	s25 =	ssub.s32 s25, s26;
	v9 =	vmul.f32 v36, v19  }
0x1fd: {  	v28 =	vld [tilespmem:s28+$0x3F0];
	s26 =	sadd.s32 $0x5, s25;
	s29 =	sadd.s32 $0x6, s25;
	s25 =	sadd.s32 $0x7, s25;
	v47 =	vadd.f32 v4, v0;
	v0 =	vmul.f32 v37, v23;
	[tilespmem:s3+$0xFFFFFF90] =	vst v5  }
0x1fe: {  	s16 =	sadd.s32 $0x180, s16;
	v4 =	vld [tilespmem:s28+$0x460];
	v5 =	vmov s26;
	v29 =	vmov s29;
	v30 =	vmov s25  }
0x1ff: {  	s17 =	sadd.s32 $0x180, s17;
	v5 =	vand.u32 $0xF, v5;
	v29 =	vand.u32 $0xF, v29;
	v30 =	vand.u32 $0xF, v30;
	v31 =	vld [tilespmem:s16+$0x60]  }
0x200: {  	p1 =	slt.u32 s12, $0x6C;
	v0 =	vadd.f32 v0, v9;
	v5 =	vbroadcast v5, $0x0;
	v30 =	vbroadcast v30, $0x0;
	v33 =	vld [tilespmem:s17+$0x60]  }
0x201: {  	v44 =	vbroadcast v29, $0x0;
	v40 =	vperm.xlane v6, v7;
	v9 =	vld [tilespmem:s28+$0x4D0]  }
0x202: {  	s18 =	sadd.s32 $0x180, s18;
	v29 =	vld [tilespmem:s15+$0xFFFFFF40];
	v36 =	vperm.xlane v6, v30;
	v37 =	vperm.xlane v28, v30  }
0x203: {  	v41 =	vperm.xlane v28, v7;
	v35 =	vperm.xlane v4, v30;
	v45 =	vld [tilespmem:s18+$0x60]  }
0x204: {  	v48 =	vld [tilespmem:s16+$0xFFFFFF40];
	v3 =	vmul.f32 v3, v36;
	v31 =	vmul.f32 v31, v37  }
0x205: {  	v42 =	vperm.xlane v6, v5;
	v32 =	vperm.xlane v28, v5;
	v49 =	vld [tilespmem:s15+$0xFFFFFFA0]  }
0x206: {  	v50 =	vld [tilespmem:s16+$0xFFFFFFA0];
	v38 =	vperm.xlane v9, v30;
	v3 =	vadd.f32 v31, v3;
	v30 =	vmul.f32 v33, v35  }
0x207: {  	v34 =	vperm.xlane v6, v44;
	v28 =	vperm.xlane v28, v44;
	v6 =	vld [tilespmem:s15+$0x0]  }
0x208: {  	v31 =	vmul.f32 v29, v40;
	v51 =	vld [tilespmem:s16+$0x0];
	v3 =	vadd.f32 v30, v3;
	v33 =	vmul.f32 v45, v38  }
0x209: {  	v30 =	vperm.xlane v4, v7;
	v45 =	vmul.f32 v48, v41;
	v48 =	vld [tilespmem:s17+$0xFFFFFF40]  }
0x20a: {  	v29 =	vperm.xlane v4, v5;
	v49 =	vmul.f32 v49, v42;
	v52 =	vld [tilespmem:s17+$0xFFFFFFA0];
	v3 =	vadd.f32 v33, v3  }
0x20b: {  	s19 =	sadd.s32 $0x180, s19;
	v33 =	vperm.xlane v4, v44;
	v53 =	vadd.f32 v45, v31;
	v50 =	vmul.f32 v50, v32;
	v4 =	vld [tilespmem:s17+$0x0]  }
0x20c: {  	v31 =	vperm.xlane v9, v7;
	v7 =	vld [tilespmem:s18+$0xFFFFFF40];
	v6 =	vmul.f32 v6, v34;
	[tilespmem:s19+$0x60] =	vst v3  }
0x20d: {  	v45 =	vperm.xlane v9, v5;
	v3 =	vadd.f32 v50, v49;
	v5 =	vmul.f32 v51, v28;
	v49 =	vld [tilespmem:s15+$0x70]  }
0x20e: {  	v44 =	vperm.xlane v9, v44;
	v48 =	vmul.f32 v48, v30;
	v9 =	vld [tilespmem:s16+$0x70]  }
0x20f: {  	v50 =	vmul.f32 v52, v29;
	v51 =	vld [tilespmem:s18+$0xFFFFFFA0];
	v5 =	vadd.f32 v5, v6;
	v6 =	vmul.f32 v46, v20  }
0x210: {  	v2 =	vmul.f32 v2, v21;
	v46 =	vadd.f32 v48, v53;
	v4 =	vmul.f32 v4, v33;
	v48 =	vld [tilespmem:s17+$0x70]  }
0x211: {  	v7 =	vmul.f32 v7, v31;
	v3 =	vadd.f32 v50, v3;
	v50 =	vld [tilespmem:s18+$0x0]  }
0x212: {  	v2 =	vadd.f32 v2, v6;
	v4 =	vadd.f32 v4, v5;
	v5 =	vld [tilespmem:s18+$0x70]  }
0x213: {  	v6 =	vadd.f32 v7, v46;
	v7 =	vmul.f32 v49, v36;
	v9 =	vmul.f32 v9, v37;
	v46 =	vld [tilespmem:s22+$0xFFFFFF80]  }
0x214: {  	v49 =	vmul.f32 v51, v45;
	v51 =	vld [tilespmem:s22+$0xFFFFFFE0]  }
0x215: {  	[tilespmem:s19+$0xFFFFFF40] =	vst v6;
	v6 =	vadd.f32 v9, v7;
	v7 =	vmul.f32 v48, v35;
	v9 =	vld [tilespmem:s22+$0x40]  }
0x216: {  	v48 =	vld [tilespmem:s15+$0xFFFFFF50];
	v3 =	vadd.f32 v49, v3;
	v49 =	vmul.f32 v50, v44  }
0x217: {  	v50 =	vld [tilespmem:s16+$0xFFFFFF50];
	v6 =	vadd.f32 v7, v6;
	v5 =	vmul.f32 v5, v38  }
0x218: {  	v7 =	vld [tilespmem:s17+$0xFFFFFF50];
	[tilespmem:s19+$0xFFFFFFA0] =	vst v3;
	v3 =	vadd.f32 v49, v4;
	v4 =	vmul.f32 v46, v17  }
0x219: {  	v46 =	vld [tilespmem:s15+$0xFFFFFFB0];
	v5 =	vadd.f32 v5, v6;
	v6 =	vmul.f32 v51, v24  }
0x21a: {  	v49 =	vld [tilespmem:s16+$0xFFFFFFB0];
	[tilespmem:s19+$0x0] =	vst v3;
	v3 =	vadd.f32 v4, v47;
	v4 =	vmul.f32 v9, v25  }
0x21b: {  	v9 =	vmul.f32 v48, v40;
	v47 =	vld [tilespmem:s15+$0x10];
	[tilespmem:s19+$0x70] =	vst v5;
	v0 =	vadd.f32 v6, v0  }
0x21c: {  	v5 =	vmul.f32 v50, v41;
	v6 =	vld [tilespmem:s15+$0x80];
	v2 =	vadd.f32 v4, v2  }
0x21d: {  	v4 =	vmul.f32 v7, v30;
	v7 =	vld [tilespmem:s16+$0x80]  }
0x21e: {  	v5 =	vadd.f32 v5, v9;
	v9 =	vmul.f32 v46, v42;
	v46 =	vld [tilespmem:s16+$0x10]  }
0x21f: {  	v48 =	vmul.f32 v49, v32;
	v49 =	vld [tilespmem:s17+$0x80]  }
0x220: {  	v4 =	vadd.f32 v4, v5;
	v5 =	vld [tilespmem:s17+$0xFFFFFFB0];
	v47 =	vmul.f32 v47, v34  }
0x221: {  	v9 =	vadd.f32 v48, v9;
	v48 =	vld [tilespmem:s18+$0x80]  }
0x222: {  	v6 =	vmul.f32 v6, v36;
	v50 =	vld [tilespmem:s17+$0x10];
	v7 =	vmul.f32 v7, v37  }
0x223: {  	v51 =	vld [tilespmem:s18+$0xFFFFFF50];
	v46 =	vmul.f32 v46, v28  }
0x224: {  	v52 =	vld [tilespmem:s18+$0xFFFFFFB0];
	v6 =	vadd.f32 v7, v6;
	v7 =	vmul.f32 v49, v35  }
0x225: {  	v5 =	vmul.f32 v5, v29;
	v46 =	vadd.f32 v46, v47;
	v47 =	vld [tilespmem:s18+$0x10]  }
0x226: {  	v6 =	vadd.f32 v7, v6;
	v7 =	vmul.f32 v48, v38;
	v48 =	vld [tilespmem:s21+$0xFFFFFF80]  }
0x227: {  	v5 =	vadd.f32 v5, v9;
	v9 =	vmul.f32 v50, v33;
	v49 =	vld [tilespmem:s21+$0xFFFFFFE0]  }
0x228: {  	v50 =	vmul.f32 v51, v31;
	v6 =	vadd.f32 v7, v6;
	v7 =	vld [tilespmem:s21+$0x40]  }
0x229: {  	v51 =	vmul.f32 v52, v45;
	v9 =	vadd.f32 v9, v46;
	v46 =	vld [tilespmem:s11+$0xFFFFFFF0]  }
0x22a: {  	v4 =	vadd.f32 v50, v4;
	v47 =	vmul.f32 v47, v44;
	[tilespmem:s19+$0x80] =	vst v6;
	v6 =	vld [tilespmem:s11+$0x50];
	s11 =	smov.u32 s21;
	s21 =	smov.u32 s18  }
0x22b: {  	v5 =	vadd.f32 v51, v5;
	v50 =	vld [tilespmem:s15+$0x90];
	v48 =	vmul.f32 v48, v22  }
0x22c: {  	[tilespmem:s19+$0xFFFFFF50] =	vst v4;
	v4 =	vadd.f32 v47, v9;
	v9 =	vld [tilespmem:s16+$0x90];
	v47 =	vmul.f32 v49, v26  }
0x22d: {  	v49 =	vld [tilespmem:s15+$0xFFFFFF60];
	[tilespmem:s19+$0xFFFFFFB0] =	vst v5;
	v3 =	vadd.f32 v48, v3;
	v5 =	vmul.f32 v7, v27  }
0x22e: {  	[tilespmem:s19+$0x10] =	vst v4;
	v4 =	vld [tilespmem:s17+$0x90];
	v0 =	vadd.f32 v47, v0;
	v7 =	vmul.f32 v46, v14;
	v14 =	vmovc v26;
	v26 =	vmov v45  }
0x22f: {  	v45 =	vld [tilespmem:s16+$0xFFFFFF60];
	[tilespmem:s20+$0xFFFFFF80] =	vst v3;
	v2 =	vadd.f32 v5, v2;
	v3 =	vmul.f32 v6, v15;
	v15 =	vmovc v27;
	v27 =	vmov v44  }
0x230: {  	v5 =	vld [tilespmem:s18+$0x90];
	[tilespmem:s20+$0xFFFFFFE0] =	vst v0;
	v0 =	vadd.f32 v7, v39  }
0x231: {  	v7 =	vmul.f32 v50, v36;
	v6 =	vld [tilespmem:s15+$0xFFFFFFC0];
	v9 =	vmul.f32 v9, v37;
	[tilespmem:s20+$0x40] =	vst v2;
	v2 =	vadd.f32 v3, v43  }
0x232: {  	v3 =	vmul.f32 v49, v40;
	v39 =	vld [tilespmem:s16+$0xFFFFFFC0];
	[tilespmem:s3+$0xFFFFFFF0] =	vst v0  }
0x233: {  	v0 =	vld [tilespmem:s15+$0x20];
	v7 =	vadd.f32 v9, v7;
	v4 =	vmul.f32 v4, v35;
	[tilespmem:s3+$0x50] =	vst v2;
	s3 =	smov.u32 s20;
	s20 =	smov.u32 s19  }
0x234: {  	v2 =	vmul.f32 v45, v41;
	v9 =	vld [tilespmem:s16+$0x20]  }
0x235: {  	v43 =	vld [tilespmem:s17+$0xFFFFFF60];
	v4 =	vadd.f32 v4, v7;
	v5 =	vmul.f32 v5, v38  }
0x236: {  	v2 =	vadd.f32 v2, v3;
	v3 =	vmul.f32 v6, v42;
	v6 =	vld [tilespmem:s17+$0xFFFFFFC0]  }
0x237: {  	v7 =	vmul.f32 v39, v32;
	v39 =	vld [tilespmem:s17+$0x20];
	v4 =	vadd.f32 v5, v4  }
0x238: {  	v5 =	vld [tilespmem:s18+$0xFFFFFF60];
	v0 =	vmul.f32 v0, v34  }
0x239: {  	v3 =	vadd.f32 v7, v3;
	v7 =	vld [tilespmem:s18+$0xFFFFFFC0];
	v9 =	vmul.f32 v9, v28;
	[tilespmem:s19+$0x90] =	vst v4  }
0x23a: {  	v4 =	vmul.f32 v43, v30;
	v43 =	vld [tilespmem:s15+$0xA0]  }
0x23b: {  	v6 =	vmul.f32 v6, v29;
	v0 =	vadd.f32 v9, v0;
	v9 =	vld [tilespmem:s16+$0xA0]  }
0x23c: {  	v2 =	vadd.f32 v4, v2;
	v4 =	vmul.f32 v39, v33;
	v39 =	vld [tilespmem:s18+$0x20]  }
0x23d: {  	v5 =	vmul.f32 v5, v31;
	v3 =	vadd.f32 v6, v3;
	v6 =	vld [tilespmem:s17+$0xA0]  }
0x23e: {  	v7 =	vmul.f32 v7, v26;
	v0 =	vadd.f32 v4, v0;
	v4 =	vld [tilespmem:s23+$0xFFFFFF90]  }
0x23f: {  	v2 =	vadd.f32 v5, v2;
	v5 =	vld [tilespmem:s18+$0xA0]  }
0x240: {  	v3 =	vadd.f32 v7, v3;
	v7 =	vmul.f32 v43, v36;
	v9 =	vmul.f32 v9, v37;
	v43 =	vld [tilespmem:s24+$0xFFFFFF90]  }
0x241: {  	[tilespmem:s19+$0xFFFFFF60] =	vst v2;
	v2 =	vmul.f32 v39, v27;
	v39 =	vld [tilespmem:s23+$0xFFFFFFF0]  }
0x242: {  	v44 =	vld [tilespmem:s15+$0xFFFFFF70];
	[tilespmem:s19+$0xFFFFFFC0] =	vst v3;
	v3 =	vadd.f32 v9, v7;
	v6 =	vmul.f32 v6, v35  }
0x243: {  	v7 =	vld [tilespmem:s16+$0xFFFFFF70];
	v0 =	vadd.f32 v2, v0;
	v2 =	vmul.f32 v4, v16;
	v16 =	vmov v40  }
0x244: {  	v4 =	vld [tilespmem:s15+$0xFFFFFFD0];
	v3 =	vadd.f32 v6, v3;
	v5 =	vmul.f32 v5, v38  }
0x245: {  	v6 =	vld [tilespmem:s16+$0xFFFFFFD0];
	[tilespmem:s19+$0x20] =	vst v0;
	v0 =	vmul.f32 v43, v18;
	v18 =	vmov v41  }
0x246: {  	v9 =	vld [tilespmem:s15+$0x30];
	v3 =	vadd.f32 v5, v3;
	v5 =	vmul.f32 v39, v19;
	v19 =	vmov v42  }
0x247: {  	v39 =	vmul.f32 v44, v16;
	v40 =	vld [tilespmem:s16+$0x30];
	v0 =	vadd.f32 v0, v2  }
0x248: {  	v2 =	vmul.f32 v7, v18;
	v7 =	vld [tilespmem:s17+$0xFFFFFF70];
	[tilespmem:s19+$0xA0] =	vst v3  }
0x249: {  	v3 =	vmul.f32 v4, v19;
	v4 =	vld [tilespmem:s15+$0xB0]  }
0x24a: {  	v2 =	vadd.f32 v2, v39;
	v6 =	vmul.f32 v6, v32;
	v39 =	vld [tilespmem:s16+$0xB0]  }
0x24b: {  	v41 =	vld [tilespmem:s17+$0xFFFFFFD0];
	v9 =	vmul.f32 v9, v34  }
0x24c: {  	v3 =	vadd.f32 v6, v3;
	v6 =	vmul.f32 v40, v28;
	v40 =	vld [tilespmem:s17+$0xB0]  }
0x24d: {  	v7 =	vmul.f32 v7, v30;
	v42 =	vld [tilespmem:s17+$0x30]  }
0x24e: {  	v6 =	vadd.f32 v6, v9;
	v9 =	vld [tilespmem:s18+$0xB0]  }
0x24f: {  	v4 =	vmul.f32 v4, v36;
	v2 =	vadd.f32 v7, v2;
	v7 =	vld [tilespmem:s18+$0xFFFFFF70];
	v36 =	vmul.f32 v39, v37  }
0x250: {  	v37 =	vmul.f32 v41, v29;
	v39 =	vld [tilespmem:s18+$0xFFFFFFD0]  }
0x251: {  	v41 =	vld [tilespmem:s18+$0x30];
	v4 =	vadd.f32 v36, v4;
	v35 =	vmul.f32 v40, v35  }
0x252: {  	v3 =	vadd.f32 v37, v3;
	v36 =	vmul.f32 v42, v33;
	v37 =	vld [tilespmem:s24+$0xFFFFFFF0]  }
0x253: {  	v4 =	vadd.f32 v35, v4;
	v9 =	vmul.f32 v9, v38;
	v35 =	vld [tilespmem:s23+$0x50];
	s23 =	smov.u32 s15  }
0x254: {  	v7 =	vmul.f32 v7, v31;
	v6 =	vadd.f32 v36, v6;
	v36 =	vld [tilespmem:s24+$0x50];
	s24 =	smov.u32 s16  }
0x255: {  	v38 =	vmul.f32 v39, v26;
	v4 =	vadd.f32 v9, v4;
	v9 =	vld [tilespmem:s22+$0xFFFFFF90]  }
0x256: {  	v2 =	vadd.f32 v7, v2;
	v7 =	vmul.f32 v41, v27;
	v39 =	vld [tilespmem:s22+$0xFFFFFFF0]  }
0x257: {  	v3 =	vadd.f32 v38, v3;
	[tilespmem:s19+$0xB0] =	vst v4;
	v4 =	vmul.f32 v37, v23;
	v38 =	vld [tilespmem:s22+$0x50];
	v23 =	vmov v32;
	s22 =	smov.u32 s17  }
0x258: {  	[tilespmem:s19+$0xFFFFFF70] =	vst v2;
	v2 =	vadd.f32 v7, v6;
	v6 =	vld [tilespmem:s11+$0xFFFFFF90];
	v7 =	vmul.f32 v35, v20;
	v20 =	vmov v34  }
.Ltmp0:
0x259: {  	v35 =	vld [tilespmem:s15+$0xFFFFFF80];
	[tilespmem:s19+$0xFFFFFFD0] =	vst v3;
	v3 =	vadd.f32 v4, v5;
	v4 =	vmul.f32 v36, v21;
	v21 =	vmov v28;
	(pc) =	sbr.rel @p1 .LBB2_3-.Ltmp0, $4  }
0x25a: {  	v34 =	vld [tilespmem:s16+$0xFFFFFF80];
	[tilespmem:s19+$0x30] =	vst v2;
	v2 =	vmul.f32 v9, v17;
	v17 =	vmov v30  }
0x25b: {  	v36 =	vld [tilespmem:s15+$0xFFFFFFE0];
	v5 =	vmul.f32 v39, v24;
	v30 =	vadd.f32 v4, v7;
	v24 =	vmov v29  }
0x25c: {  	v37 =	vld [tilespmem:s16+$0xFFFFFFE0];
	v29 =	vadd.f32 v2, v0;
	v32 =	vmul.f32 v38, v25;
	v25 =	vmov v33  }
0x25d: {  	v46 =	vld [tilespmem:s15+$0x40];
	v28 =	vmul.f32 v6, v22;
	v39 =	vadd.f32 v5, v3;
	v22 =	vmov v31  }
0x25e: {  	v2 =	vld [tilespmem:s22+$0xFFFFFF80]  }
0x25f: {  	v3 =	vld [tilespmem:s22+$0xFFFFFFE0]  }
0x260: {  	v4 =	vld [tilespmem:s21+$0xFFFFFF80]  }
0x261: {  	v0 =	vld [tilespmem:s16+$0x40];
	v5 =	vmul.f32 v35, v16;
	v6 =	vmul.f32 v34, v18  }
0x262: {  	v33 =	vld [tilespmem:s21+$0xFFFFFFE0];
	v9 =	vmul.f32 v36, v19;
	v31 =	vmul.f32 v37, v23  }
0x263: {  	v7 =	vld [tilespmem:s22+$0x40];
	v5 =	vadd.f32 v6, v5;
	v2 =	vmul.f32 v2, v17  }
0x264: {  	v6 =	vadd.f32 v31, v9  }
0x265: {  	v53 =	vld [tilespmem:s21+$0x40];
	v3 =	vmul.f32 v3, v24;
	v4 =	vmul.f32 v4, v22;
	v2 =	vadd.f32 v2, v5  }
0x266: {  	v9 =	vmul.f32 v46, v20;
	v0 =	vmul.f32 v0, v21  }
0x267: {  	v3 =	vadd.f32 v3, v6;
	v6 =	vmul.f32 v33, v26;
	v2 =	vadd.f32 v4, v2  }
0x268: {  	v55 =	vld [tilespmem:s11+$0xFFFFFFF0];
	v54 =	vmul.f32 v7, v25;
	v0 =	vadd.f32 v0, v9  }
0x269: {  	v56 =	vld [tilespmem:s11+$0x50];
	v3 =	vadd.f32 v6, v3;
	[tilespmem:s20+$0xFFFFFF80] =	vst v2  }
0x26a: {  	v7 =	vmul.f32 v53, v27;
	v0 =	vadd.f32 v54, v0;
	v2 =	vld [tilespmem:s23+$0xFFFFFF90]  }
0x26b: {  	[tilespmem:s20+$0xFFFFFFE0] =	vst v3;
	v3 =	vld [tilespmem:s24+$0xFFFFFF90]  }
0x26c: {  	v0 =	vadd.f32 v7, v0;
	v6 =	vld [tilespmem:s23+$0xFFFFFFF0]  }
0x26d: {  	v57 =	vld [tilespmem:s22+$0xFFFFFF90]  }
0x26e: {  	[tilespmem:s20+$0x40] =	vst v0;
	v0 =	vld [tilespmem:s24+$0xFFFFFFF0]  }
0x26f: {  	v7 =	vld [tilespmem:s23+$0x50]  }
0x270: {  	v9 =	vld [tilespmem:s24+$0x50]  }
0x271: {  	v58 =	vld [tilespmem:s22+$0xFFFFFFF0]  }
0x272: {  	v5 =	vmul.f32 v56, v15;
	v4 =	vmul.f32 v55, v14;
	v15 =	vld [tilespmem:s21+$0xFFFFFF90]  }
0x273: {  	v14 =	vld [tilespmem:s22+$0x50];
	v2 =	vmul.f32 v2, v16;
	v3 =	vmul.f32 v3, v18  }
0x274: {  	v59 =	vadd.f32 v32, v30;
	v60 =	vld [tilespmem:s21+$0xFFFFFFF0];
	v6 =	vmul.f32 v6, v19;
	v0 =	vmul.f32 v0, v23  }
0x275: {  	v61 =	vadd.f32 v28, v29;
	v62 =	vld [tilespmem:s21+$0x50];
	v7 =	vmul.f32 v7, v20;
	v9 =	vmul.f32 v9, v21  }
0x276: {  	v5 =	vadd.f32 v5, v59;
	v2 =	vadd.f32 v3, v2;
	v3 =	vmul.f32 v57, v17  }
0x277: {  	v0 =	vadd.f32 v0, v6;
	v6 =	vmul.f32 v58, v24;
	v7 =	vadd.f32 v9, v7  }
0x278: {  	v2 =	vadd.f32 v3, v2;
	v3 =	vmul.f32 v14, v25;
	v9 =	vmul.f32 v15, v22  }
0x279: {  	[tilespmem:s3+$0xFFFFFF90] =	vst v61;
	v4 =	vadd.f32 v4, v39;
	v0 =	vadd.f32 v6, v0;
	v6 =	vmul.f32 v60, v26  }
0x27a: {  	p1 =	seq.s32 s7, $0x37;
	[tilespmem:s3+$0x50] =	vst v5;
	v63 =	vmul.f32 v62, v27;
	v3 =	vadd.f32 v3, v7;
	v2 =	vadd.f32 v9, v2  }
.Ltmp1:
0x27b: {  	[tilespmem:s3+$0xFFFFFFF0] =	vst v4;
	v0 =	vadd.f32 v6, v0;
	(pc) =	sbr.rel @p1 .LBB2_6-.Ltmp1, $4  }
0x27c: {  	s29 =	smul.u32 $0xC, s9;
	[tilespmem:s20+$0xFFFFFF90] =	vst v2;
	v2 =	vadd.f32 v63, v3  }
0x27d: {  	[tilespmem:s20+$0xFFFFFFF0] =	vst v0  }
0x27e: {  	s3 =	sadd.s32 s6, s29;
	[tilespmem:s20+$0x50] =	vst v2  }
0x27f: {  	[hbm4b:s3+s4] =	stream.linear.scatter [tilespmem:s31], [sflag:$0x3], $0x2A00, $0x38;
	[tilespmem:$0x1AC00] =	vst v63  }
0x280: {  	s3 =	sadd.s32 $0x1, s10  }
0x281: {  	s10 =	sand.u32 $0x3F0, s3  }
0x282: {  	v0 =	vld [tilespmem:s10+$0x1AB10]  }
0x283: {  	v2 =	vld [tilespmem:$0x1AB10]  }
0x284: {  	v4 =	vld [tilespmem:$0x1FFE0]  }
0x285: {  	v54 =	vld [tilespmem:$0x1AB20]  }
0x286: {  	v44 =	vld [tilespmem:$0x1AB50];
	v3 =	vmov s3  }
0x287: {  	v0 =	vperm.xlane v0, v3  }
0x288: {  	v3 =	vmul.f32 v2, v8;
	v2 =	vmul.f32 v2, v10  }
0x289: {  	v15 =	vmul.f32 v0, v4;
	v14 =	vmul.f32 v0, v11  }
0x28a: {  	v7 =	vmul.f32 v54, v8;
	v4 =	vmul.f32 v54, v10  }
0x28b: {  	v38 =	vmul.f32 v44, v8;
	v3 =	vadd.f32 v3, v15;
	v2 =	vadd.f32 v2, v14  }
0x28c: {  	v7 =	vadd.f32 v7, v15;
	v4 =	vadd.f32 v4, v14  }
0x28d: {  	v38 =	vadd.f32 v38, v15;
	v0 =	vadd.f32 v3, v12  }
0x28e: {  	v2 =	vadd.f32 v2, v13;
	v7 =	vadd.f32 v7, v12  }
0x28f: {  	v4 =	vadd.f32 v4, v13;
	v38 =	vadd.f32 v38, v12  }
0x290: {  	v0 =	vadd.f32 $1.000000000e+00, v0;
	v2 =	vadd.f32 $1.000000000e+00, v2  }
0x291: {  	v7 =	vadd.f32 $1.000000000e+00, v7;
	v4 =	vadd.f32 $1.000000000e+00, v4  }
0x292: {  	v38 =	vadd.f32 $1.000000000e+00, v38;
	v0 =	vmul.f32 $5.000000000e-01, v0;
	v2 =	vmul.f32 $5.000000000e-01, v2  }
0x293: {  	v7 =	vmul.f32 $5.000000000e-01, v7;
	v4 =	vmul.f32 $5.000000000e-01, v4  }
0x294: {  	v38 =	vmul.f32 $5.000000000e-01, v38;
	v0 =	vmul.f32 $2.240000000e+02, v0  }
0x295: {  	v2 =	vmul.f32 $2.240000000e+02, v2;
	v7 =	vmul.f32 $2.240000000e+02, v7  }
0x296: {  	v4 =	vmul.f32 $2.240000000e+02, v4;
	v46 =	vmul.f32 $2.240000000e+02, v38  }
0x297: {  	v3 =	vtrunc.f32 v0;
	v6 =	vtrunc.f32 v2  }
0x298: {  	v56 =	vtrunc.f32 v4;
	v3 =	vcvt.f32.s32 v3  }
0x299: {  	v48 =	vtrunc.f32 v46;
	v6 =	vcvt.f32.s32 v6  }
0x29a: {  	v24 =	vcvt.f32.s32 v56;
	v5 =	vadd.s32 $0x1, v3;
	vm0 =	vgt.s32 v3, $0x0  }
0x29b: {  	vm14 =	vgt.s32 v6, $0x0;
	v9 =	vadd.s32 $0x1, v6;
	vm1 =	vgt.s32 v5, $0x0  }
0x29c: {  	v3 =	vnsel vm0, $0x0, v3;
	v6 =	vnsel vm14, $0x0, v6;
	vm15 =	vgt.s32 v9, $0x0  }
0x29d: {  	v5 =	vnsel vm1, $0x0, v5;
	v3 =	vmin.u32 v3, $0xDF;
	v9 =	vnsel vm15, $0x0, v9  }
0x29e: {  	v6 =	vmin.u32 v6, $0xDF;
	v5 =	vmin.u32 v5, $0xDF;
	v9 =	vmin.u32 v9, $0xDF  }
0x29f: {  	v17 =	vcvt.s32.f32 v3;
	v18 =	vmul.u32 $0xE0, v6;
	v16 =	vcvt.s32.f32 v5  }
0x2a0: {  	vm6 =	vgt.s32 v24, $0x0;
	v6 =	vcvt.s32.f32 v6;
	v19 =	vcvt.s32.f32 v9  }
0x2a1: {  	v9 =	vmul.u32 $0xE0, v9;
	v22 =	vadd.s32 v1, v18;
	v16 =	vsub.f32 v16, v0  }
0x2a2: {  	v20 =	vadd.s32 v3, v22;
	v19 =	vsub.f32 v19, v2;
	v2 =	vsub.f32 v2, v6  }
0x2a3: {  	v6 =	vadd.s32 v1, v9;
	v0 =	vsub.f32 v0, v17;
	v9 =	vtrunc.f32 v7  }
0x2a4: {  	v23 =	vadd.s32 v5, v22;
	v22 =	vcvt.f32.s32 v48;
	v9 =	vcvt.f32.s32 v9  }
0x2a5: {  	v49 =	vld [tilespmem:$0x1AB60];
	v21 =	vadd.s32 v3, v6;
	v55 =	vmul.f32 v19, v16;
	v16 =	vmul.f32 v16, v2  }
0x2a6: {  	v57 =	vadd.s32 v5, v6;
	v19 =	vmul.f32 v19, v0;
	v58 =	vmul.f32 v2, v0  }
0x2a7: {  	v2 =	vadd.s32 $0x1, v24;
	v52 =	vadd.s32 $0x1, v22;
	vm4 =	vgt.s32 v9, $0x0  }
0x2a8: {  	v3 =	vld [tilespmem:$0x1AB30];
	v0 =	vadd.s32 $0x1, v9;
	vm7 =	vgt.s32 v2, $0x0;
	v59 =	vnsel vm4, $0x0, v9  }
0x2a9: {  	vm5 =	vgt.s32 v0, $0x0;
	v9 =	vnsel vm6, $0x0, v24;
	v2 =	vnsel vm7, $0x0, v2;
	[tilespmem:$0x380] =	vst v55  }
0x2aa: {  	vm4 =	vgt.s32 v22, $0x0;
	[tilespmem:$0x4D0] =	vst v58;
	v55 =	vmul.f32 v49, v10;
	v58 =	vmul.f32 v49, v8  }
0x2ab: {  	v5 =	vmin.u32 v59, $0xDF;
	v0 =	vnsel vm5, $0x0, v0;
	v9 =	vmin.u32 v9, $0xDF  }
0x2ac: {  	v2 =	vmin.u32 v2, $0xDF;
	v54 =	vnsel vm4, $0x0, v22;
	vm5 =	vgt.s32 v52, $0x0  }
0x2ad: {  	v6 =	vmul.f32 v3, v8;
	v3 =	vmul.f32 v3, v10;
	v0 =	vmin.u32 v0, $0xDF  }
0x2ae: {  	v25 =	vcvt.s32.f32 v5;
	v60 =	vmul.u32 $0xE0, v9;
	v9 =	vcvt.s32.f32 v9  }
0x2af: {  	[tilespmem:$0x460] =	vst v19;
	v27 =	vcvt.s32.f32 v2;
	v2 =	vmul.u32 $0xE0, v2;
	v19 =	vnsel vm5, $0x0, v52  }
0x2b0: {  	v22 =	vadd.f32 v55, v14;
	v26 =	vcvt.s32.f32 v0;
	v6 =	vadd.f32 v6, v15  }
0x2b1: {  	v19 =	vmin.u32 v19, $0xDF;
	v3 =	vadd.f32 v3, v14;
	v27 =	vsub.f32 v27, v4  }
0x2b2: {  	v30 =	vadd.s32 v1, v60;
	v4 =	vsub.f32 v4, v9;
	v62 =	vsub.f32 v7, v25  }
0x2b3: {  	v2 =	vadd.s32 v1, v2;
	v60 =	vadd.f32 v58, v15;
	v22 =	vadd.f32 v22, v13  }
0x2b4: {  	v9 =	vld [tilespmem:$0x1AB40];
	v28 =	vadd.s32 v5, v30;
	v26 =	vsub.f32 v26, v7;
	v29 =	vadd.s32 v5, v2  }
0x2b5: {  	v31 =	vadd.s32 v0, v30;
	v63 =	vadd.s32 v0, v2;
	v6 =	vadd.f32 v6, v12  }
0x2b6: {  	v3 =	vadd.f32 v3, v13;
	v25 =	vmul.f32 v27, v62;
	[tilespmem:$0x160] =	vst v63;
	v63 =	vcvt.s32.f32 v19  }
0x2b7: {  	[tilespmem:$0x10] =	vst v28;
	v28 =	vadd.f32 v60, v12;
	v61 =	vmul.f32 v27, v26;
	v6 =	vadd.f32 $1.000000000e+00, v6  }
0x2b8: {  	v26 =	vmul.f32 v26, v4;
	v27 =	vmul.f32 v4, v62;
	v3 =	vadd.f32 $1.000000000e+00, v3  }
0x2b9: {  	v22 =	vadd.f32 $1.000000000e+00, v22;
	v43 =	vmul.f32 v9, v8;
	v6 =	vmul.f32 $5.000000000e-01, v6  }
0x2ba: {  	v28 =	vadd.f32 $1.000000000e+00, v28;
	v9 =	vmul.f32 v9, v10;
	v3 =	vmul.f32 $5.000000000e-01, v3  }
0x2bb: {  	v22 =	vmul.f32 $5.000000000e-01, v22;
	v5 =	vadd.f32 v43, v15;
	v6 =	vmul.f32 $2.240000000e+02, v6  }
0x2bc: {  	[tilespmem:$0x470] =	vst v25;
	v25 =	vsub.f32 v63, v46;
	v9 =	vadd.f32 v9, v14;
	v3 =	vmul.f32 $2.240000000e+02, v3  }
0x2bd: {  	v28 =	vmul.f32 $5.000000000e-01, v28;
	v5 =	vadd.f32 v5, v12;
	v7 =	vtrunc.f32 v6  }
0x2be: {  	v9 =	vadd.f32 v9, v13;
	v0 =	vtrunc.f32 v3;
	v7 =	vcvt.f32.s32 v7  }
0x2bf: {  	v22 =	vmul.f32 $2.240000000e+02, v22;
	v0 =	vcvt.f32.s32 v0;
	v5 =	vadd.f32 $1.000000000e+00, v5  }
0x2c0: {  	v9 =	vadd.f32 $1.000000000e+00, v9;
	v2 =	vadd.s32 $0x1, v7;
	vm8 =	vgt.s32 v7, $0x0  }
0x2c1: {  	vm10 =	vgt.s32 v0, $0x0;
	v5 =	vmul.f32 $5.000000000e-01, v5;
	v42 =	vnsel vm8, $0x0, v7  }
0x2c2: {  	vm9 =	vgt.s32 v2, $0x0;
	v7 =	vadd.s32 $0x1, v0;
	v0 =	vnsel vm10, $0x0, v0  }
0x2c3: {  	v2 =	vnsel vm9, $0x0, v2;
	v4 =	vmin.u32 v42, $0xDF;
	vm11 =	vgt.s32 v7, $0x0  }
0x2c4: {  	v0 =	vmin.u32 v0, $0xDF;
	v5 =	vmul.f32 $2.240000000e+02, v5;
	v2 =	vmin.u32 v2, $0xDF  }
0x2c5: {  	v7 =	vnsel vm11, $0x0, v7;
	v32 =	vcvt.s32.f32 v4;
	v34 =	vmul.u32 $0xE0, v0  }
0x2c6: {  	v0 =	vcvt.s32.f32 v0;
	v7 =	vmin.u32 v7, $0xDF;
	v33 =	vcvt.s32.f32 v2  }
0x2c7: {  	v37 =	vtrunc.f32 v5;
	v35 =	vcvt.s32.f32 v7;
	v34 =	vadd.s32 v1, v34  }
0x2c8: {  	v7 =	vmul.u32 $0xE0, v7;
	v0 =	vsub.f32 v3, v0;
	v37 =	vcvt.f32.s32 v37  }
0x2c9: {  	v33 =	vsub.f32 v33, v6;
	v36 =	vadd.s32 v4, v34;
	v6 =	vsub.f32 v6, v32  }
0x2ca: {  	v34 =	vadd.s32 v2, v34;
	v32 =	vmul.f32 v44, v10;
	v35 =	vsub.f32 v35, v3  }
0x2cb: {  	v3 =	vadd.s32 v1, v7;
	v7 =	vmul.f32 $5.000000000e-01, v9;
	vm12 =	vgt.s32 v37, $0x0  }
0x2cc: {  	v4 =	vadd.s32 v4, v3;
	v2 =	vadd.s32 v2, v3;
	v9 =	vmul.f32 v35, v33  }
0x2cd: {  	v32 =	vadd.f32 v32, v14;
	v33 =	vmul.f32 v33, v0;
	v7 =	vmul.f32 $2.240000000e+02, v7  }
0x2ce: {  	v35 =	vmul.f32 v35, v6;
	v0 =	vmul.f32 v0, v6;
	v6 =	vadd.s32 $0x1, v37  }
0x2cf: {  	vm13 =	vgt.s32 v6, $0x0;
	v32 =	vadd.f32 v32, v13;
	v3 =	vtrunc.f32 v7  }
0x2d0: {  	v37 =	vnsel vm12, $0x0, v37;
	v6 =	vnsel vm13, $0x0, v6;
	v3 =	vcvt.f32.s32 v3  }
0x2d1: {  	v37 =	vmin.u32 v37, $0xDF;
	v6 =	vmin.u32 v6, $0xDF;
	v32 =	vadd.f32 $1.000000000e+00, v32  }
0x2d2: {  	v40 =	vcvt.s32.f32 v37;
	v42 =	vcvt.s32.f32 v6;
	vm14 =	vgt.s32 v3, $0x0  }
0x2d3: {  	v39 =	vadd.s32 $0x1, v3;
	v32 =	vmul.f32 $5.000000000e-01, v32;
	v3 =	vnsel vm14, $0x0, v3  }
0x2d4: {  	vm15 =	vgt.s32 v39, $0x0;
	v47 =	vsub.f32 v42, v5;
	v5 =	vsub.f32 v5, v40  }
0x2d5: {  	[tilespmem:$0x0] =	vst v20;
	v40 =	vmul.f32 $2.240000000e+02, v28;
	v39 =	vnsel vm15, $0x0, v39;
	v3 =	vmin.u32 v3, $0xDF  }
0x2d6: {  	[tilespmem:$0xE0] =	vst v23;
	v42 =	vld [tilespmem:$0x1AB70];
	v39 =	vmin.u32 v39, $0xDF;
	v41 =	vmul.u32 $0xE0, v3;
	v3 =	vcvt.s32.f32 v3  }
0x2d7: {  	[tilespmem:$0x70] =	vst v21;
	v44 =	vtrunc.f32 v40;
	v43 =	vmul.u32 $0xE0, v39;
	v45 =	vcvt.s32.f32 v39  }
0x2d8: {  	[tilespmem:$0x4F0] =	vst v0;
	v0 =	vcvt.f32.s32 v44;
	v41 =	vadd.s32 v1, v41;
	v3 =	vsub.f32 v7, v3  }
0x2d9: {  	[tilespmem:$0x150] =	vst v57;
	v39 =	vadd.s32 v37, v41;
	v43 =	vadd.s32 v1, v43;
	v23 =	vadd.s32 v6, v41  }
0x2da: {  	[tilespmem:$0x3F0] =	vst v16;
	v20 =	vsub.f32 v45, v7;
	v7 =	vmul.f32 $2.240000000e+02, v32;
	v41 =	vtrunc.f32 v22  }
0x2db: {  	[tilespmem:$0x80] =	vst v29;
	vm10 =	vgt.s32 v0, $0x0;
	v49 =	vmul.f32 v42, v10;
	v21 =	vadd.s32 v37, v43  }
0x2dc: {  	[tilespmem:$0xF0] =	vst v31;
	v6 =	vadd.s32 v6, v43;
	v16 =	vmul.f32 v47, v3;
	v3 =	vmul.f32 v3, v5  }
0x2dd: {  	[tilespmem:$0x400] =	vst v26;
	v26 =	vcvt.f32.s32 v41;
	v48 =	vnsel vm10, $0x0, v0;
	v50 =	vmul.f32 v20, v47  }
0x2de: {  	[tilespmem:$0x390] =	vst v61;
	v0 =	vadd.s32 $0x1, v0;
	v51 =	vtrunc.f32 v7;
	v53 =	vmul.f32 v20, v5  }
0x2df: {  	[tilespmem:$0x4E0] =	vst v27;
	v20 =	vmin.u32 v54, $0xDF;
	v47 =	vmul.f32 v42, v8;
	v14 =	vadd.f32 v49, v14  }
0x2e0: {  	[tilespmem:$0x20] =	vst v36;
	vm11 =	vgt.s32 v0, $0x0;
	v38 =	vcvt.f32.s32 v51;
	v61 =	vcvt.s32.f32 v20  }
0x2e1: {  	[tilespmem:$0x100] =	vst v34;
	v45 =	vadd.s32 $0x1, v26;
	vm8 =	vgt.s32 v26, $0x0;
	v0 =	vnsel vm11, $0x0, v0  }
0x2e2: {  	[tilespmem:$0x500] =	vst v3;
	v3 =	vmin.u32 v48, $0xDF;
	vm9 =	vgt.s32 v45, $0x0;
	v57 =	vadd.s32 $0x1, v38  }
0x2e3: {  	[tilespmem:$0x90] =	vst v4;
	v14 =	vadd.f32 v14, v13;
	vm6 =	vgt.s32 v38, $0x0;
	vm7 =	vgt.s32 v57, $0x0  }
0x2e4: {  	[tilespmem:$0x170] =	vst v2;
	v0 =	vmin.u32 v0, $0xDF;
	v56 =	vnsel vm6, $0x0, v38;
	v59 =	vnsel vm7, $0x0, v57  }
0x2e5: {  	[tilespmem:$0x3A0] =	vst v9;
	v9 =	vsub.f32 v46, v61;
	v5 =	vmin.u32 v56, $0xDF;
	v24 =	vmin.u32 v59, $0xDF  }
0x2e6: {  	[tilespmem:$0x410] =	vst v33;
	v62 =	vmul.u32 $0xE0, v5;
	v5 =	vcvt.s32.f32 v5;
	v32 =	vcvt.s32.f32 v24  }
0x2e7: {  	[tilespmem:$0x480] =	vst v35;
	v46 =	vnsel vm9, $0x0, v45;
	v52 =	vcvt.s32.f32 v0;
	v14 =	vadd.f32 $1.000000000e+00, v14  }
0x2e8: {  	[tilespmem:$0xA0] =	vst v21;
	v21 =	vmin.u32 v46, $0xDF;
	v5 =	vsub.f32 v7, v5;
	v27 =	vsub.f32 v32, v7  }
0x2e9: {  	[tilespmem:$0x490] =	vst v53;
	v53 =	vmul.u32 $0xE0, v21;
	v4 =	vsub.f32 v52, v40;
	v14 =	vmul.f32 $5.000000000e-01, v14  }
0x2ea: {  	[tilespmem:$0x30] =	vst v39;
	v24 =	vmul.u32 $0xE0, v24;
	v7 =	vmul.f32 v27, v25;
	v25 =	vmul.f32 v25, v5  }
0x2eb: {  	[tilespmem:$0x110] =	vst v23;
	v43 =	vmul.f32 v27, v9;
	v5 =	vmul.f32 v5, v9;
	v9 =	vnsel vm8, $0x0, v26  }
0x2ec: {  	[tilespmem:$0x180] =	vst v6;
	v17 =	vadd.s32 v1, v53;
	v6 =	vmin.u32 v9, $0xDF;
	v9 =	vadd.f32 v47, v15  }
0x2ed: {  	[tilespmem:$0x420] =	vst v16;
	v29 =	vadd.s32 v1, v62;
	v14 =	vmul.f32 $2.240000000e+02, v14;
	v24 =	vadd.s32 v1, v24  }
0x2ee: {  	[tilespmem:$0x3B0] =	vst v50;
	v38 =	vadd.s32 v20, v29;
	v2 =	vadd.s32 v20, v24;
	v9 =	vadd.f32 v9, v12  }
0x2ef: {  	v29 =	vadd.s32 v19, v29;
	[tilespmem:$0xB0] =	vst v2;
	v2 =	vcvt.s32.f32 v3;
	v15 =	vcvt.s32.f32 v21  }
0x2f0: {  	v19 =	vadd.s32 v19, v24;
	[tilespmem:$0x40] =	vst v38;
	v50 =	vcvt.s32.f32 v6;
	v9 =	vadd.f32 $1.000000000e+00, v9  }
0x2f1: {  	[tilespmem:$0x120] =	vst v29;
	v6 =	vmul.u32 $0xE0, v6;
	v2 =	vsub.f32 v40, v2;
	v15 =	vsub.f32 v15, v22  }
0x2f2: {  	v56 =	vtrunc.f32 v14;
	[tilespmem:$0x190] =	vst v19;
	v51 =	vsub.f32 v22, v50;
	v9 =	vmul.f32 $5.000000000e-01, v9  }
0x2f3: {  	[tilespmem:$0x3C0] =	vst v7;
	v6 =	vadd.s32 v1, v6;
	v7 =	vmul.f32 v15, v4;
	v57 =	vmul.f32 v15, v2  }
0x2f4: {  	[tilespmem:$0x430] =	vst v25;
	v54 =	vadd.s32 v3, v6;
	v15 =	vcvt.f32.s32 v56;
	v9 =	vmul.f32 $2.240000000e+02, v9  }
0x2f5: {  	[tilespmem:$0x4A0] =	vst v43;
	v3 =	vadd.s32 v3, v17;
	v6 =	vadd.s32 v0, v6;
	v0 =	vadd.s32 v0, v17  }
0x2f6: {  	v4 =	vmul.f32 v4, v51;
	[tilespmem:$0xC0] =	vst v3;
	v3 =	vadd.s32 $0x1, v15;
	v55 =	vtrunc.f32 v9  }
0x2f7: {  	[tilespmem:$0x510] =	vst v5;
	vm13 =	vgt.s32 v15, $0x0;
	vm14 =	vgt.s32 v3, $0x0;
	v19 =	vcvt.f32.s32 v55  }
0x2f8: {  	v2 =	vmul.f32 v51, v2;
	[tilespmem:$0x1A0] =	vst v0;
	v15 =	vnsel vm13, $0x0, v15;
	v0 =	vnsel vm14, $0x0, v3  }
0x2f9: {  	[tilespmem:$0x50] =	vst v54;
	v3 =	vmin.u32 v15, $0xDF;
	v0 =	vmin.u32 v0, $0xDF;
	v58 =	vadd.s32 $0x1, v19  }
0x2fa: {  	[tilespmem:$0x520] =	vst v2;
	v15 =	vmul.u32 $0xE0, v3;
	v2 =	vcvt.s32.f32 v3;
	vm15 =	vgt.s32 v58, $0x0  }
0x2fb: {  	[tilespmem:$0x3D0] =	vst v7;
	v61 =	vmul.u32 $0xE0, v0;
	vm12 =	vgt.s32 v19, $0x0;
	v7 =	vnsel vm15, $0x0, v58  }
0x2fc: {  	[tilespmem:$0x130] =	vst v6;
	v0 =	vcvt.s32.f32 v0;
	v59 =	vnsel vm12, $0x0, v19;
	v60 =	vmin.u32 v7, $0xDF  }
0x2fd: {  	[tilespmem:$0x4B0] =	vst v57;
	v15 =	vadd.s32 v1, v15;
	v6 =	vmin.u32 v59, $0xDF;
	v62 =	vcvt.s32.f32 v60  }
0x2fe: {  	[tilespmem:$0x440] =	vst v4;
	v16 =	vadd.s32 v1, v61;
	v0 =	vsub.f32 v0, v14;
	v3 =	vadd.s32 v6, v15  }
0x2ff: {  	v7 =	vcvt.s32.f32 v6;
	[tilespmem:$0x60] =	vst v3;
	v3 =	vadd.s32 v6, v16;
	v5 =	vsub.f32 v62, v9  }
0x300: {  	v2 =	vsub.f32 v14, v2;
	[tilespmem:$0xD0] =	vst v3;
	v3 =	vadd.s32 v60, v15  }
0x301: {  	v6 =	vsub.f32 v9, v7;
	[tilespmem:$0x140] =	vst v3;
	v3 =	vadd.s32 v60, v16;
	v63 =	vmul.f32 v0, v5  }
0x302: {  	[tilespmem:$0x1B0] =	vst v3;
	v3 =	vmul.f32 v5, v2  }
0x303: {  	v0 =	vmul.f32 v0, v6;
	[tilespmem:$0x3E0] =	vst v63  }
0x304: {  	v2 =	vmul.f32 v2, v6;
	[tilespmem:$0x450] =	vst v3  }
0x305: {  	[tilespmem:$0x4C0] =	vst v0  }
0x306: {  	s23 =	simm.s32 $0x700;
	[tilespmem:$0x530] =	vst v2  }
0x307: {  	[tilespmem:s23], [sflag:$0x1] =	stream.indirect.gather [hbm4b:s1+s14], $0x60, s4, s14, $0xb8;
	[tilespmem:$0x1AC00] =	vst v63  }
0x308: {  	s24 =	simm.s32 $0x3100  }
0x309: {  	[tilespmem:s24], [sflag:$0x1] =	stream.indirect.gather [hbm4b:s1+s14], $0x60, s14, s14, $0xb8;
	[tilespmem:$0x1AC00] =	vst v63  }
0x30a: {  	s25 =	simm.s32 $0xE0;
	s26 =	simm.s32 $0x5B00  }
0x30b: {  	[tilespmem:s26], [sflag:$0x1] =	stream.indirect.gather [hbm4b:s1+s14], $0x60, s25, s14, $0xb8;
	[tilespmem:$0x1AC00] =	vst v63  }
0x30c: {  	s28 =	simm.s32 $0x150;
	s29 =	simm.s32 $0x8500  }
0x30d: {  	[tilespmem:s29], [sflag:$0x1] =	stream.indirect.gather [hbm4b:s1+s14], $0x60, s28, s14, $0xb8;
	[tilespmem:$0x1AC00] =	vst v63  }
.LBB2_6:
0x30e: {  	_ =	swait.ge [sflag:s0], $0x2A00  }
0x30f: {  	[sflag:s0] =	ssyncset.done $0x0  }
0x310: {  	[sflag:s0] =	ssyncadd.s32 $0xFFFFD600  }
0x311: {  	_ =	swait.ge [sflag:s0], $0x2A00  }
0x312: {  	[sflag:s0] =	ssyncset.done $0x0  }
0x313: {  	[sflag:s0] =	ssyncadd.s32 $0xFFFFD600  }
0x314: {  	_ =	swait.ge [sflag:s0], $0x2A00  }
0x315: {  	[sflag:s0] =	ssyncset.done $0x0  }
0x316: {  	[sflag:s0] =	ssyncadd.s32 $0xFFFFD600  }
0x317: {  	_ =	swait.ge [sflag:s0], $0x2A00  }
0x318: {  	[sflag:s0] =	ssyncset.done $0x0  }
0x319: {  	s3 =	simm.s32 @!p0 $0x4;
	[sflag:s0] =	ssyncadd.s32 $0xFFFFD600  }
0x31a: {  	_ =	swait.ge @!p0 [sflag:s3], $0x2A00  }
0x31b: {  	s25 =	simm.s32 $0x0;
	[sflag:s3] =	ssyncset.done @!p0 $0x0  }
0x31c: {  	s20 =	simm.s32 $0xAFC0;
	s11 =	simm.s32 $0x0;
	[sflag:s3] =	ssyncadd.s32 @!p0 $0xFFFFD600  }
0x31d: {  	s10 =	sand.u32 $0x70, s11;
	s3 =	sand.u32 $0xFFFFFFF0, s25;
	v0 =	vld [tilespmem:s20+$0x60]  }
0x31e: {  	v2 =	vld [tilespmem:s10+$0x540];
	s12 =	ssub.s32 $0xFFFFFFFC, s3  }
0x31f: {  	v3 =	vld [tilespmem:s10+$0x5B0];
	s3 =	sadd.s32 $0x7, s12  }
0x320: {  	s21 =	simm.s32 $0xD9C0;
	v4 =	vld [tilespmem:s10+$0x620];
	v5 =	vmov s3  }
0x321: {  	s19 =	simm.s32 $0x103C0;
	v6 =	vld [tilespmem:s21+$0x60];
	v5 =	vand.u32 $0xF, v5  }
0x322: {  	v7 =	vld [tilespmem:s19+$0x60];
	v5 =	vbroadcast v5, $0x0  }
0x323: {  	v9 =	vld [tilespmem:s10+$0x690]  }
0x324: {  	s10 =	simm.s32 $0x12DC0;
	v35 =	vperm.xlane v2, v5;
	v36 =	vperm.xlane v3, v5  }
0x325: {  	v14 =	vld [tilespmem:s10+$0x60];
	v34 =	vperm.xlane v4, v5  }
0x326: {  	v0 =	vmul.f32 v0, v35;
	v6 =	vmul.f32 v6, v36;
	_ =	sdelay $0x1  }
0x327: {  	v33 =	vperm.xlane v9, v5;
	v56 =	vmul.f32 v7, v34;
	v0 =	vadd.f32 v6, v0;
	_ =	sdelay $0x1  }
0x328: {  	v57 =	vmul.f32 v14, v33;
	v0 =	vadd.f32 v56, v0  }
0x329: {  	v7 =	vld [tilespmem:s21+$0xFFFFFF40]  }
0x32a: {  	v6 =	vld [tilespmem:s20+$0xFFFFFF40];
	v0 =	vadd.f32 v57, v0  }
0x32b: {  	s11 =	sand.u32 $0xC, s11;
	v15 =	vld [tilespmem:s19+$0xFFFFFF40];
	s3 =	simm.s32 $0x181C0  }
0x32c: {  	v18 =	vld [tilespmem:s10+$0xFFFFFF40];
	v14 =	vmov s11;
	[tilespmem:s3+$0x60] =	vst v0  }
0x32d: {  	v40 =	vperm.xlane v2, v14;
	v39 =	vperm.xlane v3, v14;
	v16 =	vld [tilespmem:s20+$0x70]  }
0x32e: {  	v28 =	vperm.xlane v9, v14;
	v17 =	vld [tilespmem:s21+$0x70]  }
0x32f: {  	v58 =	vld [tilespmem:s20+$0xFFFFFFA0];
	s26 =	sadd.s32 $0x5, s12;
	v7 =	vmul.f32 v7, v39;
	v6 =	vmul.f32 v6, v40  }
0x330: {  	v29 =	vperm.xlane v4, v14;
	v0 =	vmov s26;
	v19 =	vld [tilespmem:s19+$0x70]  }
0x331: {  	v20 =	vld [tilespmem:s21+$0xFFFFFFA0];
	s28 =	sadd.s32 $0x6, s12;
	v18 =	vmul.f32 v18, v28;
	v0 =	vand.u32 $0xF, v0;
	v6 =	vadd.f32 v7, v6  }
0x332: {  	v7 =	vmul.f32 v15, v29;
	v14 =	vld [tilespmem:s10+$0x70];
	v15 =	vmov s28;
	v0 =	vbroadcast v0, $0x0  }
0x333: {  	v21 =	vld [tilespmem:s19+$0xFFFFFFA0];
	v15 =	vand.u32 $0xF, v15;
	v16 =	vmul.f32 v16, v35;
	v17 =	vmul.f32 v17, v36  }
0x334: {  	v6 =	vadd.f32 v7, v6;
	v15 =	vbroadcast v15, $0x0;
	v31 =	vperm.xlane v3, v0  }
0x335: {  	v22 =	vld [tilespmem:s21+$0x0];
	v41 =	vperm.xlane v2, v0;
	v16 =	vadd.f32 v17, v16;
	v17 =	vmul.f32 v19, v34  }
0x336: {  	v30 =	vperm.xlane v4, v0;
	v6 =	vadd.f32 v18, v6;
	v19 =	vmul.f32 v20, v31;
	v20 =	vld [tilespmem:s10+$0xFFFFFFA0]  }
0x337: {  	v7 =	vld [tilespmem:s20+$0x0];
	v5 =	vmul.f32 v58, v41;
	v16 =	vadd.f32 v17, v16;
	v17 =	vmul.f32 v14, v33  }
0x338: {  	v18 =	vld [tilespmem:s19+$0x0];
	v38 =	vperm.xlane v2, v15;
	v59 =	vmul.f32 v21, v30;
	[tilespmem:s3+$0xFFFFFF40] =	vst v6  }
0x339: {  	v2 =	vld [tilespmem:s20+$0xFFFFFF50];
	v14 =	vperm.xlane v9, v0;
	v0 =	vadd.f32 v19, v5;
	v6 =	vadd.f32 v17, v16  }
0x33a: {  	v60 =	vld [tilespmem:s21+$0xFFFFFF50]  }
0x33b: {  	v37 =	vperm.xlane v3, v15;
	v19 =	vld [tilespmem:s10+$0x0];
	v0 =	vadd.f32 v59, v0;
	v3 =	vmul.f32 v20, v14;
	[tilespmem:s3+$0x70] =	vst v6  }
0x33c: {  	v32 =	vperm.xlane v4, v15;
	v61 =	vld [tilespmem:s20+$0x80]  }
0x33d: {  	v6 =	vmul.f32 v7, v38;
	v7 =	vmul.f32 v22, v37;
	v0 =	vadd.f32 v3, v0;
	v3 =	vld [tilespmem:s21+$0x80]  }
0x33e: {  	v16 =	vld [tilespmem:s19+$0xFFFFFF50]  }
0x33f: {  	v15 =	vperm.xlane v9, v15;
	v6 =	vadd.f32 v7, v6;
	v7 =	vmul.f32 v18, v32;
	[tilespmem:s3+$0xFFFFFFA0] =	vst v0;
	v0 =	vld [tilespmem:s19+$0x80]  }
0x340: {  	v17 =	vld [tilespmem:s10+$0x80]  }
0x341: {  	v9 =	vld [tilespmem:s20+$0xFFFFFFB0];
	v6 =	vadd.f32 v7, v6;
	v7 =	vmul.f32 v19, v15  }
0x342: {  	v18 =	vld [tilespmem:s21+$0xFFFFFFB0];
	v4 =	vmul.f32 v61, v35;
	v3 =	vmul.f32 v3, v36  }
0x343: {  	s13 =	simm.s32 $0xB140;
	v2 =	vmul.f32 v2, v40;
	v5 =	vmul.f32 v60, v39;
	v6 =	vadd.f32 v7, v6;
	v7 =	vld [tilespmem:s10+$0xFFFFFF50]  }
0x344: {  	v27 =	vld [tilespmem:s13+$0x0];
	v3 =	vadd.f32 v3, v4;
	v0 =	vmul.f32 v0, v34  }
0x345: {  	v2 =	vadd.f32 v5, v2;
	[tilespmem:s3+$0x0] =	vst v6;
	v6 =	vld [tilespmem:s19+$0xFFFFFFB0]  }
0x346: {  	v62 =	vmul.f32 v16, v29;
	v16 =	vld [tilespmem:s20+$0x10];
	v0 =	vadd.f32 v0, v3;
	v3 =	vmul.f32 v17, v33  }
0x347: {  	v63 =	vmul.f32 v9, v41;
	v9 =	vmul.f32 v18, v31;
	v18 =	vld [tilespmem:s21+$0x10]  }
0x348: {  	v2 =	vadd.f32 v62, v2;
	v17 =	vld [tilespmem:s10+$0xFFFFFFB0];
	v42 =	vmul.f32 v7, v28;
	v0 =	vadd.f32 v3, v0  }
0x349: {  	v7 =	vld [tilespmem:s10+$0x10]  }
0x34a: {  	v3 =	vld [tilespmem:s19+$0x10];
	v2 =	vadd.f32 v42, v2;
	[tilespmem:s3+$0x80] =	vst v0  }
0x34b: {  	v5 =	vadd.f32 v9, v63;
	v6 =	vmul.f32 v6, v30;
	v0 =	vld [tilespmem:s20+$0x90]  }
0x34c: {  	v9 =	vmul.f32 v18, v37;
	[tilespmem:s3+$0xFFFFFF50] =	vst v2;
	v2 =	vld [tilespmem:s21+$0x90]  }
0x34d: {  	v43 =	vadd.f32 v6, v5;
	v44 =	vmul.f32 v17, v14;
	v6 =	vmul.f32 v16, v38;
	v45 =	vld [tilespmem:s19+$0x90]  }
0x34e: {  	v46 =	vld [tilespmem:s10+$0x90]  }
0x34f: {  	v16 =	vld [tilespmem:s20+$0xFFFFFF60];
	v4 =	vadd.f32 v44, v43;
	v6 =	vadd.f32 v9, v6;
	v3 =	vmul.f32 v3, v32  }
0x350: {  	v7 =	vmul.f32 v7, v15;
	v47 =	vld [tilespmem:s19+$0xFFFFFF60]  }
0x351: {  	v9 =	vld [tilespmem:s21+$0xFFFFFF60];
	[tilespmem:s3+$0xFFFFFFB0] =	vst v4;
	v3 =	vadd.f32 v3, v6;
	v0 =	vmul.f32 v0, v35;
	v2 =	vmul.f32 v2, v36  }
0x352: {  	v6 =	vld [tilespmem:s20+$0xFFFFFFC0]  }
0x353: {  	v17 =	vld [tilespmem:s21+$0xFFFFFFC0];
	v3 =	vadd.f32 v7, v3;
	v0 =	vadd.f32 v2, v0;
	v2 =	vmul.f32 v45, v34  }
0x354: {  	v7 =	vld [tilespmem:s19+$0xFFFFFFC0]  }
0x355: {  	[tilespmem:s3+$0x10] =	vst v3;
	v3 =	vld [tilespmem:s10+$0xFFFFFF60];
	v0 =	vadd.f32 v2, v0;
	v2 =	vmul.f32 v46, v33  }
0x356: {  	v48 =	vmul.f32 v16, v40;
	v9 =	vmul.f32 v9, v39;
	v16 =	vld [tilespmem:s20+$0x20]  }
0x357: {  	v5 =	vmul.f32 v47, v29;
	v0 =	vadd.f32 v2, v0;
	v2 =	vld [tilespmem:s10+$0xFFFFFFC0]  }
0x358: {  	v18 =	vld [tilespmem:s21+$0x20];
	v4 =	vadd.f32 v9, v48;
	v6 =	vmul.f32 v6, v41;
	v17 =	vmul.f32 v17, v31  }
0x359: {  	v9 =	vld [tilespmem:s19+$0x20];
	v7 =	vmul.f32 v7, v30;
	[tilespmem:s3+$0x90] =	vst v0  }
0x35a: {  	v4 =	vadd.f32 v5, v4;
	v6 =	vadd.f32 v17, v6;
	v3 =	vmul.f32 v3, v28;
	v0 =	vld [tilespmem:s20+$0xA0]  }
0x35b: {  	v49 =	vld [tilespmem:s21+$0xA0]  }
0x35c: {  	v17 =	vld [tilespmem:s10+$0x20];
	v6 =	vadd.f32 v7, v6;
	v3 =	vadd.f32 v3, v4;
	v2 =	vmul.f32 v2, v14  }
0x35d: {  	v50 =	vmul.f32 v16, v38;
	v16 =	vld [tilespmem:s19+$0xA0]  }
0x35e: {  	v7 =	vmul.f32 v18, v37;
	v18 =	vld [tilespmem:s10+$0xA0];
	[tilespmem:s3+$0xFFFFFF60] =	vst v3;
	v2 =	vadd.f32 v2, v6  }
0x35f: {  	v51 =	vmul.f32 v9, v32;
	v6 =	vld [tilespmem:s20+$0xFFFFFF70]  }
0x360: {  	v3 =	vadd.f32 v7, v50;
	v0 =	vmul.f32 v0, v35;
	v5 =	vmul.f32 v49, v36;
	[tilespmem:s3+$0xFFFFFFC0] =	vst v2;
	v2 =	vld [tilespmem:s21+$0xFFFFFF70]  }
0x361: {  	v52 =	vmul.f32 v17, v15;
	v7 =	vld [tilespmem:s20+$0xFFFFFFD0]  }
0x362: {  	v3 =	vadd.f32 v51, v3;
	v53 =	vmul.f32 v16, v34;
	v0 =	vadd.f32 v5, v0;
	v9 =	vld [tilespmem:s21+$0xFFFFFFD0]  }
0x363: {  	v54 =	vld [tilespmem:s19+$0xFFFFFF70]  }
0x364: {  	v60 =	vld [tilespmem:s13+$0x60];
	v55 =	vmul.f32 v18, v33;
	v3 =	vadd.f32 v52, v3;
	v0 =	vadd.f32 v53, v0  }
0x365: {  	v16 =	vld [tilespmem:s19+$0xFFFFFFD0]  }
0x366: {  	s11 =	simm.s32 $0x4;
	[tilespmem:s3+$0x20] =	vst v3;
	v3 =	vld [tilespmem:s10+$0xFFFFFF70];
	v56 =	vmul.f32 v6, v40;
	v0 =	vadd.f32 v55, v0;
	v2 =	vmul.f32 v2, v39  }
0x367: {  	s17 =	sand.u32 $0x70, s11;
	v6 =	vmul.f32 v7, v41;
	v7 =	vmul.f32 v9, v31;
	v9 =	vld [tilespmem:s10+$0xFFFFFFD0]  }
0x368: {  	v61 =	vld [tilespmem:s17+$0x540];
	[tilespmem:s3+$0xA0] =	vst v0;
	v0 =	vadd.f32 v2, v56;
	v2 =	vmul.f32 v54, v29  }
0x369: {  	v17 =	vld [tilespmem:s20+$0x30]  }
0x36a: {  	v18 =	vld [tilespmem:s21+$0x30];
	v57 =	vadd.f32 v7, v6;
	v0 =	vadd.f32 v2, v0;
	v2 =	vmul.f32 v16, v30  }
0x36b: {  	v58 =	vld [tilespmem:s19+$0x30];
	v3 =	vmul.f32 v3, v28  }
0x36c: {  	v42 =	vld [tilespmem:s20+$0xB0];
	v2 =	vadd.f32 v2, v57;
	v59 =	vmul.f32 v9, v14  }
0x36d: {  	s12 =	simm.s32 $0x4;
	v43 =	vld [tilespmem:s21+$0xB0];
	v0 =	vadd.f32 v3, v0  }
0x36e: {  	s15 =	sand.u32 $0xFFFFFFF0, s12;
	v45 =	vld [tilespmem:s19+$0xB0];
	v2 =	vadd.f32 v59, v2  }
0x36f: {  	s18 =	ssub.s32 $0x0, s15;
	v3 =	vld [tilespmem:s10+$0x30];
	[tilespmem:s3+$0xFFFFFF70] =	vst v0  }
0x370: {  	s15 =	sadd.s32 $0x7, s18;
	v46 =	vld [tilespmem:s10+$0xB0];
	v0 =	vmul.f32 v17, v38;
	[tilespmem:s3+$0xFFFFFFD0] =	vst v2;
	v2 =	vmul.f32 v18, v37  }
0x371: {  	v6 =	vld [tilespmem:s17+$0x620];
	v7 =	vmov s15;
	s15 =	simm.s32 $0xDB40  }
0x372: {  	v22 =	vld [tilespmem:s15+$0xFFFFFF40];
	v0 =	vadd.f32 v2, v0;
	v2 =	vmul.f32 v58, v32  }
0x373: {  	v25 =	vld [tilespmem:s15+$0xFFFFFFA0]  }
0x374: {  	v0 =	vadd.f32 v2, v0;
	v2 =	vmul.f32 v3, v15;
	v3 =	vld [tilespmem:s17+$0x5B0]  }
0x375: {  	v56 =	vld [tilespmem:s15+$0x0]  }
0x376: {  	s16 =	simm.s32 $0x10540;
	v0 =	vadd.f32 v2, v0;
	v2 =	vand.u32 $0xF, v7;
	v7 =	vld [tilespmem:s15+$0x60]  }
0x377: {  	v9 =	vld [tilespmem:s16+$0x60];
	v2 =	vbroadcast v2, $0x0  }
0x378: {  	[tilespmem:s3+$0x30] =	vst v0;
	v0 =	vld [tilespmem:s17+$0x690]  }
0x379: {  	v57 =	vld [tilespmem:s16+$0xFFFFFF40];
	s17 =	simm.s32 $0x12F40;
	v47 =	vperm.xlane v61, v2;
	v48 =	vperm.xlane v3, v2  }
0x37a: {  	v44 =	vperm.xlane v6, v2;
	v16 =	vld [tilespmem:s17+$0x60]  }
0x37b: {  	s22 =	sadd.s32 $0x5, s18;
	s18 =	sadd.s32 $0x6, s18;
	v17 =	vld [tilespmem:s13+$0xFFFFFF40];
	v4 =	vmul.f32 v60, v47;
	v7 =	vmul.f32 v7, v48  }
0x37c: {  	v54 =	vld [tilespmem:s20+$0xFFFFFF80];
	v18 =	vmov s18  }
0x37d: {  	s29 =	sand.u32 $0xC, s11;
	v52 =	vld [tilespmem:s21+$0xFFFFFF80];
	v62 =	vmul.f32 v9, v44;
	v49 =	vperm.xlane v0, v2;
	v2 =	vadd.f32 v7, v4  }
0x37e: {  	v26 =	vmov s29;
	v55 =	vld [tilespmem:s20+$0xFFFFFFE0];
	v18 =	vand.u32 $0xF, v18  }
0x37f: {  	v53 =	vld [tilespmem:s21+$0xFFFFFFE0];
	v7 =	vmov s22;
	v2 =	vadd.f32 v62, v2;
	v63 =	vmul.f32 v16, v49  }
0x380: {  	v50 =	vld [tilespmem:s20+$0x40];
	v4 =	vbroadcast v18, $0x0;
	v18 =	vperm.xlane v3, v26;
	v7 =	vand.u32 $0xF, v7  }
0x381: {  	v58 =	vld [tilespmem:s17+$0xFFFFFF40];
	v7 =	vbroadcast v7, $0x0;
	v16 =	vperm.xlane v61, v26;
	v2 =	vadd.f32 v63, v2  }
0x382: {  	s18 =	simm.s32 $0x18340;
	v9 =	vld [tilespmem:s13+$0xFFFFFFA0];
	v20 =	vperm.xlane v61, v4;
	v21 =	vperm.xlane v3, v4  }
0x383: {  	v60 =	vld [tilespmem:s16+$0xFFFFFFA0];
	v59 =	vmul.f32 v22, v18;
	v23 =	vperm.xlane v3, v7;
	[tilespmem:s18+$0x60] =	vst v2  }
0x384: {  	v3 =	vmul.f32 v17, v16;
	v17 =	vperm.xlane v6, v26;
	v2 =	vld [tilespmem:s13+$0x70]  }
0x385: {  	v22 =	vperm.xlane v0, v26;
	v19 =	vperm.xlane v61, v7;
	v5 =	vld [tilespmem:s15+$0x70]  }
0x386: {  	v24 =	vperm.xlane v6, v7;
	v3 =	vadd.f32 v59, v3;
	v26 =	vmul.f32 v57, v17;
	v57 =	vld [tilespmem:s17+$0xFFFFFFA0]  }
0x387: {  	v9 =	vmul.f32 v9, v19;
	v59 =	vmul.f32 v25, v23;
	v61 =	vld [tilespmem:s16+$0x70]  }
0x388: {  	v25 =	vperm.xlane v6, v4;
	v6 =	vmul.f32 v58, v22;
	v58 =	vld [tilespmem:s17+$0x70];
	v3 =	vadd.f32 v26, v3  }
0x389: {  	v51 =	vld [tilespmem:s21+$0x40];
	v26 =	vperm.xlane v0, v7;
	v7 =	vadd.f32 v59, v9;
	v9 =	vmul.f32 v60, v24  }
0x38a: {  	v62 =	vld [tilespmem:s16+$0x0];
	v2 =	vmul.f32 v2, v47;
	v5 =	vmul.f32 v5, v48  }
0x38b: {  	v59 =	vld [tilespmem:s17+$0x0];
	v60 =	vmul.f32 v27, v20;
	v3 =	vadd.f32 v6, v3;
	v7 =	vadd.f32 v9, v7  }
0x38c: {  	v6 =	vld [tilespmem:s19+$0xFFFFFF80];
	v9 =	vmul.f32 v57, v26;
	v2 =	vadd.f32 v5, v2;
	v5 =	vmul.f32 v61, v44  }
0x38d: {  	v27 =	vperm.xlane v0, v4;
	v57 =	vld [tilespmem:s19+$0xFFFFFFE0];
	[tilespmem:s18+$0xFFFFFF40] =	vst v3;
	v3 =	vmul.f32 v58, v49  }
0x38e: {  	v0 =	vld [tilespmem:s13+$0xFFFFFF50];
	v58 =	vadd.f32 v9, v7;
	v61 =	vmul.f32 v56, v21;
	v2 =	vadd.f32 v5, v2  }
0x38f: {  	v9 =	vld [tilespmem:s15+$0xFFFFFF50]  }
0x390: {  	v7 =	vmul.f32 v62, v25;
	v56 =	vld [tilespmem:s19+$0x40];
	[tilespmem:s18+$0xFFFFFFA0] =	vst v58;
	v60 =	vadd.f32 v61, v60;
	v2 =	vadd.f32 v3, v2  }
0x391: {  	v58 =	vld [tilespmem:s15+$0xFFFFFFB0]  }
0x392: {  	v62 =	vmul.f32 v59, v27;
	v3 =	vld [tilespmem:s16+$0xFFFFFF50];
	v61 =	vadd.f32 v7, v60;
	[tilespmem:s18+$0x70] =	vst v2  }
0x393: {  	v2 =	vld [tilespmem:s13+$0x80]  }
0x394: {  	v4 =	vadd.f32 v62, v61;
	v5 =	vld [tilespmem:s15+$0x80]  }
0x395: {  	v7 =	vld [tilespmem:s13+$0xFFFFFFB0]  }
0x396: {  	[tilespmem:s18+$0x0] =	vst v4;
	v4 =	vld [tilespmem:s16+$0x80]  }
0x397: {  	v62 =	vld [tilespmem:s17+$0xFFFFFF50]  }
0x398: {  	v0 =	vmul.f32 v0, v16;
	v9 =	vmul.f32 v9, v18;
	v60 =	vld [tilespmem:s17+$0x80]  }
0x399: {  	v63 =	vld [tilespmem:s16+$0xFFFFFFB0];
	v2 =	vmul.f32 v2, v47;
	v5 =	vmul.f32 v5, v48  }
0x39a: {  	v0 =	vadd.f32 v9, v0;
	v9 =	vld [tilespmem:s17+$0xFFFFFFB0];
	v3 =	vmul.f32 v3, v17  }
0x39b: {  	v59 =	vld [tilespmem:s13+$0x10];
	v4 =	vmul.f32 v4, v44;
	v2 =	vadd.f32 v5, v2  }
0x39c: {  	v58 =	vmul.f32 v58, v23;
	v61 =	vld [tilespmem:s15+$0x10];
	v0 =	vadd.f32 v3, v0;
	v62 =	vmul.f32 v62, v22  }
0x39d: {  	v7 =	vmul.f32 v7, v19;
	v3 =	vld [tilespmem:s10+$0xFFFFFF80];
	v2 =	vadd.f32 v4, v2;
	v4 =	vmul.f32 v60, v49  }
0x39e: {  	v0 =	vadd.f32 v62, v0;
	v5 =	vld [tilespmem:s16+$0x10]  }
0x39f: {  	v7 =	vadd.f32 v58, v7;
	v58 =	vmul.f32 v63, v24;
	v62 =	vld [tilespmem:s10+$0x40];
	v2 =	vadd.f32 v4, v2  }
0x3a0: {  	[tilespmem:s18+$0xFFFFFF50] =	vst v0;
	v60 =	vld [tilespmem:s17+$0x10]  }
0x3a1: {  	v7 =	vadd.f32 v58, v7;
	v58 =	vld [tilespmem:s13+$0xFFFFFF60];
	v4 =	vmul.f32 v59, v20;
	v59 =	vmul.f32 v61, v21;
	[tilespmem:s18+$0x80] =	vst v2  }
0x3a2: {  	v9 =	vmul.f32 v9, v26;
	v63 =	vld [tilespmem:s13+$0x90]  }
0x3a3: {  	v5 =	vmul.f32 v5, v25;
	v2 =	vadd.f32 v59, v4;
	v0 =	vld [tilespmem:s15+$0x90]  }
0x3a4: {  	v7 =	vadd.f32 v9, v7;
	v61 =	vld [tilespmem:s10+$0xFFFFFFE0]  }
0x3a5: {  	v60 =	vmul.f32 v60, v27;
	v9 =	vld [tilespmem:s16+$0x90];
	v2 =	vadd.f32 v5, v2  }
0x3a6: {  	[tilespmem:s18+$0xFFFFFFB0] =	vst v7;
	v5 =	vld [tilespmem:s17+$0x90]  }
0x3a7: {  	v7 =	vld [tilespmem:s13+$0xFFFFFFC0];
	v2 =	vadd.f32 v60, v2  }
0x3a8: {  	v59 =	vld [tilespmem:s15+$0xFFFFFF60];
	v4 =	vmul.f32 v63, v47;
	v0 =	vmul.f32 v0, v48  }
0x3a9: {  	v54 =	vmul.f32 v54, v40;
	v53 =	vmul.f32 v53, v31;
	[tilespmem:s18+$0x10] =	vst v2;
	v2 =	vld [tilespmem:s15+$0xFFFFFFC0]  }
0x3aa: {  	v63 =	vmul.f32 v55, v41;
	v60 =	vld [tilespmem:s13+$0x20];
	v0 =	vadd.f32 v0, v4;
	v4 =	vmul.f32 v9, v44  }
0x3ab: {  	v55 =	vld [tilespmem:s15+$0x20];
	v5 =	vmul.f32 v5, v49;
	v9 =	vmul.f32 v52, v39  }
0x3ac: {  	v52 =	vadd.f32 v53, v63;
	v63 =	vmul.f32 v57, v30;
	v57 =	vld [tilespmem:s17+$0xFFFFFF60];
	v0 =	vadd.f32 v4, v0  }
0x3ad: {  	v6 =	vmul.f32 v6, v29;
	v4 =	vld [tilespmem:s16+$0xFFFFFF60];
	v9 =	vadd.f32 v9, v54  }
0x3ae: {  	v3 =	vmul.f32 v3, v28;
	v54 =	vld [tilespmem:s16+$0xFFFFFFC0];
	v0 =	vadd.f32 v5, v0  }
0x3af: {  	v52 =	vadd.f32 v63, v52;
	v63 =	vmul.f32 v59, v18;
	v5 =	vld [tilespmem:s16+$0x20];
	v6 =	vadd.f32 v6, v9  }
0x3b0: {  	v9 =	vmul.f32 v61, v14;
	v61 =	vmul.f32 v58, v16;
	[tilespmem:s18+$0x90] =	vst v0;
	v0 =	vld [tilespmem:s17+$0xFFFFFFC0]  }
0x3b1: {  	v3 =	vadd.f32 v3, v6;
	v6 =	vmul.f32 v7, v19;
	v7 =	vld [tilespmem:s13+$0xA0]  }
0x3b2: {  	v2 =	vmul.f32 v2, v23;
	v53 =	vadd.f32 v63, v61;
	v59 =	vld [tilespmem:s15+$0xA0]  }
0x3b3: {  	v9 =	vadd.f32 v9, v52;
	v63 =	vmul.f32 v57, v22;
	v4 =	vmul.f32 v4, v17;
	v57 =	vld [tilespmem:s16+$0xA0]  }
0x3b4: {  	v2 =	vadd.f32 v2, v6;
	v6 =	vmul.f32 v55, v21;
	v55 =	vld [tilespmem:s17+$0x20];
	[tilespmem:s3+$0xFFFFFF80] =	vst v3  }
0x3b5: {  	v61 =	vmul.f32 v60, v20;
	[tilespmem:s3+$0xFFFFFFE0] =	vst v9;
	v3 =	vadd.f32 v4, v53;
	v60 =	vld [tilespmem:s20+$0xFFFFFF90]  }
0x3b6: {  	v58 =	vmul.f32 v56, v32;
	v54 =	vmul.f32 v54, v24;
	v56 =	vld [tilespmem:s21+$0xFFFFFFF0]  }
0x3b7: {  	v6 =	vadd.f32 v6, v61;
	v61 =	vld [tilespmem:s17+$0xA0];
	v3 =	vadd.f32 v63, v3  }
0x3b8: {  	v5 =	vmul.f32 v5, v25;
	v2 =	vadd.f32 v54, v2;
	v0 =	vmul.f32 v0, v26;
	v63 =	vld [tilespmem:s21+$0xFFFFFF90]  }
0x3b9: {  	v7 =	vmul.f32 v7, v47;
	[tilespmem:s18+$0xFFFFFF60] =	vst v3;
	v3 =	vld [tilespmem:s20+$0xFFFFFFF0]  }
0x3ba: {  	v9 =	vmul.f32 v59, v48;
	v5 =	vadd.f32 v5, v6;
	v0 =	vadd.f32 v0, v2;
	v6 =	vld [tilespmem:s13+$0xFFFFFF70]  }
0x3bb: {  	v2 =	vmul.f32 v55, v27;
	v52 =	vld [tilespmem:s16+$0xFFFFFF70]  }
0x3bc: {  	v7 =	vadd.f32 v9, v7;
	v9 =	vmul.f32 v57, v44;
	[tilespmem:s18+$0xFFFFFFC0] =	vst v0;
	v0 =	vld [tilespmem:s15+$0xFFFFFF70]  }
0x3bd: {  	v2 =	vadd.f32 v2, v5;
	v5 =	vld [tilespmem:s13+$0xFFFFFFD0]  }
0x3be: {  	v7 =	vadd.f32 v9, v7;
	v9 =	vld [tilespmem:s15+$0xFFFFFFD0]  }
0x3bf: {  	v35 =	vmul.f32 v42, v35;
	v42 =	vld [tilespmem:s16+$0xFFFFFFD0]  }
0x3c0: {  	v50 =	vmul.f32 v50, v38;
	v39 =	vmul.f32 v63, v39;
	v63 =	vld [tilespmem:s17+$0xFFFFFF70]  }
0x3c1: {  	v51 =	vmul.f32 v51, v37;
	v4 =	vmul.f32 v61, v49;
	v53 =	vld [tilespmem:s17+$0xFFFFFFD0];
	[tilespmem:s18+$0x20] =	vst v2  }
0x3c2: {  	v36 =	vmul.f32 v43, v36;
	v2 =	vld [tilespmem:s13+$0x30]  }
0x3c3: {  	v34 =	vmul.f32 v45, v34;
	v57 =	vadd.f32 v51, v50;
	v4 =	vadd.f32 v4, v7;
	v7 =	vld [tilespmem:s15+$0x30]  }
0x3c4: {  	v33 =	vmul.f32 v46, v33;
	v35 =	vadd.f32 v36, v35;
	v59 =	vmul.f32 v60, v40;
	v60 =	vld [tilespmem:s16+$0x30]  }
0x3c5: {  	v31 =	vmul.f32 v56, v31;
	v61 =	vmul.f32 v62, v15;
	v43 =	vadd.f32 v58, v57;
	v54 =	vld [tilespmem:s17+$0x30];
	[tilespmem:s18+$0xA0] =	vst v4  }
0x3c6: {  	v34 =	vadd.f32 v34, v35;
	v3 =	vmul.f32 v3, v41;
	v6 =	vmul.f32 v6, v16;
	v4 =	vld [tilespmem:s13+$0xB0]  }
0x3c7: {  	v51 =	vadd.f32 v61, v43;
	v0 =	vmul.f32 v0, v18;
	v55 =	vld [tilespmem:s15+$0xB0];
	v5 =	vmul.f32 v5, v19  }
0x3c8: {  	v33 =	vadd.f32 v33, v34;
	v50 =	vld [tilespmem:s16+$0xB0];
	v9 =	vmul.f32 v9, v23;
	v2 =	vmul.f32 v2, v20  }
0x3c9: {  	[tilespmem:s3+$0x40] =	vst v51;
	v62 =	vld [tilespmem:s17+$0xB0];
	v0 =	vadd.f32 v0, v6;
	v6 =	vmul.f32 v7, v21;
	v7 =	vmul.f32 v52, v17  }
0x3ca: {  	v39 =	vadd.f32 v39, v59;
	v57 =	vld [tilespmem:s20+$0x50];
	v5 =	vadd.f32 v9, v5;
	v9 =	vmul.f32 v42, v24  }
0x3cb: {  	v2 =	vadd.f32 v6, v2;
	v0 =	vadd.f32 v7, v0;
	v6 =	vmul.f32 v63, v22;
	v7 =	vld [tilespmem:s21+$0x50]  }
0x3cc: {  	v5 =	vadd.f32 v9, v5;
	v9 =	vld [tilespmem:s19+$0xFFFFFF90];
	v4 =	vmul.f32 v4, v47;
	v58 =	vmul.f32 v55, v48  }
0x3cd: {  	v59 =	vmul.f32 v53, v26;
	v40 =	vmul.f32 v60, v25;
	v0 =	vadd.f32 v6, v0;
	v6 =	vld [tilespmem:s19+$0xFFFFFFF0]  }
0x3ce: {  	v60 =	vmul.f32 v50, v44;
	v61 =	vmul.f32 v62, v49;
	v62 =	vld [tilespmem:s19+$0x50];
	v4 =	vadd.f32 v58, v4  }
0x3cf: {  	v34 =	vmul.f32 v54, v27;
	v2 =	vadd.f32 v40, v2;
	v5 =	vadd.f32 v59, v5;
	[tilespmem:s18+$0xFFFFFF70] =	vst v0;
	v0 =	vld [tilespmem:s10+$0xFFFFFF90]  }
0x3d0: {  	v3 =	vadd.f32 v31, v3;
	v4 =	vadd.f32 v60, v4;
	v36 =	vld [tilespmem:s13+$0xFFFFFF80]  }
0x3d1: {  	v38 =	vmul.f32 v57, v38;
	v2 =	vadd.f32 v34, v2;
	[tilespmem:s18+$0xFFFFFFD0] =	vst v5;
	v63 =	vmul.f32 v7, v37;
	v34 =	vld [tilespmem:s15+$0xFFFFFF80]  }
0x3d2: {  	[tilespmem:s3+$0xB0] =	vst v33;
	v7 =	vmul.f32 v9, v29;
	v35 =	vld [tilespmem:s13+$0xFFFFFFE0];
	v4 =	vadd.f32 v61, v4;
	v6 =	vmul.f32 v6, v30  }
0x3d3: {  	s23 =	simm.s32 $0xDB40;
	s22 =	simm.s32 $0xB140;
	v37 =	vld [tilespmem:s15+$0xFFFFFFE0];
	[tilespmem:s18+$0x30] =	vst v2;
	v32 =	vmul.f32 v62, v32;
	v30 =	vadd.f32 v63, v38  }
0x3d4: {  	s20 =	simm.s32 $0x12F40;
	s21 =	simm.s32 $0x10540;
	s19 =	simm.s32 $0x18340;
	v29 =	vadd.f32 v7, v39;
	v46 =	vld [tilespmem:s13+$0x40];
	[tilespmem:s18+$0xB0] =	vst v4;
	v28 =	vmul.f32 v0, v28;
	v39 =	vadd.f32 v6, v3  }
.LBB2_7:
0x3d5: {  	s12 =	sadd.s32 $0x4, s12  }
0x3d6: {  	v0 =	vmul.f32 v36, v16;
	v2 =	vld [tilespmem:s15+$0x40];
	s13 =	sadd.s32 $0x180, s13;
	v43 =	vadd.f32 v32, v30;
	s24 =	smov.u32 s11;
	s11 =	sadd.s32 $0x4, s11  }
0x3d7: {  	s25 =	sand.u32 $0xFFFFFFF0, s12;
	s26 =	sand.u32 $0x70, s11;
	s28 =	sand.u32 $0xC, s11;
	v3 =	vld [tilespmem:s13+$0x60];
	v4 =	vmul.f32 v34, v18;
	v5 =	vadd.f32 v28, v29  }
0x3d8: {  	v6 =	vld [tilespmem:s26+$0x540];
	v7 =	vmov s28;
	s24 =	ssub.s32 s24, s25;
	v9 =	vmul.f32 v35, v19  }
0x3d9: {  	v28 =	vld [tilespmem:s26+$0x5B0];
	s25 =	sadd.s32 $0x5, s24;
	s28 =	sadd.s32 $0x6, s24;
	s24 =	sadd.s32 $0x7, s24;
	v47 =	vadd.f32 v4, v0;
	v0 =	vmul.f32 v37, v23;
	[tilespmem:s3+$0xFFFFFF90] =	vst v5  }
0x3da: {  	s15 =	sadd.s32 $0x180, s15;
	v4 =	vld [tilespmem:s26+$0x620];
	v5 =	vmov s25;
	v29 =	vmov s28;
	v30 =	vmov s24  }
0x3db: {  	s16 =	sadd.s32 $0x180, s16;
	v5 =	vand.u32 $0xF, v5;
	v29 =	vand.u32 $0xF, v29;
	v30 =	vand.u32 $0xF, v30;
	v31 =	vld [tilespmem:s15+$0x60]  }
0x3dc: {  	p0 =	slt.u32 s11, $0x6C;
	v0 =	vadd.f32 v0, v9;
	v5 =	vbroadcast v5, $0x0;
	v30 =	vbroadcast v30, $0x0;
	v33 =	vld [tilespmem:s16+$0x60]  }
0x3dd: {  	v44 =	vbroadcast v29, $0x0;
	v40 =	vperm.xlane v6, v7;
	v9 =	vld [tilespmem:s26+$0x690]  }
0x3de: {  	s17 =	sadd.s32 $0x180, s17;
	v29 =	vld [tilespmem:s13+$0xFFFFFF40];
	v36 =	vperm.xlane v6, v30;
	v37 =	vperm.xlane v28, v30  }
0x3df: {  	v41 =	vperm.xlane v28, v7;
	v35 =	vperm.xlane v4, v30;
	v45 =	vld [tilespmem:s17+$0x60]  }
0x3e0: {  	v48 =	vld [tilespmem:s15+$0xFFFFFF40];
	v3 =	vmul.f32 v3, v36;
	v31 =	vmul.f32 v31, v37  }
0x3e1: {  	v42 =	vperm.xlane v6, v5;
	v32 =	vperm.xlane v28, v5;
	v49 =	vld [tilespmem:s13+$0xFFFFFFA0]  }
0x3e2: {  	v50 =	vld [tilespmem:s15+$0xFFFFFFA0];
	v38 =	vperm.xlane v9, v30;
	v3 =	vadd.f32 v31, v3;
	v30 =	vmul.f32 v33, v35  }
0x3e3: {  	v34 =	vperm.xlane v6, v44;
	v28 =	vperm.xlane v28, v44;
	v6 =	vld [tilespmem:s13+$0x0]  }
0x3e4: {  	v31 =	vmul.f32 v29, v40;
	v51 =	vld [tilespmem:s15+$0x0];
	v3 =	vadd.f32 v30, v3;
	v33 =	vmul.f32 v45, v38  }
0x3e5: {  	v30 =	vperm.xlane v4, v7;
	v45 =	vmul.f32 v48, v41;
	v48 =	vld [tilespmem:s16+$0xFFFFFF40]  }
0x3e6: {  	v29 =	vperm.xlane v4, v5;
	v49 =	vmul.f32 v49, v42;
	v52 =	vld [tilespmem:s16+$0xFFFFFFA0];
	v3 =	vadd.f32 v33, v3  }
0x3e7: {  	s18 =	sadd.s32 $0x180, s18;
	v33 =	vperm.xlane v4, v44;
	v53 =	vadd.f32 v45, v31;
	v50 =	vmul.f32 v50, v32;
	v4 =	vld [tilespmem:s16+$0x0]  }
0x3e8: {  	v31 =	vperm.xlane v9, v7;
	v7 =	vld [tilespmem:s17+$0xFFFFFF40];
	v6 =	vmul.f32 v6, v34;
	[tilespmem:s18+$0x60] =	vst v3  }
0x3e9: {  	v45 =	vperm.xlane v9, v5;
	v3 =	vadd.f32 v50, v49;
	v5 =	vmul.f32 v51, v28;
	v49 =	vld [tilespmem:s13+$0x70]  }
0x3ea: {  	v44 =	vperm.xlane v9, v44;
	v48 =	vmul.f32 v48, v30;
	v9 =	vld [tilespmem:s15+$0x70]  }
0x3eb: {  	v50 =	vmul.f32 v52, v29;
	v51 =	vld [tilespmem:s17+$0xFFFFFFA0];
	v5 =	vadd.f32 v5, v6;
	v6 =	vmul.f32 v46, v20  }
0x3ec: {  	v2 =	vmul.f32 v2, v21;
	v46 =	vadd.f32 v48, v53;
	v4 =	vmul.f32 v4, v33;
	v48 =	vld [tilespmem:s16+$0x70]  }
0x3ed: {  	v7 =	vmul.f32 v7, v31;
	v3 =	vadd.f32 v50, v3;
	v50 =	vld [tilespmem:s17+$0x0]  }
0x3ee: {  	v2 =	vadd.f32 v2, v6;
	v4 =	vadd.f32 v4, v5;
	v5 =	vld [tilespmem:s17+$0x70]  }
0x3ef: {  	v6 =	vadd.f32 v7, v46;
	v7 =	vmul.f32 v49, v36;
	v9 =	vmul.f32 v9, v37;
	v46 =	vld [tilespmem:s21+$0xFFFFFF80]  }
0x3f0: {  	v49 =	vmul.f32 v51, v45;
	v51 =	vld [tilespmem:s21+$0xFFFFFFE0]  }
0x3f1: {  	[tilespmem:s18+$0xFFFFFF40] =	vst v6;
	v6 =	vadd.f32 v9, v7;
	v7 =	vmul.f32 v48, v35;
	v9 =	vld [tilespmem:s21+$0x40]  }
0x3f2: {  	v48 =	vld [tilespmem:s13+$0xFFFFFF50];
	v3 =	vadd.f32 v49, v3;
	v49 =	vmul.f32 v50, v44  }
0x3f3: {  	v50 =	vld [tilespmem:s15+$0xFFFFFF50];
	v6 =	vadd.f32 v7, v6;
	v5 =	vmul.f32 v5, v38  }
0x3f4: {  	v7 =	vld [tilespmem:s16+$0xFFFFFF50];
	[tilespmem:s18+$0xFFFFFFA0] =	vst v3;
	v3 =	vadd.f32 v49, v4;
	v4 =	vmul.f32 v46, v17  }
0x3f5: {  	v46 =	vld [tilespmem:s13+$0xFFFFFFB0];
	v5 =	vadd.f32 v5, v6;
	v6 =	vmul.f32 v51, v24  }
0x3f6: {  	v49 =	vld [tilespmem:s15+$0xFFFFFFB0];
	[tilespmem:s18+$0x0] =	vst v3;
	v3 =	vadd.f32 v4, v47;
	v4 =	vmul.f32 v9, v25  }
0x3f7: {  	v9 =	vmul.f32 v48, v40;
	v47 =	vld [tilespmem:s13+$0x10];
	[tilespmem:s18+$0x70] =	vst v5;
	v0 =	vadd.f32 v6, v0  }
0x3f8: {  	v5 =	vmul.f32 v50, v41;
	v6 =	vld [tilespmem:s13+$0x80];
	v2 =	vadd.f32 v4, v2  }
0x3f9: {  	v4 =	vmul.f32 v7, v30;
	v7 =	vld [tilespmem:s15+$0x80]  }
0x3fa: {  	v5 =	vadd.f32 v5, v9;
	v9 =	vmul.f32 v46, v42;
	v46 =	vld [tilespmem:s15+$0x10]  }
0x3fb: {  	v48 =	vmul.f32 v49, v32;
	v49 =	vld [tilespmem:s16+$0x80]  }
0x3fc: {  	v4 =	vadd.f32 v4, v5;
	v5 =	vld [tilespmem:s16+$0xFFFFFFB0];
	v47 =	vmul.f32 v47, v34  }
0x3fd: {  	v9 =	vadd.f32 v48, v9;
	v48 =	vld [tilespmem:s17+$0x80]  }
0x3fe: {  	v6 =	vmul.f32 v6, v36;
	v50 =	vld [tilespmem:s16+$0x10];
	v7 =	vmul.f32 v7, v37  }
0x3ff: {  	v51 =	vld [tilespmem:s17+$0xFFFFFF50];
	v46 =	vmul.f32 v46, v28  }
0x400: {  	v52 =	vld [tilespmem:s17+$0xFFFFFFB0];
	v6 =	vadd.f32 v7, v6;
	v7 =	vmul.f32 v49, v35  }
0x401: {  	v5 =	vmul.f32 v5, v29;
	v46 =	vadd.f32 v46, v47;
	v47 =	vld [tilespmem:s17+$0x10]  }
0x402: {  	v6 =	vadd.f32 v7, v6;
	v7 =	vmul.f32 v48, v38;
	v48 =	vld [tilespmem:s20+$0xFFFFFF80]  }
0x403: {  	v5 =	vadd.f32 v5, v9;
	v9 =	vmul.f32 v50, v33;
	v49 =	vld [tilespmem:s20+$0xFFFFFFE0]  }
0x404: {  	v50 =	vmul.f32 v51, v31;
	v6 =	vadd.f32 v7, v6;
	v7 =	vld [tilespmem:s20+$0x40]  }
0x405: {  	v51 =	vmul.f32 v52, v45;
	v9 =	vadd.f32 v9, v46;
	v46 =	vld [tilespmem:s10+$0xFFFFFFF0]  }
0x406: {  	v4 =	vadd.f32 v50, v4;
	v47 =	vmul.f32 v47, v44;
	[tilespmem:s18+$0x80] =	vst v6;
	v6 =	vld [tilespmem:s10+$0x50];
	s10 =	smov.u32 s20;
	s20 =	smov.u32 s17  }
0x407: {  	v5 =	vadd.f32 v51, v5;
	v50 =	vld [tilespmem:s13+$0x90];
	v48 =	vmul.f32 v48, v22  }
0x408: {  	[tilespmem:s18+$0xFFFFFF50] =	vst v4;
	v4 =	vadd.f32 v47, v9;
	v9 =	vld [tilespmem:s15+$0x90];
	v47 =	vmul.f32 v49, v26  }
0x409: {  	v49 =	vld [tilespmem:s13+$0xFFFFFF60];
	[tilespmem:s18+$0xFFFFFFB0] =	vst v5;
	v3 =	vadd.f32 v48, v3;
	v5 =	vmul.f32 v7, v27  }
0x40a: {  	[tilespmem:s18+$0x10] =	vst v4;
	v4 =	vld [tilespmem:s16+$0x90];
	v0 =	vadd.f32 v47, v0;
	v7 =	vmul.f32 v46, v14;
	v14 =	vmovc v26;
	v26 =	vmov v45  }
0x40b: {  	v45 =	vld [tilespmem:s15+$0xFFFFFF60];
	[tilespmem:s19+$0xFFFFFF80] =	vst v3;
	v2 =	vadd.f32 v5, v2;
	v3 =	vmul.f32 v6, v15;
	v15 =	vmovc v27;
	v27 =	vmov v44  }
0x40c: {  	v5 =	vld [tilespmem:s17+$0x90];
	[tilespmem:s19+$0xFFFFFFE0] =	vst v0;
	v0 =	vadd.f32 v7, v39  }
0x40d: {  	v7 =	vmul.f32 v50, v36;
	v6 =	vld [tilespmem:s13+$0xFFFFFFC0];
	v9 =	vmul.f32 v9, v37;
	[tilespmem:s19+$0x40] =	vst v2;
	v2 =	vadd.f32 v3, v43  }
0x40e: {  	v3 =	vmul.f32 v49, v40;
	v39 =	vld [tilespmem:s15+$0xFFFFFFC0];
	[tilespmem:s3+$0xFFFFFFF0] =	vst v0  }
0x40f: {  	v0 =	vld [tilespmem:s13+$0x20];
	v7 =	vadd.f32 v9, v7;
	v4 =	vmul.f32 v4, v35;
	[tilespmem:s3+$0x50] =	vst v2;
	s3 =	smov.u32 s19;
	s19 =	smov.u32 s18  }
0x410: {  	v2 =	vmul.f32 v45, v41;
	v9 =	vld [tilespmem:s15+$0x20]  }
0x411: {  	v43 =	vld [tilespmem:s16+$0xFFFFFF60];
	v4 =	vadd.f32 v4, v7;
	v5 =	vmul.f32 v5, v38  }
0x412: {  	v2 =	vadd.f32 v2, v3;
	v3 =	vmul.f32 v6, v42;
	v6 =	vld [tilespmem:s16+$0xFFFFFFC0]  }
0x413: {  	v7 =	vmul.f32 v39, v32;
	v39 =	vld [tilespmem:s16+$0x20];
	v4 =	vadd.f32 v5, v4  }
0x414: {  	v5 =	vld [tilespmem:s17+$0xFFFFFF60];
	v0 =	vmul.f32 v0, v34  }
0x415: {  	v3 =	vadd.f32 v7, v3;
	v7 =	vld [tilespmem:s17+$0xFFFFFFC0];
	v9 =	vmul.f32 v9, v28;
	[tilespmem:s18+$0x90] =	vst v4  }
0x416: {  	v4 =	vmul.f32 v43, v30;
	v43 =	vld [tilespmem:s13+$0xA0]  }
0x417: {  	v6 =	vmul.f32 v6, v29;
	v0 =	vadd.f32 v9, v0;
	v9 =	vld [tilespmem:s15+$0xA0]  }
0x418: {  	v2 =	vadd.f32 v4, v2;
	v4 =	vmul.f32 v39, v33;
	v39 =	vld [tilespmem:s17+$0x20]  }
0x419: {  	v5 =	vmul.f32 v5, v31;
	v3 =	vadd.f32 v6, v3;
	v6 =	vld [tilespmem:s16+$0xA0]  }
0x41a: {  	v7 =	vmul.f32 v7, v26;
	v0 =	vadd.f32 v4, v0;
	v4 =	vld [tilespmem:s22+$0xFFFFFF90]  }
0x41b: {  	v2 =	vadd.f32 v5, v2;
	v5 =	vld [tilespmem:s17+$0xA0]  }
0x41c: {  	v3 =	vadd.f32 v7, v3;
	v7 =	vmul.f32 v43, v36;
	v9 =	vmul.f32 v9, v37;
	v43 =	vld [tilespmem:s23+$0xFFFFFF90]  }
0x41d: {  	[tilespmem:s18+$0xFFFFFF60] =	vst v2;
	v2 =	vmul.f32 v39, v27;
	v39 =	vld [tilespmem:s22+$0xFFFFFFF0]  }
0x41e: {  	v44 =	vld [tilespmem:s13+$0xFFFFFF70];
	[tilespmem:s18+$0xFFFFFFC0] =	vst v3;
	v3 =	vadd.f32 v9, v7;
	v6 =	vmul.f32 v6, v35  }
0x41f: {  	v7 =	vld [tilespmem:s15+$0xFFFFFF70];
	v0 =	vadd.f32 v2, v0;
	v2 =	vmul.f32 v4, v16;
	v16 =	vmov v40  }
0x420: {  	v4 =	vld [tilespmem:s13+$0xFFFFFFD0];
	v3 =	vadd.f32 v6, v3;
	v5 =	vmul.f32 v5, v38  }
0x421: {  	v6 =	vld [tilespmem:s15+$0xFFFFFFD0];
	[tilespmem:s18+$0x20] =	vst v0;
	v0 =	vmul.f32 v43, v18;
	v18 =	vmov v41  }
0x422: {  	v9 =	vld [tilespmem:s13+$0x30];
	v3 =	vadd.f32 v5, v3;
	v5 =	vmul.f32 v39, v19;
	v19 =	vmov v42  }
0x423: {  	v39 =	vmul.f32 v44, v16;
	v40 =	vld [tilespmem:s15+$0x30];
	v0 =	vadd.f32 v0, v2  }
0x424: {  	v2 =	vmul.f32 v7, v18;
	v7 =	vld [tilespmem:s16+$0xFFFFFF70];
	[tilespmem:s18+$0xA0] =	vst v3  }
0x425: {  	v3 =	vmul.f32 v4, v19;
	v4 =	vld [tilespmem:s13+$0xB0]  }
0x426: {  	v2 =	vadd.f32 v2, v39;
	v6 =	vmul.f32 v6, v32;
	v39 =	vld [tilespmem:s15+$0xB0]  }
0x427: {  	v41 =	vld [tilespmem:s16+$0xFFFFFFD0];
	v9 =	vmul.f32 v9, v34  }
0x428: {  	v3 =	vadd.f32 v6, v3;
	v6 =	vmul.f32 v40, v28;
	v40 =	vld [tilespmem:s16+$0xB0]  }
0x429: {  	v7 =	vmul.f32 v7, v30;
	v42 =	vld [tilespmem:s16+$0x30]  }
0x42a: {  	v6 =	vadd.f32 v6, v9;
	v9 =	vld [tilespmem:s17+$0xB0]  }
0x42b: {  	v4 =	vmul.f32 v4, v36;
	v2 =	vadd.f32 v7, v2;
	v7 =	vld [tilespmem:s17+$0xFFFFFF70];
	v36 =	vmul.f32 v39, v37  }
0x42c: {  	v37 =	vmul.f32 v41, v29;
	v39 =	vld [tilespmem:s17+$0xFFFFFFD0]  }
0x42d: {  	v41 =	vld [tilespmem:s17+$0x30];
	v4 =	vadd.f32 v36, v4;
	v35 =	vmul.f32 v40, v35  }
0x42e: {  	v3 =	vadd.f32 v37, v3;
	v36 =	vmul.f32 v42, v33;
	v37 =	vld [tilespmem:s23+$0xFFFFFFF0]  }
0x42f: {  	v4 =	vadd.f32 v35, v4;
	v9 =	vmul.f32 v9, v38;
	v35 =	vld [tilespmem:s22+$0x50];
	s22 =	smov.u32 s13  }
0x430: {  	v7 =	vmul.f32 v7, v31;
	v6 =	vadd.f32 v36, v6;
	v38 =	vld [tilespmem:s23+$0x50];
	s23 =	smov.u32 s15  }
0x431: {  	v36 =	vmul.f32 v39, v26;
	v4 =	vadd.f32 v9, v4;
	v9 =	vld [tilespmem:s21+$0xFFFFFF90]  }
0x432: {  	v2 =	vadd.f32 v7, v2;
	v7 =	vmul.f32 v41, v27;
	v39 =	vld [tilespmem:s21+$0xFFFFFFF0]  }
0x433: {  	v3 =	vadd.f32 v36, v3;
	[tilespmem:s18+$0xB0] =	vst v4;
	v4 =	vmul.f32 v37, v23;
	v40 =	vld [tilespmem:s21+$0x50];
	v23 =	vmov v32;
	s21 =	smov.u32 s16  }
0x434: {  	[tilespmem:s18+$0xFFFFFF70] =	vst v2;
	v2 =	vadd.f32 v7, v6;
	v6 =	vld [tilespmem:s10+$0xFFFFFF90];
	v7 =	vmul.f32 v35, v20;
	v20 =	vmov v34  }
.Ltmp2:
0x435: {  	v36 =	vld [tilespmem:s13+$0xFFFFFF80];
	[tilespmem:s18+$0xFFFFFFD0] =	vst v3;
	v3 =	vadd.f32 v4, v5;
	v4 =	vmul.f32 v38, v21;
	v21 =	vmov v28;
	(pc) =	sbr.rel @p0 .LBB2_7-.Ltmp2, $4  }
0x436: {  	v34 =	vld [tilespmem:s15+$0xFFFFFF80];
	[tilespmem:s18+$0x30] =	vst v2;
	v2 =	vmul.f32 v9, v17;
	v17 =	vmov v30  }
0x437: {  	v35 =	vld [tilespmem:s13+$0xFFFFFFE0];
	v5 =	vmul.f32 v39, v24;
	v30 =	vadd.f32 v4, v7;
	v24 =	vmov v29  }
0x438: {  	v37 =	vld [tilespmem:s15+$0xFFFFFFE0];
	v29 =	vadd.f32 v2, v0;
	v32 =	vmul.f32 v40, v25;
	v25 =	vmov v33  }
0x439: {  	v46 =	vld [tilespmem:s13+$0x40];
	v28 =	vmul.f32 v6, v22;
	v39 =	vadd.f32 v5, v3;
	v22 =	vmov v31  }
0x43a: {  	v2 =	vld [tilespmem:s21+$0xFFFFFF80]  }
0x43b: {  	v3 =	vld [tilespmem:s21+$0xFFFFFFE0]  }
0x43c: {  	v4 =	vld [tilespmem:s20+$0xFFFFFF80]  }
0x43d: {  	v0 =	vld [tilespmem:s15+$0x40];
	v5 =	vmul.f32 v36, v16;
	v6 =	vmul.f32 v34, v18  }
0x43e: {  	v33 =	vld [tilespmem:s20+$0xFFFFFFE0];
	v9 =	vmul.f32 v35, v19;
	v31 =	vmul.f32 v37, v23  }
0x43f: {  	v7 =	vld [tilespmem:s21+$0x40];
	v5 =	vadd.f32 v6, v5;
	v2 =	vmul.f32 v2, v17  }
0x440: {  	v6 =	vadd.f32 v31, v9  }
0x441: {  	v53 =	vld [tilespmem:s20+$0x40];
	v3 =	vmul.f32 v3, v24;
	v4 =	vmul.f32 v4, v22;
	v2 =	vadd.f32 v2, v5  }
0x442: {  	v9 =	vmul.f32 v46, v20;
	v0 =	vmul.f32 v0, v21  }
0x443: {  	v3 =	vadd.f32 v3, v6;
	v6 =	vmul.f32 v33, v26;
	v2 =	vadd.f32 v4, v2  }
0x444: {  	v55 =	vld [tilespmem:s10+$0xFFFFFFF0];
	v54 =	vmul.f32 v7, v25;
	v0 =	vadd.f32 v0, v9  }
0x445: {  	v56 =	vld [tilespmem:s10+$0x50];
	v3 =	vadd.f32 v6, v3;
	[tilespmem:s19+$0xFFFFFF80] =	vst v2  }
0x446: {  	v7 =	vmul.f32 v53, v27;
	v0 =	vadd.f32 v54, v0;
	v2 =	vld [tilespmem:s22+$0xFFFFFF90]  }
0x447: {  	[tilespmem:s19+$0xFFFFFFE0] =	vst v3;
	v3 =	vld [tilespmem:s23+$0xFFFFFF90]  }
0x448: {  	v0 =	vadd.f32 v7, v0;
	v6 =	vld [tilespmem:s22+$0xFFFFFFF0]  }
0x449: {  	v57 =	vld [tilespmem:s21+$0xFFFFFF90]  }
0x44a: {  	[tilespmem:s19+$0x40] =	vst v0;
	v0 =	vld [tilespmem:s23+$0xFFFFFFF0]  }
0x44b: {  	v7 =	vld [tilespmem:s22+$0x50]  }
0x44c: {  	v9 =	vld [tilespmem:s23+$0x50]  }
0x44d: {  	v58 =	vld [tilespmem:s21+$0xFFFFFFF0]  }
0x44e: {  	v5 =	vmul.f32 v56, v15;
	v4 =	vmul.f32 v55, v14;
	v15 =	vld [tilespmem:s20+$0xFFFFFF90]  }
0x44f: {  	v14 =	vld [tilespmem:s21+$0x50];
	v2 =	vmul.f32 v2, v16;
	v3 =	vmul.f32 v3, v18  }
0x450: {  	v59 =	vadd.f32 v32, v30;
	v60 =	vld [tilespmem:s20+$0xFFFFFFF0];
	v6 =	vmul.f32 v6, v19;
	v0 =	vmul.f32 v0, v23  }
0x451: {  	v61 =	vadd.f32 v28, v29;
	v62 =	vld [tilespmem:s20+$0x50];
	v7 =	vmul.f32 v7, v20;
	v9 =	vmul.f32 v9, v21  }
0x452: {  	v5 =	vadd.f32 v5, v59;
	v2 =	vadd.f32 v3, v2;
	v3 =	vmul.f32 v57, v17  }
0x453: {  	v0 =	vadd.f32 v0, v6;
	v6 =	vmul.f32 v58, v24;
	v7 =	vadd.f32 v9, v7  }
0x454: {  	v2 =	vadd.f32 v3, v2;
	v3 =	vmul.f32 v14, v25;
	v9 =	vmul.f32 v15, v22  }
0x455: {  	s7 =	sadd.s32 $0x1, s7;
	[tilespmem:s3+$0xFFFFFF90] =	vst v61;
	v4 =	vadd.f32 v4, v39;
	v0 =	vadd.f32 v6, v0;
	v6 =	vmul.f32 v60, v26  }
0x456: {  	s9 =	smul.u32 $0x60, s9;
	p0 =	sne.s32 s7, $0x38;
	[tilespmem:s3+$0x50] =	vst v5;
	v63 =	vmul.f32 v62, v27;
	v3 =	vadd.f32 v3, v7;
	v2 =	vadd.f32 v9, v2  }
.Ltmp3:
0x457: {  	[tilespmem:s3+$0xFFFFFFF0] =	vst v4;
	v0 =	vadd.f32 v6, v0;
	(pc) =	sbr.rel @p0 .LBB2_2-.Ltmp3, $4  }
0x458: {  	s29 =	sshrl.u32 s9, $0x3;
	[tilespmem:s19+$0xFFFFFF90] =	vst v2;
	v2 =	vadd.f32 v63, v3  }
0x459: {  	s3 =	sadd.s32 s6, s29;
	[tilespmem:s19+$0xFFFFFFF0] =	vst v0  }
0x45a: {  	s3 =	sadd.s32 $0x540, s3;
	[tilespmem:s19+$0x50] =	vst v2  }
0x45b: {  	[hbm4b:s3+s4] =	stream.linear.scatter [tilespmem:s2], [sflag:$0x4], $0x2A00, $0x38;
	[tilespmem:$0x1AC00] =	vst v63  }
0x45c: {  	s3 =	simm.s32 $0x3  }
0x45d: {  	_ =	swait.ge [sflag:s3], $0x2A00  }
0x45e: {  	[sflag:s3] =	ssyncset.done $0x0  }
0x45f: {  	s7 =	simm.s32 $0x4;
	[sflag:s3] =	ssyncadd.s32 $0xFFFFD600  }
0x460: {  	_ =	swait.ge [sflag:s7], $0x2A00  }
0x461: {  	s9 =	rddreg [dreg:$0x7]  }
0x462: {  	s29 =	rddreg [dreg:$0x6];
	s9 =	sadd.s32 $0x1, s9  }
0x463: {  	p0 =	sne.s32 s9, s29  }
.Ltmp4:
0x464: {  	_ = 	snop;
	(pc) =	sbr.rel @p0 .LBB2_1-.Ltmp4, $3  }
0x465: {  	_ =	sdelay $0x1  }
0x466: {  	[sflag:s7] =	ssyncset.done $0x0  }
0x467: {  	[sflag:s7] =	ssyncadd.s32 $0xFFFFD600  }
0x468: {  	_ =	sfence.sel $0x180000  }
0x469: {  	[bflag:$0x0] =	sbarrier.arrive $0xFFFF  }
0x46a: {  	_ =	strace $0x90000047  }
0x46b: {  	s0 =	stileid.u32;
	[bflag:$0x2] =	sbarrier.arrive $0xFFFF  }
0x46c: {  	p0 =	sne.s32 s0, $0x0;
	s0 =	rddreg [dreg:$0x3]  }
0x46d: {  	s0 =	sadd.s32 @!p0 $0x100000, s0  }
0x46e: {  	[sflag:s0] =	ssyncadd.tile.s32 @!p0 $0x1;
	_ =	shalt  }
.Lfunc_end2:
_tile_overlayer_lowered:
.L_overlay_start_2:
0x46f: {  	(tag) =	ssettag $0x2  }
0x470: {  	s0 =	rddreg [dreg:$0x0];
	s2 =	stileid.u32  }
0x471: {  	s1 =	rddreg [dreg:$0x1];
	p0 =	sne.s32 s2, $0x0  }
0x472: {  	s3 =	rddreg [dreg:$0x2];
	[bflag:$0x3] =	sbarrier.arrive $0xFFFF;
	s2 =	simm.s32 @!p0 $0x1C05  }
0x473: {  	[timem:s3], [sflag:s2] =	dma.local @!p0 [hbm:s0], s1  }
0x474: {  	s0 =	simm.s32 @!p0 $0x5  }
0x475: {  	_ =	swait.ge @!p0 [sflag:s0], s1  }
0x476: {  	s1 =	ssub.s32 @!p0 $0x0, s1;
	[sflag:s0] =	ssyncset.done @!p0 $0x0  }
0x477: {  	[sflag:s0] =	ssyncadd.s32 @!p0 s1  }
0x478: {  	[bflag:$0x3] =	sbarrier.arrive $0xFFFF  }
0x479: {  	_ =	shalt  }

// kernel: sparse-core-data-format-call.cloned.1.call-start
scs
called_computation_lowered:
.L_overlay_start_0:
0x0: {  	s2 =	sld [smem:$0x3FD9]  }
0x1: {  	s3 =	sld [smem:$0x3FFE];
	_ =	sdelay $0x1  }
0x2: {  	s1 =	srdreg.scid  }
0x3: {  	s0 =	sand.u32 $0x1, s1  }
0x4: {  	s18 =	sshll.u32 s0, $0xA;
	s2 =	sadd.s32 s3, s2  }
0x5: {  	s2 =	sadd.s32 s2, s18  }
0x6: {  	[smem:$0x3FC5] =	sst s2  }
0x7: {  	_ = 	snop  }
0x8: {  	s2 =	sld [smem:$0x3FD0];
	(tm) =	ssettm $0x1  }
0x9: {  	s19 =	sld [smem:$0x3FFB];
	_ =	sdelay $0x3  }
0xa: {  	_ =	strace s19  }
0xb: {  	s3 =	sld [smem:$0x3FFC];
	_ =	sdelay $0x3  }
0xc: {  	_ =	strace s3  }
0xd: {  	s3 =	sld [smem:$0x3FFD];
	_ =	sdelay $0x3  }
0xe: {  	_ =	strace s3  }
0xf: {  	_ =	strace $0x8FFFFFFF  }
0x10: {  	s20 =	sld [smem:$0x3FDB];
	_ =	sdelay $0x1  }
0x11: {  	s4 =	simm.s32 $_scs_section_size  }
0x12: {  	s5 =	simm.s32 $_size__tile_overlayer_lowered;
	s6 =	simm.s32 $_tile_overlayer_lowered  }
0x13: {  	s23 =	simm.s32 $0x1BFF;
	s22 =	sshll.u32 s6, $0x1;
	s3 =	sadd.s32 s4, s20  }
0x14: {  	s7 =	simm.s32 $0x0;
	s21 =	sshll.u32 s5, $0x1;
	s5 =	sadd.s32 s22, s3  }
0x15: {  	[timem:s7], [sflag:s23] =	dma.local [hbm:s5], s21  }
0x16: {  	_ =	swait.ge [sflag:s23], s21  }
0x17: {  	s4 =	ssub.s32 $0x0, s21;
	[sflag:s23] =	ssyncset.done $0x0  }
0x18: {  	[sflag:s23] =	ssyncadd.s32 s4;
	_ =	sdelay $0x1  }
0x19: {  	s24 =	simm.s32 $0x1B8B  }
0x1a: {  	_ =	swait.ge [sflag:s24], $0x1  }
0x1b: {  	[sflag:s24] =	ssyncset.done $0x0  }
0x1c: {  	s26 =	simm.s32 $0x1B8E;
	s25 =	sld [smem:$0x3FFE];
	[sflag:s24] =	ssyncadd.s32 $0xFFFFFFFF  }
0x1d: {  	s27 =	simm.s32 $execute0_lowered;
	[smem:$0x3FD2] =	sst s26  }
0x1e: {  	s5 =	sshll.u32 s27, $0x1;
	_ =	strace $0x80000049;
	[dreg:$0x1] =	wrdreg $0xFFFFFFFF  }
0x1f: {  	s28 =	simm.s32 $_size_execute0_lowered;
	s3 =	sadd.s32 s3, s5;
	[dreg:$0x0] =	wrdreg $0x0  }
0x20: {  	s5 =	sshll.u32 s28, $0x1;
	[dreg:$0x2] =	wrdreg s3  }
0x21: {  	[dreg:$0x3] =	wrdreg s5  }
0x22: {  	[dreg:$0x4] =	wrdreg $0xC0  }
0x23: {  	_ =	task [dreg:s7], $0x5FFFF  }
0x24: {  	[dreg:$0x1] =	wrdreg $0xFFFFFFFF  }
0x25: {  	[dreg:$0x0] =	wrdreg $0x60  }
0x26: {  	[dreg:$0x2] =	wrdreg s25  }
0x27: {  	[dreg:$0x3] =	wrdreg s2  }
0x28: {  	[dreg:$0x4] =	wrdreg $0x9  }
0x29: {  	_ =	task.clear_ibuf [dreg:s7], $0x5FFFF;
	_ =	strace $0x90000049  }
0x2a: {  	s29 =	simm.s32 $0x9;
	_ =	strace $0x8000004B  }
0x2b: {  	_ =	swait.ge [sflag:s29], $0x1  }
0x2c: {  	[sflag:s29] =	ssyncadd.s32 $0xFFFFFFFF  }
0x2d: {  	_ =	strace $0x9000004B  }
0x2e: {  	_ =	sfence  }
0x2f: {  	s30 =	sld [smem:$0x0];
	_ =	sdelay $0x2  }
0x30: {  	s31 =	sshll.u32 s1, $0xD;
	s1 =	sshrl.u32 s1, $0x2  }
0x31: {  	s3 =	sand.u32 $0x4000, s31;
	s1 =	sadd.s32 s1, s30  }
0x32: {  	s0 =	sor.u32 s3, s0;
	s1 =	sshll.u32 s1, $0x11  }
0x33: {  	s0 =	sor.u32 s1, s0  }
0x34: {  	s0 =	sadd.s32 $0x8F2B, s0  }
0x35: {  	[sflag:s0] =	ssyncadd.remote.s32 $0x1  }
0x36: {  	_ =	sfence.sel $0xFFFF  }
0x37: {  	[dreg:$0x0] =	wrdreg $0xFFFFFFFF;
	(pc) =	sbr.abs _section_cstart, $3  }
0x38: {  	[dreg:$0x1] =	wrdreg $0xFFFFFFFF  }
0x39: {  	_ =	task.clear_ibuf [dreg:s7], $0x2FFFF;
	_ =	strace $0x9FFFFFFF  }
0x3a: {  	(tm) =	ssettm $0x7FFFFFFF  }
0x3b: {  	_ =	shalt  }
tec
execute0_lowered:
.L_overlay_start_1:
0x0: {  	(tag) =	ssettag $0x1  }
0x1: {  	s0 =	srdreg.scid  }
0x2: {  	s5 =	rddreg [dreg:$0x0];
	s1 =	sshll.u32 s0, $0x4  }
0x3: {  	s2 =	rddreg [dreg:$0x1];
	s0 =	stileid.u32;
	s1 =	sand.u32 $0x10, s1  }
0x4: {  	s4 =	simm.s32 $0x1;
	s8 =	simm.s32 $0x2;
	s1 =	sor.u32 s0, s1  }
0x5: {  	s12 =	simm.s32 $0x0;
	s9 =	simm.s32 $0x0;
	s3 =	sshll.u32 s1, $0x7  }
0x6: {  	s11 =	simm.s32 $0x0;
	s5 =	sadd.s32 $0x498A00, s5;
	s6 =	ssub.s32 $0x62000, s3  }
.Ltmp0:
0x7: {  	s1 =	rddreg [dreg:$0x2];
	s7 =	sand.u32 $0xF80, s6;
	(pc) =	sbr.rel .LBB1_1-.Ltmp0, $4  }
0x8: {  	_ =	strace $0x8000004A;
	p0 =	sne.s32 s7, $0x0;
	s7 =	simm.s32 $0x1  }
0x9: {  	[sflag:s4] =	ssyncpa.u1 $0x0;
	s6 =	sshrl.u32 s6, $0xC;
	s7 =	simm.s32 @!p0 $0x0  }
0xa: {  	s10 =	smov.u32 s3;
	[sflag:s8] =	ssyncpa.u1 $0x0;
	s6 =	sadd.s32 s7, s6  }
0xb: {  	s8 =	simm.s32 $0x310000;
	p0 =	por $0x0, $0x0;
	s7 =	sadd.s32 $0x1, s6  }
.LBB1_4:
0xc: {  	s18 =	sshll.u32 s9, $0x3  }
0xd: {  	s19 =	sand.u32 $0x7F, s9;
	s20 =	sand.u32 $0xFFFFFC00, s18;
	s18 =	smulhi.u32 $0x5397829D, s18  }
0xe: {  	v5 =	vld [tilespmem:s14+$0xFFFFFFD0];
	[tilespmem:s16+$0x2040 ss:$0x81] =	vst.msk $0xffff, v3;
	s19 =	sor.u32 s19, s20  }
0xf: {  	v58 =	vld [tilespmem:s14+$0xFFFFFFE0];
	[tilespmem:s16+$0x2850 ss:$0x81] =	vst.msk $0xffff, v4;
	s20 =	smulhi.u32 $0x5397829D, s19;
	s18 =	sshrl.u32 s18, $0x11  }
0x10: {  	s17 =	sshra.s32 s17, $0x2;
	v59 =	vld [tilespmem:s14+$0xFFFFFFF0];
	[tilespmem:s16+$0x3060 ss:$0x81] =	vst.msk $0xffff, v2;
	p1 =	sgt.s32 s9, $0x61F80;
	s21 =	smul.u32 $0x2AAB, s18  }
0x11: {  	v60 =	vld [tilespmem:s14+$0x0];
	[tilespmem:s16+$0x0 ss:$0x81] =	vst.msk $0xffff, v0;
	s26 =	sshra.s32 s9, $0x1F;
	s15 =	sadd.s32 s17, s15;
	s20 =	sshrl.u32 s20, $0x11  }
0x12: {  	v61 =	vld [tilespmem:s14+$0x10];
	[tilespmem:s15+$0x3870 ss:$0x81] =	vst.msk $0xffff, v1;
	s24 =	smul.u32 $0x62000, s20;
	s25 =	sshrl.u32 s21, $0x14;
	s20 =	smov.u32 s9  }
0x13: {  	v62 =	vld [tilespmem:s14+$0x20];
	[tilespmem:s15+$0x810 ss:$0x81] =	vst.msk $0xffff, v5;
	s21 =	sand.u32 s26, s9;
	s17 =	smul.u32 $0x60, s25;
	s20 =	simm.s32 @!p1 $0x61F80  }
0x14: {  	v63 =	vld [tilespmem:s14+$0xFFFFFFC0];
	[tilespmem:s15+$0x1020 ss:$0x81] =	vst.msk $0xffff, v58;
	s27 =	ssub.s32 s19, s24;
	s28 =	ssub.s32 s20, s21  }
0x15: {  	[tilespmem:s15+$0x1830 ss:$0x81] =	vst.msk $0xffff, v59;
	s17 =	ssub.s32 s18, s17;
	s29 =	sadd.s32 $0xFFF9E080, s28;
	s16 =	ssub.s32 $0x62000, s28  }
0x16: {  	[tilespmem:s15+$0x2040 ss:$0x81] =	vst.msk $0xffff, v60;
	s30 =	sshrl.u32 s27, $0x3;
	s17 =	sand.u32 $0xFFFF, s17;
	s16 =	smul.u32 $0x180, s16  }
0x17: {  	[tilespmem:s15+$0x2850 ss:$0x81] =	vst.msk $0xffff, v61;
	s14 =	sand.u32 $0x7, s27;
	p1 =	sgt.s32 s29, $0x7F;
	s17 =	smul.u32 $0xC400, s17  }
0x18: {  	[tilespmem:s15+$0x3060 ss:$0x81] =	vst.msk $0xffff, v62;
	s18 =	sadd.s32 s2, s30;
	s14 =	sshll.u32 s14, $0x12;
	s16 =	sshrl.u32 s16, $0x2  }
0x19: {  	[tilespmem:s15+$0x0 ss:$0x81] =	vst.msk $0xffff, v63;
	s14 =	sor.u32 $0x400, s14;
	s16 =	simm.s32 @p1 $0x0;
	s31 =	sadd.s32 s17, s18  }
0x1a: {  	[hbm4b:s31+s14] =	stream.strided.scatter [tilespmem:s13], [sflag:$0x2], s16, s8, s14, $0x20;
	[tilespmem:$0x10100] =	vst v63  }
.LBB1_5:
0x1b: {  	p1 =	slt.u32 s11, $0x2  }
0x1c: {  	p2 =	sgt.s32 @!p1 s12, $0x61F80  }
0x1d: {  	s13 =	smov.u32 s12;
	s14 =	sshra.s32 @!p1 s12, $0x1F;
	p2 =	por !p2, p1  }
0x1e: {  	s12 =	sand.u32 @!p1 s14, s12;
	s13 =	simm.s32 @p2 $0x61F80  }
0x1f: {  	s12 =	ssub.s32 @!p1 s13, s12  }
0x20: {  	s13 =	ssub.s32 @!p1 $0x62000, s12  }
0x21: {  	s12 =	sadd.s32 @!p1 $0xFFF9E080, s12;
	s13 =	smul.u32 @!p1 $0x180, s13  }
0x22: {  	p2 =	sgt.s32 @!p1 s12, $0x7F  }
0x23: {  	s14 =	sadd.s32 $0x1000, s10;
	p2 =	por !p2, p1;
	s12 =	sshrl.u32 @!p1 s13, $0x2  }
0x24: {  	s12 =	simm.s32 @!p2 $0x0;
	p2 =	sgt.s32 s14, $0x61FFF  }
0x25: {  	s14 =	smov.u32 @p2 s3;
	p2 =	sne.s32 s11, s7  }
.Ltmp1:
0x26: {  	_ = 	snop;
	(pc) =	sbr.rel @!p2 .LBB1_6-.Ltmp1, $4  }
0x27: {  	s13 =	simm.s32 @!p1 $0x2  }
0x28: {  	p0 =	por !p0, !p0;
	_ =	swait.ge @!p1 [sflag:s13], s12;
	s15 =	ssub.s32 @!p1 $0x0, s12  }
0x29: {  	s12 =	smov.u32 s9;
	s11 =	sadd.s32 $0x1, s11;
	[sflag:s13] =	ssyncset.done @!p1 $0x0  }
0x2a: {  	s9 =	smov.u32 s10;
	s10 =	smov.u32 s14;
	[sflag:s13] =	ssyncadd.s32 @!p1 s15  }
.LBB1_1:
0x2b: {  	p1 =	sge.u32 s11, s6  }
0x2c: {  	s13 =	sand.u32 @!p1 $0x1FFFFFF, s10  }
0x2d: {  	s14 =	smulhi.u32 @!p1 $0x14E5E0B, s13;
	_ =	sdelay $0x1  }
0x2e: {  	s14 =	sshrl.u32 @!p1 s14, $0xB  }
0x2f: {  	s14 =	smul.u32 @!p1 $0x62000, s14;
	_ =	sdelay $0x1  }
0x30: {  	s15 =	sxor.u32 @!p1 $0xFFFFFFFF, s11;
	s13 =	ssub.s32 @!p1 s13, s14  }
0x31: {  	s31 =	sadd.s32 $0xFFFFFFFF, s11;
	s14 =	sshll.u32 @!p1 s15, $0xE;
	s13 =	sshll.u32 @!p1 s13, $0x4  }
0x32: {  	s15 =	simm.s32 @!p1 $0x0;
	s14 =	sand.u32 @!p1 $0x4000, s14;
	s13 =	sadd.s32 @!p1 s5, s13  }
0x33: {  	[tilespmem:s14], [sflag:$0x1] =	stream.linear.gather @!p1 [hbm4b:s13+s15], $0x4000, $0x38;
	[tilespmem:$0x10100] =	vst v63  }
0x34: {  	p1 =	sge.u32 s31, s6  }
.Ltmp2:
0x35: {  	_ = 	snop;
	(pc) =	sbr.rel @p1 .LBB1_5-.Ltmp2, $1  }
0x36: {  	_ =	sdelay $0x3  }
0x37: {  	s13 =	simm.s32 $0x1  }
0x38: {  	_ =	swait.ge [sflag:s4], $0x4000;
	s13 =	simm.s32 @!p0 $0x0  }
0x39: {  	[sflag:s4] =	ssyncset.done $0x0;
	s14 =	sshll.u32 s13, $0xE  }
0x3a: {  	[sflag:s4] =	ssyncadd.s32 $0xFFFFC000;
	s14 =	sor.u32 $0x40, s14  }
0x3b: {  	s13 =	smul.u32 $0x10200, s13;
	v0 =	vld [tilespmem:s14+$0x30]  }
0x3c: {  	v1 =	vld [tilespmem:s14+$0xFFFFFFD0]  }
0x3d: {  	s13 =	sshrl.u32 s13, $0x2;
	v5 =	vld [tilespmem:s14+$0xFFFFFFE0]  }
0x3e: {  	v6 =	vld [tilespmem:s14+$0xFFFFFFF0];
	s15 =	sor.u32 $0x8000, s13  }
0x3f: {  	s31 =	sand.u32 $0x1, s11;
	v3 =	vld [tilespmem:s14+$0x0];
	s16 =	sadd.s32 $0x0, s15  }
0x40: {  	v4 =	vld [tilespmem:s14+$0x10];
	s13 =	smul.u32 $0x10200, s31;
	[tilespmem:s16+$0x3870 ss:$0x81] =	vst.msk $0xffff, v0  }
0x41: {  	v2 =	vld [tilespmem:s14+$0x20];
	[tilespmem:s16+$0x810 ss:$0x81] =	vst.msk $0xffff, v1  }
0x42: {  	s13 =	sshrl.u32 s13, $0x2;
	v0 =	vld [tilespmem:s14+$0xFFFFFFC0];
	[tilespmem:s16+$0x1020 ss:$0x81] =	vst.msk $0xffff, v5;
	s14 =	sadd.s32 $0x80, s14  }
0x43: {  	s17 =	simm.s32 $0x4;
	s18 =	simm.s32 $0x8;
	s13 =	sor.u32 $0x8000, s13;
	[tilespmem:s16+$0x1830 ss:$0x81] =	vst.msk $0xffff, v6;
	v1 =	vld [tilespmem:s14+$0x30]  }
.LBB1_3:
0x44: {  	p1 =	sne.s32 s18, $0x1FC;
	v5 =	vld [tilespmem:s14+$0xFFFFFFD0];
	[tilespmem:s16+$0x2040 ss:$0x81] =	vst.msk $0xffff, v3  }
0x45: {  	v6 =	vld [tilespmem:s14+$0xFFFFFFE0];
	[tilespmem:s16+$0x2850 ss:$0x81] =	vst.msk $0xffff, v4  }
0x46: {  	s19 =	sshra.s32 s17, $0x2;
	s17 =	smov.u32 s18;
	v7 =	vld [tilespmem:s14+$0xFFFFFFF0];
	[tilespmem:s16+$0x3060 ss:$0x81] =	vst.msk $0xffff, v2  }
.Ltmp3:
0x47: {  	v3 =	vld [tilespmem:s14+$0x0];
	[tilespmem:s16+$0x0 ss:$0x81] =	vst.msk $0xffff, v0;
	s16 =	sadd.s32 s19, s15;
	(pc) =	sbr.rel @p1 .LBB1_3-.Ltmp3, $4  }
0x48: {  	v4 =	vld [tilespmem:s14+$0x10];
	[tilespmem:s16+$0x3870 ss:$0x81] =	vst.msk $0xffff, v1  }
0x49: {  	[tilespmem:s16+$0x810 ss:$0x81] =	vst.msk $0xffff, v5;
	v2 =	vld [tilespmem:s14+$0x20]  }
0x4a: {  	v0 =	vld [tilespmem:s14+$0xFFFFFFC0];
	[tilespmem:s16+$0x1020 ss:$0x81] =	vst.msk $0xffff, v6;
	s14 =	sadd.s32 $0x80, s14  }
0x4b: {  	s18 =	sadd.s32 $0x4, s18;
	v1 =	vld [tilespmem:s14+$0x30];
	[tilespmem:s16+$0x1830 ss:$0x81] =	vst.msk $0xffff, v7  }
.Ltmp4:
0x4c: {  	_ = 	snop;
	(pc) =	sbr.rel .LBB1_4-.Ltmp4, $1  }
0x4d: {  	_ =	sdelay $0x3  }
.LBB1_6:
0x4e: {  	_ =	sfence.sel $0x180000  }
0x4f: {  	s2 =	simm.s32 $0x1;
	[bflag:$0x0] =	sbarrier.arrive $0xFFFF  }
0x50: {  	s31 =	simm.s32 $0x2;
	[sflag:s2] =	ssyncpa.u1 $0x1  }
0x51: {  	[sflag:s31] =	ssyncpa.u1 $0x1  }
0x52: {  	p0 =	sne.s32 s0, $0x0;
	_ =	strace $0x9000004A  }
0x53: {  	s0 =	sadd.s32 @!p0 $0x100000, s1;
	[bflag:$0x2] =	sbarrier.arrive $0xFFFF  }
0x54: {  	[sflag:s0] =	ssyncadd.tile.s32 @!p0 $0x1;
	_ =	shalt  }
.Lfunc_end1:
_tile_overlayer_lowered:
.L_overlay_start_2:
0x55: {  	(tag) =	ssettag $0x2  }
0x56: {  	s0 =	rddreg [dreg:$0x0];
	s2 =	stileid.u32  }
0x57: {  	s1 =	rddreg [dreg:$0x1];
	p0 =	sne.s32 s2, $0x0  }
0x58: {  	s3 =	rddreg [dreg:$0x2];
	[bflag:$0x3] =	sbarrier.arrive $0xFFFF;
	s2 =	simm.s32 @!p0 $0x1C01  }
0x59: {  	[timem:s3], [sflag:s2] =	dma.local @!p0 [hbm:s0], s1  }
0x5a: {  	s0 =	simm.s32 @!p0 $0x1  }
0x5b: {  	_ =	swait.ge @!p0 [sflag:s0], s1  }
0x5c: {  	s1 =	ssub.s32 @!p0 $0x0, s1;
	[sflag:s0] =	ssyncset.done @!p0 $0x0  }
0x5d: {  	[sflag:s0] =	ssyncadd.s32 @!p0 s1  }
0x5e: {  	[bflag:$0x3] =	sbarrier.arrive $0xFFFF  }
0x5f: {  	_ =	shalt  }

</sc_bundles>
